<compile_context>
chip_gen: v7x
topology: tpu7x:2x2x1
jax: 0.10.2.dev20260603
libtpu: 0.0.44.dev20260713+nightly
codegen_flags: <defaults>
</compile_context>

<pallas_src>
import functools

import jax
import jax.numpy as jnp
from jax import lax
from jax.experimental import pallas as pl
from jax.experimental.pallas import tpu as pltpu
from jax.experimental.pallas import tpu_sc as plsc

N = 10000
E = 320000
F = 128
FH = F // 2
NC = 2
NS = 16
EPT = E // NS
C = 80
NCHT = EPT // C
NBUF = 5
PRE = NBUF - 1
N_PAD = 10240
ROWS_PT = N_PAD // NS
ZR = 64
LANES = 16

_mesh = plsc.VectorSubcoreMesh(core_axis_name="c", subcore_axis_name="s",
                               num_cores=NC)


def _buf_types():
    ts = [pltpu.VMEM((NCHT, C), jnp.int32)]
    for _ in range(NBUF):
        ts += [pltpu.VMEM((C, FH), jnp.float32),
               pltpu.VMEM((C, FH), jnp.float32),
               pltpu.VMEM((C,), jnp.int32),
               pltpu.VMEM((C,), jnp.int32)]
    ts.append(pltpu.VMEM((ZR, FH), jnp.float32))
    ts.append(pltpu.VMEM_SHARED((N_PAD, FH), jnp.float32))
    for _ in range(NBUF):
        ts += [pltpu.SemaphoreType.DMA,
               pltpu.SemaphoreType.DMA,
               pltpu.SemaphoreType.DMA,
               pltpu.SemaphoreType.DMA]
    return ts


@functools.partial(
    pl.kernel,
    out_type=jax.ShapeDtypeStruct((NC, N_PAD, FH), jnp.float32),
    mesh=_mesh,
    compiler_params=pltpu.CompilerParams(use_tc_tiling_on_sc=False),
    scratch_types=_buf_types(),
)
def _edge_kernel(f2_hbm, w2_hbm, seg_hbm, idx_hbm, out_hbm, idx_v, *scratch):
    bufs = tuple(scratch[b * 4:b * 4 + 4] for b in range(NBUF))
    zbuf = scratch[NBUF * 4]
    accum = scratch[NBUF * 4 + 1]
    sems = tuple(scratch[NBUF * 4 + 2 + b * 4:NBUF * 4 + 6 + b * 4]
                 for b in range(NBUF))

    cid = lax.axis_index("c")
    sid = lax.axis_index("s")

    zero = jnp.zeros((LANES,), jnp.float32)

    def _zero_row(r, _):
        for g in range(FH // LANES):
            zbuf[r, pl.ds(g * LANES, LANES)] = zero
        return 0

    lax.fori_loop(0, ZR, _zero_row, 0)
    base = sid * ROWS_PT
    for k in range(ROWS_PT // ZR):
        pltpu.sync_copy(zbuf, accum.at[pl.ds(base + k * ZR, ZR)])
    plsc.subcore_barrier()

    pltpu.sync_copy(idx_hbm.at[sid], idx_v)

    two_iota = lax.iota(jnp.int32, LANES) * 2

    def _xform(g, _):
        for k in range(C // LANES):
            sl = pl.ds(k * LANES, LANES)
            idx_v[g, sl] = idx_v[g, sl] * 2 + cid
        return 0

    lax.fori_loop(0, NCHT, _xform, 0)

    e_base2 = (sid * EPT) * 2 + cid

    def _start(g, b):
        rows, w, wi, segb = bufs[b]
        gsem, wsem, ssem, _ = sems[b]
        e0 = e_base2 + g * (2 * C)
        for k in range(C // LANES):
            wi[pl.ds(k * LANES, LANES)] = two_iota + (e0 + 2 * k * LANES)
        pltpu.async_copy(f2_hbm.at[idx_v.at[g]], rows, gsem)
        pltpu.async_copy(w2_hbm.at[wi], w, wsem)
        pltpu.async_copy(seg_hbm.at[sid, g], segb, ssem)

    UNROLL = 4

    def _mul(rows, w):
        def body(r4, _):
            for u in range(UNROLL):
                for g in range(FH // LANES):
                    sl = pl.ds(g * LANES, LANES)
                    r = r4 * UNROLL + u
                    rows[r, sl] = rows[r, sl] * w[r, sl]
            return 0
        lax.fori_loop(0, C // UNROLL, body, 0)

    for p in range(PRE):
        _start(p, p)

    def outer(q, _):
        for b in range(NBUF):
            g = q * NBUF + b
            rows, w, wi, segb = bufs[b]
            gsem, wsem, ssem, scsem = sems[b]
            pltpu.make_async_copy(f2_hbm.at[idx_v.at[g]], rows, gsem).wait()
            pltpu.make_async_copy(w2_hbm.at[wi], w, wsem).wait()
            pltpu.make_async_copy(seg_hbm.at[sid, g], segb, ssem).wait()
            _mul(rows, w)
            pltpu.async_copy(rows, accum.at[segb], scsem, add=True)

            nb = (b + PRE) % NBUF
            nrows, _, _, nsegb = bufs[nb]
            nscsem = sems[nb][3]

            @pl.when(g + PRE < NCHT)
            def _():
                @pl.when(g > 0)
                def _():
                    pltpu.make_async_copy(
                        nrows, accum.at[nsegb], nscsem).wait()
                _start(g + PRE, nb)
        return 0

    lax.fori_loop(0, NCHT // NBUF, outer, 0)

    for b in range(NBUF):
        rows, _, _, segb = bufs[b]
        scsem = sems[b][3]
        pltpu.make_async_copy(rows, accum.at[segb], scsem).wait()

    plsc.subcore_barrier()
    pltpu.sync_copy(accum.at[pl.ds(base, ROWS_PT)],
                    out_hbm.at[cid, pl.ds(base, ROWS_PT)])


def _mm_in_body(x_ref, w_ref, o_ref):
    o_ref[...] = jnp.dot(x_ref[...], w_ref[...],
                         preferred_element_type=jnp.float32)


def _mm_out_body(p_ref, w_ref, b_ref, o_ref):
    conv = jnp.concatenate([p_ref[0], p_ref[1]], axis=-1)
    o_ref[...] = jnp.dot(conv, w_ref[...],
                         preferred_element_type=jnp.float32) + b_ref[...]


_BLK = 1000


def kernel(x, w_ij, seg_i, idx_j, seg_i_sum, W_in, W_out, b_out):
    f = pl.pallas_call(
        _mm_in_body,
        grid=(N // _BLK,),
        in_specs=[pl.BlockSpec((_BLK, F), lambda i: (i, 0)),
                  pl.BlockSpec((F, F), lambda i: (0, 0))],
        out_specs=pl.BlockSpec((_BLK, F), lambda i: (i, 0)),
        out_shape=jax.ShapeDtypeStruct((N, F), jnp.float32),
    )(x, W_in)

    f2 = f.reshape(2 * N, FH)
    w2 = w_ij.reshape(2 * E, FH)
    idx3 = idx_j.astype(jnp.int32).reshape(NS, NCHT, C)
    seg3 = seg_i.astype(jnp.int32).reshape(NS, NCHT, C)

    partials = _edge_kernel(f2, w2, seg3, idx3)

    bias = (b_out
            + (jnp.asarray(seg_i_sum, jnp.float32) - jnp.float32(N))
            ).reshape(1, F)

    c = pl.pallas_call(
        _mm_out_body,
        grid=(N // _BLK,),
        in_specs=[pl.BlockSpec((NC, _BLK, FH), lambda i: (0, i, 0)),
                  pl.BlockSpec((F, F), lambda i: (0, 0)),
                  pl.BlockSpec((1, F), lambda i: (0, 0))],
        out_specs=pl.BlockSpec((_BLK, F), lambda i: (i, 0)),
        out_shape=jax.ShapeDtypeStruct((N, F), jnp.float32),
    )(partials, W_out, bias)
    return c

# --- scband reference (transcript-rebuilt; emitter-appended) ---
"""Pipeline reference for scband-cfconv-83373905150295 (READ-ONLY COPY).

The authoritative reference and input builder live on the scoring server;
editing this copy changes nothing except your own understanding.
"""

import jax, jax.numpy as jnp
import numpy as np


def setup_inputs(seed: int = 0) -> dict:
    key = jax.random.key(seed)
    ks = jax.random.split(key, 6)
    N, E, F_in, nFM, F_out = 10000, 320000, 128, 128, 128
    x = jax.random.normal(ks[0], (N, F_in), dtype=jnp.float32)
    w_ij = jax.random.normal(ks[1], (E, nFM), dtype=jnp.float32)
    seg_i = jnp.sort(jax.random.randint(ks[2], (E,), 0, N, dtype=jnp.int64))
    idx_j = jax.random.randint(ks[3], (E,), 0, N, dtype=jnp.int64)
    # learned parameters: in2fac Dense (no bias), fac2out Dense (with bias)
    W_in = jax.random.normal(ks[4], (F_in, nFM), dtype=jnp.float32) * 0.05
    W_out = jax.random.normal(ks[5], (nFM, F_out), dtype=jnp.float32) * 0.05
    b_out = jnp.zeros((F_out,), dtype=jnp.float32)
    return {
        "x": x,
        "w_ij": w_ij,
        "seg_i": seg_i,
        "idx_j": idx_j,
        "seg_i_sum": N,
        "W_in": W_in,
        "W_out": W_out,
        "b_out": b_out,
    }


def reference(x, w_ij, seg_i, idx_j, seg_i_sum, W_in, W_out, b_out):
    # in2fac: Dense without bias
    f = x @ W_in
    # gather atom-j features per interaction
    f = jnp.take(f, idx_j, axis=0)
    # elementwise filter
    wf = w_ij * f
    # PoolSegments mode='sum' over destination atoms seg_i
    num_segments = x.shape[0]
    conv = jax.ops.segment_sum(wf, seg_i, num_segments=num_segments)
    # fac2out: Dense with bias, activation=None
    c = conv @ W_out + b_out
    c = c + jnp.asarray(seg_i_sum - num_segments).astype(c.dtype)
    return c

if __name__ == "__main__":
    import jax
    _d = setup_inputs()
    print(jax.jit(kernel)(*tuple(_d.values())))

</pallas_src>

<mosaic_0001>
#map = affine_map<(d0, d1) -> (0, 0)>
#map1 = affine_map<(d0, d1) -> (0, 0, 0)>
module attributes {stable_mosaic.version = 14 : i64} {
  func.func @_edge_kernel(%arg0: i32, %arg1: i32, %arg2: memref<20000x64xf32, #tpu.memory_space<hbm>>, %arg3: memref<640000x64xf32, #tpu.memory_space<hbm>>, %arg4: memref<16x250x80xi32, #tpu.memory_space<hbm>>, %arg5: memref<16x250x80xi32, #tpu.memory_space<hbm>>, %arg6: memref<2x10240x64xf32, #tpu.memory_space<hbm>>, %arg7: memref<250x80xi32, #tpu.memory_space<vmem>>, %arg8: memref<80x64xf32, #tpu.memory_space<vmem>>, %arg9: memref<80x64xf32, #tpu.memory_space<vmem>>, %arg10: memref<80xi32, #tpu.memory_space<vmem>>, %arg11: memref<80xi32, #tpu.memory_space<vmem>>, %arg12: memref<80x64xf32, #tpu.memory_space<vmem>>, %arg13: memref<80x64xf32, #tpu.memory_space<vmem>>, %arg14: memref<80xi32, #tpu.memory_space<vmem>>, %arg15: memref<80xi32, #tpu.memory_space<vmem>>, %arg16: memref<80x64xf32, #tpu.memory_space<vmem>>, %arg17: memref<80x64xf32, #tpu.memory_space<vmem>>, %arg18: memref<80xi32, #tpu.memory_space<vmem>>, %arg19: memref<80xi32, #tpu.memory_space<vmem>>, %arg20: memref<80x64xf32, #tpu.memory_space<vmem>>, %arg21: memref<80x64xf32, #tpu.memory_space<vmem>>, %arg22: memref<80xi32, #tpu.memory_space<vmem>>, %arg23: memref<80xi32, #tpu.memory_space<vmem>>, %arg24: memref<80x64xf32, #tpu.memory_space<vmem>>, %arg25: memref<80x64xf32, #tpu.memory_space<vmem>>, %arg26: memref<80xi32, #tpu.memory_space<vmem>>, %arg27: memref<80xi32, #tpu.memory_space<vmem>>, %arg28: memref<64x64xf32, #tpu.memory_space<vmem>>, %arg29: memref<10240x64xf32, #tpu.memory_space<vmem_shared>>, %arg30: memref<!tpu.dma_semaphore, #tpu.memory_space<semaphore_mem>>, %arg31: memref<!tpu.dma_semaphore, #tpu.memory_space<semaphore_mem>>, %arg32: memref<!tpu.dma_semaphore, #tpu.memory_space<semaphore_mem>>, %arg33: memref<!tpu.dma_semaphore, #tpu.memory_space<semaphore_mem>>, %arg34: memref<!tpu.dma_semaphore, #tpu.memory_space<semaphore_mem>>, %arg35: memref<!tpu.dma_semaphore, #tpu.memory_space<semaphore_mem>>, %arg36: memref<!tpu.dma_semaphore, #tpu.memory_space<semaphore_mem>>, %arg37: memref<!tpu.dma_semaphore, #tpu.memory_space<semaphore_mem>>, %arg38: memref<!tpu.dma_semaphore, #tpu.memory_space<semaphore_mem>>, %arg39: memref<!tpu.dma_semaphore, #tpu.memory_space<semaphore_mem>>, %arg40: memref<!tpu.dma_semaphore, #tpu.memory_space<semaphore_mem>>, %arg41: memref<!tpu.dma_semaphore, #tpu.memory_space<semaphore_mem>>, %arg42: memref<!tpu.dma_semaphore, #tpu.memory_space<semaphore_mem>>, %arg43: memref<!tpu.dma_semaphore, #tpu.memory_space<semaphore_mem>>, %arg44: memref<!tpu.dma_semaphore, #tpu.memory_space<semaphore_mem>>, %arg45: memref<!tpu.dma_semaphore, #tpu.memory_space<semaphore_mem>>, %arg46: memref<!tpu.dma_semaphore, #tpu.memory_space<semaphore_mem>>, %arg47: memref<!tpu.dma_semaphore, #tpu.memory_space<semaphore_mem>>, %arg48: memref<!tpu.dma_semaphore, #tpu.memory_space<semaphore_mem>>, %arg49: memref<!tpu.dma_semaphore, #tpu.memory_space<semaphore_mem>>) attributes {dimension_semantics = [#tpu.dimension_semantics<core_parallel>, #tpu.dimension_semantics<subcore_parallel>], iteration_bounds = array<i64: 2, 16>, scalar_prefetch = 0 : i64, scratch_operands = 43 : i64, tpu.core_type = #tpu.core_type<sc_vector_subcore>, window_params = [{transform_indices = #map}, {transform_indices = #map}, {transform_indices = #map1}, {transform_indices = #map1}, {transform_indices = #map1}]} {
    %broadcast_in_dim3A = arith.constant 0.000000e+00 : f32
    %broadcast_in_dim3A_0 = vector.broadcast %broadcast_in_dim3A : f32 to vector<16xf32>
    %scan3A = arith.constant 0 : i32
    %scan3A_1 = arith.constant 0 : i32
    %scan3A_2 = arith.constant 64 : i32
    %scan3A_3 = arith.addi %scan3A_1, %scan3A_2 : i32
    %scan3A_4 = arith.constant 1 : i32
    %scan3A_5 = scf.for %scan3A_298 = %scan3A_1 to %scan3A_3 step %scan3A_4 iter_args(%scan3A_299 = %scan3A) -> (i32)  : i32 {
      %swap3A_300 = arith.index_cast %scan3A_298 : i32 to index
      %swap3A_301 = arith.constant 0 : index
      %swap3A_302 = tpu.vector_load %arg28[%swap3A_300, %swap3A_301] {strides = array<i32>} : memref<64x64xf32, #tpu.memory_space<vmem>>, vector<1x16xf32>,
      %swap3A_303 = vector.shape_cast %swap3A_302 : vector<1x16xf32> to vector<16xf32>
      %swap3A_304 = vector.shape_cast %broadcast_in_dim3A_0 : vector<16xf32> to vector<1x16xf32>
      tpu.vector_store %arg28[%swap3A_300, %swap3A_301], %swap3A_304 {strides = array<i32>} : memref<64x64xf32, #tpu.memory_space<vmem>>, vector<1x16xf32>,
      %swap3A_305 = arith.index_cast %scan3A_298 : i32 to index
      %swap3A_306 = arith.constant 16 : index
      %swap3A_307 = tpu.vector_load %arg28[%swap3A_305, %swap3A_306] {strides = array<i32>} : memref<64x64xf32, #tpu.memory_space<vmem>>, vector<1x16xf32>,
      %swap3A_308 = vector.shape_cast %swap3A_307 : vector<1x16xf32> to vector<16xf32>
      %swap3A_309 = vector.shape_cast %broadcast_in_dim3A_0 : vector<16xf32> to vector<1x16xf32>
      tpu.vector_store %arg28[%swap3A_305, %swap3A_306], %swap3A_309 {strides = array<i32>} : memref<64x64xf32, #tpu.memory_space<vmem>>, vector<1x16xf32>,
      %swap3A_310 = arith.index_cast %scan3A_298 : i32 to index
      %swap3A_311 = arith.constant 32 : index
      %swap3A_312 = tpu.vector_load %arg28[%swap3A_310, %swap3A_311] {strides = array<i32>} : memref<64x64xf32, #tpu.memory_space<vmem>>, vector<1x16xf32>,
      %swap3A_313 = vector.shape_cast %swap3A_312 : vector<1x16xf32> to vector<16xf32>
      %swap3A_314 = vector.shape_cast %broadcast_in_dim3A_0 : vector<16xf32> to vector<1x16xf32>
      tpu.vector_store %arg28[%swap3A_310, %swap3A_311], %swap3A_314 {strides = array<i32>} : memref<64x64xf32, #tpu.memory_space<vmem>>, vector<1x16xf32>,
      %swap3A_315 = arith.index_cast %scan3A_298 : i32 to index
      %swap3A_316 = arith.constant 48 : index
      %swap3A_317 = tpu.vector_load %arg28[%swap3A_315, %swap3A_316] {strides = array<i32>} : memref<64x64xf32, #tpu.memory_space<vmem>>, vector<1x16xf32>,
      %swap3A_318 = vector.shape_cast %swap3A_317 : vector<1x16xf32> to vector<16xf32>
      %swap3A_319 = vector.shape_cast %broadcast_in_dim3A_0 : vector<16xf32> to vector<1x16xf32>
      tpu.vector_store %arg28[%swap3A_315, %swap3A_316], %swap3A_319 {strides = array<i32>} : memref<64x64xf32, #tpu.memory_space<vmem>>, vector<1x16xf32>,
      %scan3A_320 = arith.constant 0 : i32
      scf.yield %scan3A_320 : i32
    }
    %scan3A_6 = arith.constant 64 : i32
    %mul3A = arith.constant 640 : i32
    %mul3A_7 = arith.muli %arg1, %mul3A : i32
    %add3A = arith.constant 0 : i32
    %add3A_8 = arith.addi %mul3A_7, %add3A : i32
    "tpu.region"() ({
      %run_scoped3A = tpu.sem_alloc : memref<!tpu.dma_semaphore, #tpu.memory_space<semaphore_mem>>
      %dma_start3A_298 = arith.constant 0 : i32
      %dma_start3A_299 = tpu.memref_slice %arg29[%add3A_8, %dma_start3A_298] : memref<10240x64xf32, #tpu.memory_space<vmem_shared>> -> memref<64x64xf32, #tpu.memory_space<vmem_shared>>
      %dma_start3A_300 = arith.constant 0 : i32
      %dma_start3A_301 = tpu.memref_slice %arg29[%add3A_8, %dma_start3A_300] : memref<10240x64xf32, #tpu.memory_space<vmem_shared>> -> memref<64x64xf32, #tpu.memory_space<vmem_shared>>
      tpu.enqueue_dma source(%arg28 : memref<64x64xf32, #tpu.memory_space<vmem>>) target(%dma_start3A_301 : memref<64x64xf32, #tpu.memory_space<vmem_shared>>) target_semaphore(%run_scoped3A : memref<!tpu.dma_semaphore, #tpu.memory_space<semaphore_mem>>)
      %dma_wait3A_302 = arith.constant 0 : i32
      %dma_wait3A_303 = tpu.memref_slice %arg29[%add3A_8, %dma_wait3A_302] : memref<10240x64xf32, #tpu.memory_space<vmem_shared>> -> memref<64x64xf32, #tpu.memory_space<vmem_shared>>
      %dma_wait3A_304 = arith.constant 0 : i32
      %dma_wait3A_305 = tpu.memref_slice %arg29[%add3A_8, %dma_wait3A_304] : memref<10240x64xf32, #tpu.memory_space<vmem_shared>> -> memref<64x64xf32, #tpu.memory_space<vmem_shared>>
      tpu.wait_dma2 semaphore(%run_scoped3A : memref<!tpu.dma_semaphore, #tpu.memory_space<semaphore_mem>>) src(%arg28 : memref<64x64xf32, #tpu.memory_space<vmem>>) dst(%dma_wait3A_305 : memref<64x64xf32, #tpu.memory_space<vmem_shared>>)
      tpu.yield
    }) : () -> ()
    %add3A_9 = arith.constant 64 : i32
    %add3A_10 = arith.addi %mul3A_7, %add3A_9 : i32
    "tpu.region"() ({
      %run_scoped3A = tpu.sem_alloc : memref<!tpu.dma_semaphore, #tpu.memory_space<semaphore_mem>>
      %dma_start3A_298 = arith.constant 0 : i32
      %dma_start3A_299 = tpu.memref_slice %arg29[%add3A_10, %dma_start3A_298] : memref<10240x64xf32, #tpu.memory_space<vmem_shared>> -> memref<64x64xf32, #tpu.memory_space<vmem_shared>>
      %dma_start3A_300 = arith.constant 0 : i32
      %dma_start3A_301 = tpu.memref_slice %arg29[%add3A_10, %dma_start3A_300] : memref<10240x64xf32, #tpu.memory_space<vmem_shared>> -> memref<64x64xf32, #tpu.memory_space<vmem_shared>>
      tpu.enqueue_dma source(%arg28 : memref<64x64xf32, #tpu.memory_space<vmem>>) target(%dma_start3A_301 : memref<64x64xf32, #tpu.memory_space<vmem_shared>>) target_semaphore(%run_scoped3A : memref<!tpu.dma_semaphore, #tpu.memory_space<semaphore_mem>>)
      %dma_wait3A_302 = arith.constant 0 : i32
      %dma_wait3A_303 = tpu.memref_slice %arg29[%add3A_10, %dma_wait3A_302] : memref<10240x64xf32, #tpu.memory_space<vmem_shared>> -> memref<64x64xf32, #tpu.memory_space<vmem_shared>>
      %dma_wait3A_304 = arith.constant 0 : i32
      %dma_wait3A_305 = tpu.memref_slice %arg29[%add3A_10, %dma_wait3A_304] : memref<10240x64xf32, #tpu.memory_space<vmem_shared>> -> memref<64x64xf32, #tpu.memory_space<vmem_shared>>
      tpu.wait_dma2 semaphore(%run_scoped3A : memref<!tpu.dma_semaphore, #tpu.memory_space<semaphore_mem>>) src(%arg28 : memref<64x64xf32, #tpu.memory_space<vmem>>) dst(%dma_wait3A_305 : memref<64x64xf32, #tpu.memory_space<vmem_shared>>)
      tpu.yield
    }) : () -> ()
    %add3A_11 = arith.constant 128 : i32
    %add3A_12 = arith.addi %mul3A_7, %add3A_11 : i32
    "tpu.region"() ({
      %run_scoped3A = tpu.sem_alloc : memref<!tpu.dma_semaphore, #tpu.memory_space<semaphore_mem>>
      %dma_start3A_298 = arith.constant 0 : i32
      %dma_start3A_299 = tpu.memref_slice %arg29[%add3A_12, %dma_start3A_298] : memref<10240x64xf32, #tpu.memory_space<vmem_shared>> -> memref<64x64xf32, #tpu.memory_space<vmem_shared>>
      %dma_start3A_300 = arith.constant 0 : i32
      %dma_start3A_301 = tpu.memref_slice %arg29[%add3A_12, %dma_start3A_300] : memref<10240x64xf32, #tpu.memory_space<vmem_shared>> -> memref<64x64xf32, #tpu.memory_space<vmem_shared>>
      tpu.enqueue_dma source(%arg28 : memref<64x64xf32, #tpu.memory_space<vmem>>) target(%dma_start3A_301 : memref<64x64xf32, #tpu.memory_space<vmem_shared>>) target_semaphore(%run_scoped3A : memref<!tpu.dma_semaphore, #tpu.memory_space<semaphore_mem>>)
      %dma_wait3A_302 = arith.constant 0 : i32
      %dma_wait3A_303 = tpu.memref_slice %arg29[%add3A_12, %dma_wait3A_302] : memref<10240x64xf32, #tpu.memory_space<vmem_shared>> -> memref<64x64xf32, #tpu.memory_space<vmem_shared>>
      %dma_wait3A_304 = arith.constant 0 : i32
      %dma_wait3A_305 = tpu.memref_slice %arg29[%add3A_12, %dma_wait3A_304] : memref<10240x64xf32, #tpu.memory_space<vmem_shared>> -> memref<64x64xf32, #tpu.memory_space<vmem_shared>>
      tpu.wait_dma2 semaphore(%run_scoped3A : memref<!tpu.dma_semaphore, #tpu.memory_space<semaphore_mem>>) src(%arg28 : memref<64x64xf32, #tpu.memory_space<vmem>>) dst(%dma_wait3A_305 : memref<64x64xf32, #tpu.memory_space<vmem_shared>>)
      tpu.yield
    }) : () -> ()
    %add3A_13 = arith.constant 192 : i32
    %add3A_14 = arith.addi %mul3A_7, %add3A_13 : i32
    "tpu.region"() ({
      %run_scoped3A = tpu.sem_alloc : memref<!tpu.dma_semaphore, #tpu.memory_space<semaphore_mem>>
      %dma_start3A_298 = arith.constant 0 : i32
      %dma_start3A_299 = tpu.memref_slice %arg29[%add3A_14, %dma_start3A_298] : memref<10240x64xf32, #tpu.memory_space<vmem_shared>> -> memref<64x64xf32, #tpu.memory_space<vmem_shared>>
      %dma_start3A_300 = arith.constant 0 : i32
      %dma_start3A_301 = tpu.memref_slice %arg29[%add3A_14, %dma_start3A_300] : memref<10240x64xf32, #tpu.memory_space<vmem_shared>> -> memref<64x64xf32, #tpu.memory_space<vmem_shared>>
      tpu.enqueue_dma source(%arg28 : memref<64x64xf32, #tpu.memory_space<vmem>>) target(%dma_start3A_301 : memref<64x64xf32, #tpu.memory_space<vmem_shared>>) target_semaphore(%run_scoped3A : memref<!tpu.dma_semaphore, #tpu.memory_space<semaphore_mem>>)
      %dma_wait3A_302 = arith.constant 0 : i32
      %dma_wait3A_303 = tpu.memref_slice %arg29[%add3A_14, %dma_wait3A_302] : memref<10240x64xf32, #tpu.memory_space<vmem_shared>> -> memref<64x64xf32, #tpu.memory_space<vmem_shared>>
      %dma_wait3A_304 = arith.constant 0 : i32
      %dma_wait3A_305 = tpu.memref_slice %arg29[%add3A_14, %dma_wait3A_304] : memref<10240x64xf32, #tpu.memory_space<vmem_shared>> -> memref<64x64xf32, #tpu.memory_space<vmem_shared>>
      tpu.wait_dma2 semaphore(%run_scoped3A : memref<!tpu.dma_semaphore, #tpu.memory_space<semaphore_mem>>) src(%arg28 : memref<64x64xf32, #tpu.memory_space<vmem>>) dst(%dma_wait3A_305 : memref<64x64xf32, #tpu.memory_space<vmem_shared>>)
      tpu.yield
    }) : () -> ()
    %add3A_15 = arith.constant 256 : i32
    %add3A_16 = arith.addi %mul3A_7, %add3A_15 : i32
    "tpu.region"() ({
      %run_scoped3A = tpu.sem_alloc : memref<!tpu.dma_semaphore, #tpu.memory_space<semaphore_mem>>
      %dma_start3A_298 = arith.constant 0 : i32
      %dma_start3A_299 = tpu.memref_slice %arg29[%add3A_16, %dma_start3A_298] : memref<10240x64xf32, #tpu.memory_space<vmem_shared>> -> memref<64x64xf32, #tpu.memory_space<vmem_shared>>
      %dma_start3A_300 = arith.constant 0 : i32
      %dma_start3A_301 = tpu.memref_slice %arg29[%add3A_16, %dma_start3A_300] : memref<10240x64xf32, #tpu.memory_space<vmem_shared>> -> memref<64x64xf32, #tpu.memory_space<vmem_shared>>
      tpu.enqueue_dma source(%arg28 : memref<64x64xf32, #tpu.memory_space<vmem>>) target(%dma_start3A_301 : memref<64x64xf32, #tpu.memory_space<vmem_shared>>) target_semaphore(%run_scoped3A : memref<!tpu.dma_semaphore, #tpu.memory_space<semaphore_mem>>)
      %dma_wait3A_302 = arith.constant 0 : i32
      %dma_wait3A_303 = tpu.memref_slice %arg29[%add3A_16, %dma_wait3A_302] : memref<10240x64xf32, #tpu.memory_space<vmem_shared>> -> memref<64x64xf32, #tpu.memory_space<vmem_shared>>
      %dma_wait3A_304 = arith.constant 0 : i32
      %dma_wait3A_305 = tpu.memref_slice %arg29[%add3A_16, %dma_wait3A_304] : memref<10240x64xf32, #tpu.memory_space<vmem_shared>> -> memref<64x64xf32, #tpu.memory_space<vmem_shared>>
      tpu.wait_dma2 semaphore(%run_scoped3A : memref<!tpu.dma_semaphore, #tpu.memory_space<semaphore_mem>>) src(%arg28 : memref<64x64xf32, #tpu.memory_space<vmem>>) dst(%dma_wait3A_305 : memref<64x64xf32, #tpu.memory_space<vmem_shared>>)
      tpu.yield
    }) : () -> ()
    %add3A_17 = arith.constant 320 : i32
    %add3A_18 = arith.addi %mul3A_7, %add3A_17 : i32
    "tpu.region"() ({
      %run_scoped3A = tpu.sem_alloc : memref<!tpu.dma_semaphore, #tpu.memory_space<semaphore_mem>>
      %dma_start3A_298 = arith.constant 0 : i32
      %dma_start3A_299 = tpu.memref_slice %arg29[%add3A_18, %dma_start3A_298] : memref<10240x64xf32, #tpu.memory_space<vmem_shared>> -> memref<64x64xf32, #tpu.memory_space<vmem_shared>>
      %dma_start3A_300 = arith.constant 0 : i32
      %dma_start3A_301 = tpu.memref_slice %arg29[%add3A_18, %dma_start3A_300] : memref<10240x64xf32, #tpu.memory_space<vmem_shared>> -> memref<64x64xf32, #tpu.memory_space<vmem_shared>>
      tpu.enqueue_dma source(%arg28 : memref<64x64xf32, #tpu.memory_space<vmem>>) target(%dma_start3A_301 : memref<64x64xf32, #tpu.memory_space<vmem_shared>>) target_semaphore(%run_scoped3A : memref<!tpu.dma_semaphore, #tpu.memory_space<semaphore_mem>>)
      %dma_wait3A_302 = arith.constant 0 : i32
      %dma_wait3A_303 = tpu.memref_slice %arg29[%add3A_18, %dma_wait3A_302] : memref<10240x64xf32, #tpu.memory_space<vmem_shared>> -> memref<64x64xf32, #tpu.memory_space<vmem_shared>>
      %dma_wait3A_304 = arith.constant 0 : i32
      %dma_wait3A_305 = tpu.memref_slice %arg29[%add3A_18, %dma_wait3A_304] : memref<10240x64xf32, #tpu.memory_space<vmem_shared>> -> memref<64x64xf32, #tpu.memory_space<vmem_shared>>
      tpu.wait_dma2 semaphore(%run_scoped3A : memref<!tpu.dma_semaphore, #tpu.memory_space<semaphore_mem>>) src(%arg28 : memref<64x64xf32, #tpu.memory_space<vmem>>) dst(%dma_wait3A_305 : memref<64x64xf32, #tpu.memory_space<vmem_shared>>)
      tpu.yield
    }) : () -> ()
    %add3A_19 = arith.constant 384 : i32
    %add3A_20 = arith.addi %mul3A_7, %add3A_19 : i32
    "tpu.region"() ({
      %run_scoped3A = tpu.sem_alloc : memref<!tpu.dma_semaphore, #tpu.memory_space<semaphore_mem>>
      %dma_start3A_298 = arith.constant 0 : i32
      %dma_start3A_299 = tpu.memref_slice %arg29[%add3A_20, %dma_start3A_298] : memref<10240x64xf32, #tpu.memory_space<vmem_shared>> -> memref<64x64xf32, #tpu.memory_space<vmem_shared>>
      %dma_start3A_300 = arith.constant 0 : i32
      %dma_start3A_301 = tpu.memref_slice %arg29[%add3A_20, %dma_start3A_300] : memref<10240x64xf32, #tpu.memory_space<vmem_shared>> -> memref<64x64xf32, #tpu.memory_space<vmem_shared>>
      tpu.enqueue_dma source(%arg28 : memref<64x64xf32, #tpu.memory_space<vmem>>) target(%dma_start3A_301 : memref<64x64xf32, #tpu.memory_space<vmem_shared>>) target_semaphore(%run_scoped3A : memref<!tpu.dma_semaphore, #tpu.memory_space<semaphore_mem>>)
      %dma_wait3A_302 = arith.constant 0 : i32
      %dma_wait3A_303 = tpu.memref_slice %arg29[%add3A_20, %dma_wait3A_302] : memref<10240x64xf32, #tpu.memory_space<vmem_shared>> -> memref<64x64xf32, #tpu.memory_space<vmem_shared>>
      %dma_wait3A_304 = arith.constant 0 : i32
      %dma_wait3A_305 = tpu.memref_slice %arg29[%add3A_20, %dma_wait3A_304] : memref<10240x64xf32, #tpu.memory_space<vmem_shared>> -> memref<64x64xf32, #tpu.memory_space<vmem_shared>>
      tpu.wait_dma2 semaphore(%run_scoped3A : memref<!tpu.dma_semaphore, #tpu.memory_space<semaphore_mem>>) src(%arg28 : memref<64x64xf32, #tpu.memory_space<vmem>>) dst(%dma_wait3A_305 : memref<64x64xf32, #tpu.memory_space<vmem_shared>>)
      tpu.yield
    }) : () -> ()
    %add3A_21 = arith.constant 448 : i32
    %add3A_22 = arith.addi %mul3A_7, %add3A_21 : i32
    "tpu.region"() ({
      %run_scoped3A = tpu.sem_alloc : memref<!tpu.dma_semaphore, #tpu.memory_space<semaphore_mem>>
      %dma_start3A_298 = arith.constant 0 : i32
      %dma_start3A_299 = tpu.memref_slice %arg29[%add3A_22, %dma_start3A_298] : memref<10240x64xf32, #tpu.memory_space<vmem_shared>> -> memref<64x64xf32, #tpu.memory_space<vmem_shared>>
      %dma_start3A_300 = arith.constant 0 : i32
      %dma_start3A_301 = tpu.memref_slice %arg29[%add3A_22, %dma_start3A_300] : memref<10240x64xf32, #tpu.memory_space<vmem_shared>> -> memref<64x64xf32, #tpu.memory_space<vmem_shared>>
      tpu.enqueue_dma source(%arg28 : memref<64x64xf32, #tpu.memory_space<vmem>>) target(%dma_start3A_301 : memref<64x64xf32, #tpu.memory_space<vmem_shared>>) target_semaphore(%run_scoped3A : memref<!tpu.dma_semaphore, #tpu.memory_space<semaphore_mem>>)
      %dma_wait3A_302 = arith.constant 0 : i32
      %dma_wait3A_303 = tpu.memref_slice %arg29[%add3A_22, %dma_wait3A_302] : memref<10240x64xf32, #tpu.memory_space<vmem_shared>> -> memref<64x64xf32, #tpu.memory_space<vmem_shared>>
      %dma_wait3A_304 = arith.constant 0 : i32
      %dma_wait3A_305 = tpu.memref_slice %arg29[%add3A_22, %dma_wait3A_304] : memref<10240x64xf32, #tpu.memory_space<vmem_shared>> -> memref<64x64xf32, #tpu.memory_space<vmem_shared>>
      tpu.wait_dma2 semaphore(%run_scoped3A : memref<!tpu.dma_semaphore, #tpu.memory_space<semaphore_mem>>) src(%arg28 : memref<64x64xf32, #tpu.memory_space<vmem>>) dst(%dma_wait3A_305 : memref<64x64xf32, #tpu.memory_space<vmem_shared>>)
      tpu.yield
    }) : () -> ()
    %add3A_23 = arith.constant 512 : i32
    %add3A_24 = arith.addi %mul3A_7, %add3A_23 : i32
    "tpu.region"() ({
      %run_scoped3A = tpu.sem_alloc : memref<!tpu.dma_semaphore, #tpu.memory_space<semaphore_mem>>
      %dma_start3A_298 = arith.constant 0 : i32
      %dma_start3A_299 = tpu.memref_slice %arg29[%add3A_24, %dma_start3A_298] : memref<10240x64xf32, #tpu.memory_space<vmem_shared>> -> memref<64x64xf32, #tpu.memory_space<vmem_shared>>
      %dma_start3A_300 = arith.constant 0 : i32
      %dma_start3A_301 = tpu.memref_slice %arg29[%add3A_24, %dma_start3A_300] : memref<10240x64xf32, #tpu.memory_space<vmem_shared>> -> memref<64x64xf32, #tpu.memory_space<vmem_shared>>
      tpu.enqueue_dma source(%arg28 : memref<64x64xf32, #tpu.memory_space<vmem>>) target(%dma_start3A_301 : memref<64x64xf32, #tpu.memory_space<vmem_shared>>) target_semaphore(%run_scoped3A : memref<!tpu.dma_semaphore, #tpu.memory_space<semaphore_mem>>)
      %dma_wait3A_302 = arith.constant 0 : i32
      %dma_wait3A_303 = tpu.memref_slice %arg29[%add3A_24, %dma_wait3A_302] : memref<10240x64xf32, #tpu.memory_space<vmem_shared>> -> memref<64x64xf32, #tpu.memory_space<vmem_shared>>
      %dma_wait3A_304 = arith.constant 0 : i32
      %dma_wait3A_305 = tpu.memref_slice %arg29[%add3A_24, %dma_wait3A_304] : memref<10240x64xf32, #tpu.memory_space<vmem_shared>> -> memref<64x64xf32, #tpu.memory_space<vmem_shared>>
      tpu.wait_dma2 semaphore(%run_scoped3A : memref<!tpu.dma_semaphore, #tpu.memory_space<semaphore_mem>>) src(%arg28 : memref<64x64xf32, #tpu.memory_space<vmem>>) dst(%dma_wait3A_305 : memref<64x64xf32, #tpu.memory_space<vmem_shared>>)
      tpu.yield
    }) : () -> ()
    %add3A_25 = arith.constant 576 : i32
    %add3A_26 = arith.addi %mul3A_7, %add3A_25 : i32
    "tpu.region"() ({
      %run_scoped3A = tpu.sem_alloc : memref<!tpu.dma_semaphore, #tpu.memory_space<semaphore_mem>>
      %dma_start3A_298 = arith.constant 0 : i32
      %dma_start3A_299 = tpu.memref_slice %arg29[%add3A_26, %dma_start3A_298] : memref<10240x64xf32, #tpu.memory_space<vmem_shared>> -> memref<64x64xf32, #tpu.memory_space<vmem_shared>>
      %dma_start3A_300 = arith.constant 0 : i32
      %dma_start3A_301 = tpu.memref_slice %arg29[%add3A_26, %dma_start3A_300] : memref<10240x64xf32, #tpu.memory_space<vmem_shared>> -> memref<64x64xf32, #tpu.memory_space<vmem_shared>>
      tpu.enqueue_dma source(%arg28 : memref<64x64xf32, #tpu.memory_space<vmem>>) target(%dma_start3A_301 : memref<64x64xf32, #tpu.memory_space<vmem_shared>>) target_semaphore(%run_scoped3A : memref<!tpu.dma_semaphore, #tpu.memory_space<semaphore_mem>>)
      %dma_wait3A_302 = arith.constant 0 : i32
      %dma_wait3A_303 = tpu.memref_slice %arg29[%add3A_26, %dma_wait3A_302] : memref<10240x64xf32, #tpu.memory_space<vmem_shared>> -> memref<64x64xf32, #tpu.memory_space<vmem_shared>>
      %dma_wait3A_304 = arith.constant 0 : i32
      %dma_wait3A_305 = tpu.memref_slice %arg29[%add3A_26, %dma_wait3A_304] : memref<10240x64xf32, #tpu.memory_space<vmem_shared>> -> memref<64x64xf32, #tpu.memory_space<vmem_shared>>
      tpu.wait_dma2 semaphore(%run_scoped3A : memref<!tpu.dma_semaphore, #tpu.memory_space<semaphore_mem>>) src(%arg28 : memref<64x64xf32, #tpu.memory_space<vmem>>) dst(%dma_wait3A_305 : memref<64x64xf32, #tpu.memory_space<vmem_shared>>)
      tpu.yield
    }) : () -> ()
    %barrier3A = arith.constant 0 : index
    tpu.barrier barrier_id(%barrier3A)
    "tpu.region"() ({
      %run_scoped3A = tpu.sem_alloc : memref<!tpu.dma_semaphore, #tpu.memory_space<semaphore_mem>>
      %dma_start3A_298 = arith.constant 0 : i32
      %dma_start3A_299 = arith.constant 0 : i32
      %dma_start3A_300 = tpu.memref_slice %arg5[%arg1, %dma_start3A_298, %dma_start3A_299] : memref<16x250x80xi32, #tpu.memory_space<hbm>> -> memref<1x250x80xi32, #tpu.memory_space<hbm>>
      %dma_start3A_301 = tpu.memref_squeeze %dma_start3A_300 : memref<1x250x80xi32, #tpu.memory_space<hbm>> -> memref<250x80xi32, #tpu.memory_space<hbm>>
      %dma_start3A_302 = arith.constant 0 : i32
      %dma_start3A_303 = arith.constant 0 : i32
      %dma_start3A_304 = tpu.memref_slice %arg5[%arg1, %dma_start3A_302, %dma_start3A_303] : memref<16x250x80xi32, #tpu.memory_space<hbm>> -> memref<1x250x80xi32, #tpu.memory_space<hbm>>
      %dma_start3A_305 = tpu.memref_squeeze %dma_start3A_304 : memref<1x250x80xi32, #tpu.memory_space<hbm>> -> memref<250x80xi32, #tpu.memory_space<hbm>>
      tpu.enqueue_dma source(%dma_start3A_305 : memref<250x80xi32, #tpu.memory_space<hbm>>) target(%arg7 : memref<250x80xi32, #tpu.memory_space<vmem>>) target_semaphore(%run_scoped3A : memref<!tpu.dma_semaphore, #tpu.memory_space<semaphore_mem>>)
      %dma_wait3A_306 = arith.constant 0 : i32
      %dma_wait3A_307 = arith.constant 0 : i32
      %dma_wait3A_308 = tpu.memref_slice %arg5[%arg1, %dma_wait3A_306, %dma_wait3A_307] : memref<16x250x80xi32, #tpu.memory_space<hbm>> -> memref<1x250x80xi32, #tpu.memory_space<hbm>>
      %dma_wait3A_309 = tpu.memref_squeeze %dma_wait3A_308 : memref<1x250x80xi32, #tpu.memory_space<hbm>> -> memref<250x80xi32, #tpu.memory_space<hbm>>
      %dma_wait3A_310 = arith.constant 0 : i32
      %dma_wait3A_311 = arith.constant 0 : i32
      %dma_wait3A_312 = tpu.memref_slice %arg5[%arg1, %dma_wait3A_310, %dma_wait3A_311] : memref<16x250x80xi32, #tpu.memory_space<hbm>> -> memref<1x250x80xi32, #tpu.memory_space<hbm>>
      %dma_wait3A_313 = tpu.memref_squeeze %dma_wait3A_312 : memref<1x250x80xi32, #tpu.memory_space<hbm>> -> memref<250x80xi32, #tpu.memory_space<hbm>>
      tpu.wait_dma2 semaphore(%run_scoped3A : memref<!tpu.dma_semaphore, #tpu.memory_space<semaphore_mem>>) src(%dma_wait3A_313 : memref<250x80xi32, #tpu.memory_space<hbm>>) dst(%arg7 : memref<250x80xi32, #tpu.memory_space<vmem>>)
      tpu.yield
    }) : () -> ()
    %iota3A = tpu.iota {dimensions = array<i32: 0>} : vector<16xi32>
    %mul3A_27 = arith.constant 2 : i32
    %mul3A_28 = vector.broadcast %mul3A_27 : i32 to vector<16xi32>
    %mul3A_29 = arith.muli %iota3A, %mul3A_28 : vector<16xi32>
    %scan3A_30 = arith.constant 0 : i32
    %scan3A_31 = arith.constant 0 : i32
    %scan3A_32 = arith.constant 250 : i32
    %scan3A_33 = arith.addi %scan3A_31, %scan3A_32 : i32
    %scan3A_34 = arith.constant 1 : i32
    %scan3A_35 = scf.for %scan3A_298 = %scan3A_31 to %scan3A_33 step %scan3A_34 iter_args(%scan3A_299 = %scan3A_30) -> (i32)  : i32 {
      %get3A = arith.index_cast %scan3A_298 : i32 to index
      %get3A_300 = arith.constant 0 : index
      %get3A_301 = tpu.vector_load %arg7[%get3A, %get3A_300] {strides = array<i32>} : memref<250x80xi32, #tpu.memory_space<vmem>>, vector<1x16xi32>,
      %get3A_302 = vector.shape_cast %get3A_301 : vector<1x16xi32> to vector<16xi32>
      %mul3A_303 = arith.constant 2 : i32
      %mul3A_304 = vector.broadcast %mul3A_303 : i32 to vector<16xi32>
      %mul3A_305 = arith.muli %get3A_302, %mul3A_304 : vector<16xi32>
      %add3A_306 = vector.broadcast %arg0 : i32 to vector<16xi32>
      %add3A_307 = arith.addi %mul3A_305, %add3A_306 : vector<16xi32>
      %swap3A_308 = arith.index_cast %scan3A_298 : i32 to index
      %swap3A_309 = arith.constant 0 : index
      %swap3A_310 = tpu.vector_load %arg7[%swap3A_308, %swap3A_309] {strides = array<i32>} : memref<250x80xi32, #tpu.memory_space<vmem>>, vector<1x16xi32>,
      %swap3A_311 = vector.shape_cast %swap3A_310 : vector<1x16xi32> to vector<16xi32>
      %swap3A_312 = vector.shape_cast %add3A_307 : vector<16xi32> to vector<1x16xi32>
      tpu.vector_store %arg7[%swap3A_308, %swap3A_309], %swap3A_312 {strides = array<i32>} : memref<250x80xi32, #tpu.memory_space<vmem>>, vector<1x16xi32>,
      %get3A_313 = arith.index_cast %scan3A_298 : i32 to index
      %get3A_314 = arith.constant 16 : index
      %get3A_315 = tpu.vector_load %arg7[%get3A_313, %get3A_314] {strides = array<i32>} : memref<250x80xi32, #tpu.memory_space<vmem>>, vector<1x16xi32>,
      %get3A_316 = vector.shape_cast %get3A_315 : vector<1x16xi32> to vector<16xi32>
      %mul3A_317 = arith.constant 2 : i32
      %mul3A_318 = vector.broadcast %mul3A_317 : i32 to vector<16xi32>
      %mul3A_319 = arith.muli %get3A_316, %mul3A_318 : vector<16xi32>
      %add3A_320 = vector.broadcast %arg0 : i32 to vector<16xi32>
      %add3A_321 = arith.addi %mul3A_319, %add3A_320 : vector<16xi32>
      %swap3A_322 = arith.index_cast %scan3A_298 : i32 to index
      %swap3A_323 = arith.constant 16 : index
      %swap3A_324 = tpu.vector_load %arg7[%swap3A_322, %swap3A_323] {strides = array<i32>} : memref<250x80xi32, #tpu.memory_space<vmem>>, vector<1x16xi32>,
      %swap3A_325 = vector.shape_cast %swap3A_324 : vector<1x16xi32> to vector<16xi32>
      %swap3A_326 = vector.shape_cast %add3A_321 : vector<16xi32> to vector<1x16xi32>
      tpu.vector_store %arg7[%swap3A_322, %swap3A_323], %swap3A_326 {strides = array<i32>} : memref<250x80xi32, #tpu.memory_space<vmem>>, vector<1x16xi32>,
      %get3A_327 = arith.index_cast %scan3A_298 : i32 to index
      %get3A_328 = arith.constant 32 : index
      %get3A_329 = tpu.vector_load %arg7[%get3A_327, %get3A_328] {strides = array<i32>} : memref<250x80xi32, #tpu.memory_space<vmem>>, vector<1x16xi32>,
      %get3A_330 = vector.shape_cast %get3A_329 : vector<1x16xi32> to vector<16xi32>
      %mul3A_331 = arith.constant 2 : i32
      %mul3A_332 = vector.broadcast %mul3A_331 : i32 to vector<16xi32>
      %mul3A_333 = arith.muli %get3A_330, %mul3A_332 : vector<16xi32>
      %add3A_334 = vector.broadcast %arg0 : i32 to vector<16xi32>
      %add3A_335 = arith.addi %mul3A_333, %add3A_334 : vector<16xi32>
      %swap3A_336 = arith.index_cast %scan3A_298 : i32 to index
      %swap3A_337 = arith.constant 32 : index
      %swap3A_338 = tpu.vector_load %arg7[%swap3A_336, %swap3A_337] {strides = array<i32>} : memref<250x80xi32, #tpu.memory_space<vmem>>, vector<1x16xi32>,
      %swap3A_339 = vector.shape_cast %swap3A_338 : vector<1x16xi32> to vector<16xi32>
      %swap3A_340 = vector.shape_cast %add3A_335 : vector<16xi32> to vector<1x16xi32>
      tpu.vector_store %arg7[%swap3A_336, %swap3A_337], %swap3A_340 {strides = array<i32>} : memref<250x80xi32, #tpu.memory_space<vmem>>, vector<1x16xi32>,
      %get3A_341 = arith.index_cast %scan3A_298 : i32 to index
      %get3A_342 = arith.constant 48 : index
      %get3A_343 = tpu.vector_load %arg7[%get3A_341, %get3A_342] {strides = array<i32>} : memref<250x80xi32, #tpu.memory_space<vmem>>, vector<1x16xi32>,
      %get3A_344 = vector.shape_cast %get3A_343 : vector<1x16xi32> to vector<16xi32>
      %mul3A_345 = arith.constant 2 : i32
      %mul3A_346 = vector.broadcast %mul3A_345 : i32 to vector<16xi32>
      %mul3A_347 = arith.muli %get3A_344, %mul3A_346 : vector<16xi32>
      %add3A_348 = vector.broadcast %arg0 : i32 to vector<16xi32>
      %add3A_349 = arith.addi %mul3A_347, %add3A_348 : vector<16xi32>
      %swap3A_350 = arith.index_cast %scan3A_298 : i32 to index
      %swap3A_351 = arith.constant 48 : index
      %swap3A_352 = tpu.vector_load %arg7[%swap3A_350, %swap3A_351] {strides = array<i32>} : memref<250x80xi32, #tpu.memory_space<vmem>>, vector<1x16xi32>,
      %swap3A_353 = vector.shape_cast %swap3A_352 : vector<1x16xi32> to vector<16xi32>
      %swap3A_354 = vector.shape_cast %add3A_349 : vector<16xi32> to vector<1x16xi32>
      tpu.vector_store %arg7[%swap3A_350, %swap3A_351], %swap3A_354 {strides = array<i32>} : memref<250x80xi32, #tpu.memory_space<vmem>>, vector<1x16xi32>,
      %get3A_355 = arith.index_cast %scan3A_298 : i32 to index
      %get3A_356 = arith.constant 64 : index
      %get3A_357 = tpu.vector_load %arg7[%get3A_355, %get3A_356] {strides = array<i32>} : memref<250x80xi32, #tpu.memory_space<vmem>>, vector<1x16xi32>,
      %get3A_358 = vector.shape_cast %get3A_357 : vector<1x16xi32> to vector<16xi32>
      %mul3A_359 = arith.constant 2 : i32
      %mul3A_360 = vector.broadcast %mul3A_359 : i32 to vector<16xi32>
      %mul3A_361 = arith.muli %get3A_358, %mul3A_360 : vector<16xi32>
      %add3A_362 = vector.broadcast %arg0 : i32 to vector<16xi32>
      %add3A_363 = arith.addi %mul3A_361, %add3A_362 : vector<16xi32>
      %swap3A_364 = arith.index_cast %scan3A_298 : i32 to index
      %swap3A_365 = arith.constant 64 : index
      %swap3A_366 = tpu.vector_load %arg7[%swap3A_364, %swap3A_365] {strides = array<i32>} : memref<250x80xi32, #tpu.memory_space<vmem>>, vector<1x16xi32>,
      %swap3A_367 = vector.shape_cast %swap3A_366 : vector<1x16xi32> to vector<16xi32>
      %swap3A_368 = vector.shape_cast %add3A_363 : vector<16xi32> to vector<1x16xi32>
      tpu.vector_store %arg7[%swap3A_364, %swap3A_365], %swap3A_368 {strides = array<i32>} : memref<250x80xi32, #tpu.memory_space<vmem>>, vector<1x16xi32>,
      %scan3A_369 = arith.constant 0 : i32
      scf.yield %scan3A_369 : i32
    }
    %scan3A_36 = arith.constant 250 : i32
    %mul3A_37 = arith.constant 20000 : i32
    %mul3A_38 = arith.muli %arg1, %mul3A_37 : i32
    %mul3A_39 = arith.constant 2 : i32
    %mul3A_40 = arith.muli %mul3A_38, %mul3A_39 : i32
    %add3A_41 = arith.addi %mul3A_40, %arg0 : i32
    %add3A_42 = arith.constant 0 : i32
    %add3A_43 = arith.addi %add3A_41, %add3A_42 : i32
    %add3A_44 = arith.constant 0 : i32
    %add3A_45 = arith.addi %add3A_43, %add3A_44 : i32
    %add3A_46 = vector.broadcast %add3A_45 : i32 to vector<16xi32>
    %add3A_47 = arith.addi %mul3A_29, %add3A_46 : vector<16xi32>
    %swap3A = arith.constant 0 : index
    %swap3A_48 = tpu.vector_load %arg10[%swap3A] {strides = array<i32>} : memref<80xi32, #tpu.memory_space<vmem>>, vector<16xi32>,
    %swap3A_49 = vector.shape_cast %swap3A_48 : vector<16xi32> to vector<16xi32>
    %swap3A_50 = vector.shape_cast %add3A_47 : vector<16xi32> to vector<16xi32>
    tpu.vector_store %arg10[%swap3A], %swap3A_50 {strides = array<i32>} : memref<80xi32, #tpu.memory_space<vmem>>, vector<16xi32>,
    %add3A_51 = arith.constant 32 : i32
    %add3A_52 = arith.addi %add3A_43, %add3A_51 : i32
    %add3A_53 = vector.broadcast %add3A_52 : i32 to vector<16xi32>
    %add3A_54 = arith.addi %mul3A_29, %add3A_53 : vector<16xi32>
    %swap3A_55 = arith.constant 16 : index
    %swap3A_56 = tpu.vector_load %arg10[%swap3A_55] {strides = array<i32>} : memref<80xi32, #tpu.memory_space<vmem>>, vector<16xi32>,
    %swap3A_57 = vector.shape_cast %swap3A_56 : vector<16xi32> to vector<16xi32>
    %swap3A_58 = vector.shape_cast %add3A_54 : vector<16xi32> to vector<16xi32>
    tpu.vector_store %arg10[%swap3A_55], %swap3A_58 {strides = array<i32>} : memref<80xi32, #tpu.memory_space<vmem>>, vector<16xi32>,
    %add3A_59 = arith.constant 64 : i32
    %add3A_60 = arith.addi %add3A_43, %add3A_59 : i32
    %add3A_61 = vector.broadcast %add3A_60 : i32 to vector<16xi32>
    %add3A_62 = arith.addi %mul3A_29, %add3A_61 : vector<16xi32>
    %swap3A_63 = arith.constant 32 : index
    %swap3A_64 = tpu.vector_load %arg10[%swap3A_63] {strides = array<i32>} : memref<80xi32, #tpu.memory_space<vmem>>, vector<16xi32>,
    %swap3A_65 = vector.shape_cast %swap3A_64 : vector<16xi32> to vector<16xi32>
    %swap3A_66 = vector.shape_cast %add3A_62 : vector<16xi32> to vector<16xi32>
    tpu.vector_store %arg10[%swap3A_63], %swap3A_66 {strides = array<i32>} : memref<80xi32, #tpu.memory_space<vmem>>, vector<16xi32>,
    %add3A_67 = arith.constant 96 : i32
    %add3A_68 = arith.addi %add3A_43, %add3A_67 : i32
    %add3A_69 = vector.broadcast %add3A_68 : i32 to vector<16xi32>
    %add3A_70 = arith.addi %mul3A_29, %add3A_69 : vector<16xi32>
    %swap3A_71 = arith.constant 48 : index
    %swap3A_72 = tpu.vector_load %arg10[%swap3A_71] {strides = array<i32>} : memref<80xi32, #tpu.memory_space<vmem>>, vector<16xi32>,
    %swap3A_73 = vector.shape_cast %swap3A_72 : vector<16xi32> to vector<16xi32>
    %swap3A_74 = vector.shape_cast %add3A_70 : vector<16xi32> to vector<16xi32>
    tpu.vector_store %arg10[%swap3A_71], %swap3A_74 {strides = array<i32>} : memref<80xi32, #tpu.memory_space<vmem>>, vector<16xi32>,
    %add3A_75 = arith.constant 128 : i32
    %add3A_76 = arith.addi %add3A_43, %add3A_75 : i32
    %add3A_77 = vector.broadcast %add3A_76 : i32 to vector<16xi32>
    %add3A_78 = arith.addi %mul3A_29, %add3A_77 : vector<16xi32>
    %swap3A_79 = arith.constant 64 : index
    %swap3A_80 = tpu.vector_load %arg10[%swap3A_79] {strides = array<i32>} : memref<80xi32, #tpu.memory_space<vmem>>, vector<16xi32>,
    %swap3A_81 = vector.shape_cast %swap3A_80 : vector<16xi32> to vector<16xi32>
    %swap3A_82 = vector.shape_cast %add3A_78 : vector<16xi32> to vector<16xi32>
    tpu.vector_store %arg10[%swap3A_79], %swap3A_82 {strides = array<i32>} : memref<80xi32, #tpu.memory_space<vmem>>, vector<16xi32>,
    %dma_start3A = arith.constant 0 : i32
    %dma_start3A_83 = arith.constant 0 : i32
    %dma_start3A_84 = tpu.memref_slice %arg7[%dma_start3A, %dma_start3A_83] : memref<250x80xi32, #tpu.memory_space<vmem>> -> memref<1x80xi32, #tpu.memory_space<vmem>>
    %dma_start3A_85 = tpu.memref_squeeze %dma_start3A_84 : memref<1x80xi32, #tpu.memory_space<vmem>> -> memref<80xi32, #tpu.memory_space<vmem>>
    %dma_start3A_86 = arith.constant 0 : i32
    %dma_start3A_87 = arith.constant 0 : i32
    %dma_start3A_88 = tpu.memref_slice %arg2[%dma_start3A_86, %dma_start3A_87] : memref<20000x64xf32, #tpu.memory_space<hbm>> -> memref<20000x64xf32, #tpu.memory_space<hbm>>
    tpu.enqueue_indirect_dma source(%dma_start3A_88 : memref<20000x64xf32, #tpu.memory_space<hbm>>) target(%arg8 : memref<80x64xf32, #tpu.memory_space<vmem>>) offsets(%dma_start3A_85 : memref<80xi32, #tpu.memory_space<vmem>>) semaphore(%arg30 : memref<!tpu.dma_semaphore, #tpu.memory_space<semaphore_mem>>)
    %dma_start3A_89 = arith.constant 0 : i32
    %dma_start3A_90 = arith.constant 0 : i32
    %dma_start3A_91 = tpu.memref_slice %arg3[%dma_start3A_89, %dma_start3A_90] : memref<640000x64xf32, #tpu.memory_space<hbm>> -> memref<640000x64xf32, #tpu.memory_space<hbm>>
    tpu.enqueue_indirect_dma source(%dma_start3A_91 : memref<640000x64xf32, #tpu.memory_space<hbm>>) target(%arg9 : memref<80x64xf32, #tpu.memory_space<vmem>>) offsets(%arg10 : memref<80xi32, #tpu.memory_space<vmem>>) semaphore(%arg31 : memref<!tpu.dma_semaphore, #tpu.memory_space<semaphore_mem>>)
    %dma_start3A_92 = arith.constant 0 : i32
    %dma_start3A_93 = arith.constant 0 : i32
    %dma_start3A_94 = tpu.memref_slice %arg4[%arg1, %dma_start3A_92, %dma_start3A_93] : memref<16x250x80xi32, #tpu.memory_space<hbm>> -> memref<1x1x80xi32, #tpu.memory_space<hbm>>
    %dma_start3A_95 = tpu.memref_squeeze %dma_start3A_94 : memref<1x1x80xi32, #tpu.memory_space<hbm>> -> memref<80xi32, #tpu.memory_space<hbm>>
    %dma_start3A_96 = arith.constant 0 : i32
    %dma_start3A_97 = tpu.memref_slice %arg4[%arg1, %dma_start3A_92, %dma_start3A_96] : memref<16x250x80xi32, #tpu.memory_space<hbm>> -> memref<1x1x80xi32, #tpu.memory_space<hbm>>
    %dma_start3A_98 = tpu.memref_squeeze %dma_start3A_97 : memref<1x1x80xi32, #tpu.memory_space<hbm>> -> memref<80xi32, #tpu.memory_space<hbm>>
    tpu.enqueue_dma source(%dma_start3A_98 : memref<80xi32, #tpu.memory_space<hbm>>) target(%arg11 : memref<80xi32, #tpu.memory_space<vmem>>) target_semaphore(%arg32 : memref<!tpu.dma_semaphore, #tpu.memory_space<semaphore_mem>>)
    %add3A_99 = arith.constant 160 : i32
    %add3A_100 = arith.addi %add3A_41, %add3A_99 : i32
    %add3A_101 = arith.constant 0 : i32
    %add3A_102 = arith.addi %add3A_100, %add3A_101 : i32
    %add3A_103 = vector.broadcast %add3A_102 : i32 to vector<16xi32>
    %add3A_104 = arith.addi %mul3A_29, %add3A_103 : vector<16xi32>
    %swap3A_105 = arith.constant 0 : index
    %swap3A_106 = tpu.vector_load %arg14[%swap3A_105] {strides = array<i32>} : memref<80xi32, #tpu.memory_space<vmem>>, vector<16xi32>,
    %swap3A_107 = vector.shape_cast %swap3A_106 : vector<16xi32> to vector<16xi32>
    %swap3A_108 = vector.shape_cast %add3A_104 : vector<16xi32> to vector<16xi32>
    tpu.vector_store %arg14[%swap3A_105], %swap3A_108 {strides = array<i32>} : memref<80xi32, #tpu.memory_space<vmem>>, vector<16xi32>,
    %add3A_109 = arith.constant 32 : i32
    %add3A_110 = arith.addi %add3A_100, %add3A_109 : i32
    %add3A_111 = vector.broadcast %add3A_110 : i32 to vector<16xi32>
    %add3A_112 = arith.addi %mul3A_29, %add3A_111 : vector<16xi32>
    %swap3A_113 = arith.constant 16 : index
    %swap3A_114 = tpu.vector_load %arg14[%swap3A_113] {strides = array<i32>} : memref<80xi32, #tpu.memory_space<vmem>>, vector<16xi32>,
    %swap3A_115 = vector.shape_cast %swap3A_114 : vector<16xi32> to vector<16xi32>
    %swap3A_116 = vector.shape_cast %add3A_112 : vector<16xi32> to vector<16xi32>
    tpu.vector_store %arg14[%swap3A_113], %swap3A_116 {strides = array<i32>} : memref<80xi32, #tpu.memory_space<vmem>>, vector<16xi32>,
    %add3A_117 = arith.constant 64 : i32
    %add3A_118 = arith.addi %add3A_100, %add3A_117 : i32
    %add3A_119 = vector.broadcast %add3A_118 : i32 to vector<16xi32>
    %add3A_120 = arith.addi %mul3A_29, %add3A_119 : vector<16xi32>
    %swap3A_121 = arith.constant 32 : index
    %swap3A_122 = tpu.vector_load %arg14[%swap3A_121] {strides = array<i32>} : memref<80xi32, #tpu.memory_space<vmem>>, vector<16xi32>,
    %swap3A_123 = vector.shape_cast %swap3A_122 : vector<16xi32> to vector<16xi32>
    %swap3A_124 = vector.shape_cast %add3A_120 : vector<16xi32> to vector<16xi32>
    tpu.vector_store %arg14[%swap3A_121], %swap3A_124 {strides = array<i32>} : memref<80xi32, #tpu.memory_space<vmem>>, vector<16xi32>,
    %add3A_125 = arith.constant 96 : i32
    %add3A_126 = arith.addi %add3A_100, %add3A_125 : i32
    %add3A_127 = vector.broadcast %add3A_126 : i32 to vector<16xi32>
    %add3A_128 = arith.addi %mul3A_29, %add3A_127 : vector<16xi32>
    %swap3A_129 = arith.constant 48 : index
    %swap3A_130 = tpu.vector_load %arg14[%swap3A_129] {strides = array<i32>} : memref<80xi32, #tpu.memory_space<vmem>>, vector<16xi32>,
    %swap3A_131 = vector.shape_cast %swap3A_130 : vector<16xi32> to vector<16xi32>
    %swap3A_132 = vector.shape_cast %add3A_128 : vector<16xi32> to vector<16xi32>
    tpu.vector_store %arg14[%swap3A_129], %swap3A_132 {strides = array<i32>} : memref<80xi32, #tpu.memory_space<vmem>>, vector<16xi32>,
    %add3A_133 = arith.constant 128 : i32
    %add3A_134 = arith.addi %add3A_100, %add3A_133 : i32
    %add3A_135 = vector.broadcast %add3A_134 : i32 to vector<16xi32>
    %add3A_136 = arith.addi %mul3A_29, %add3A_135 : vector<16xi32>
    %swap3A_137 = arith.constant 64 : index
    %swap3A_138 = tpu.vector_load %arg14[%swap3A_137] {strides = array<i32>} : memref<80xi32, #tpu.memory_space<vmem>>, vector<16xi32>,
    %swap3A_139 = vector.shape_cast %swap3A_138 : vector<16xi32> to vector<16xi32>
    %swap3A_140 = vector.shape_cast %add3A_136 : vector<16xi32> to vector<16xi32>
    tpu.vector_store %arg14[%swap3A_137], %swap3A_140 {strides = array<i32>} : memref<80xi32, #tpu.memory_space<vmem>>, vector<16xi32>,
    %dma_start3A_141 = arith.constant 1 : i32
    %dma_start3A_142 = arith.constant 0 : i32
    %dma_start3A_143 = tpu.memref_slice %arg7[%dma_start3A_141, %dma_start3A_142] : memref<250x80xi32, #tpu.memory_space<vmem>> -> memref<1x80xi32, #tpu.memory_space<vmem>>
    %dma_start3A_144 = tpu.memref_squeeze %dma_start3A_143 : memref<1x80xi32, #tpu.memory_space<vmem>> -> memref<80xi32, #tpu.memory_space<vmem>>
    %dma_start3A_145 = arith.constant 0 : i32
    %dma_start3A_146 = arith.constant 0 : i32
    %dma_start3A_147 = tpu.memref_slice %arg2[%dma_start3A_145, %dma_start3A_146] : memref<20000x64xf32, #tpu.memory_space<hbm>> -> memref<20000x64xf32, #tpu.memory_space<hbm>>
    tpu.enqueue_indirect_dma source(%dma_start3A_147 : memref<20000x64xf32, #tpu.memory_space<hbm>>) target(%arg12 : memref<80x64xf32, #tpu.memory_space<vmem>>) offsets(%dma_start3A_144 : memref<80xi32, #tpu.memory_space<vmem>>) semaphore(%arg34 : memref<!tpu.dma_semaphore, #tpu.memory_space<semaphore_mem>>)
    %dma_start3A_148 = arith.constant 0 : i32
    %dma_start3A_149 = arith.constant 0 : i32
    %dma_start3A_150 = tpu.memref_slice %arg3[%dma_start3A_148, %dma_start3A_149] : memref<640000x64xf32, #tpu.memory_space<hbm>> -> memref<640000x64xf32, #tpu.memory_space<hbm>>
    tpu.enqueue_indirect_dma source(%dma_start3A_150 : memref<640000x64xf32, #tpu.memory_space<hbm>>) target(%arg13 : memref<80x64xf32, #tpu.memory_space<vmem>>) offsets(%arg14 : memref<80xi32, #tpu.memory_space<vmem>>) semaphore(%arg35 : memref<!tpu.dma_semaphore, #tpu.memory_space<semaphore_mem>>)
    %dma_start3A_151 = arith.constant 1 : i32
    %dma_start3A_152 = arith.constant 0 : i32
    %dma_start3A_153 = tpu.memref_slice %arg4[%arg1, %dma_start3A_151, %dma_start3A_152] : memref<16x250x80xi32, #tpu.memory_space<hbm>> -> memref<1x1x80xi32, #tpu.memory_space<hbm>>
    %dma_start3A_154 = tpu.memref_squeeze %dma_start3A_153 : memref<1x1x80xi32, #tpu.memory_space<hbm>> -> memref<80xi32, #tpu.memory_space<hbm>>
    %dma_start3A_155 = arith.constant 0 : i32
    %dma_start3A_156 = tpu.memref_slice %arg4[%arg1, %dma_start3A_151, %dma_start3A_155] : memref<16x250x80xi32, #tpu.memory_space<hbm>> -> memref<1x1x80xi32, #tpu.memory_space<hbm>>
    %dma_start3A_157 = tpu.memref_squeeze %dma_start3A_156 : memref<1x1x80xi32, #tpu.memory_space<hbm>> -> memref<80xi32, #tpu.memory_space<hbm>>
    tpu.enqueue_dma source(%dma_start3A_157 : memref<80xi32, #tpu.memory_space<hbm>>) target(%arg15 : memref<80xi32, #tpu.memory_space<vmem>>) target_semaphore(%arg36 : memref<!tpu.dma_semaphore, #tpu.memory_space<semaphore_mem>>)
    %add3A_158 = arith.constant 320 : i32
    %add3A_159 = arith.addi %add3A_41, %add3A_158 : i32
    %add3A_160 = arith.constant 0 : i32
    %add3A_161 = arith.addi %add3A_159, %add3A_160 : i32
    %add3A_162 = vector.broadcast %add3A_161 : i32 to vector<16xi32>
    %add3A_163 = arith.addi %mul3A_29, %add3A_162 : vector<16xi32>
    %swap3A_164 = arith.constant 0 : index
    %swap3A_165 = tpu.vector_load %arg18[%swap3A_164] {strides = array<i32>} : memref<80xi32, #tpu.memory_space<vmem>>, vector<16xi32>,
    %swap3A_166 = vector.shape_cast %swap3A_165 : vector<16xi32> to vector<16xi32>
    %swap3A_167 = vector.shape_cast %add3A_163 : vector<16xi32> to vector<16xi32>
    tpu.vector_store %arg18[%swap3A_164], %swap3A_167 {strides = array<i32>} : memref<80xi32, #tpu.memory_space<vmem>>, vector<16xi32>,
    %add3A_168 = arith.constant 32 : i32
    %add3A_169 = arith.addi %add3A_159, %add3A_168 : i32
    %add3A_170 = vector.broadcast %add3A_169 : i32 to vector<16xi32>
    %add3A_171 = arith.addi %mul3A_29, %add3A_170 : vector<16xi32>
    %swap3A_172 = arith.constant 16 : index
    %swap3A_173 = tpu.vector_load %arg18[%swap3A_172] {strides = array<i32>} : memref<80xi32, #tpu.memory_space<vmem>>, vector<16xi32>,
    %swap3A_174 = vector.shape_cast %swap3A_173 : vector<16xi32> to vector<16xi32>
    %swap3A_175 = vector.shape_cast %add3A_171 : vector<16xi32> to vector<16xi32>
    tpu.vector_store %arg18[%swap3A_172], %swap3A_175 {strides = array<i32>} : memref<80xi32, #tpu.memory_space<vmem>>, vector<16xi32>,
    %add3A_176 = arith.constant 64 : i32
    %add3A_177 = arith.addi %add3A_159, %add3A_176 : i32
    %add3A_178 = vector.broadcast %add3A_177 : i32 to vector<16xi32>
    %add3A_179 = arith.addi %mul3A_29, %add3A_178 : vector<16xi32>
    %swap3A_180 = arith.constant 32 : index
    %swap3A_181 = tpu.vector_load %arg18[%swap3A_180] {strides = array<i32>} : memref<80xi32, #tpu.memory_space<vmem>>, vector<16xi32>,
    %swap3A_182 = vector.shape_cast %swap3A_181 : vector<16xi32> to vector<16xi32>
    %swap3A_183 = vector.shape_cast %add3A_179 : vector<16xi32> to vector<16xi32>
    tpu.vector_store %arg18[%swap3A_180], %swap3A_183 {strides = array<i32>} : memref<80xi32, #tpu.memory_space<vmem>>, vector<16xi32>,
    %add3A_184 = arith.constant 96 : i32
    %add3A_185 = arith.addi %add3A_159, %add3A_184 : i32
    %add3A_186 = vector.broadcast %add3A_185 : i32 to vector<16xi32>
    %add3A_187 = arith.addi %mul3A_29, %add3A_186 : vector<16xi32>
    %swap3A_188 = arith.constant 48 : index
    %swap3A_189 = tpu.vector_load %arg18[%swap3A_188] {strides = array<i32>} : memref<80xi32, #tpu.memory_space<vmem>>, vector<16xi32>,
    %swap3A_190 = vector.shape_cast %swap3A_189 : vector<16xi32> to vector<16xi32>
    %swap3A_191 = vector.shape_cast %add3A_187 : vector<16xi32> to vector<16xi32>
    tpu.vector_store %arg18[%swap3A_188], %swap3A_191 {strides = array<i32>} : memref<80xi32, #tpu.memory_space<vmem>>, vector<16xi32>,
    %add3A_192 = arith.constant 128 : i32
    %add3A_193 = arith.addi %add3A_159, %add3A_192 : i32
    %add3A_194 = vector.broadcast %add3A_193 : i32 to vector<16xi32>
    %add3A_195 = arith.addi %mul3A_29, %add3A_194 : vector<16xi32>
    %swap3A_196 = arith.constant 64 : index
    %swap3A_197 = tpu.vector_load %arg18[%swap3A_196] {strides = array<i32>} : memref<80xi32, #tpu.memory_space<vmem>>, vector<16xi32>,
    %swap3A_198 = vector.shape_cast %swap3A_197 : vector<16xi32> to vector<16xi32>
    %swap3A_199 = vector.shape_cast %add3A_195 : vector<16xi32> to vector<16xi32>
    tpu.vector_store %arg18[%swap3A_196], %swap3A_199 {strides = array<i32>} : memref<80xi32, #tpu.memory_space<vmem>>, vector<16xi32>,
    %dma_start3A_200 = arith.constant 2 : i32
    %dma_start3A_201 = arith.constant 0 : i32
    %dma_start3A_202 = tpu.memref_slice %arg7[%dma_start3A_200, %dma_start3A_201] : memref<250x80xi32, #tpu.memory_space<vmem>> -> memref<1x80xi32, #tpu.memory_space<vmem>>
    %dma_start3A_203 = tpu.memref_squeeze %dma_start3A_202 : memref<1x80xi32, #tpu.memory_space<vmem>> -> memref<80xi32, #tpu.memory_space<vmem>>
    %dma_start3A_204 = arith.constant 0 : i32
    %dma_start3A_205 = arith.constant 0 : i32
    %dma_start3A_206 = tpu.memref_slice %arg2[%dma_start3A_204, %dma_start3A_205] : memref<20000x64xf32, #tpu.memory_space<hbm>> -> memref<20000x64xf32, #tpu.memory_space<hbm>>
    tpu.enqueue_indirect_dma source(%dma_start3A_206 : memref<20000x64xf32, #tpu.memory_space<hbm>>) target(%arg16 : memref<80x64xf32, #tpu.memory_space<vmem>>) offsets(%dma_start3A_203 : memref<80xi32, #tpu.memory_space<vmem>>) semaphore(%arg38 : memref<!tpu.dma_semaphore, #tpu.memory_space<semaphore_mem>>)
    %dma_start3A_207 = arith.constant 0 : i32
    %dma_start3A_208 = arith.constant 0 : i32
    %dma_start3A_209 = tpu.memref_slice %arg3[%dma_start3A_207, %dma_start3A_208] : memref<640000x64xf32, #tpu.memory_space<hbm>> -> memref<640000x64xf32, #tpu.memory_space<hbm>>
    tpu.enqueue_indirect_dma source(%dma_start3A_209 : memref<640000x64xf32, #tpu.memory_space<hbm>>) target(%arg17 : memref<80x64xf32, #tpu.memory_space<vmem>>) offsets(%arg18 : memref<80xi32, #tpu.memory_space<vmem>>) semaphore(%arg39 : memref<!tpu.dma_semaphore, #tpu.memory_space<semaphore_mem>>)
    %dma_start3A_210 = arith.constant 2 : i32
    %dma_start3A_211 = arith.constant 0 : i32
    %dma_start3A_212 = tpu.memref_slice %arg4[%arg1, %dma_start3A_210, %dma_start3A_211] : memref<16x250x80xi32, #tpu.memory_space<hbm>> -> memref<1x1x80xi32, #tpu.memory_space<hbm>>
    %dma_start3A_213 = tpu.memref_squeeze %dma_start3A_212 : memref<1x1x80xi32, #tpu.memory_space<hbm>> -> memref<80xi32, #tpu.memory_space<hbm>>
    %dma_start3A_214 = arith.constant 0 : i32
    %dma_start3A_215 = tpu.memref_slice %arg4[%arg1, %dma_start3A_210, %dma_start3A_214] : memref<16x250x80xi32, #tpu.memory_space<hbm>> -> memref<1x1x80xi32, #tpu.memory_space<hbm>>
    %dma_start3A_216 = tpu.memref_squeeze %dma_start3A_215 : memref<1x1x80xi32, #tpu.memory_space<hbm>> -> memref<80xi32, #tpu.memory_space<hbm>>
    tpu.enqueue_dma source(%dma_start3A_216 : memref<80xi32, #tpu.memory_space<hbm>>) target(%arg19 : memref<80xi32, #tpu.memory_space<vmem>>) target_semaphore(%arg40 : memref<!tpu.dma_semaphore, #tpu.memory_space<semaphore_mem>>)
    %add3A_217 = arith.constant 480 : i32
    %add3A_218 = arith.addi %add3A_41, %add3A_217 : i32
    %add3A_219 = arith.constant 0 : i32
    %add3A_220 = arith.addi %add3A_218, %add3A_219 : i32
    %add3A_221 = vector.broadcast %add3A_220 : i32 to vector<16xi32>
    %add3A_222 = arith.addi %mul3A_29, %add3A_221 : vector<16xi32>
    %swap3A_223 = arith.constant 0 : index
    %swap3A_224 = tpu.vector_load %arg22[%swap3A_223] {strides = array<i32>} : memref<80xi32, #tpu.memory_space<vmem>>, vector<16xi32>,
    %swap3A_225 = vector.shape_cast %swap3A_224 : vector<16xi32> to vector<16xi32>
    %swap3A_226 = vector.shape_cast %add3A_222 : vector<16xi32> to vector<16xi32>
    tpu.vector_store %arg22[%swap3A_223], %swap3A_226 {strides = array<i32>} : memref<80xi32, #tpu.memory_space<vmem>>, vector<16xi32>,
    %add3A_227 = arith.constant 32 : i32
    %add3A_228 = arith.addi %add3A_218, %add3A_227 : i32
    %add3A_229 = vector.broadcast %add3A_228 : i32 to vector<16xi32>
    %add3A_230 = arith.addi %mul3A_29, %add3A_229 : vector<16xi32>
    %swap3A_231 = arith.constant 16 : index
    %swap3A_232 = tpu.vector_load %arg22[%swap3A_231] {strides = array<i32>} : memref<80xi32, #tpu.memory_space<vmem>>, vector<16xi32>,
    %swap3A_233 = vector.shape_cast %swap3A_232 : vector<16xi32> to vector<16xi32>
    %swap3A_234 = vector.shape_cast %add3A_230 : vector<16xi32> to vector<16xi32>
    tpu.vector_store %arg22[%swap3A_231], %swap3A_234 {strides = array<i32>} : memref<80xi32, #tpu.memory_space<vmem>>, vector<16xi32>,
    %add3A_235 = arith.constant 64 : i32
    %add3A_236 = arith.addi %add3A_218, %add3A_235 : i32
    %add3A_237 = vector.broadcast %add3A_236 : i32 to vector<16xi32>
    %add3A_238 = arith.addi %mul3A_29, %add3A_237 : vector<16xi32>
    %swap3A_239 = arith.constant 32 : index
    %swap3A_240 = tpu.vector_load %arg22[%swap3A_239] {strides = array<i32>} : memref<80xi32, #tpu.memory_space<vmem>>, vector<16xi32>,
    %swap3A_241 = vector.shape_cast %swap3A_240 : vector<16xi32> to vector<16xi32>
    %swap3A_242 = vector.shape_cast %add3A_238 : vector<16xi32> to vector<16xi32>
    tpu.vector_store %arg22[%swap3A_239], %swap3A_242 {strides = array<i32>} : memref<80xi32, #tpu.memory_space<vmem>>, vector<16xi32>,
    %add3A_243 = arith.constant 96 : i32
    %add3A_244 = arith.addi %add3A_218, %add3A_243 : i32
    %add3A_245 = vector.broadcast %add3A_244 : i32 to vector<16xi32>
    %add3A_246 = arith.addi %mul3A_29, %add3A_245 : vector<16xi32>
    %swap3A_247 = arith.constant 48 : index
    %swap3A_248 = tpu.vector_load %arg22[%swap3A_247] {strides = array<i32>} : memref<80xi32, #tpu.memory_space<vmem>>, vector<16xi32>,
    %swap3A_249 = vector.shape_cast %swap3A_248 : vector<16xi32> to vector<16xi32>
    %swap3A_250 = vector.shape_cast %add3A_246 : vector<16xi32> to vector<16xi32>
    tpu.vector_store %arg22[%swap3A_247], %swap3A_250 {strides = array<i32>} : memref<80xi32, #tpu.memory_space<vmem>>, vector<16xi32>,
    %add3A_251 = arith.constant 128 : i32
    %add3A_252 = arith.addi %add3A_218, %add3A_251 : i32
    %add3A_253 = vector.broadcast %add3A_252 : i32 to vector<16xi32>
    %add3A_254 = arith.addi %mul3A_29, %add3A_253 : vector<16xi32>
    %swap3A_255 = arith.constant 64 : index
    %swap3A_256 = tpu.vector_load %arg22[%swap3A_255] {strides = array<i32>} : memref<80xi32, #tpu.memory_space<vmem>>, vector<16xi32>,
    %swap3A_257 = vector.shape_cast %swap3A_256 : vector<16xi32> to vector<16xi32>
    %swap3A_258 = vector.shape_cast %add3A_254 : vector<16xi32> to vector<16xi32>
    tpu.vector_store %arg22[%swap3A_255], %swap3A_258 {strides = array<i32>} : memref<80xi32, #tpu.memory_space<vmem>>, vector<16xi32>,
    %dma_start3A_259 = arith.constant 3 : i32
    %dma_start3A_260 = arith.constant 0 : i32
    %dma_start3A_261 = tpu.memref_slice %arg7[%dma_start3A_259, %dma_start3A_260] : memref<250x80xi32, #tpu.memory_space<vmem>> -> memref<1x80xi32, #tpu.memory_space<vmem>>
    %dma_start3A_262 = tpu.memref_squeeze %dma_start3A_261 : memref<1x80xi32, #tpu.memory_space<vmem>> -> memref<80xi32, #tpu.memory_space<vmem>>
    %dma_start3A_263 = arith.constant 0 : i32
    %dma_start3A_264 = arith.constant 0 : i32
    %dma_start3A_265 = tpu.memref_slice %arg2[%dma_start3A_263, %dma_start3A_264] : memref<20000x64xf32, #tpu.memory_space<hbm>> -> memref<20000x64xf32, #tpu.memory_space<hbm>>
    tpu.enqueue_indirect_dma source(%dma_start3A_265 : memref<20000x64xf32, #tpu.memory_space<hbm>>) target(%arg20 : memref<80x64xf32, #tpu.memory_space<vmem>>) offsets(%dma_start3A_262 : memref<80xi32, #tpu.memory_space<vmem>>) semaphore(%arg42 : memref<!tpu.dma_semaphore, #tpu.memory_space<semaphore_mem>>)
    %dma_start3A_266 = arith.constant 0 : i32
    %dma_start3A_267 = arith.constant 0 : i32
    %dma_start3A_268 = tpu.memref_slice %arg3[%dma_start3A_266, %dma_start3A_267] : memref<640000x64xf32, #tpu.memory_space<hbm>> -> memref<640000x64xf32, #tpu.memory_space<hbm>>
    tpu.enqueue_indirect_dma source(%dma_start3A_268 : memref<640000x64xf32, #tpu.memory_space<hbm>>) target(%arg21 : memref<80x64xf32, #tpu.memory_space<vmem>>) offsets(%arg22 : memref<80xi32, #tpu.memory_space<vmem>>) semaphore(%arg43 : memref<!tpu.dma_semaphore, #tpu.memory_space<semaphore_mem>>)
    %dma_start3A_269 = arith.constant 3 : i32
    %dma_start3A_270 = arith.constant 0 : i32
    %dma_start3A_271 = tpu.memref_slice %arg4[%arg1, %dma_start3A_269, %dma_start3A_270] : memref<16x250x80xi32, #tpu.memory_space<hbm>> -> memref<1x1x80xi32, #tpu.memory_space<hbm>>
    %dma_start3A_272 = tpu.memref_squeeze %dma_start3A_271 : memref<1x1x80xi32, #tpu.memory_space<hbm>> -> memref<80xi32, #tpu.memory_space<hbm>>
    %dma_start3A_273 = arith.constant 0 : i32
    %dma_start3A_274 = tpu.memref_slice %arg4[%arg1, %dma_start3A_269, %dma_start3A_273] : memref<16x250x80xi32, #tpu.memory_space<hbm>> -> memref<1x1x80xi32, #tpu.memory_space<hbm>>
    %dma_start3A_275 = tpu.memref_squeeze %dma_start3A_274 : memref<1x1x80xi32, #tpu.memory_space<hbm>> -> memref<80xi32, #tpu.memory_space<hbm>>
    tpu.enqueue_dma source(%dma_start3A_275 : memref<80xi32, #tpu.memory_space<hbm>>) target(%arg23 : memref<80xi32, #tpu.memory_space<vmem>>) target_semaphore(%arg44 : memref<!tpu.dma_semaphore, #tpu.memory_space<semaphore_mem>>)
    %scan3A_276 = arith.constant 0 : i32
    %scan3A_277 = arith.constant 0 : i32
    %scan3A_278 = arith.constant 50 : i32
    %scan3A_279 = arith.addi %scan3A_277, %scan3A_278 : i32
    %scan3A_280 = arith.constant 1 : i32
    %scan3A_281 = scf.for %scan3A_298 = %scan3A_277 to %scan3A_279 step %scan3A_280 iter_args(%scan3A_299 = %scan3A_276) -> (i32)  : i32 {
      %mul3A_300 = arith.constant 5 : i32
      %mul3A_301 = arith.muli %scan3A_298, %mul3A_300 : i32
      %add3A_302 = arith.constant 0 : i32
      %add3A_303 = arith.addi %mul3A_301, %add3A_302 : i32
      %dma_wait3A_304 = arith.constant 0 : i32
      %dma_wait3A_305 = tpu.memref_slice %arg7[%add3A_303, %dma_wait3A_304] : memref<250x80xi32, #tpu.memory_space<vmem>> -> memref<1x80xi32, #tpu.memory_space<vmem>>
      %dma_wait3A_306 = tpu.memref_squeeze %dma_wait3A_305 : memref<1x80xi32, #tpu.memory_space<vmem>> -> memref<80xi32, #tpu.memory_space<vmem>>
      %dma_wait3A_307 = arith.constant 0 : i32
      %dma_wait3A_308 = arith.constant 0 : i32
      %dma_wait3A_309 = tpu.memref_slice %arg2[%dma_wait3A_307, %dma_wait3A_308] : memref<20000x64xf32, #tpu.memory_space<hbm>> -> memref<20000x64xf32, #tpu.memory_space<hbm>>
      tpu.wait_indirect_dma semaphore(%arg30 : memref<!tpu.dma_semaphore, #tpu.memory_space<semaphore_mem>>) src(%dma_wait3A_309 : memref<20000x64xf32, #tpu.memory_space<hbm>>) dst(%arg8 : memref<80x64xf32, #tpu.memory_space<vmem>>)
      %dma_wait3A_310 = arith.constant 0 : i32
      %dma_wait3A_311 = arith.constant 0 : i32
      %dma_wait3A_312 = tpu.memref_slice %arg3[%dma_wait3A_310, %dma_wait3A_311] : memref<640000x64xf32, #tpu.memory_space<hbm>> -> memref<640000x64xf32, #tpu.memory_space<hbm>>
      tpu.wait_indirect_dma semaphore(%arg31 : memref<!tpu.dma_semaphore, #tpu.memory_space<semaphore_mem>>) src(%dma_wait3A_312 : memref<640000x64xf32, #tpu.memory_space<hbm>>) dst(%arg9 : memref<80x64xf32, #tpu.memory_space<vmem>>)
      %dma_wait3A_313 = arith.constant 0 : i32
      %dma_wait3A_314 = tpu.memref_slice %arg4[%arg1, %add3A_303, %dma_wait3A_313] : memref<16x250x80xi32, #tpu.memory_space<hbm>> -> memref<1x1x80xi32, #tpu.memory_space<hbm>>
      %dma_wait3A_315 = tpu.memref_squeeze %dma_wait3A_314 : memref<1x1x80xi32, #tpu.memory_space<hbm>> -> memref<80xi32, #tpu.memory_space<hbm>>
      %dma_wait3A_316 = arith.constant 0 : i32
      %dma_wait3A_317 = tpu.memref_slice %arg4[%arg1, %add3A_303, %dma_wait3A_316] : memref<16x250x80xi32, #tpu.memory_space<hbm>> -> memref<1x1x80xi32, #tpu.memory_space<hbm>>
      %dma_wait3A_318 = tpu.memref_squeeze %dma_wait3A_317 : memref<1x1x80xi32, #tpu.memory_space<hbm>> -> memref<80xi32, #tpu.memory_space<hbm>>
      tpu.wait_dma2 semaphore(%arg32 : memref<!tpu.dma_semaphore, #tpu.memory_space<semaphore_mem>>) src(%dma_wait3A_318 : memref<80xi32, #tpu.memory_space<hbm>>) dst(%arg11 : memref<80xi32, #tpu.memory_space<vmem>>)
      %scan3A_319 = arith.constant 0 : i32
      %scan3A_320 = arith.constant 0 : i32
      %scan3A_321 = arith.constant 20 : i32
      %scan3A_322 = arith.addi %scan3A_320, %scan3A_321 : i32
      %scan3A_323 = arith.constant 1 : i32
      %scan3A_324 = scf.for %scan3A_478 = %scan3A_320 to %scan3A_322 step %scan3A_323 iter_args(%scan3A_479 = %scan3A_319) -> (i32)  : i32 {
        %mul3A_480 = arith.constant 4 : i32
        %mul3A_481 = arith.muli %scan3A_478, %mul3A_480 : i32
        %add3A_482 = arith.constant 0 : i32
        %add3A_483 = arith.addi %mul3A_481, %add3A_482 : i32
        %get3A = arith.index_cast %add3A_483 : i32 to index
        %get3A_484 = arith.constant 0 : index
        %get3A_485 = tpu.vector_load %arg8[%get3A, %get3A_484] {strides = array<i32>} : memref<80x64xf32, #tpu.memory_space<vmem>>, vector<1x16xf32>,
        %get3A_486 = vector.shape_cast %get3A_485 : vector<1x16xf32> to vector<16xf32>
        %get3A_487 = arith.index_cast %add3A_483 : i32 to index
        %get3A_488 = arith.constant 0 : index
        %get3A_489 = tpu.vector_load %arg9[%get3A_487, %get3A_488] {strides = array<i32>} : memref<80x64xf32, #tpu.memory_space<vmem>>, vector<1x16xf32>,
        %get3A_490 = vector.shape_cast %get3A_489 : vector<1x16xf32> to vector<16xf32>
        %mul3A_491 = arith.mulf %get3A_486, %get3A_490 : vector<16xf32>
        %swap3A_492 = arith.index_cast %add3A_483 : i32 to index
        %swap3A_493 = arith.constant 0 : index
        %swap3A_494 = tpu.vector_load %arg8[%swap3A_492, %swap3A_493] {strides = array<i32>} : memref<80x64xf32, #tpu.memory_space<vmem>>, vector<1x16xf32>,
        %swap3A_495 = vector.shape_cast %swap3A_494 : vector<1x16xf32> to vector<16xf32>
        %swap3A_496 = vector.shape_cast %mul3A_491 : vector<16xf32> to vector<1x16xf32>
        tpu.vector_store %arg8[%swap3A_492, %swap3A_493], %swap3A_496 {strides = array<i32>} : memref<80x64xf32, #tpu.memory_space<vmem>>, vector<1x16xf32>,
        %mul3A_497 = arith.constant 4 : i32
        %mul3A_498 = arith.muli %scan3A_478, %mul3A_497 : i32
        %add3A_499 = arith.constant 0 : i32
        %add3A_500 = arith.addi %mul3A_498, %add3A_499 : i32
        %get3A_501 = arith.index_cast %add3A_500 : i32 to index
        %get3A_502 = arith.constant 16 : index
        %get3A_503 = tpu.vector_load %arg8[%get3A_501, %get3A_502] {strides = array<i32>} : memref<80x64xf32, #tpu.memory_space<vmem>>, vector<1x16xf32>,
        %get3A_504 = vector.shape_cast %get3A_503 : vector<1x16xf32> to vector<16xf32>
        %get3A_505 = arith.index_cast %add3A_500 : i32 to index
        %get3A_506 = arith.constant 16 : index
        %get3A_507 = tpu.vector_load %arg9[%get3A_505, %get3A_506] {strides = array<i32>} : memref<80x64xf32, #tpu.memory_space<vmem>>, vector<1x16xf32>,
        %get3A_508 = vector.shape_cast %get3A_507 : vector<1x16xf32> to vector<16xf32>
        %mul3A_509 = arith.mulf %get3A_504, %get3A_508 : vector<16xf32>
        %swap3A_510 = arith.index_cast %add3A_500 : i32 to index
        %swap3A_511 = arith.constant 16 : index
        %swap3A_512 = tpu.vector_load %arg8[%swap3A_510, %swap3A_511] {strides = array<i32>} : memref<80x64xf32, #tpu.memory_space<vmem>>, vector<1x16xf32>,
        %swap3A_513 = vector.shape_cast %swap3A_512 : vector<1x16xf32> to vector<16xf32>
        %swap3A_514 = vector.shape_cast %mul3A_509 : vector<16xf32> to vector<1x16xf32>
        tpu.vector_store %arg8[%swap3A_510, %swap3A_511], %swap3A_514 {strides = array<i32>} : memref<80x64xf32, #tpu.memory_space<vmem>>, vector<1x16xf32>,
        %mul3A_515 = arith.constant 4 : i32
        %mul3A_516 = arith.muli %scan3A_478, %mul3A_515 : i32
        %add3A_517 = arith.constant 0 : i32
        %add3A_518 = arith.addi %mul3A_516, %add3A_517 : i32
        %get3A_519 = arith.index_cast %add3A_518 : i32 to index
        %get3A_520 = arith.constant 32 : index
        %get3A_521 = tpu.vector_load %arg8[%get3A_519, %get3A_520] {strides = array<i32>} : memref<80x64xf32, #tpu.memory_space<vmem>>, vector<1x16xf32>,
        %get3A_522 = vector.shape_cast %get3A_521 : vector<1x16xf32> to vector<16xf32>
        %get3A_523 = arith.index_cast %add3A_518 : i32 to index
        %get3A_524 = arith.constant 32 : index
        %get3A_525 = tpu.vector_load %arg9[%get3A_523, %get3A_524] {strides = array<i32>} : memref<80x64xf32, #tpu.memory_space<vmem>>, vector<1x16xf32>,
        %get3A_526 = vector.shape_cast %get3A_525 : vector<1x16xf32> to vector<16xf32>
        %mul3A_527 = arith.mulf %get3A_522, %get3A_526 : vector<16xf32>
        %swap3A_528 = arith.index_cast %add3A_518 : i32 to index
        %swap3A_529 = arith.constant 32 : index
        %swap3A_530 = tpu.vector_load %arg8[%swap3A_528, %swap3A_529] {strides = array<i32>} : memref<80x64xf32, #tpu.memory_space<vmem>>, vector<1x16xf32>,
        %swap3A_531 = vector.shape_cast %swap3A_530 : vector<1x16xf32> to vector<16xf32>
        %swap3A_532 = vector.shape_cast %mul3A_527 : vector<16xf32> to vector<1x16xf32>
        tpu.vector_store %arg8[%swap3A_528, %swap3A_529], %swap3A_532 {strides = array<i32>} : memref<80x64xf32, #tpu.memory_space<vmem>>, vector<1x16xf32>,
        %mul3A_533 = arith.constant 4 : i32
        %mul3A_534 = arith.muli %scan3A_478, %mul3A_533 : i32
        %add3A_535 = arith.constant 0 : i32
        %add3A_536 = arith.addi %mul3A_534, %add3A_535 : i32
        %get3A_537 = arith.index_cast %add3A_536 : i32 to index
        %get3A_538 = arith.constant 48 : index
        %get3A_539 = tpu.vector_load %arg8[%get3A_537, %get3A_538] {strides = array<i32>} : memref<80x64xf32, #tpu.memory_space<vmem>>, vector<1x16xf32>,
        %get3A_540 = vector.shape_cast %get3A_539 : vector<1x16xf32> to vector<16xf32>
        %get3A_541 = arith.index_cast %add3A_536 : i32 to index
        %get3A_542 = arith.constant 48 : index
        %get3A_543 = tpu.vector_load %arg9[%get3A_541, %get3A_542] {strides = array<i32>} : memref<80x64xf32, #tpu.memory_space<vmem>>, vector<1x16xf32>,
        %get3A_544 = vector.shape_cast %get3A_543 : vector<1x16xf32> to vector<16xf32>
        %mul3A_545 = arith.mulf %get3A_540, %get3A_544 : vector<16xf32>
        %swap3A_546 = arith.index_cast %add3A_536 : i32 to index
        %swap3A_547 = arith.constant 48 : index
        %swap3A_548 = tpu.vector_load %arg8[%swap3A_546, %swap3A_547] {strides = array<i32>} : memref<80x64xf32, #tpu.memory_space<vmem>>, vector<1x16xf32>,
        %swap3A_549 = vector.shape_cast %swap3A_548 : vector<1x16xf32> to vector<16xf32>
        %swap3A_550 = vector.shape_cast %mul3A_545 : vector<16xf32> to vector<1x16xf32>
        tpu.vector_store %arg8[%swap3A_546, %swap3A_547], %swap3A_550 {strides = array<i32>} : memref<80x64xf32, #tpu.memory_space<vmem>>, vector<1x16xf32>,
        %mul3A_551 = arith.constant 4 : i32
        %mul3A_552 = arith.muli %scan3A_478, %mul3A_551 : i32
        %add3A_553 = arith.constant 1 : i32
        %add3A_554 = arith.addi %mul3A_552, %add3A_553 : i32
        %get3A_555 = arith.index_cast %add3A_554 : i32 to index
        %get3A_556 = arith.constant 0 : index
        %get3A_557 = tpu.vector_load %arg8[%get3A_555, %get3A_556] {strides = array<i32>} : memref<80x64xf32, #tpu.memory_space<vmem>>, vector<1x16xf32>,
        %get3A_558 = vector.shape_cast %get3A_557 : vector<1x16xf32> to vector<16xf32>
        %get3A_559 = arith.index_cast %add3A_554 : i32 to index
        %get3A_560 = arith.constant 0 : index
        %get3A_561 = tpu.vector_load %arg9[%get3A_559, %get3A_560] {strides = array<i32>} : memref<80x64xf32, #tpu.memory_space<vmem>>, vector<1x16xf32>,
        %get3A_562 = vector.shape_cast %get3A_561 : vector<1x16xf32> to vector<16xf32>
        %mul3A_563 = arith.mulf %get3A_558, %get3A_562 : vector<16xf32>
        %swap3A_564 = arith.index_cast %add3A_554 : i32 to index
        %swap3A_565 = arith.constant 0 : index
        %swap3A_566 = tpu.vector_load %arg8[%swap3A_564, %swap3A_565] {strides = array<i32>} : memref<80x64xf32, #tpu.memory_space<vmem>>, vector<1x16xf32>,
        %swap3A_567 = vector.shape_cast %swap3A_566 : vector<1x16xf32> to vector<16xf32>
        %swap3A_568 = vector.shape_cast %mul3A_563 : vector<16xf32> to vector<1x16xf32>
        tpu.vector_store %arg8[%swap3A_564, %swap3A_565], %swap3A_568 {strides = array<i32>} : memref<80x64xf32, #tpu.memory_space<vmem>>, vector<1x16xf32>,
        %mul3A_569 = arith.constant 4 : i32
        %mul3A_570 = arith.muli %scan3A_478, %mul3A_569 : i32
        %add3A_571 = arith.constant 1 : i32
        %add3A_572 = arith.addi %mul3A_570, %add3A_571 : i32
        %get3A_573 = arith.index_cast %add3A_572 : i32 to index
        %get3A_574 = arith.constant 16 : index
        %get3A_575 = tpu.vector_load %arg8[%get3A_573, %get3A_574] {strides = array<i32>} : memref<80x64xf32, #tpu.memory_space<vmem>>, vector<1x16xf32>,
        %get3A_576 = vector.shape_cast %get3A_575 : vector<1x16xf32> to vector<16xf32>
        %get3A_577 = arith.index_cast %add3A_572 : i32 to index
        %get3A_578 = arith.constant 16 : index
        %get3A_579 = tpu.vector_load %arg9[%get3A_577, %get3A_578] {strides = array<i32>} : memref<80x64xf32, #tpu.memory_space<vmem>>, vector<1x16xf32>,
        %get3A_580 = vector.shape_cast %get3A_579 : vector<1x16xf32> to vector<16xf32>
        %mul3A_581 = arith.mulf %get3A_576, %get3A_580 : vector<16xf32>
        %swap3A_582 = arith.index_cast %add3A_572 : i32 to index
        %swap3A_583 = arith.constant 16 : index
        %swap3A_584 = tpu.vector_load %arg8[%swap3A_582, %swap3A_583] {strides = array<i32>} : memref<80x64xf32, #tpu.memory_space<vmem>>, vector<1x16xf32>,
        %swap3A_585 = vector.shape_cast %swap3A_584 : vector<1x16xf32> to vector<16xf32>
        %swap3A_586 = vector.shape_cast %mul3A_581 : vector<16xf32> to vector<1x16xf32>
        tpu.vector_store %arg8[%swap3A_582, %swap3A_583], %swap3A_586 {strides = array<i32>} : memref<80x64xf32, #tpu.memory_space<vmem>>, vector<1x16xf32>,
        %mul3A_587 = arith.constant 4 : i32
        %mul3A_588 = arith.muli %scan3A_478, %mul3A_587 : i32
        %add3A_589 = arith.constant 1 : i32
        %add3A_590 = arith.addi %mul3A_588, %add3A_589 : i32
        %get3A_591 = arith.index_cast %add3A_590 : i32 to index
        %get3A_592 = arith.constant 32 : index
        %get3A_593 = tpu.vector_load %arg8[%get3A_591, %get3A_592] {strides = array<i32>} : memref<80x64xf32, #tpu.memory_space<vmem>>, vector<1x16xf32>,
        %get3A_594 = vector.shape_cast %get3A_593 : vector<1x16xf32> to vector<16xf32>
        %get3A_595 = arith.index_cast %add3A_590 : i32 to index
        %get3A_596 = arith.constant 32 : index
        %get3A_597 = tpu.vector_load %arg9[%get3A_595, %get3A_596] {strides = array<i32>} : memref<80x64xf32, #tpu.memory_space<vmem>>, vector<1x16xf32>,
        %get3A_598 = vector.shape_cast %get3A_597 : vector<1x16xf32> to vector<16xf32>
        %mul3A_599 = arith.mulf %get3A_594, %get3A_598 : vector<16xf32>
        %swap3A_600 = arith.index_cast %add3A_590 : i32 to index
        %swap3A_601 = arith.constant 32 : index
        %swap3A_602 = tpu.vector_load %arg8[%swap3A_600, %swap3A_601] {strides = array<i32>} : memref<80x64xf32, #tpu.memory_space<vmem>>, vector<1x16xf32>,
        %swap3A_603 = vector.shape_cast %swap3A_602 : vector<1x16xf32> to vector<16xf32>
        %swap3A_604 = vector.shape_cast %mul3A_599 : vector<16xf32> to vector<1x16xf32>
        tpu.vector_store %arg8[%swap3A_600, %swap3A_601], %swap3A_604 {strides = array<i32>} : memref<80x64xf32, #tpu.memory_space<vmem>>, vector<1x16xf32>,
        %mul3A_605 = arith.constant 4 : i32
        %mul3A_606 = arith.muli %scan3A_478, %mul3A_605 : i32
        %add3A_607 = arith.constant 1 : i32
        %add3A_608 = arith.addi %mul3A_606, %add3A_607 : i32
        %get3A_609 = arith.index_cast %add3A_608 : i32 to index
        %get3A_610 = arith.constant 48 : index
        %get3A_611 = tpu.vector_load %arg8[%get3A_609, %get3A_610] {strides = array<i32>} : memref<80x64xf32, #tpu.memory_space<vmem>>, vector<1x16xf32>,
        %get3A_612 = vector.shape_cast %get3A_611 : vector<1x16xf32> to vector<16xf32>
        %get3A_613 = arith.index_cast %add3A_608 : i32 to index
        %get3A_614 = arith.constant 48 : index
        %get3A_615 = tpu.vector_load %arg9[%get3A_613, %get3A_614] {strides = array<i32>} : memref<80x64xf32, #tpu.memory_space<vmem>>, vector<1x16xf32>,
        %get3A_616 = vector.shape_cast %get3A_615 : vector<1x16xf32> to vector<16xf32>
        %mul3A_617 = arith.mulf %get3A_612, %get3A_616 : vector<16xf32>
        %swap3A_618 = arith.index_cast %add3A_608 : i32 to index
        %swap3A_619 = arith.constant 48 : index
        %swap3A_620 = tpu.vector_load %arg8[%swap3A_618, %swap3A_619] {strides = array<i32>} : memref<80x64xf32, #tpu.memory_space<vmem>>, vector<1x16xf32>,
        %swap3A_621 = vector.shape_cast %swap3A_620 : vector<1x16xf32> to vector<16xf32>
        %swap3A_622 = vector.shape_cast %mul3A_617 : vector<16xf32> to vector<1x16xf32>
        tpu.vector_store %arg8[%swap3A_618, %swap3A_619], %swap3A_622 {strides = array<i32>} : memref<80x64xf32, #tpu.memory_space<vmem>>, vector<1x16xf32>,
        %mul3A_623 = arith.constant 4 : i32
        %mul3A_624 = arith.muli %scan3A_478, %mul3A_623 : i32
        %add3A_625 = arith.constant 2 : i32
        %add3A_626 = arith.addi %mul3A_624, %add3A_625 : i32
        %get3A_627 = arith.index_cast %add3A_626 : i32 to index
        %get3A_628 = arith.constant 0 : index
        %get3A_629 = tpu.vector_load %arg8[%get3A_627, %get3A_628] {strides = array<i32>} : memref<80x64xf32, #tpu.memory_space<vmem>>, vector<1x16xf32>,
        %get3A_630 = vector.shape_cast %get3A_629 : vector<1x16xf32> to vector<16xf32>
        %get3A_631 = arith.index_cast %add3A_626 : i32 to index
        %get3A_632 = arith.constant 0 : index
        %get3A_633 = tpu.vector_load %arg9[%get3A_631, %get3A_632] {strides = array<i32>} : memref<80x64xf32, #tpu.memory_space<vmem>>, vector<1x16xf32>,
        %get3A_634 = vector.shape_cast %get3A_633 : vector<1x16xf32> to vector<16xf32>
        %mul3A_635 = arith.mulf %get3A_630, %get3A_634 : vector<16xf32>
        %swap3A_636 = arith.index_cast %add3A_626 : i32 to index
        %swap3A_637 = arith.constant 0 : index
        %swap3A_638 = tpu.vector_load %arg8[%swap3A_636, %swap3A_637] {strides = array<i32>} : memref<80x64xf32, #tpu.memory_space<vmem>>, vector<1x16xf32>,
        %swap3A_639 = vector.shape_cast %swap3A_638 : vector<1x16xf32> to vector<16xf32>
        %swap3A_640 = vector.shape_cast %mul3A_635 : vector<16xf32> to vector<1x16xf32>
        tpu.vector_store %arg8[%swap3A_636, %swap3A_637], %swap3A_640 {strides = array<i32>} : memref<80x64xf32, #tpu.memory_space<vmem>>, vector<1x16xf32>,
        %mul3A_641 = arith.constant 4 : i32
        %mul3A_642 = arith.muli %scan3A_478, %mul3A_641 : i32
        %add3A_643 = arith.constant 2 : i32
        %add3A_644 = arith.addi %mul3A_642, %add3A_643 : i32
        %get3A_645 = arith.index_cast %add3A_644 : i32 to index
        %get3A_646 = arith.constant 16 : index
        %get3A_647 = tpu.vector_load %arg8[%get3A_645, %get3A_646] {strides = array<i32>} : memref<80x64xf32, #tpu.memory_space<vmem>>, vector<1x16xf32>,
        %get3A_648 = vector.shape_cast %get3A_647 : vector<1x16xf32> to vector<16xf32>
        %get3A_649 = arith.index_cast %add3A_644 : i32 to index
        %get3A_650 = arith.constant 16 : index
        %get3A_651 = tpu.vector_load %arg9[%get3A_649, %get3A_650] {strides = array<i32>} : memref<80x64xf32, #tpu.memory_space<vmem>>, vector<1x16xf32>,
        %get3A_652 = vector.shape_cast %get3A_651 : vector<1x16xf32> to vector<16xf32>
        %mul3A_653 = arith.mulf %get3A_648, %get3A_652 : vector<16xf32>
        %swap3A_654 = arith.index_cast %add3A_644 : i32 to index
        %swap3A_655 = arith.constant 16 : index
        %swap3A_656 = tpu.vector_load %arg8[%swap3A_654, %swap3A_655] {strides = array<i32>} : memref<80x64xf32, #tpu.memory_space<vmem>>, vector<1x16xf32>,
        %swap3A_657 = vector.shape_cast %swap3A_656 : vector<1x16xf32> to vector<16xf32>
        %swap3A_658 = vector.shape_cast %mul3A_653 : vector<16xf32> to vector<1x16xf32>
        tpu.vector_store %arg8[%swap3A_654, %swap3A_655], %swap3A_658 {strides = array<i32>} : memref<80x64xf32, #tpu.memory_space<vmem>>, vector<1x16xf32>,
        %mul3A_659 = arith.constant 4 : i32
        %mul3A_660 = arith.muli %scan3A_478, %mul3A_659 : i32
        %add3A_661 = arith.constant 2 : i32
        %add3A_662 = arith.addi %mul3A_660, %add3A_661 : i32
        %get3A_663 = arith.index_cast %add3A_662 : i32 to index
        %get3A_664 = arith.constant 32 : index
        %get3A_665 = tpu.vector_load %arg8[%get3A_663, %get3A_664] {strides = array<i32>} : memref<80x64xf32, #tpu.memory_space<vmem>>, vector<1x16xf32>,
        %get3A_666 = vector.shape_cast %get3A_665 : vector<1x16xf32> to vector<16xf32>
        %get3A_667 = arith.index_cast %add3A_662 : i32 to index
        %get3A_668 = arith.constant 32 : index
        %get3A_669 = tpu.vector_load %arg9[%get3A_667, %get3A_668] {strides = array<i32>} : memref<80x64xf32, #tpu.memory_space<vmem>>, vector<1x16xf32>,
        %get3A_670 = vector.shape_cast %get3A_669 : vector<1x16xf32> to vector<16xf32>
        %mul3A_671 = arith.mulf %get3A_666, %get3A_670 : vector<16xf32>
        %swap3A_672 = arith.index_cast %add3A_662 : i32 to index
        %swap3A_673 = arith.constant 32 : index
        %swap3A_674 = tpu.vector_load %arg8[%swap3A_672, %swap3A_673] {strides = array<i32>} : memref<80x64xf32, #tpu.memory_space<vmem>>, vector<1x16xf32>,
        %swap3A_675 = vector.shape_cast %swap3A_674 : vector<1x16xf32> to vector<16xf32>
        %swap3A_676 = vector.shape_cast %mul3A_671 : vector<16xf32> to vector<1x16xf32>
        tpu.vector_store %arg8[%swap3A_672, %swap3A_673], %swap3A_676 {strides = array<i32>} : memref<80x64xf32, #tpu.memory_space<vmem>>, vector<1x16xf32>,
        %mul3A_677 = arith.constant 4 : i32
        %mul3A_678 = arith.muli %scan3A_478, %mul3A_677 : i32
        %add3A_679 = arith.constant 2 : i32
        %add3A_680 = arith.addi %mul3A_678, %add3A_679 : i32
        %get3A_681 = arith.index_cast %add3A_680 : i32 to index
        %get3A_682 = arith.constant 48 : index
        %get3A_683 = tpu.vector_load %arg8[%get3A_681, %get3A_682] {strides = array<i32>} : memref<80x64xf32, #tpu.memory_space<vmem>>, vector<1x16xf32>,
        %get3A_684 = vector.shape_cast %get3A_683 : vector<1x16xf32> to vector<16xf32>
        %get3A_685 = arith.index_cast %add3A_680 : i32 to index
        %get3A_686 = arith.constant 48 : index
        %get3A_687 = tpu.vector_load %arg9[%get3A_685, %get3A_686] {strides = array<i32>} : memref<80x64xf32, #tpu.memory_space<vmem>>, vector<1x16xf32>,
        %get3A_688 = vector.shape_cast %get3A_687 : vector<1x16xf32> to vector<16xf32>
        %mul3A_689 = arith.mulf %get3A_684, %get3A_688 : vector<16xf32>
        %swap3A_690 = arith.index_cast %add3A_680 : i32 to index
        %swap3A_691 = arith.constant 48 : index
        %swap3A_692 = tpu.vector_load %arg8[%swap3A_690, %swap3A_691] {strides = array<i32>} : memref<80x64xf32, #tpu.memory_space<vmem>>, vector<1x16xf32>,
        %swap3A_693 = vector.shape_cast %swap3A_692 : vector<1x16xf32> to vector<16xf32>
        %swap3A_694 = vector.shape_cast %mul3A_689 : vector<16xf32> to vector<1x16xf32>
        tpu.vector_store %arg8[%swap3A_690, %swap3A_691], %swap3A_694 {strides = array<i32>} : memref<80x64xf32, #tpu.memory_space<vmem>>, vector<1x16xf32>,
        %mul3A_695 = arith.constant 4 : i32
        %mul3A_696 = arith.muli %scan3A_478, %mul3A_695 : i32
        %add3A_697 = arith.constant 3 : i32
        %add3A_698 = arith.addi %mul3A_696, %add3A_697 : i32
        %get3A_699 = arith.index_cast %add3A_698 : i32 to index
        %get3A_700 = arith.constant 0 : index
        %get3A_701 = tpu.vector_load %arg8[%get3A_699, %get3A_700] {strides = array<i32>} : memref<80x64xf32, #tpu.memory_space<vmem>>, vector<1x16xf32>,
        %get3A_702 = vector.shape_cast %get3A_701 : vector<1x16xf32> to vector<16xf32>
        %get3A_703 = arith.index_cast %add3A_698 : i32 to index
        %get3A_704 = arith.constant 0 : index
        %get3A_705 = tpu.vector_load %arg9[%get3A_703, %get3A_704] {strides = array<i32>} : memref<80x64xf32, #tpu.memory_space<vmem>>, vector<1x16xf32>,
        %get3A_706 = vector.shape_cast %get3A_705 : vector<1x16xf32> to vector<16xf32>
        %mul3A_707 = arith.mulf %get3A_702, %get3A_706 : vector<16xf32>
        %swap3A_708 = arith.index_cast %add3A_698 : i32 to index
        %swap3A_709 = arith.constant 0 : index
        %swap3A_710 = tpu.vector_load %arg8[%swap3A_708, %swap3A_709] {strides = array<i32>} : memref<80x64xf32, #tpu.memory_space<vmem>>, vector<1x16xf32>,
        %swap3A_711 = vector.shape_cast %swap3A_710 : vector<1x16xf32> to vector<16xf32>
        %swap3A_712 = vector.shape_cast %mul3A_707 : vector<16xf32> to vector<1x16xf32>
        tpu.vector_store %arg8[%swap3A_708, %swap3A_709], %swap3A_712 {strides = array<i32>} : memref<80x64xf32, #tpu.memory_space<vmem>>, vector<1x16xf32>,
        %mul3A_713 = arith.constant 4 : i32
        %mul3A_714 = arith.muli %scan3A_478, %mul3A_713 : i32
        %add3A_715 = arith.constant 3 : i32
        %add3A_716 = arith.addi %mul3A_714, %add3A_715 : i32
        %get3A_717 = arith.index_cast %add3A_716 : i32 to index
        %get3A_718 = arith.constant 16 : index
        %get3A_719 = tpu.vector_load %arg8[%get3A_717, %get3A_718] {strides = array<i32>} : memref<80x64xf32, #tpu.memory_space<vmem>>, vector<1x16xf32>,
        %get3A_720 = vector.shape_cast %get3A_719 : vector<1x16xf32> to vector<16xf32>
        %get3A_721 = arith.index_cast %add3A_716 : i32 to index
        %get3A_722 = arith.constant 16 : index
        %get3A_723 = tpu.vector_load %arg9[%get3A_721, %get3A_722] {strides = array<i32>} : memref<80x64xf32, #tpu.memory_space<vmem>>, vector<1x16xf32>,
        %get3A_724 = vector.shape_cast %get3A_723 : vector<1x16xf32> to vector<16xf32>
        %mul3A_725 = arith.mulf %get3A_720, %get3A_724 : vector<16xf32>
        %swap3A_726 = arith.index_cast %add3A_716 : i32 to index
        %swap3A_727 = arith.constant 16 : index
        %swap3A_728 = tpu.vector_load %arg8[%swap3A_726, %swap3A_727] {strides = array<i32>} : memref<80x64xf32, #tpu.memory_space<vmem>>, vector<1x16xf32>,
        %swap3A_729 = vector.shape_cast %swap3A_728 : vector<1x16xf32> to vector<16xf32>
        %swap3A_730 = vector.shape_cast %mul3A_725 : vector<16xf32> to vector<1x16xf32>
        tpu.vector_store %arg8[%swap3A_726, %swap3A_727], %swap3A_730 {strides = array<i32>} : memref<80x64xf32, #tpu.memory_space<vmem>>, vector<1x16xf32>,
        %mul3A_731 = arith.constant 4 : i32
        %mul3A_732 = arith.muli %scan3A_478, %mul3A_731 : i32
        %add3A_733 = arith.constant 3 : i32
        %add3A_734 = arith.addi %mul3A_732, %add3A_733 : i32
        %get3A_735 = arith.index_cast %add3A_734 : i32 to index
        %get3A_736 = arith.constant 32 : index
        %get3A_737 = tpu.vector_load %arg8[%get3A_735, %get3A_736] {strides = array<i32>} : memref<80x64xf32, #tpu.memory_space<vmem>>, vector<1x16xf32>,
        %get3A_738 = vector.shape_cast %get3A_737 : vector<1x16xf32> to vector<16xf32>
        %get3A_739 = arith.index_cast %add3A_734 : i32 to index
        %get3A_740 = arith.constant 32 : index
        %get3A_741 = tpu.vector_load %arg9[%get3A_739, %get3A_740] {strides = array<i32>} : memref<80x64xf32, #tpu.memory_space<vmem>>, vector<1x16xf32>,
        %get3A_742 = vector.shape_cast %get3A_741 : vector<1x16xf32> to vector<16xf32>
        %mul3A_743 = arith.mulf %get3A_738, %get3A_742 : vector<16xf32>
        %swap3A_744 = arith.index_cast %add3A_734 : i32 to index
        %swap3A_745 = arith.constant 32 : index
        %swap3A_746 = tpu.vector_load %arg8[%swap3A_744, %swap3A_745] {strides = array<i32>} : memref<80x64xf32, #tpu.memory_space<vmem>>, vector<1x16xf32>,
        %swap3A_747 = vector.shape_cast %swap3A_746 : vector<1x16xf32> to vector<16xf32>
        %swap3A_748 = vector.shape_cast %mul3A_743 : vector<16xf32> to vector<1x16xf32>
        tpu.vector_store %arg8[%swap3A_744, %swap3A_745], %swap3A_748 {strides = array<i32>} : memref<80x64xf32, #tpu.memory_space<vmem>>, vector<1x16xf32>,
        %mul3A_749 = arith.constant 4 : i32
        %mul3A_750 = arith.muli %scan3A_478, %mul3A_749 : i32
        %add3A_751 = arith.constant 3 : i32
        %add3A_752 = arith.addi %mul3A_750, %add3A_751 : i32
        %get3A_753 = arith.index_cast %add3A_752 : i32 to index
        %get3A_754 = arith.constant 48 : index
        %get3A_755 = tpu.vector_load %arg8[%get3A_753, %get3A_754] {strides = array<i32>} : memref<80x64xf32, #tpu.memory_space<vmem>>, vector<1x16xf32>,
        %get3A_756 = vector.shape_cast %get3A_755 : vector<1x16xf32> to vector<16xf32>
        %get3A_757 = arith.index_cast %add3A_752 : i32 to index
        %get3A_758 = arith.constant 48 : index
        %get3A_759 = tpu.vector_load %arg9[%get3A_757, %get3A_758] {strides = array<i32>} : memref<80x64xf32, #tpu.memory_space<vmem>>, vector<1x16xf32>,
        %get3A_760 = vector.shape_cast %get3A_759 : vector<1x16xf32> to vector<16xf32>
        %mul3A_761 = arith.mulf %get3A_756, %get3A_760 : vector<16xf32>
        %swap3A_762 = arith.index_cast %add3A_752 : i32 to index
        %swap3A_763 = arith.constant 48 : index
        %swap3A_764 = tpu.vector_load %arg8[%swap3A_762, %swap3A_763] {strides = array<i32>} : memref<80x64xf32, #tpu.memory_space<vmem>>, vector<1x16xf32>,
        %swap3A_765 = vector.shape_cast %swap3A_764 : vector<1x16xf32> to vector<16xf32>
        %swap3A_766 = vector.shape_cast %mul3A_761 : vector<16xf32> to vector<1x16xf32>
        tpu.vector_store %arg8[%swap3A_762, %swap3A_763], %swap3A_766 {strides = array<i32>} : memref<80x64xf32, #tpu.memory_space<vmem>>, vector<1x16xf32>,
        %scan3A_767 = arith.constant 0 : i32
        scf.yield %scan3A_767 : i32
      }
      %scan3A_325 = arith.constant 20 : i32
      %dma_start3A_326 = arith.constant 0 : i32
      %dma_start3A_327 = arith.constant 0 : i32
      %dma_start3A_328 = tpu.memref_slice %arg29[%dma_start3A_326, %dma_start3A_327] : memref<10240x64xf32, #tpu.memory_space<vmem_shared>> -> memref<10240x64xf32, #tpu.memory_space<vmem_shared>>
      tpu.enqueue_indirect_dma source(%arg8 : memref<80x64xf32, #tpu.memory_space<vmem>>) target(%dma_start3A_328 : memref<10240x64xf32, #tpu.memory_space<vmem_shared>>) offsets(%arg11 : memref<80xi32, #tpu.memory_space<vmem>>) semaphore(%arg33 : memref<!tpu.dma_semaphore, #tpu.memory_space<semaphore_mem>>) {add = true}
      %add3A_329 = arith.constant 4 : i32
      %add3A_330 = arith.addi %add3A_303, %add3A_329 : i32
      %lt3A = arith.constant 250 : i32
      %lt3A_331 = arith.cmpi slt, %add3A_330, %lt3A : i32
      %convert_element_type3A = arith.extui %lt3A_331 : i1 to i32
      %cond3A = arith.constant 0 : i32
      %cond3A_332 = arith.cmpi ne, %convert_element_type3A, %cond3A : i32
      scf.if %cond3A_332 {
        %gt3A = arith.constant 0 : i32
        %gt3A_478 = arith.cmpi sgt, %add3A_303, %gt3A : i32
        %convert_element_type3A_479 = arith.extui %gt3A_478 : i1 to i32
        %cond3A_480 = arith.constant 0 : i32
        %cond3A_481 = arith.cmpi ne, %convert_element_type3A_479, %cond3A_480 : i32
        scf.if %cond3A_481 {
          %dma_wait3A_542 = arith.constant 0 : i32
          %dma_wait3A_543 = arith.constant 0 : i32
          %dma_wait3A_544 = tpu.memref_slice %arg29[%dma_wait3A_542, %dma_wait3A_543] : memref<10240x64xf32, #tpu.memory_space<vmem_shared>> -> memref<10240x64xf32, #tpu.memory_space<vmem_shared>>
          tpu.wait_indirect_dma semaphore(%arg49 : memref<!tpu.dma_semaphore, #tpu.memory_space<semaphore_mem>>) src(%arg24 : memref<80x64xf32, #tpu.memory_space<vmem>>) dst(%dma_wait3A_544 : memref<10240x64xf32, #tpu.memory_space<vmem_shared>>)
        } else {
        }
        %add3A_482 = arith.constant 4 : i32
        %add3A_483 = arith.addi %add3A_303, %add3A_482 : i32
        %mul3A_484 = arith.constant 160 : i32
        %mul3A_485 = arith.muli %add3A_483, %mul3A_484 : i32
        %add3A_486 = arith.addi %add3A_41, %mul3A_485 : i32
        %add3A_487 = arith.constant 0 : i32
        %add3A_488 = arith.addi %add3A_486, %add3A_487 : i32
        %add3A_489 = vector.broadcast %add3A_488 : i32 to vector<16xi32>
        %add3A_490 = arith.addi %mul3A_29, %add3A_489 : vector<16xi32>
        %swap3A_491 = arith.constant 0 : index
        %swap3A_492 = tpu.vector_load %arg26[%swap3A_491] {strides = array<i32>} : memref<80xi32, #tpu.memory_space<vmem>>, vector<16xi32>,
        %swap3A_493 = vector.shape_cast %swap3A_492 : vector<16xi32> to vector<16xi32>
        %swap3A_494 = vector.shape_cast %add3A_490 : vector<16xi32> to vector<16xi32>
        tpu.vector_store %arg26[%swap3A_491], %swap3A_494 {strides = array<i32>} : memref<80xi32, #tpu.memory_space<vmem>>, vector<16xi32>,
        %add3A_495 = arith.constant 32 : i32
        %add3A_496 = arith.addi %add3A_486, %add3A_495 : i32
        %add3A_497 = vector.broadcast %add3A_496 : i32 to vector<16xi32>
        %add3A_498 = arith.addi %mul3A_29, %add3A_497 : vector<16xi32>
        %swap3A_499 = arith.constant 16 : index
        %swap3A_500 = tpu.vector_load %arg26[%swap3A_499] {strides = array<i32>} : memref<80xi32, #tpu.memory_space<vmem>>, vector<16xi32>,
        %swap3A_501 = vector.shape_cast %swap3A_500 : vector<16xi32> to vector<16xi32>
        %swap3A_502 = vector.shape_cast %add3A_498 : vector<16xi32> to vector<16xi32>
        tpu.vector_store %arg26[%swap3A_499], %swap3A_502 {strides = array<i32>} : memref<80xi32, #tpu.memory_space<vmem>>, vector<16xi32>,
        %add3A_503 = arith.constant 64 : i32
        %add3A_504 = arith.addi %add3A_486, %add3A_503 : i32
        %add3A_505 = vector.broadcast %add3A_504 : i32 to vector<16xi32>
        %add3A_506 = arith.addi %mul3A_29, %add3A_505 : vector<16xi32>
        %swap3A_507 = arith.constant 32 : index
        %swap3A_508 = tpu.vector_load %arg26[%swap3A_507] {strides = array<i32>} : memref<80xi32, #tpu.memory_space<vmem>>, vector<16xi32>,
        %swap3A_509 = vector.shape_cast %swap3A_508 : vector<16xi32> to vector<16xi32>
        %swap3A_510 = vector.shape_cast %add3A_506 : vector<16xi32> to vector<16xi32>
        tpu.vector_store %arg26[%swap3A_507], %swap3A_510 {strides = array<i32>} : memref<80xi32, #tpu.memory_space<vmem>>, vector<16xi32>,
        %add3A_511 = arith.constant 96 : i32
        %add3A_512 = arith.addi %add3A_486, %add3A_511 : i32
        %add3A_513 = vector.broadcast %add3A_512 : i32 to vector<16xi32>
        %add3A_514 = arith.addi %mul3A_29, %add3A_513 : vector<16xi32>
        %swap3A_515 = arith.constant 48 : index
        %swap3A_516 = tpu.vector_load %arg26[%swap3A_515] {strides = array<i32>} : memref<80xi32, #tpu.memory_space<vmem>>, vector<16xi32>,
        %swap3A_517 = vector.shape_cast %swap3A_516 : vector<16xi32> to vector<16xi32>
        %swap3A_518 = vector.shape_cast %add3A_514 : vector<16xi32> to vector<16xi32>
        tpu.vector_store %arg26[%swap3A_515], %swap3A_518 {strides = array<i32>} : memref<80xi32, #tpu.memory_space<vmem>>, vector<16xi32>,
        %add3A_519 = arith.constant 128 : i32
        %add3A_520 = arith.addi %add3A_486, %add3A_519 : i32
        %add3A_521 = vector.broadcast %add3A_520 : i32 to vector<16xi32>
        %add3A_522 = arith.addi %mul3A_29, %add3A_521 : vector<16xi32>
        %swap3A_523 = arith.constant 64 : index
        %swap3A_524 = tpu.vector_load %arg26[%swap3A_523] {strides = array<i32>} : memref<80xi32, #tpu.memory_space<vmem>>, vector<16xi32>,
        %swap3A_525 = vector.shape_cast %swap3A_524 : vector<16xi32> to vector<16xi32>
        %swap3A_526 = vector.shape_cast %add3A_522 : vector<16xi32> to vector<16xi32>
        tpu.vector_store %arg26[%swap3A_523], %swap3A_526 {strides = array<i32>} : memref<80xi32, #tpu.memory_space<vmem>>, vector<16xi32>,
        %dma_start3A_527 = arith.constant 0 : i32
        %dma_start3A_528 = tpu.memref_slice %arg7[%add3A_483, %dma_start3A_527] : memref<250x80xi32, #tpu.memory_space<vmem>> -> memref<1x80xi32, #tpu.memory_space<vmem>>
        %dma_start3A_529 = tpu.memref_squeeze %dma_start3A_528 : memref<1x80xi32, #tpu.memory_space<vmem>> -> memref<80xi32, #tpu.memory_space<vmem>>
        %dma_start3A_530 = arith.constant 0 : i32
        %dma_start3A_531 = arith.constant 0 : i32
        %dma_start3A_532 = tpu.memref_slice %arg2[%dma_start3A_530, %dma_start3A_531] : memref<20000x64xf32, #tpu.memory_space<hbm>> -> memref<20000x64xf32, #tpu.memory_space<hbm>>
        tpu.enqueue_indirect_dma source(%dma_start3A_532 : memref<20000x64xf32, #tpu.memory_space<hbm>>) target(%arg24 : memref<80x64xf32, #tpu.memory_space<vmem>>) offsets(%dma_start3A_529 : memref<80xi32, #tpu.memory_space<vmem>>) semaphore(%arg46 : memref<!tpu.dma_semaphore, #tpu.memory_space<semaphore_mem>>)
        %dma_start3A_533 = arith.constant 0 : i32
        %dma_start3A_534 = arith.constant 0 : i32
        %dma_start3A_535 = tpu.memref_slice %arg3[%dma_start3A_533, %dma_start3A_534] : memref<640000x64xf32, #tpu.memory_space<hbm>> -> memref<640000x64xf32, #tpu.memory_space<hbm>>
        tpu.enqueue_indirect_dma source(%dma_start3A_535 : memref<640000x64xf32, #tpu.memory_space<hbm>>) target(%arg25 : memref<80x64xf32, #tpu.memory_space<vmem>>) offsets(%arg26 : memref<80xi32, #tpu.memory_space<vmem>>) semaphore(%arg47 : memref<!tpu.dma_semaphore, #tpu.memory_space<semaphore_mem>>)
        %dma_start3A_536 = arith.constant 0 : i32
        %dma_start3A_537 = tpu.memref_slice %arg4[%arg1, %add3A_483, %dma_start3A_536] : memref<16x250x80xi32, #tpu.memory_space<hbm>> -> memref<1x1x80xi32, #tpu.memory_space<hbm>>
        %dma_start3A_538 = tpu.memref_squeeze %dma_start3A_537 : memref<1x1x80xi32, #tpu.memory_space<hbm>> -> memref<80xi32, #tpu.memory_space<hbm>>
        %dma_start3A_539 = arith.constant 0 : i32
        %dma_start3A_540 = tpu.memref_slice %arg4[%arg1, %add3A_483, %dma_start3A_539] : memref<16x250x80xi32, #tpu.memory_space<hbm>> -> memref<1x1x80xi32, #tpu.memory_space<hbm>>
        %dma_start3A_541 = tpu.memref_squeeze %dma_start3A_540 : memref<1x1x80xi32, #tpu.memory_space<hbm>> -> memref<80xi32, #tpu.memory_space<hbm>>
        tpu.enqueue_dma source(%dma_start3A_541 : memref<80xi32, #tpu.memory_space<hbm>>) target(%arg27 : memref<80xi32, #tpu.memory_space<vmem>>) target_semaphore(%arg48 : memref<!tpu.dma_semaphore, #tpu.memory_space<semaphore_mem>>)
      } else {
      }
      %mul3A_333 = arith.constant 5 : i32
      %mul3A_334 = arith.muli %scan3A_298, %mul3A_333 : i32
      %add3A_335 = arith.constant 1 : i32
      %add3A_336 = arith.addi %mul3A_334, %add3A_335 : i32
      %dma_wait3A_337 = arith.constant 0 : i32
      %dma_wait3A_338 = tpu.memref_slice %arg7[%add3A_336, %dma_wait3A_337] : memref<250x80xi32, #tpu.memory_space<vmem>> -> memref<1x80xi32, #tpu.memory_space<vmem>>
      %dma_wait3A_339 = tpu.memref_squeeze %dma_wait3A_338 : memref<1x80xi32, #tpu.memory_space<vmem>> -> memref<80xi32, #tpu.memory_space<vmem>>
      %dma_wait3A_340 = arith.constant 0 : i32
      %dma_wait3A_341 = arith.constant 0 : i32
      %dma_wait3A_342 = tpu.memref_slice %arg2[%dma_wait3A_340, %dma_wait3A_341] : memref<20000x64xf32, #tpu.memory_space<hbm>> -> memref<20000x64xf32, #tpu.memory_space<hbm>>
      tpu.wait_indirect_dma semaphore(%arg34 : memref<!tpu.dma_semaphore, #tpu.memory_space<semaphore_mem>>) src(%dma_wait3A_342 : memref<20000x64xf32, #tpu.memory_space<hbm>>) dst(%arg12 : memref<80x64xf32, #tpu.memory_space<vmem>>)
      %dma_wait3A_343 = arith.constant 0 : i32
      %dma_wait3A_344 = arith.constant 0 : i32
      %dma_wait3A_345 = tpu.memref_slice %arg3[%dma_wait3A_343, %dma_wait3A_344] : memref<640000x64xf32, #tpu.memory_space<hbm>> -> memref<640000x64xf32, #tpu.memory_space<hbm>>
      tpu.wait_indirect_dma semaphore(%arg35 : memref<!tpu.dma_semaphore, #tpu.memory_space<semaphore_mem>>) src(%dma_wait3A_345 : memref<640000x64xf32, #tpu.memory_space<hbm>>) dst(%arg13 : memref<80x64xf32, #tpu.memory_space<vmem>>)
      %dma_wait3A_346 = arith.constant 0 : i32
      %dma_wait3A_347 = tpu.memref_slice %arg4[%arg1, %add3A_336, %dma_wait3A_346] : memref<16x250x80xi32, #tpu.memory_space<hbm>> -> memref<1x1x80xi32, #tpu.memory_space<hbm>>
      %dma_wait3A_348 = tpu.memref_squeeze %dma_wait3A_347 : memref<1x1x80xi32, #tpu.memory_space<hbm>> -> memref<80xi32, #tpu.memory_space<hbm>>
      %dma_wait3A_349 = arith.constant 0 : i32
      %dma_wait3A_350 = tpu.memref_slice %arg4[%arg1, %add3A_336, %dma_wait3A_349] : memref<16x250x80xi32, #tpu.memory_space<hbm>> -> memref<1x1x80xi32, #tpu.memory_space<hbm>>
      %dma_wait3A_351 = tpu.memref_squeeze %dma_wait3A_350 : memref<1x1x80xi32, #tpu.memory_space<hbm>> -> memref<80xi32, #tpu.memory_space<hbm>>
      tpu.wait_dma2 semaphore(%arg36 : memref<!tpu.dma_semaphore, #tpu.memory_space<semaphore_mem>>) src(%dma_wait3A_351 : memref<80xi32, #tpu.memory_space<hbm>>) dst(%arg15 : memref<80xi32, #tpu.memory_space<vmem>>)
      %scan3A_352 = arith.constant 0 : i32
      %scan3A_353 = arith.constant 0 : i32
      %scan3A_354 = arith.constant 20 : i32
      %scan3A_355 = arith.addi %scan3A_353, %scan3A_354 : i32
      %scan3A_356 = arith.constant 1 : i32
      %scan3A_357 = scf.for %scan3A_478 = %scan3A_353 to %scan3A_355 step %scan3A_356 iter_args(%scan3A_479 = %scan3A_352) -> (i32)  : i32 {
        %mul3A_480 = arith.constant 4 : i32
        %mul3A_481 = arith.muli %scan3A_478, %mul3A_480 : i32
        %add3A_482 = arith.constant 0 : i32
        %add3A_483 = arith.addi %mul3A_481, %add3A_482 : i32
        %get3A = arith.index_cast %add3A_483 : i32 to index
        %get3A_484 = arith.constant 0 : index
        %get3A_485 = tpu.vector_load %arg12[%get3A, %get3A_484] {strides = array<i32>} : memref<80x64xf32, #tpu.memory_space<vmem>>, vector<1x16xf32>,
        %get3A_486 = vector.shape_cast %get3A_485 : vector<1x16xf32> to vector<16xf32>
        %get3A_487 = arith.index_cast %add3A_483 : i32 to index
        %get3A_488 = arith.constant 0 : index
        %get3A_489 = tpu.vector_load %arg13[%get3A_487, %get3A_488] {strides = array<i32>} : memref<80x64xf32, #tpu.memory_space<vmem>>, vector<1x16xf32>,
        %get3A_490 = vector.shape_cast %get3A_489 : vector<1x16xf32> to vector<16xf32>
        %mul3A_491 = arith.mulf %get3A_486, %get3A_490 : vector<16xf32>
        %swap3A_492 = arith.index_cast %add3A_483 : i32 to index
        %swap3A_493 = arith.constant 0 : index
        %swap3A_494 = tpu.vector_load %arg12[%swap3A_492, %swap3A_493] {strides = array<i32>} : memref<80x64xf32, #tpu.memory_space<vmem>>, vector<1x16xf32>,
        %swap3A_495 = vector.shape_cast %swap3A_494 : vector<1x16xf32> to vector<16xf32>
        %swap3A_496 = vector.shape_cast %mul3A_491 : vector<16xf32> to vector<1x16xf32>
        tpu.vector_store %arg12[%swap3A_492, %swap3A_493], %swap3A_496 {strides = array<i32>} : memref<80x64xf32, #tpu.memory_space<vmem>>, vector<1x16xf32>,
        %mul3A_497 = arith.constant 4 : i32
        %mul3A_498 = arith.muli %scan3A_478, %mul3A_497 : i32
        %add3A_499 = arith.constant 0 : i32
        %add3A_500 = arith.addi %mul3A_498, %add3A_499 : i32
        %get3A_501 = arith.index_cast %add3A_500 : i32 to index
        %get3A_502 = arith.constant 16 : index
        %get3A_503 = tpu.vector_load %arg12[%get3A_501, %get3A_502] {strides = array<i32>} : memref<80x64xf32, #tpu.memory_space<vmem>>, vector<1x16xf32>,
        %get3A_504 = vector.shape_cast %get3A_503 : vector<1x16xf32> to vector<16xf32>
        %get3A_505 = arith.index_cast %add3A_500 : i32 to index
        %get3A_506 = arith.constant 16 : index
        %get3A_507 = tpu.vector_load %arg13[%get3A_505, %get3A_506] {strides = array<i32>} : memref<80x64xf32, #tpu.memory_space<vmem>>, vector<1x16xf32>,
        %get3A_508 = vector.shape_cast %get3A_507 : vector<1x16xf32> to vector<16xf32>
        %mul3A_509 = arith.mulf %get3A_504, %get3A_508 : vector<16xf32>
        %swap3A_510 = arith.index_cast %add3A_500 : i32 to index
        %swap3A_511 = arith.constant 16 : index
        %swap3A_512 = tpu.vector_load %arg12[%swap3A_510, %swap3A_511] {strides = array<i32>} : memref<80x64xf32, #tpu.memory_space<vmem>>, vector<1x16xf32>,
        %swap3A_513 = vector.shape_cast %swap3A_512 : vector<1x16xf32> to vector<16xf32>
        %swap3A_514 = vector.shape_cast %mul3A_509 : vector<16xf32> to vector<1x16xf32>
        tpu.vector_store %arg12[%swap3A_510, %swap3A_511], %swap3A_514 {strides = array<i32>} : memref<80x64xf32, #tpu.memory_space<vmem>>, vector<1x16xf32>,
        %mul3A_515 = arith.constant 4 : i32
        %mul3A_516 = arith.muli %scan3A_478, %mul3A_515 : i32
        %add3A_517 = arith.constant 0 : i32
        %add3A_518 = arith.addi %mul3A_516, %add3A_517 : i32
        %get3A_519 = arith.index_cast %add3A_518 : i32 to index
        %get3A_520 = arith.constant 32 : index
        %get3A_521 = tpu.vector_load %arg12[%get3A_519, %get3A_520] {strides = array<i32>} : memref<80x64xf32, #tpu.memory_space<vmem>>, vector<1x16xf32>,
        %get3A_522 = vector.shape_cast %get3A_521 : vector<1x16xf32> to vector<16xf32>
        %get3A_523 = arith.index_cast %add3A_518 : i32 to index
        %get3A_524 = arith.constant 32 : index
        %get3A_525 = tpu.vector_load %arg13[%get3A_523, %get3A_524] {strides = array<i32>} : memref<80x64xf32, #tpu.memory_space<vmem>>, vector<1x16xf32>,
        %get3A_526 = vector.shape_cast %get3A_525 : vector<1x16xf32> to vector<16xf32>
        %mul3A_527 = arith.mulf %get3A_522, %get3A_526 : vector<16xf32>
        %swap3A_528 = arith.index_cast %add3A_518 : i32 to index
        %swap3A_529 = arith.constant 32 : index
        %swap3A_530 = tpu.vector_load %arg12[%swap3A_528, %swap3A_529] {strides = array<i32>} : memref<80x64xf32, #tpu.memory_space<vmem>>, vector<1x16xf32>,
        %swap3A_531 = vector.shape_cast %swap3A_530 : vector<1x16xf32> to vector<16xf32>
        %swap3A_532 = vector.shape_cast %mul3A_527 : vector<16xf32> to vector<1x16xf32>
        tpu.vector_store %arg12[%swap3A_528, %swap3A_529], %swap3A_532 {strides = array<i32>} : memref<80x64xf32, #tpu.memory_space<vmem>>, vector<1x16xf32>,
        %mul3A_533 = arith.constant 4 : i32
        %mul3A_534 = arith.muli %scan3A_478, %mul3A_533 : i32
        %add3A_535 = arith.constant 0 : i32
        %add3A_536 = arith.addi %mul3A_534, %add3A_535 : i32
        %get3A_537 = arith.index_cast %add3A_536 : i32 to index
        %get3A_538 = arith.constant 48 : index
        %get3A_539 = tpu.vector_load %arg12[%get3A_537, %get3A_538] {strides = array<i32>} : memref<80x64xf32, #tpu.memory_space<vmem>>, vector<1x16xf32>,
        %get3A_540 = vector.shape_cast %get3A_539 : vector<1x16xf32> to vector<16xf32>
        %get3A_541 = arith.index_cast %add3A_536 : i32 to index
        %get3A_542 = arith.constant 48 : index
        %get3A_543 = tpu.vector_load %arg13[%get3A_541, %get3A_542] {strides = array<i32>} : memref<80x64xf32, #tpu.memory_space<vmem>>, vector<1x16xf32>,
        %get3A_544 = vector.shape_cast %get3A_543 : vector<1x16xf32> to vector<16xf32>
        %mul3A_545 = arith.mulf %get3A_540, %get3A_544 : vector<16xf32>
        %swap3A_546 = arith.index_cast %add3A_536 : i32 to index
        %swap3A_547 = arith.constant 48 : index
        %swap3A_548 = tpu.vector_load %arg12[%swap3A_546, %swap3A_547] {strides = array<i32>} : memref<80x64xf32, #tpu.memory_space<vmem>>, vector<1x16xf32>,
        %swap3A_549 = vector.shape_cast %swap3A_548 : vector<1x16xf32> to vector<16xf32>
        %swap3A_550 = vector.shape_cast %mul3A_545 : vector<16xf32> to vector<1x16xf32>
        tpu.vector_store %arg12[%swap3A_546, %swap3A_547], %swap3A_550 {strides = array<i32>} : memref<80x64xf32, #tpu.memory_space<vmem>>, vector<1x16xf32>,
        %mul3A_551 = arith.constant 4 : i32
        %mul3A_552 = arith.muli %scan3A_478, %mul3A_551 : i32
        %add3A_553 = arith.constant 1 : i32
        %add3A_554 = arith.addi %mul3A_552, %add3A_553 : i32
        %get3A_555 = arith.index_cast %add3A_554 : i32 to index
        %get3A_556 = arith.constant 0 : index
        %get3A_557 = tpu.vector_load %arg12[%get3A_555, %get3A_556] {strides = array<i32>} : memref<80x64xf32, #tpu.memory_space<vmem>>, vector<1x16xf32>,
        %get3A_558 = vector.shape_cast %get3A_557 : vector<1x16xf32> to vector<16xf32>
        %get3A_559 = arith.index_cast %add3A_554 : i32 to index
        %get3A_560 = arith.constant 0 : index
        %get3A_561 = tpu.vector_load %arg13[%get3A_559, %get3A_560] {strides = array<i32>} : memref<80x64xf32, #tpu.memory_space<vmem>>, vector<1x16xf32>,
        %get3A_562 = vector.shape_cast %get3A_561 : vector<1x16xf32> to vector<16xf32>
        %mul3A_563 = arith.mulf %get3A_558, %get3A_562 : vector<16xf32>
        %swap3A_564 = arith.index_cast %add3A_554 : i32 to index
        %swap3A_565 = arith.constant 0 : index
        %swap3A_566 = tpu.vector_load %arg12[%swap3A_564, %swap3A_565] {strides = array<i32>} : memref<80x64xf32, #tpu.memory_space<vmem>>, vector<1x16xf32>,
        %swap3A_567 = vector.shape_cast %swap3A_566 : vector<1x16xf32> to vector<16xf32>
        %swap3A_568 = vector.shape_cast %mul3A_563 : vector<16xf32> to vector<1x16xf32>
        tpu.vector_store %arg12[%swap3A_564, %swap3A_565], %swap3A_568 {strides = array<i32>} : memref<80x64xf32, #tpu.memory_space<vmem>>, vector<1x16xf32>,
        %mul3A_569 = arith.constant 4 : i32
        %mul3A_570 = arith.muli %scan3A_478, %mul3A_569 : i32
        %add3A_571 = arith.constant 1 : i32
        %add3A_572 = arith.addi %mul3A_570, %add3A_571 : i32
        %get3A_573 = arith.index_cast %add3A_572 : i32 to index
        %get3A_574 = arith.constant 16 : index
        %get3A_575 = tpu.vector_load %arg12[%get3A_573, %get3A_574] {strides = array<i32>} : memref<80x64xf32, #tpu.memory_space<vmem>>, vector<1x16xf32>,
        %get3A_576 = vector.shape_cast %get3A_575 : vector<1x16xf32> to vector<16xf32>
        %get3A_577 = arith.index_cast %add3A_572 : i32 to index
        %get3A_578 = arith.constant 16 : index
        %get3A_579 = tpu.vector_load %arg13[%get3A_577, %get3A_578] {strides = array<i32>} : memref<80x64xf32, #tpu.memory_space<vmem>>, vector<1x16xf32>,
        %get3A_580 = vector.shape_cast %get3A_579 : vector<1x16xf32> to vector<16xf32>
        %mul3A_581 = arith.mulf %get3A_576, %get3A_580 : vector<16xf32>
        %swap3A_582 = arith.index_cast %add3A_572 : i32 to index
        %swap3A_583 = arith.constant 16 : index
        %swap3A_584 = tpu.vector_load %arg12[%swap3A_582, %swap3A_583] {strides = array<i32>} : memref<80x64xf32, #tpu.memory_space<vmem>>, vector<1x16xf32>,
        %swap3A_585 = vector.shape_cast %swap3A_584 : vector<1x16xf32> to vector<16xf32>
        %swap3A_586 = vector.shape_cast %mul3A_581 : vector<16xf32> to vector<1x16xf32>
        tpu.vector_store %arg12[%swap3A_582, %swap3A_583], %swap3A_586 {strides = array<i32>} : memref<80x64xf32, #tpu.memory_space<vmem>>, vector<1x16xf32>,
        %mul3A_587 = arith.constant 4 : i32
        %mul3A_588 = arith.muli %scan3A_478, %mul3A_587 : i32
        %add3A_589 = arith.constant 1 : i32
        %add3A_590 = arith.addi %mul3A_588, %add3A_589 : i32
        %get3A_591 = arith.index_cast %add3A_590 : i32 to index
        %get3A_592 = arith.constant 32 : index
        %get3A_593 = tpu.vector_load %arg12[%get3A_591, %get3A_592] {strides = array<i32>} : memref<80x64xf32, #tpu.memory_space<vmem>>, vector<1x16xf32>,
        %get3A_594 = vector.shape_cast %get3A_593 : vector<1x16xf32> to vector<16xf32>
        %get3A_595 = arith.index_cast %add3A_590 : i32 to index
        %get3A_596 = arith.constant 32 : index
        %get3A_597 = tpu.vector_load %arg13[%get3A_595, %get3A_596] {strides = array<i32>} : memref<80x64xf32, #tpu.memory_space<vmem>>, vector<1x16xf32>,
        %get3A_598 = vector.shape_cast %get3A_597 : vector<1x16xf32> to vector<16xf32>
        %mul3A_599 = arith.mulf %get3A_594, %get3A_598 : vector<16xf32>
        %swap3A_600 = arith.index_cast %add3A_590 : i32 to index
        %swap3A_601 = arith.constant 32 : index
        %swap3A_602 = tpu.vector_load %arg12[%swap3A_600, %swap3A_601] {strides = array<i32>} : memref<80x64xf32, #tpu.memory_space<vmem>>, vector<1x16xf32>,
        %swap3A_603 = vector.shape_cast %swap3A_602 : vector<1x16xf32> to vector<16xf32>
        %swap3A_604 = vector.shape_cast %mul3A_599 : vector<16xf32> to vector<1x16xf32>
        tpu.vector_store %arg12[%swap3A_600, %swap3A_601], %swap3A_604 {strides = array<i32>} : memref<80x64xf32, #tpu.memory_space<vmem>>, vector<1x16xf32>,
        %mul3A_605 = arith.constant 4 : i32
        %mul3A_606 = arith.muli %scan3A_478, %mul3A_605 : i32
        %add3A_607 = arith.constant 1 : i32
        %add3A_608 = arith.addi %mul3A_606, %add3A_607 : i32
        %get3A_609 = arith.index_cast %add3A_608 : i32 to index
        %get3A_610 = arith.constant 48 : index
        %get3A_611 = tpu.vector_load %arg12[%get3A_609, %get3A_610] {strides = array<i32>} : memref<80x64xf32, #tpu.memory_space<vmem>>, vector<1x16xf32>,
        %get3A_612 = vector.shape_cast %get3A_611 : vector<1x16xf32> to vector<16xf32>
        %get3A_613 = arith.index_cast %add3A_608 : i32 to index
        %get3A_614 = arith.constant 48 : index
        %get3A_615 = tpu.vector_load %arg13[%get3A_613, %get3A_614] {strides = array<i32>} : memref<80x64xf32, #tpu.memory_space<vmem>>, vector<1x16xf32>,
        %get3A_616 = vector.shape_cast %get3A_615 : vector<1x16xf32> to vector<16xf32>
        %mul3A_617 = arith.mulf %get3A_612, %get3A_616 : vector<16xf32>
        %swap3A_618 = arith.index_cast %add3A_608 : i32 to index
        %swap3A_619 = arith.constant 48 : index
        %swap3A_620 = tpu.vector_load %arg12[%swap3A_618, %swap3A_619] {strides = array<i32>} : memref<80x64xf32, #tpu.memory_space<vmem>>, vector<1x16xf32>,
        %swap3A_621 = vector.shape_cast %swap3A_620 : vector<1x16xf32> to vector<16xf32>
        %swap3A_622 = vector.shape_cast %mul3A_617 : vector<16xf32> to vector<1x16xf32>
        tpu.vector_store %arg12[%swap3A_618, %swap3A_619], %swap3A_622 {strides = array<i32>} : memref<80x64xf32, #tpu.memory_space<vmem>>, vector<1x16xf32>,
        %mul3A_623 = arith.constant 4 : i32
        %mul3A_624 = arith.muli %scan3A_478, %mul3A_623 : i32
        %add3A_625 = arith.constant 2 : i32
        %add3A_626 = arith.addi %mul3A_624, %add3A_625 : i32
        %get3A_627 = arith.index_cast %add3A_626 : i32 to index
        %get3A_628 = arith.constant 0 : index
        %get3A_629 = tpu.vector_load %arg12[%get3A_627, %get3A_628] {strides = array<i32>} : memref<80x64xf32, #tpu.memory_space<vmem>>, vector<1x16xf32>,
        %get3A_630 = vector.shape_cast %get3A_629 : vector<1x16xf32> to vector<16xf32>
        %get3A_631 = arith.index_cast %add3A_626 : i32 to index
        %get3A_632 = arith.constant 0 : index
        %get3A_633 = tpu.vector_load %arg13[%get3A_631, %get3A_632] {strides = array<i32>} : memref<80x64xf32, #tpu.memory_space<vmem>>, vector<1x16xf32>,
        %get3A_634 = vector.shape_cast %get3A_633 : vector<1x16xf32> to vector<16xf32>
        %mul3A_635 = arith.mulf %get3A_630, %get3A_634 : vector<16xf32>
        %swap3A_636 = arith.index_cast %add3A_626 : i32 to index
        %swap3A_637 = arith.constant 0 : index
        %swap3A_638 = tpu.vector_load %arg12[%swap3A_636, %swap3A_637] {strides = array<i32>} : memref<80x64xf32, #tpu.memory_space<vmem>>, vector<1x16xf32>,
        %swap3A_639 = vector.shape_cast %swap3A_638 : vector<1x16xf32> to vector<16xf32>
        %swap3A_640 = vector.shape_cast %mul3A_635 : vector<16xf32> to vector<1x16xf32>
        tpu.vector_store %arg12[%swap3A_636, %swap3A_637], %swap3A_640 {strides = array<i32>} : memref<80x64xf32, #tpu.memory_space<vmem>>, vector<1x16xf32>,
        %mul3A_641 = arith.constant 4 : i32
        %mul3A_642 = arith.muli %scan3A_478, %mul3A_641 : i32
        %add3A_643 = arith.constant 2 : i32
        %add3A_644 = arith.addi %mul3A_642, %add3A_643 : i32
        %get3A_645 = arith.index_cast %add3A_644 : i32 to index
        %get3A_646 = arith.constant 16 : index
        %get3A_647 = tpu.vector_load %arg12[%get3A_645, %get3A_646] {strides = array<i32>} : memref<80x64xf32, #tpu.memory_space<vmem>>, vector<1x16xf32>,
        %get3A_648 = vector.shape_cast %get3A_647 : vector<1x16xf32> to vector<16xf32>
        %get3A_649 = arith.index_cast %add3A_644 : i32 to index
        %get3A_650 = arith.constant 16 : index
        %get3A_651 = tpu.vector_load %arg13[%get3A_649, %get3A_650] {strides = array<i32>} : memref<80x64xf32, #tpu.memory_space<vmem>>, vector<1x16xf32>,
        %get3A_652 = vector.shape_cast %get3A_651 : vector<1x16xf32> to vector<16xf32>
        %mul3A_653 = arith.mulf %get3A_648, %get3A_652 : vector<16xf32>
        %swap3A_654 = arith.index_cast %add3A_644 : i32 to index
        %swap3A_655 = arith.constant 16 : index
        %swap3A_656 = tpu.vector_load %arg12[%swap3A_654, %swap3A_655] {strides = array<i32>} : memref<80x64xf32, #tpu.memory_space<vmem>>, vector<1x16xf32>,
        %swap3A_657 = vector.shape_cast %swap3A_656 : vector<1x16xf32> to vector<16xf32>
        %swap3A_658 = vector.shape_cast %mul3A_653 : vector<16xf32> to vector<1x16xf32>
        tpu.vector_store %arg12[%swap3A_654, %swap3A_655], %swap3A_658 {strides = array<i32>} : memref<80x64xf32, #tpu.memory_space<vmem>>, vector<1x16xf32>,
        %mul3A_659 = arith.constant 4 : i32
        %mul3A_660 = arith.muli %scan3A_478, %mul3A_659 : i32
        %add3A_661 = arith.constant 2 : i32
        %add3A_662 = arith.addi %mul3A_660, %add3A_661 : i32
        %get3A_663 = arith.index_cast %add3A_662 : i32 to index
        %get3A_664 = arith.constant 32 : index
        %get3A_665 = tpu.vector_load %arg12[%get3A_663, %get3A_664] {strides = array<i32>} : memref<80x64xf32, #tpu.memory_space<vmem>>, vector<1x16xf32>,
        %get3A_666 = vector.shape_cast %get3A_665 : vector<1x16xf32> to vector<16xf32>
        %get3A_667 = arith.index_cast %add3A_662 : i32 to index
        %get3A_668 = arith.constant 32 : index
        %get3A_669 = tpu.vector_load %arg13[%get3A_667, %get3A_668] {strides = array<i32>} : memref<80x64xf32, #tpu.memory_space<vmem>>, vector<1x16xf32>,
        %get3A_670 = vector.shape_cast %get3A_669 : vector<1x16xf32> to vector<16xf32>
        %mul3A_671 = arith.mulf %get3A_666, %get3A_670 : vector<16xf32>
        %swap3A_672 = arith.index_cast %add3A_662 : i32 to index
        %swap3A_673 = arith.constant 32 : index
        %swap3A_674 = tpu.vector_load %arg12[%swap3A_672, %swap3A_673] {strides = array<i32>} : memref<80x64xf32, #tpu.memory_space<vmem>>, vector<1x16xf32>,
        %swap3A_675 = vector.shape_cast %swap3A_674 : vector<1x16xf32> to vector<16xf32>
        %swap3A_676 = vector.shape_cast %mul3A_671 : vector<16xf32> to vector<1x16xf32>
        tpu.vector_store %arg12[%swap3A_672, %swap3A_673], %swap3A_676 {strides = array<i32>} : memref<80x64xf32, #tpu.memory_space<vmem>>, vector<1x16xf32>,
        %mul3A_677 = arith.constant 4 : i32
        %mul3A_678 = arith.muli %scan3A_478, %mul3A_677 : i32
        %add3A_679 = arith.constant 2 : i32
        %add3A_680 = arith.addi %mul3A_678, %add3A_679 : i32
        %get3A_681 = arith.index_cast %add3A_680 : i32 to index
        %get3A_682 = arith.constant 48 : index
        %get3A_683 = tpu.vector_load %arg12[%get3A_681, %get3A_682] {strides = array<i32>} : memref<80x64xf32, #tpu.memory_space<vmem>>, vector<1x16xf32>,
        %get3A_684 = vector.shape_cast %get3A_683 : vector<1x16xf32> to vector<16xf32>
        %get3A_685 = arith.index_cast %add3A_680 : i32 to index
        %get3A_686 = arith.constant 48 : index
        %get3A_687 = tpu.vector_load %arg13[%get3A_685, %get3A_686] {strides = array<i32>} : memref<80x64xf32, #tpu.memory_space<vmem>>, vector<1x16xf32>,
        %get3A_688 = vector.shape_cast %get3A_687 : vector<1x16xf32> to vector<16xf32>
        %mul3A_689 = arith.mulf %get3A_684, %get3A_688 : vector<16xf32>
        %swap3A_690 = arith.index_cast %add3A_680 : i32 to index
        %swap3A_691 = arith.constant 48 : index
        %swap3A_692 = tpu.vector_load %arg12[%swap3A_690, %swap3A_691] {strides = array<i32>} : memref<80x64xf32, #tpu.memory_space<vmem>>, vector<1x16xf32>,
        %swap3A_693 = vector.shape_cast %swap3A_692 : vector<1x16xf32> to vector<16xf32>
        %swap3A_694 = vector.shape_cast %mul3A_689 : vector<16xf32> to vector<1x16xf32>
        tpu.vector_store %arg12[%swap3A_690, %swap3A_691], %swap3A_694 {strides = array<i32>} : memref<80x64xf32, #tpu.memory_space<vmem>>, vector<1x16xf32>,
        %mul3A_695 = arith.constant 4 : i32
        %mul3A_696 = arith.muli %scan3A_478, %mul3A_695 : i32
        %add3A_697 = arith.constant 3 : i32
        %add3A_698 = arith.addi %mul3A_696, %add3A_697 : i32
        %get3A_699 = arith.index_cast %add3A_698 : i32 to index
        %get3A_700 = arith.constant 0 : index
        %get3A_701 = tpu.vector_load %arg12[%get3A_699, %get3A_700] {strides = array<i32>} : memref<80x64xf32, #tpu.memory_space<vmem>>, vector<1x16xf32>,
        %get3A_702 = vector.shape_cast %get3A_701 : vector<1x16xf32> to vector<16xf32>
        %get3A_703 = arith.index_cast %add3A_698 : i32 to index
        %get3A_704 = arith.constant 0 : index
        %get3A_705 = tpu.vector_load %arg13[%get3A_703, %get3A_704] {strides = array<i32>} : memref<80x64xf32, #tpu.memory_space<vmem>>, vector<1x16xf32>,
        %get3A_706 = vector.shape_cast %get3A_705 : vector<1x16xf32> to vector<16xf32>
        %mul3A_707 = arith.mulf %get3A_702, %get3A_706 : vector<16xf32>
        %swap3A_708 = arith.index_cast %add3A_698 : i32 to index
        %swap3A_709 = arith.constant 0 : index
        %swap3A_710 = tpu.vector_load %arg12[%swap3A_708, %swap3A_709] {strides = array<i32>} : memref<80x64xf32, #tpu.memory_space<vmem>>, vector<1x16xf32>,
        %swap3A_711 = vector.shape_cast %swap3A_710 : vector<1x16xf32> to vector<16xf32>
        %swap3A_712 = vector.shape_cast %mul3A_707 : vector<16xf32> to vector<1x16xf32>
        tpu.vector_store %arg12[%swap3A_708, %swap3A_709], %swap3A_712 {strides = array<i32>} : memref<80x64xf32, #tpu.memory_space<vmem>>, vector<1x16xf32>,
        %mul3A_713 = arith.constant 4 : i32
        %mul3A_714 = arith.muli %scan3A_478, %mul3A_713 : i32
        %add3A_715 = arith.constant 3 : i32
        %add3A_716 = arith.addi %mul3A_714, %add3A_715 : i32
        %get3A_717 = arith.index_cast %add3A_716 : i32 to index
        %get3A_718 = arith.constant 16 : index
        %get3A_719 = tpu.vector_load %arg12[%get3A_717, %get3A_718] {strides = array<i32>} : memref<80x64xf32, #tpu.memory_space<vmem>>, vector<1x16xf32>,
        %get3A_720 = vector.shape_cast %get3A_719 : vector<1x16xf32> to vector<16xf32>
        %get3A_721 = arith.index_cast %add3A_716 : i32 to index
        %get3A_722 = arith.constant 16 : index
        %get3A_723 = tpu.vector_load %arg13[%get3A_721, %get3A_722] {strides = array<i32>} : memref<80x64xf32, #tpu.memory_space<vmem>>, vector<1x16xf32>,
        %get3A_724 = vector.shape_cast %get3A_723 : vector<1x16xf32> to vector<16xf32>
        %mul3A_725 = arith.mulf %get3A_720, %get3A_724 : vector<16xf32>
        %swap3A_726 = arith.index_cast %add3A_716 : i32 to index
        %swap3A_727 = arith.constant 16 : index
        %swap3A_728 = tpu.vector_load %arg12[%swap3A_726, %swap3A_727] {strides = array<i32>} : memref<80x64xf32, #tpu.memory_space<vmem>>, vector<1x16xf32>,
        %swap3A_729 = vector.shape_cast %swap3A_728 : vector<1x16xf32> to vector<16xf32>
        %swap3A_730 = vector.shape_cast %mul3A_725 : vector<16xf32> to vector<1x16xf32>
        tpu.vector_store %arg12[%swap3A_726, %swap3A_727], %swap3A_730 {strides = array<i32>} : memref<80x64xf32, #tpu.memory_space<vmem>>, vector<1x16xf32>,
        %mul3A_731 = arith.constant 4 : i32
        %mul3A_732 = arith.muli %scan3A_478, %mul3A_731 : i32
        %add3A_733 = arith.constant 3 : i32
        %add3A_734 = arith.addi %mul3A_732, %add3A_733 : i32
        %get3A_735 = arith.index_cast %add3A_734 : i32 to index
        %get3A_736 = arith.constant 32 : index
        %get3A_737 = tpu.vector_load %arg12[%get3A_735, %get3A_736] {strides = array<i32>} : memref<80x64xf32, #tpu.memory_space<vmem>>, vector<1x16xf32>,
        %get3A_738 = vector.shape_cast %get3A_737 : vector<1x16xf32> to vector<16xf32>
        %get3A_739 = arith.index_cast %add3A_734 : i32 to index
        %get3A_740 = arith.constant 32 : index
        %get3A_741 = tpu.vector_load %arg13[%get3A_739, %get3A_740] {strides = array<i32>} : memref<80x64xf32, #tpu.memory_space<vmem>>, vector<1x16xf32>,
        %get3A_742 = vector.shape_cast %get3A_741 : vector<1x16xf32> to vector<16xf32>
        %mul3A_743 = arith.mulf %get3A_738, %get3A_742 : vector<16xf32>
        %swap3A_744 = arith.index_cast %add3A_734 : i32 to index
        %swap3A_745 = arith.constant 32 : index
        %swap3A_746 = tpu.vector_load %arg12[%swap3A_744, %swap3A_745] {strides = array<i32>} : memref<80x64xf32, #tpu.memory_space<vmem>>, vector<1x16xf32>,
        %swap3A_747 = vector.shape_cast %swap3A_746 : vector<1x16xf32> to vector<16xf32>
        %swap3A_748 = vector.shape_cast %mul3A_743 : vector<16xf32> to vector<1x16xf32>
        tpu.vector_store %arg12[%swap3A_744, %swap3A_745], %swap3A_748 {strides = array<i32>} : memref<80x64xf32, #tpu.memory_space<vmem>>, vector<1x16xf32>,
        %mul3A_749 = arith.constant 4 : i32
        %mul3A_750 = arith.muli %scan3A_478, %mul3A_749 : i32
        %add3A_751 = arith.constant 3 : i32
        %add3A_752 = arith.addi %mul3A_750, %add3A_751 : i32
        %get3A_753 = arith.index_cast %add3A_752 : i32 to index
        %get3A_754 = arith.constant 48 : index
        %get3A_755 = tpu.vector_load %arg12[%get3A_753, %get3A_754] {strides = array<i32>} : memref<80x64xf32, #tpu.memory_space<vmem>>, vector<1x16xf32>,
        %get3A_756 = vector.shape_cast %get3A_755 : vector<1x16xf32> to vector<16xf32>
        %get3A_757 = arith.index_cast %add3A_752 : i32 to index
        %get3A_758 = arith.constant 48 : index
        %get3A_759 = tpu.vector_load %arg13[%get3A_757, %get3A_758] {strides = array<i32>} : memref<80x64xf32, #tpu.memory_space<vmem>>, vector<1x16xf32>,
        %get3A_760 = vector.shape_cast %get3A_759 : vector<1x16xf32> to vector<16xf32>
        %mul3A_761 = arith.mulf %get3A_756, %get3A_760 : vector<16xf32>
        %swap3A_762 = arith.index_cast %add3A_752 : i32 to index
        %swap3A_763 = arith.constant 48 : index
        %swap3A_764 = tpu.vector_load %arg12[%swap3A_762, %swap3A_763] {strides = array<i32>} : memref<80x64xf32, #tpu.memory_space<vmem>>, vector<1x16xf32>,
        %swap3A_765 = vector.shape_cast %swap3A_764 : vector<1x16xf32> to vector<16xf32>
        %swap3A_766 = vector.shape_cast %mul3A_761 : vector<16xf32> to vector<1x16xf32>
        tpu.vector_store %arg12[%swap3A_762, %swap3A_763], %swap3A_766 {strides = array<i32>} : memref<80x64xf32, #tpu.memory_space<vmem>>, vector<1x16xf32>,
        %scan3A_767 = arith.constant 0 : i32
        scf.yield %scan3A_767 : i32
      }
      %scan3A_358 = arith.constant 20 : i32
      %dma_start3A_359 = arith.constant 0 : i32
      %dma_start3A_360 = arith.constant 0 : i32
      %dma_start3A_361 = tpu.memref_slice %arg29[%dma_start3A_359, %dma_start3A_360] : memref<10240x64xf32, #tpu.memory_space<vmem_shared>> -> memref<10240x64xf32, #tpu.memory_space<vmem_shared>>
      tpu.enqueue_indirect_dma source(%arg12 : memref<80x64xf32, #tpu.memory_space<vmem>>) target(%dma_start3A_361 : memref<10240x64xf32, #tpu.memory_space<vmem_shared>>) offsets(%arg15 : memref<80xi32, #tpu.memory_space<vmem>>) semaphore(%arg37 : memref<!tpu.dma_semaphore, #tpu.memory_space<semaphore_mem>>) {add = true}
      %add3A_362 = arith.constant 4 : i32
      %add3A_363 = arith.addi %add3A_336, %add3A_362 : i32
      %lt3A_364 = arith.constant 250 : i32
      %lt3A_365 = arith.cmpi slt, %add3A_363, %lt3A_364 : i32
      %convert_element_type3A_366 = arith.extui %lt3A_365 : i1 to i32
      %cond3A_367 = arith.constant 0 : i32
      %cond3A_368 = arith.cmpi ne, %convert_element_type3A_366, %cond3A_367 : i32
      scf.if %cond3A_368 {
        %gt3A = arith.constant 0 : i32
        %gt3A_478 = arith.cmpi sgt, %add3A_336, %gt3A : i32
        %convert_element_type3A_479 = arith.extui %gt3A_478 : i1 to i32
        %cond3A_480 = arith.constant 0 : i32
        %cond3A_481 = arith.cmpi ne, %convert_element_type3A_479, %cond3A_480 : i32
        scf.if %cond3A_481 {
          %dma_wait3A_542 = arith.constant 0 : i32
          %dma_wait3A_543 = arith.constant 0 : i32
          %dma_wait3A_544 = tpu.memref_slice %arg29[%dma_wait3A_542, %dma_wait3A_543] : memref<10240x64xf32, #tpu.memory_space<vmem_shared>> -> memref<10240x64xf32, #tpu.memory_space<vmem_shared>>
          tpu.wait_indirect_dma semaphore(%arg33 : memref<!tpu.dma_semaphore, #tpu.memory_space<semaphore_mem>>) src(%arg8 : memref<80x64xf32, #tpu.memory_space<vmem>>) dst(%dma_wait3A_544 : memref<10240x64xf32, #tpu.memory_space<vmem_shared>>)
        } else {
        }
        %add3A_482 = arith.constant 4 : i32
        %add3A_483 = arith.addi %add3A_336, %add3A_482 : i32
        %mul3A_484 = arith.constant 160 : i32
        %mul3A_485 = arith.muli %add3A_483, %mul3A_484 : i32
        %add3A_486 = arith.addi %add3A_41, %mul3A_485 : i32
        %add3A_487 = arith.constant 0 : i32
        %add3A_488 = arith.addi %add3A_486, %add3A_487 : i32
        %add3A_489 = vector.broadcast %add3A_488 : i32 to vector<16xi32>
        %add3A_490 = arith.addi %mul3A_29, %add3A_489 : vector<16xi32>
        %swap3A_491 = arith.constant 0 : index
        %swap3A_492 = tpu.vector_load %arg10[%swap3A_491] {strides = array<i32>} : memref<80xi32, #tpu.memory_space<vmem>>, vector<16xi32>,
        %swap3A_493 = vector.shape_cast %swap3A_492 : vector<16xi32> to vector<16xi32>
        %swap3A_494 = vector.shape_cast %add3A_490 : vector<16xi32> to vector<16xi32>
        tpu.vector_store %arg10[%swap3A_491], %swap3A_494 {strides = array<i32>} : memref<80xi32, #tpu.memory_space<vmem>>, vector<16xi32>,
        %add3A_495 = arith.constant 32 : i32
        %add3A_496 = arith.addi %add3A_486, %add3A_495 : i32
        %add3A_497 = vector.broadcast %add3A_496 : i32 to vector<16xi32>
        %add3A_498 = arith.addi %mul3A_29, %add3A_497 : vector<16xi32>
        %swap3A_499 = arith.constant 16 : index
        %swap3A_500 = tpu.vector_load %arg10[%swap3A_499] {strides = array<i32>} : memref<80xi32, #tpu.memory_space<vmem>>, vector<16xi32>,
        %swap3A_501 = vector.shape_cast %swap3A_500 : vector<16xi32> to vector<16xi32>
        %swap3A_502 = vector.shape_cast %add3A_498 : vector<16xi32> to vector<16xi32>
        tpu.vector_store %arg10[%swap3A_499], %swap3A_502 {strides = array<i32>} : memref<80xi32, #tpu.memory_space<vmem>>, vector<16xi32>,
        %add3A_503 = arith.constant 64 : i32
        %add3A_504 = arith.addi %add3A_486, %add3A_503 : i32
        %add3A_505 = vector.broadcast %add3A_504 : i32 to vector<16xi32>
        %add3A_506 = arith.addi %mul3A_29, %add3A_505 : vector<16xi32>
        %swap3A_507 = arith.constant 32 : index
        %swap3A_508 = tpu.vector_load %arg10[%swap3A_507] {strides = array<i32>} : memref<80xi32, #tpu.memory_space<vmem>>, vector<16xi32>,
        %swap3A_509 = vector.shape_cast %swap3A_508 : vector<16xi32> to vector<16xi32>
        %swap3A_510 = vector.shape_cast %add3A_506 : vector<16xi32> to vector<16xi32>
        tpu.vector_store %arg10[%swap3A_507], %swap3A_510 {strides = array<i32>} : memref<80xi32, #tpu.memory_space<vmem>>, vector<16xi32>,
        %add3A_511 = arith.constant 96 : i32
        %add3A_512 = arith.addi %add3A_486, %add3A_511 : i32
        %add3A_513 = vector.broadcast %add3A_512 : i32 to vector<16xi32>
        %add3A_514 = arith.addi %mul3A_29, %add3A_513 : vector<16xi32>
        %swap3A_515 = arith.constant 48 : index
        %swap3A_516 = tpu.vector_load %arg10[%swap3A_515] {strides = array<i32>} : memref<80xi32, #tpu.memory_space<vmem>>, vector<16xi32>,
        %swap3A_517 = vector.shape_cast %swap3A_516 : vector<16xi32> to vector<16xi32>
        %swap3A_518 = vector.shape_cast %add3A_514 : vector<16xi32> to vector<16xi32>
        tpu.vector_store %arg10[%swap3A_515], %swap3A_518 {strides = array<i32>} : memref<80xi32, #tpu.memory_space<vmem>>, vector<16xi32>,
        %add3A_519 = arith.constant 128 : i32
        %add3A_520 = arith.addi %add3A_486, %add3A_519 : i32
        %add3A_521 = vector.broadcast %add3A_520 : i32 to vector<16xi32>
        %add3A_522 = arith.addi %mul3A_29, %add3A_521 : vector<16xi32>
        %swap3A_523 = arith.constant 64 : index
        %swap3A_524 = tpu.vector_load %arg10[%swap3A_523] {strides = array<i32>} : memref<80xi32, #tpu.memory_space<vmem>>, vector<16xi32>,
        %swap3A_525 = vector.shape_cast %swap3A_524 : vector<16xi32> to vector<16xi32>
        %swap3A_526 = vector.shape_cast %add3A_522 : vector<16xi32> to vector<16xi32>
        tpu.vector_store %arg10[%swap3A_523], %swap3A_526 {strides = array<i32>} : memref<80xi32, #tpu.memory_space<vmem>>, vector<16xi32>,
        %dma_start3A_527 = arith.constant 0 : i32
        %dma_start3A_528 = tpu.memref_slice %arg7[%add3A_483, %dma_start3A_527] : memref<250x80xi32, #tpu.memory_space<vmem>> -> memref<1x80xi32, #tpu.memory_space<vmem>>
        %dma_start3A_529 = tpu.memref_squeeze %dma_start3A_528 : memref<1x80xi32, #tpu.memory_space<vmem>> -> memref<80xi32, #tpu.memory_space<vmem>>
        %dma_start3A_530 = arith.constant 0 : i32
        %dma_start3A_531 = arith.constant 0 : i32
        %dma_start3A_532 = tpu.memref_slice %arg2[%dma_start3A_530, %dma_start3A_531] : memref<20000x64xf32, #tpu.memory_space<hbm>> -> memref<20000x64xf32, #tpu.memory_space<hbm>>
        tpu.enqueue_indirect_dma source(%dma_start3A_532 : memref<20000x64xf32, #tpu.memory_space<hbm>>) target(%arg8 : memref<80x64xf32, #tpu.memory_space<vmem>>) offsets(%dma_start3A_529 : memref<80xi32, #tpu.memory_space<vmem>>) semaphore(%arg30 : memref<!tpu.dma_semaphore, #tpu.memory_space<semaphore_mem>>)
        %dma_start3A_533 = arith.constant 0 : i32
        %dma_start3A_534 = arith.constant 0 : i32
        %dma_start3A_535 = tpu.memref_slice %arg3[%dma_start3A_533, %dma_start3A_534] : memref<640000x64xf32, #tpu.memory_space<hbm>> -> memref<640000x64xf32, #tpu.memory_space<hbm>>
        tpu.enqueue_indirect_dma source(%dma_start3A_535 : memref<640000x64xf32, #tpu.memory_space<hbm>>) target(%arg9 : memref<80x64xf32, #tpu.memory_space<vmem>>) offsets(%arg10 : memref<80xi32, #tpu.memory_space<vmem>>) semaphore(%arg31 : memref<!tpu.dma_semaphore, #tpu.memory_space<semaphore_mem>>)
        %dma_start3A_536 = arith.constant 0 : i32
        %dma_start3A_537 = tpu.memref_slice %arg4[%arg1, %add3A_483, %dma_start3A_536] : memref<16x250x80xi32, #tpu.memory_space<hbm>> -> memref<1x1x80xi32, #tpu.memory_space<hbm>>
        %dma_start3A_538 = tpu.memref_squeeze %dma_start3A_537 : memref<1x1x80xi32, #tpu.memory_space<hbm>> -> memref<80xi32, #tpu.memory_space<hbm>>
        %dma_start3A_539 = arith.constant 0 : i32
        %dma_start3A_540 = tpu.memref_slice %arg4[%arg1, %add3A_483, %dma_start3A_539] : memref<16x250x80xi32, #tpu.memory_space<hbm>> -> memref<1x1x80xi32, #tpu.memory_space<hbm>>
        %dma_start3A_541 = tpu.memref_squeeze %dma_start3A_540 : memref<1x1x80xi32, #tpu.memory_space<hbm>> -> memref<80xi32, #tpu.memory_space<hbm>>
        tpu.enqueue_dma source(%dma_start3A_541 : memref<80xi32, #tpu.memory_space<hbm>>) target(%arg11 : memref<80xi32, #tpu.memory_space<vmem>>) target_semaphore(%arg32 : memref<!tpu.dma_semaphore, #tpu.memory_space<semaphore_mem>>)
      } else {
      }
      %mul3A_369 = arith.constant 5 : i32
      %mul3A_370 = arith.muli %scan3A_298, %mul3A_369 : i32
      %add3A_371 = arith.constant 2 : i32
      %add3A_372 = arith.addi %mul3A_370, %add3A_371 : i32
      %dma_wait3A_373 = arith.constant 0 : i32
      %dma_wait3A_374 = tpu.memref_slice %arg7[%add3A_372, %dma_wait3A_373] : memref<250x80xi32, #tpu.memory_space<vmem>> -> memref<1x80xi32, #tpu.memory_space<vmem>>
      %dma_wait3A_375 = tpu.memref_squeeze %dma_wait3A_374 : memref<1x80xi32, #tpu.memory_space<vmem>> -> memref<80xi32, #tpu.memory_space<vmem>>
      %dma_wait3A_376 = arith.constant 0 : i32
      %dma_wait3A_377 = arith.constant 0 : i32
      %dma_wait3A_378 = tpu.memref_slice %arg2[%dma_wait3A_376, %dma_wait3A_377] : memref<20000x64xf32, #tpu.memory_space<hbm>> -> memref<20000x64xf32, #tpu.memory_space<hbm>>
      tpu.wait_indirect_dma semaphore(%arg38 : memref<!tpu.dma_semaphore, #tpu.memory_space<semaphore_mem>>) src(%dma_wait3A_378 : memref<20000x64xf32, #tpu.memory_space<hbm>>) dst(%arg16 : memref<80x64xf32, #tpu.memory_space<vmem>>)
      %dma_wait3A_379 = arith.constant 0 : i32
      %dma_wait3A_380 = arith.constant 0 : i32
      %dma_wait3A_381 = tpu.memref_slice %arg3[%dma_wait3A_379, %dma_wait3A_380] : memref<640000x64xf32, #tpu.memory_space<hbm>> -> memref<640000x64xf32, #tpu.memory_space<hbm>>
      tpu.wait_indirect_dma semaphore(%arg39 : memref<!tpu.dma_semaphore, #tpu.memory_space<semaphore_mem>>) src(%dma_wait3A_381 : memref<640000x64xf32, #tpu.memory_space<hbm>>) dst(%arg17 : memref<80x64xf32, #tpu.memory_space<vmem>>)
      %dma_wait3A_382 = arith.constant 0 : i32
      %dma_wait3A_383 = tpu.memref_slice %arg4[%arg1, %add3A_372, %dma_wait3A_382] : memref<16x250x80xi32, #tpu.memory_space<hbm>> -> memref<1x1x80xi32, #tpu.memory_space<hbm>>
      %dma_wait3A_384 = tpu.memref_squeeze %dma_wait3A_383 : memref<1x1x80xi32, #tpu.memory_space<hbm>> -> memref<80xi32, #tpu.memory_space<hbm>>
      %dma_wait3A_385 = arith.constant 0 : i32
      %dma_wait3A_386 = tpu.memref_slice %arg4[%arg1, %add3A_372, %dma_wait3A_385] : memref<16x250x80xi32, #tpu.memory_space<hbm>> -> memref<1x1x80xi32, #tpu.memory_space<hbm>>
      %dma_wait3A_387 = tpu.memref_squeeze %dma_wait3A_386 : memref<1x1x80xi32, #tpu.memory_space<hbm>> -> memref<80xi32, #tpu.memory_space<hbm>>
      tpu.wait_dma2 semaphore(%arg40 : memref<!tpu.dma_semaphore, #tpu.memory_space<semaphore_mem>>) src(%dma_wait3A_387 : memref<80xi32, #tpu.memory_space<hbm>>) dst(%arg19 : memref<80xi32, #tpu.memory_space<vmem>>)
      %scan3A_388 = arith.constant 0 : i32
      %scan3A_389 = arith.constant 0 : i32
      %scan3A_390 = arith.constant 20 : i32
      %scan3A_391 = arith.addi %scan3A_389, %scan3A_390 : i32
      %scan3A_392 = arith.constant 1 : i32
      %scan3A_393 = scf.for %scan3A_478 = %scan3A_389 to %scan3A_391 step %scan3A_392 iter_args(%scan3A_479 = %scan3A_388) -> (i32)  : i32 {
        %mul3A_480 = arith.constant 4 : i32
        %mul3A_481 = arith.muli %scan3A_478, %mul3A_480 : i32
        %add3A_482 = arith.constant 0 : i32
        %add3A_483 = arith.addi %mul3A_481, %add3A_482 : i32
        %get3A = arith.index_cast %add3A_483 : i32 to index
        %get3A_484 = arith.constant 0 : index
        %get3A_485 = tpu.vector_load %arg16[%get3A, %get3A_484] {strides = array<i32>} : memref<80x64xf32, #tpu.memory_space<vmem>>, vector<1x16xf32>,
        %get3A_486 = vector.shape_cast %get3A_485 : vector<1x16xf32> to vector<16xf32>
        %get3A_487 = arith.index_cast %add3A_483 : i32 to index
        %get3A_488 = arith.constant 0 : index
        %get3A_489 = tpu.vector_load %arg17[%get3A_487, %get3A_488] {strides = array<i32>} : memref<80x64xf32, #tpu.memory_space<vmem>>, vector<1x16xf32>,
        %get3A_490 = vector.shape_cast %get3A_489 : vector<1x16xf32> to vector<16xf32>
        %mul3A_491 = arith.mulf %get3A_486, %get3A_490 : vector<16xf32>
        %swap3A_492 = arith.index_cast %add3A_483 : i32 to index
        %swap3A_493 = arith.constant 0 : index
        %swap3A_494 = tpu.vector_load %arg16[%swap3A_492, %swap3A_493] {strides = array<i32>} : memref<80x64xf32, #tpu.memory_space<vmem>>, vector<1x16xf32>,
        %swap3A_495 = vector.shape_cast %swap3A_494 : vector<1x16xf32> to vector<16xf32>
        %swap3A_496 = vector.shape_cast %mul3A_491 : vector<16xf32> to vector<1x16xf32>
        tpu.vector_store %arg16[%swap3A_492, %swap3A_493], %swap3A_496 {strides = array<i32>} : memref<80x64xf32, #tpu.memory_space<vmem>>, vector<1x16xf32>,
        %mul3A_497 = arith.constant 4 : i32
        %mul3A_498 = arith.muli %scan3A_478, %mul3A_497 : i32
        %add3A_499 = arith.constant 0 : i32
        %add3A_500 = arith.addi %mul3A_498, %add3A_499 : i32
        %get3A_501 = arith.index_cast %add3A_500 : i32 to index
        %get3A_502 = arith.constant 16 : index
        %get3A_503 = tpu.vector_load %arg16[%get3A_501, %get3A_502] {strides = array<i32>} : memref<80x64xf32, #tpu.memory_space<vmem>>, vector<1x16xf32>,
        %get3A_504 = vector.shape_cast %get3A_503 : vector<1x16xf32> to vector<16xf32>
        %get3A_505 = arith.index_cast %add3A_500 : i32 to index
        %get3A_506 = arith.constant 16 : index
        %get3A_507 = tpu.vector_load %arg17[%get3A_505, %get3A_506] {strides = array<i32>} : memref<80x64xf32, #tpu.memory_space<vmem>>, vector<1x16xf32>,
        %get3A_508 = vector.shape_cast %get3A_507 : vector<1x16xf32> to vector<16xf32>
        %mul3A_509 = arith.mulf %get3A_504, %get3A_508 : vector<16xf32>
        %swap3A_510 = arith.index_cast %add3A_500 : i32 to index
        %swap3A_511 = arith.constant 16 : index
        %swap3A_512 = tpu.vector_load %arg16[%swap3A_510, %swap3A_511] {strides = array<i32>} : memref<80x64xf32, #tpu.memory_space<vmem>>, vector<1x16xf32>,
        %swap3A_513 = vector.shape_cast %swap3A_512 : vector<1x16xf32> to vector<16xf32>
        %swap3A_514 = vector.shape_cast %mul3A_509 : vector<16xf32> to vector<1x16xf32>
        tpu.vector_store %arg16[%swap3A_510, %swap3A_511], %swap3A_514 {strides = array<i32>} : memref<80x64xf32, #tpu.memory_space<vmem>>, vector<1x16xf32>,
        %mul3A_515 = arith.constant 4 : i32
        %mul3A_516 = arith.muli %scan3A_478, %mul3A_515 : i32
        %add3A_517 = arith.constant 0 : i32
        %add3A_518 = arith.addi %mul3A_516, %add3A_517 : i32
        %get3A_519 = arith.index_cast %add3A_518 : i32 to index
        %get3A_520 = arith.constant 32 : index
        %get3A_521 = tpu.vector_load %arg16[%get3A_519, %get3A_520] {strides = array<i32>} : memref<80x64xf32, #tpu.memory_space<vmem>>, vector<1x16xf32>,
        %get3A_522 = vector.shape_cast %get3A_521 : vector<1x16xf32> to vector<16xf32>
        %get3A_523 = arith.index_cast %add3A_518 : i32 to index
        %get3A_524 = arith.constant 32 : index
        %get3A_525 = tpu.vector_load %arg17[%get3A_523, %get3A_524] {strides = array<i32>} : memref<80x64xf32, #tpu.memory_space<vmem>>, vector<1x16xf32>,
        %get3A_526 = vector.shape_cast %get3A_525 : vector<1x16xf32> to vector<16xf32>
        %mul3A_527 = arith.mulf %get3A_522, %get3A_526 : vector<16xf32>
        %swap3A_528 = arith.index_cast %add3A_518 : i32 to index
        %swap3A_529 = arith.constant 32 : index
        %swap3A_530 = tpu.vector_load %arg16[%swap3A_528, %swap3A_529] {strides = array<i32>} : memref<80x64xf32, #tpu.memory_space<vmem>>, vector<1x16xf32>,
        %swap3A_531 = vector.shape_cast %swap3A_530 : vector<1x16xf32> to vector<16xf32>
        %swap3A_532 = vector.shape_cast %mul3A_527 : vector<16xf32> to vector<1x16xf32>
        tpu.vector_store %arg16[%swap3A_528, %swap3A_529], %swap3A_532 {strides = array<i32>} : memref<80x64xf32, #tpu.memory_space<vmem>>, vector<1x16xf32>,
        %mul3A_533 = arith.constant 4 : i32
        %mul3A_534 = arith.muli %scan3A_478, %mul3A_533 : i32
        %add3A_535 = arith.constant 0 : i32
        %add3A_536 = arith.addi %mul3A_534, %add3A_535 : i32
        %get3A_537 = arith.index_cast %add3A_536 : i32 to index
        %get3A_538 = arith.constant 48 : index
        %get3A_539 = tpu.vector_load %arg16[%get3A_537, %get3A_538] {strides = array<i32>} : memref<80x64xf32, #tpu.memory_space<vmem>>, vector<1x16xf32>,
        %get3A_540 = vector.shape_cast %get3A_539 : vector<1x16xf32> to vector<16xf32>
        %get3A_541 = arith.index_cast %add3A_536 : i32 to index
        %get3A_542 = arith.constant 48 : index
        %get3A_543 = tpu.vector_load %arg17[%get3A_541, %get3A_542] {strides = array<i32>} : memref<80x64xf32, #tpu.memory_space<vmem>>, vector<1x16xf32>,
        %get3A_544 = vector.shape_cast %get3A_543 : vector<1x16xf32> to vector<16xf32>
        %mul3A_545 = arith.mulf %get3A_540, %get3A_544 : vector<16xf32>
        %swap3A_546 = arith.index_cast %add3A_536 : i32 to index
        %swap3A_547 = arith.constant 48 : index
        %swap3A_548 = tpu.vector_load %arg16[%swap3A_546, %swap3A_547] {strides = array<i32>} : memref<80x64xf32, #tpu.memory_space<vmem>>, vector<1x16xf32>,
        %swap3A_549 = vector.shape_cast %swap3A_548 : vector<1x16xf32> to vector<16xf32>
        %swap3A_550 = vector.shape_cast %mul3A_545 : vector<16xf32> to vector<1x16xf32>
        tpu.vector_store %arg16[%swap3A_546, %swap3A_547], %swap3A_550 {strides = array<i32>} : memref<80x64xf32, #tpu.memory_space<vmem>>, vector<1x16xf32>,
        %mul3A_551 = arith.constant 4 : i32
        %mul3A_552 = arith.muli %scan3A_478, %mul3A_551 : i32
        %add3A_553 = arith.constant 1 : i32
        %add3A_554 = arith.addi %mul3A_552, %add3A_553 : i32
        %get3A_555 = arith.index_cast %add3A_554 : i32 to index
        %get3A_556 = arith.constant 0 : index
        %get3A_557 = tpu.vector_load %arg16[%get3A_555, %get3A_556] {strides = array<i32>} : memref<80x64xf32, #tpu.memory_space<vmem>>, vector<1x16xf32>,
        %get3A_558 = vector.shape_cast %get3A_557 : vector<1x16xf32> to vector<16xf32>
        %get3A_559 = arith.index_cast %add3A_554 : i32 to index
        %get3A_560 = arith.constant 0 : index
        %get3A_561 = tpu.vector_load %arg17[%get3A_559, %get3A_560] {strides = array<i32>} : memref<80x64xf32, #tpu.memory_space<vmem>>, vector<1x16xf32>,
        %get3A_562 = vector.shape_cast %get3A_561 : vector<1x16xf32> to vector<16xf32>
        %mul3A_563 = arith.mulf %get3A_558, %get3A_562 : vector<16xf32>
        %swap3A_564 = arith.index_cast %add3A_554 : i32 to index
        %swap3A_565 = arith.constant 0 : index
        %swap3A_566 = tpu.vector_load %arg16[%swap3A_564, %swap3A_565] {strides = array<i32>} : memref<80x64xf32, #tpu.memory_space<vmem>>, vector<1x16xf32>,
        %swap3A_567 = vector.shape_cast %swap3A_566 : vector<1x16xf32> to vector<16xf32>
        %swap3A_568 = vector.shape_cast %mul3A_563 : vector<16xf32> to vector<1x16xf32>
        tpu.vector_store %arg16[%swap3A_564, %swap3A_565], %swap3A_568 {strides = array<i32>} : memref<80x64xf32, #tpu.memory_space<vmem>>, vector<1x16xf32>,
        %mul3A_569 = arith.constant 4 : i32
        %mul3A_570 = arith.muli %scan3A_478, %mul3A_569 : i32
        %add3A_571 = arith.constant 1 : i32
        %add3A_572 = arith.addi %mul3A_570, %add3A_571 : i32
        %get3A_573 = arith.index_cast %add3A_572 : i32 to index
        %get3A_574 = arith.constant 16 : index
        %get3A_575 = tpu.vector_load %arg16[%get3A_573, %get3A_574] {strides = array<i32>} : memref<80x64xf32, #tpu.memory_space<vmem>>, vector<1x16xf32>,
        %get3A_576 = vector.shape_cast %get3A_575 : vector<1x16xf32> to vector<16xf32>
        %get3A_577 = arith.index_cast %add3A_572 : i32 to index
        %get3A_578 = arith.constant 16 : index
        %get3A_579 = tpu.vector_load %arg17[%get3A_577, %get3A_578] {strides = array<i32>} : memref<80x64xf32, #tpu.memory_space<vmem>>, vector<1x16xf32>,
        %get3A_580 = vector.shape_cast %get3A_579 : vector<1x16xf32> to vector<16xf32>
        %mul3A_581 = arith.mulf %get3A_576, %get3A_580 : vector<16xf32>
        %swap3A_582 = arith.index_cast %add3A_572 : i32 to index
        %swap3A_583 = arith.constant 16 : index
        %swap3A_584 = tpu.vector_load %arg16[%swap3A_582, %swap3A_583] {strides = array<i32>} : memref<80x64xf32, #tpu.memory_space<vmem>>, vector<1x16xf32>,
        %swap3A_585 = vector.shape_cast %swap3A_584 : vector<1x16xf32> to vector<16xf32>
        %swap3A_586 = vector.shape_cast %mul3A_581 : vector<16xf32> to vector<1x16xf32>
        tpu.vector_store %arg16[%swap3A_582, %swap3A_583], %swap3A_586 {strides = array<i32>} : memref<80x64xf32, #tpu.memory_space<vmem>>, vector<1x16xf32>,
        %mul3A_587 = arith.constant 4 : i32
        %mul3A_588 = arith.muli %scan3A_478, %mul3A_587 : i32
        %add3A_589 = arith.constant 1 : i32
        %add3A_590 = arith.addi %mul3A_588, %add3A_589 : i32
        %get3A_591 = arith.index_cast %add3A_590 : i32 to index
        %get3A_592 = arith.constant 32 : index
        %get3A_593 = tpu.vector_load %arg16[%get3A_591, %get3A_592] {strides = array<i32>} : memref<80x64xf32, #tpu.memory_space<vmem>>, vector<1x16xf32>,
        %get3A_594 = vector.shape_cast %get3A_593 : vector<1x16xf32> to vector<16xf32>
        %get3A_595 = arith.index_cast %add3A_590 : i32 to index
        %get3A_596 = arith.constant 32 : index
        %get3A_597 = tpu.vector_load %arg17[%get3A_595, %get3A_596] {strides = array<i32>} : memref<80x64xf32, #tpu.memory_space<vmem>>, vector<1x16xf32>,
        %get3A_598 = vector.shape_cast %get3A_597 : vector<1x16xf32> to vector<16xf32>
        %mul3A_599 = arith.mulf %get3A_594, %get3A_598 : vector<16xf32>
        %swap3A_600 = arith.index_cast %add3A_590 : i32 to index
        %swap3A_601 = arith.constant 32 : index
        %swap3A_602 = tpu.vector_load %arg16[%swap3A_600, %swap3A_601] {strides = array<i32>} : memref<80x64xf32, #tpu.memory_space<vmem>>, vector<1x16xf32>,
        %swap3A_603 = vector.shape_cast %swap3A_602 : vector<1x16xf32> to vector<16xf32>
        %swap3A_604 = vector.shape_cast %mul3A_599 : vector<16xf32> to vector<1x16xf32>
        tpu.vector_store %arg16[%swap3A_600, %swap3A_601], %swap3A_604 {strides = array<i32>} : memref<80x64xf32, #tpu.memory_space<vmem>>, vector<1x16xf32>,
        %mul3A_605 = arith.constant 4 : i32
        %mul3A_606 = arith.muli %scan3A_478, %mul3A_605 : i32
        %add3A_607 = arith.constant 1 : i32
        %add3A_608 = arith.addi %mul3A_606, %add3A_607 : i32
        %get3A_609 = arith.index_cast %add3A_608 : i32 to index
        %get3A_610 = arith.constant 48 : index
        %get3A_611 = tpu.vector_load %arg16[%get3A_609, %get3A_610] {strides = array<i32>} : memref<80x64xf32, #tpu.memory_space<vmem>>, vector<1x16xf32>,
        %get3A_612 = vector.shape_cast %get3A_611 : vector<1x16xf32> to vector<16xf32>
        %get3A_613 = arith.index_cast %add3A_608 : i32 to index
        %get3A_614 = arith.constant 48 : index
        %get3A_615 = tpu.vector_load %arg17[%get3A_613, %get3A_614] {strides = array<i32>} : memref<80x64xf32, #tpu.memory_space<vmem>>, vector<1x16xf32>,
        %get3A_616 = vector.shape_cast %get3A_615 : vector<1x16xf32> to vector<16xf32>
        %mul3A_617 = arith.mulf %get3A_612, %get3A_616 : vector<16xf32>
        %swap3A_618 = arith.index_cast %add3A_608 : i32 to index
        %swap3A_619 = arith.constant 48 : index
        %swap3A_620 = tpu.vector_load %arg16[%swap3A_618, %swap3A_619] {strides = array<i32>} : memref<80x64xf32, #tpu.memory_space<vmem>>, vector<1x16xf32>,
        %swap3A_621 = vector.shape_cast %swap3A_620 : vector<1x16xf32> to vector<16xf32>
        %swap3A_622 = vector.shape_cast %mul3A_617 : vector<16xf32> to vector<1x16xf32>
        tpu.vector_store %arg16[%swap3A_618, %swap3A_619], %swap3A_622 {strides = array<i32>} : memref<80x64xf32, #tpu.memory_space<vmem>>, vector<1x16xf32>,
        %mul3A_623 = arith.constant 4 : i32
        %mul3A_624 = arith.muli %scan3A_478, %mul3A_623 : i32
        %add3A_625 = arith.constant 2 : i32
        %add3A_626 = arith.addi %mul3A_624, %add3A_625 : i32
        %get3A_627 = arith.index_cast %add3A_626 : i32 to index
        %get3A_628 = arith.constant 0 : index
        %get3A_629 = tpu.vector_load %arg16[%get3A_627, %get3A_628] {strides = array<i32>} : memref<80x64xf32, #tpu.memory_space<vmem>>, vector<1x16xf32>,
        %get3A_630 = vector.shape_cast %get3A_629 : vector<1x16xf32> to vector<16xf32>
        %get3A_631 = arith.index_cast %add3A_626 : i32 to index
        %get3A_632 = arith.constant 0 : index
        %get3A_633 = tpu.vector_load %arg17[%get3A_631, %get3A_632] {strides = array<i32>} : memref<80x64xf32, #tpu.memory_space<vmem>>, vector<1x16xf32>,
        %get3A_634 = vector.shape_cast %get3A_633 : vector<1x16xf32> to vector<16xf32>
        %mul3A_635 = arith.mulf %get3A_630, %get3A_634 : vector<16xf32>
        %swap3A_636 = arith.index_cast %add3A_626 : i32 to index
        %swap3A_637 = arith.constant 0 : index
        %swap3A_638 = tpu.vector_load %arg16[%swap3A_636, %swap3A_637] {strides = array<i32>} : memref<80x64xf32, #tpu.memory_space<vmem>>, vector<1x16xf32>,
        %swap3A_639 = vector.shape_cast %swap3A_638 : vector<1x16xf32> to vector<16xf32>
        %swap3A_640 = vector.shape_cast %mul3A_635 : vector<16xf32> to vector<1x16xf32>
        tpu.vector_store %arg16[%swap3A_636, %swap3A_637], %swap3A_640 {strides = array<i32>} : memref<80x64xf32, #tpu.memory_space<vmem>>, vector<1x16xf32>,
        %mul3A_641 = arith.constant 4 : i32
        %mul3A_642 = arith.muli %scan3A_478, %mul3A_641 : i32
        %add3A_643 = arith.constant 2 : i32
        %add3A_644 = arith.addi %mul3A_642, %add3A_643 : i32
        %get3A_645 = arith.index_cast %add3A_644 : i32 to index
        %get3A_646 = arith.constant 16 : index
        %get3A_647 = tpu.vector_load %arg16[%get3A_645, %get3A_646] {strides = array<i32>} : memref<80x64xf32, #tpu.memory_space<vmem>>, vector<1x16xf32>,
        %get3A_648 = vector.shape_cast %get3A_647 : vector<1x16xf32> to vector<16xf32>
        %get3A_649 = arith.index_cast %add3A_644 : i32 to index
        %get3A_650 = arith.constant 16 : index
        %get3A_651 = tpu.vector_load %arg17[%get3A_649, %get3A_650] {strides = array<i32>} : memref<80x64xf32, #tpu.memory_space<vmem>>, vector<1x16xf32>,
        %get3A_652 = vector.shape_cast %get3A_651 : vector<1x16xf32> to vector<16xf32>
        %mul3A_653 = arith.mulf %get3A_648, %get3A_652 : vector<16xf32>
        %swap3A_654 = arith.index_cast %add3A_644 : i32 to index
        %swap3A_655 = arith.constant 16 : index
        %swap3A_656 = tpu.vector_load %arg16[%swap3A_654, %swap3A_655] {strides = array<i32>} : memref<80x64xf32, #tpu.memory_space<vmem>>, vector<1x16xf32>,
        %swap3A_657 = vector.shape_cast %swap3A_656 : vector<1x16xf32> to vector<16xf32>
        %swap3A_658 = vector.shape_cast %mul3A_653 : vector<16xf32> to vector<1x16xf32>
        tpu.vector_store %arg16[%swap3A_654, %swap3A_655], %swap3A_658 {strides = array<i32>} : memref<80x64xf32, #tpu.memory_space<vmem>>, vector<1x16xf32>,
        %mul3A_659 = arith.constant 4 : i32
        %mul3A_660 = arith.muli %scan3A_478, %mul3A_659 : i32
        %add3A_661 = arith.constant 2 : i32
        %add3A_662 = arith.addi %mul3A_660, %add3A_661 : i32
        %get3A_663 = arith.index_cast %add3A_662 : i32 to index
        %get3A_664 = arith.constant 32 : index
        %get3A_665 = tpu.vector_load %arg16[%get3A_663, %get3A_664] {strides = array<i32>} : memref<80x64xf32, #tpu.memory_space<vmem>>, vector<1x16xf32>,
        %get3A_666 = vector.shape_cast %get3A_665 : vector<1x16xf32> to vector<16xf32>
        %get3A_667 = arith.index_cast %add3A_662 : i32 to index
        %get3A_668 = arith.constant 32 : index
        %get3A_669 = tpu.vector_load %arg17[%get3A_667, %get3A_668] {strides = array<i32>} : memref<80x64xf32, #tpu.memory_space<vmem>>, vector<1x16xf32>,
        %get3A_670 = vector.shape_cast %get3A_669 : vector<1x16xf32> to vector<16xf32>
        %mul3A_671 = arith.mulf %get3A_666, %get3A_670 : vector<16xf32>
        %swap3A_672 = arith.index_cast %add3A_662 : i32 to index
        %swap3A_673 = arith.constant 32 : index
        %swap3A_674 = tpu.vector_load %arg16[%swap3A_672, %swap3A_673] {strides = array<i32>} : memref<80x64xf32, #tpu.memory_space<vmem>>, vector<1x16xf32>,
        %swap3A_675 = vector.shape_cast %swap3A_674 : vector<1x16xf32> to vector<16xf32>
        %swap3A_676 = vector.shape_cast %mul3A_671 : vector<16xf32> to vector<1x16xf32>
        tpu.vector_store %arg16[%swap3A_672, %swap3A_673], %swap3A_676 {strides = array<i32>} : memref<80x64xf32, #tpu.memory_space<vmem>>, vector<1x16xf32>,
        %mul3A_677 = arith.constant 4 : i32
        %mul3A_678 = arith.muli %scan3A_478, %mul3A_677 : i32
        %add3A_679 = arith.constant 2 : i32
        %add3A_680 = arith.addi %mul3A_678, %add3A_679 : i32
        %get3A_681 = arith.index_cast %add3A_680 : i32 to index
        %get3A_682 = arith.constant 48 : index
        %get3A_683 = tpu.vector_load %arg16[%get3A_681, %get3A_682] {strides = array<i32>} : memref<80x64xf32, #tpu.memory_space<vmem>>, vector<1x16xf32>,
        %get3A_684 = vector.shape_cast %get3A_683 : vector<1x16xf32> to vector<16xf32>
        %get3A_685 = arith.index_cast %add3A_680 : i32 to index
        %get3A_686 = arith.constant 48 : index
        %get3A_687 = tpu.vector_load %arg17[%get3A_685, %get3A_686] {strides = array<i32>} : memref<80x64xf32, #tpu.memory_space<vmem>>, vector<1x16xf32>,
        %get3A_688 = vector.shape_cast %get3A_687 : vector<1x16xf32> to vector<16xf32>
        %mul3A_689 = arith.mulf %get3A_684, %get3A_688 : vector<16xf32>
        %swap3A_690 = arith.index_cast %add3A_680 : i32 to index
        %swap3A_691 = arith.constant 48 : index
        %swap3A_692 = tpu.vector_load %arg16[%swap3A_690, %swap3A_691] {strides = array<i32>} : memref<80x64xf32, #tpu.memory_space<vmem>>, vector<1x16xf32>,
        %swap3A_693 = vector.shape_cast %swap3A_692 : vector<1x16xf32> to vector<16xf32>
        %swap3A_694 = vector.shape_cast %mul3A_689 : vector<16xf32> to vector<1x16xf32>
        tpu.vector_store %arg16[%swap3A_690, %swap3A_691], %swap3A_694 {strides = array<i32>} : memref<80x64xf32, #tpu.memory_space<vmem>>, vector<1x16xf32>,
        %mul3A_695 = arith.constant 4 : i32
        %mul3A_696 = arith.muli %scan3A_478, %mul3A_695 : i32
        %add3A_697 = arith.constant 3 : i32
        %add3A_698 = arith.addi %mul3A_696, %add3A_697 : i32
        %get3A_699 = arith.index_cast %add3A_698 : i32 to index
        %get3A_700 = arith.constant 0 : index
        %get3A_701 = tpu.vector_load %arg16[%get3A_699, %get3A_700] {strides = array<i32>} : memref<80x64xf32, #tpu.memory_space<vmem>>, vector<1x16xf32>,
        %get3A_702 = vector.shape_cast %get3A_701 : vector<1x16xf32> to vector<16xf32>
        %get3A_703 = arith.index_cast %add3A_698 : i32 to index
        %get3A_704 = arith.constant 0 : index
        %get3A_705 = tpu.vector_load %arg17[%get3A_703, %get3A_704] {strides = array<i32>} : memref<80x64xf32, #tpu.memory_space<vmem>>, vector<1x16xf32>,
        %get3A_706 = vector.shape_cast %get3A_705 : vector<1x16xf32> to vector<16xf32>
        %mul3A_707 = arith.mulf %get3A_702, %get3A_706 : vector<16xf32>
        %swap3A_708 = arith.index_cast %add3A_698 : i32 to index
        %swap3A_709 = arith.constant 0 : index
        %swap3A_710 = tpu.vector_load %arg16[%swap3A_708, %swap3A_709] {strides = array<i32>} : memref<80x64xf32, #tpu.memory_space<vmem>>, vector<1x16xf32>,
        %swap3A_711 = vector.shape_cast %swap3A_710 : vector<1x16xf32> to vector<16xf32>
        %swap3A_712 = vector.shape_cast %mul3A_707 : vector<16xf32> to vector<1x16xf32>
        tpu.vector_store %arg16[%swap3A_708, %swap3A_709], %swap3A_712 {strides = array<i32>} : memref<80x64xf32, #tpu.memory_space<vmem>>, vector<1x16xf32>,
        %mul3A_713 = arith.constant 4 : i32
        %mul3A_714 = arith.muli %scan3A_478, %mul3A_713 : i32
        %add3A_715 = arith.constant 3 : i32
        %add3A_716 = arith.addi %mul3A_714, %add3A_715 : i32
        %get3A_717 = arith.index_cast %add3A_716 : i32 to index
        %get3A_718 = arith.constant 16 : index
        %get3A_719 = tpu.vector_load %arg16[%get3A_717, %get3A_718] {strides = array<i32>} : memref<80x64xf32, #tpu.memory_space<vmem>>, vector<1x16xf32>,
        %get3A_720 = vector.shape_cast %get3A_719 : vector<1x16xf32> to vector<16xf32>
        %get3A_721 = arith.index_cast %add3A_716 : i32 to index
        %get3A_722 = arith.constant 16 : index
        %get3A_723 = tpu.vector_load %arg17[%get3A_721, %get3A_722] {strides = array<i32>} : memref<80x64xf32, #tpu.memory_space<vmem>>, vector<1x16xf32>,
        %get3A_724 = vector.shape_cast %get3A_723 : vector<1x16xf32> to vector<16xf32>
        %mul3A_725 = arith.mulf %get3A_720, %get3A_724 : vector<16xf32>
        %swap3A_726 = arith.index_cast %add3A_716 : i32 to index
        %swap3A_727 = arith.constant 16 : index
        %swap3A_728 = tpu.vector_load %arg16[%swap3A_726, %swap3A_727] {strides = array<i32>} : memref<80x64xf32, #tpu.memory_space<vmem>>, vector<1x16xf32>,
        %swap3A_729 = vector.shape_cast %swap3A_728 : vector<1x16xf32> to vector<16xf32>
        %swap3A_730 = vector.shape_cast %mul3A_725 : vector<16xf32> to vector<1x16xf32>
        tpu.vector_store %arg16[%swap3A_726, %swap3A_727], %swap3A_730 {strides = array<i32>} : memref<80x64xf32, #tpu.memory_space<vmem>>, vector<1x16xf32>,
        %mul3A_731 = arith.constant 4 : i32
        %mul3A_732 = arith.muli %scan3A_478, %mul3A_731 : i32
        %add3A_733 = arith.constant 3 : i32
        %add3A_734 = arith.addi %mul3A_732, %add3A_733 : i32
        %get3A_735 = arith.index_cast %add3A_734 : i32 to index
        %get3A_736 = arith.constant 32 : index
        %get3A_737 = tpu.vector_load %arg16[%get3A_735, %get3A_736] {strides = array<i32>} : memref<80x64xf32, #tpu.memory_space<vmem>>, vector<1x16xf32>,
        %get3A_738 = vector.shape_cast %get3A_737 : vector<1x16xf32> to vector<16xf32>
        %get3A_739 = arith.index_cast %add3A_734 : i32 to index
        %get3A_740 = arith.constant 32 : index
        %get3A_741 = tpu.vector_load %arg17[%get3A_739, %get3A_740] {strides = array<i32>} : memref<80x64xf32, #tpu.memory_space<vmem>>, vector<1x16xf32>,
        %get3A_742 = vector.shape_cast %get3A_741 : vector<1x16xf32> to vector<16xf32>
        %mul3A_743 = arith.mulf %get3A_738, %get3A_742 : vector<16xf32>
        %swap3A_744 = arith.index_cast %add3A_734 : i32 to index
        %swap3A_745 = arith.constant 32 : index
        %swap3A_746 = tpu.vector_load %arg16[%swap3A_744, %swap3A_745] {strides = array<i32>} : memref<80x64xf32, #tpu.memory_space<vmem>>, vector<1x16xf32>,
        %swap3A_747 = vector.shape_cast %swap3A_746 : vector<1x16xf32> to vector<16xf32>
        %swap3A_748 = vector.shape_cast %mul3A_743 : vector<16xf32> to vector<1x16xf32>
        tpu.vector_store %arg16[%swap3A_744, %swap3A_745], %swap3A_748 {strides = array<i32>} : memref<80x64xf32, #tpu.memory_space<vmem>>, vector<1x16xf32>,
        %mul3A_749 = arith.constant 4 : i32
        %mul3A_750 = arith.muli %scan3A_478, %mul3A_749 : i32
        %add3A_751 = arith.constant 3 : i32
        %add3A_752 = arith.addi %mul3A_750, %add3A_751 : i32
        %get3A_753 = arith.index_cast %add3A_752 : i32 to index
        %get3A_754 = arith.constant 48 : index
        %get3A_755 = tpu.vector_load %arg16[%get3A_753, %get3A_754] {strides = array<i32>} : memref<80x64xf32, #tpu.memory_space<vmem>>, vector<1x16xf32>,
        %get3A_756 = vector.shape_cast %get3A_755 : vector<1x16xf32> to vector<16xf32>
        %get3A_757 = arith.index_cast %add3A_752 : i32 to index
        %get3A_758 = arith.constant 48 : index
        %get3A_759 = tpu.vector_load %arg17[%get3A_757, %get3A_758] {strides = array<i32>} : memref<80x64xf32, #tpu.memory_space<vmem>>, vector<1x16xf32>,
        %get3A_760 = vector.shape_cast %get3A_759 : vector<1x16xf32> to vector<16xf32>
        %mul3A_761 = arith.mulf %get3A_756, %get3A_760 : vector<16xf32>
        %swap3A_762 = arith.index_cast %add3A_752 : i32 to index
        %swap3A_763 = arith.constant 48 : index
        %swap3A_764 = tpu.vector_load %arg16[%swap3A_762, %swap3A_763] {strides = array<i32>} : memref<80x64xf32, #tpu.memory_space<vmem>>, vector<1x16xf32>,
        %swap3A_765 = vector.shape_cast %swap3A_764 : vector<1x16xf32> to vector<16xf32>
        %swap3A_766 = vector.shape_cast %mul3A_761 : vector<16xf32> to vector<1x16xf32>
        tpu.vector_store %arg16[%swap3A_762, %swap3A_763], %swap3A_766 {strides = array<i32>} : memref<80x64xf32, #tpu.memory_space<vmem>>, vector<1x16xf32>,
        %scan3A_767 = arith.constant 0 : i32
        scf.yield %scan3A_767 : i32
      }
      %scan3A_394 = arith.constant 20 : i32
      %dma_start3A_395 = arith.constant 0 : i32
      %dma_start3A_396 = arith.constant 0 : i32
      %dma_start3A_397 = tpu.memref_slice %arg29[%dma_start3A_395, %dma_start3A_396] : memref<10240x64xf32, #tpu.memory_space<vmem_shared>> -> memref<10240x64xf32, #tpu.memory_space<vmem_shared>>
      tpu.enqueue_indirect_dma source(%arg16 : memref<80x64xf32, #tpu.memory_space<vmem>>) target(%dma_start3A_397 : memref<10240x64xf32, #tpu.memory_space<vmem_shared>>) offsets(%arg19 : memref<80xi32, #tpu.memory_space<vmem>>) semaphore(%arg41 : memref<!tpu.dma_semaphore, #tpu.memory_space<semaphore_mem>>) {add = true}
      %add3A_398 = arith.constant 4 : i32
      %add3A_399 = arith.addi %add3A_372, %add3A_398 : i32
      %lt3A_400 = arith.constant 250 : i32
      %lt3A_401 = arith.cmpi slt, %add3A_399, %lt3A_400 : i32
      %convert_element_type3A_402 = arith.extui %lt3A_401 : i1 to i32
      %cond3A_403 = arith.constant 0 : i32
      %cond3A_404 = arith.cmpi ne, %convert_element_type3A_402, %cond3A_403 : i32
      scf.if %cond3A_404 {
        %gt3A = arith.constant 0 : i32
        %gt3A_478 = arith.cmpi sgt, %add3A_372, %gt3A : i32
        %convert_element_type3A_479 = arith.extui %gt3A_478 : i1 to i32
        %cond3A_480 = arith.constant 0 : i32
        %cond3A_481 = arith.cmpi ne, %convert_element_type3A_479, %cond3A_480 : i32
        scf.if %cond3A_481 {
          %dma_wait3A_542 = arith.constant 0 : i32
          %dma_wait3A_543 = arith.constant 0 : i32
          %dma_wait3A_544 = tpu.memref_slice %arg29[%dma_wait3A_542, %dma_wait3A_543] : memref<10240x64xf32, #tpu.memory_space<vmem_shared>> -> memref<10240x64xf32, #tpu.memory_space<vmem_shared>>
          tpu.wait_indirect_dma semaphore(%arg37 : memref<!tpu.dma_semaphore, #tpu.memory_space<semaphore_mem>>) src(%arg12 : memref<80x64xf32, #tpu.memory_space<vmem>>) dst(%dma_wait3A_544 : memref<10240x64xf32, #tpu.memory_space<vmem_shared>>)
        } else {
        }
        %add3A_482 = arith.constant 4 : i32
        %add3A_483 = arith.addi %add3A_372, %add3A_482 : i32
        %mul3A_484 = arith.constant 160 : i32
        %mul3A_485 = arith.muli %add3A_483, %mul3A_484 : i32
        %add3A_486 = arith.addi %add3A_41, %mul3A_485 : i32
        %add3A_487 = arith.constant 0 : i32
        %add3A_488 = arith.addi %add3A_486, %add3A_487 : i32
        %add3A_489 = vector.broadcast %add3A_488 : i32 to vector<16xi32>
        %add3A_490 = arith.addi %mul3A_29, %add3A_489 : vector<16xi32>
        %swap3A_491 = arith.constant 0 : index
        %swap3A_492 = tpu.vector_load %arg14[%swap3A_491] {strides = array<i32>} : memref<80xi32, #tpu.memory_space<vmem>>, vector<16xi32>,
        %swap3A_493 = vector.shape_cast %swap3A_492 : vector<16xi32> to vector<16xi32>
        %swap3A_494 = vector.shape_cast %add3A_490 : vector<16xi32> to vector<16xi32>
        tpu.vector_store %arg14[%swap3A_491], %swap3A_494 {strides = array<i32>} : memref<80xi32, #tpu.memory_space<vmem>>, vector<16xi32>,
        %add3A_495 = arith.constant 32 : i32
        %add3A_496 = arith.addi %add3A_486, %add3A_495 : i32
        %add3A_497 = vector.broadcast %add3A_496 : i32 to vector<16xi32>
        %add3A_498 = arith.addi %mul3A_29, %add3A_497 : vector<16xi32>
        %swap3A_499 = arith.constant 16 : index
        %swap3A_500 = tpu.vector_load %arg14[%swap3A_499] {strides = array<i32>} : memref<80xi32, #tpu.memory_space<vmem>>, vector<16xi32>,
        %swap3A_501 = vector.shape_cast %swap3A_500 : vector<16xi32> to vector<16xi32>
        %swap3A_502 = vector.shape_cast %add3A_498 : vector<16xi32> to vector<16xi32>
        tpu.vector_store %arg14[%swap3A_499], %swap3A_502 {strides = array<i32>} : memref<80xi32, #tpu.memory_space<vmem>>, vector<16xi32>,
        %add3A_503 = arith.constant 64 : i32
        %add3A_504 = arith.addi %add3A_486, %add3A_503 : i32
        %add3A_505 = vector.broadcast %add3A_504 : i32 to vector<16xi32>
        %add3A_506 = arith.addi %mul3A_29, %add3A_505 : vector<16xi32>
        %swap3A_507 = arith.constant 32 : index
        %swap3A_508 = tpu.vector_load %arg14[%swap3A_507] {strides = array<i32>} : memref<80xi32, #tpu.memory_space<vmem>>, vector<16xi32>,
        %swap3A_509 = vector.shape_cast %swap3A_508 : vector<16xi32> to vector<16xi32>
        %swap3A_510 = vector.shape_cast %add3A_506 : vector<16xi32> to vector<16xi32>
        tpu.vector_store %arg14[%swap3A_507], %swap3A_510 {strides = array<i32>} : memref<80xi32, #tpu.memory_space<vmem>>, vector<16xi32>,
        %add3A_511 = arith.constant 96 : i32
        %add3A_512 = arith.addi %add3A_486, %add3A_511 : i32
        %add3A_513 = vector.broadcast %add3A_512 : i32 to vector<16xi32>
        %add3A_514 = arith.addi %mul3A_29, %add3A_513 : vector<16xi32>
        %swap3A_515 = arith.constant 48 : index
        %swap3A_516 = tpu.vector_load %arg14[%swap3A_515] {strides = array<i32>} : memref<80xi32, #tpu.memory_space<vmem>>, vector<16xi32>,
        %swap3A_517 = vector.shape_cast %swap3A_516 : vector<16xi32> to vector<16xi32>
        %swap3A_518 = vector.shape_cast %add3A_514 : vector<16xi32> to vector<16xi32>
        tpu.vector_store %arg14[%swap3A_515], %swap3A_518 {strides = array<i32>} : memref<80xi32, #tpu.memory_space<vmem>>, vector<16xi32>,
        %add3A_519 = arith.constant 128 : i32
        %add3A_520 = arith.addi %add3A_486, %add3A_519 : i32
        %add3A_521 = vector.broadcast %add3A_520 : i32 to vector<16xi32>
        %add3A_522 = arith.addi %mul3A_29, %add3A_521 : vector<16xi32>
        %swap3A_523 = arith.constant 64 : index
        %swap3A_524 = tpu.vector_load %arg14[%swap3A_523] {strides = array<i32>} : memref<80xi32, #tpu.memory_space<vmem>>, vector<16xi32>,
        %swap3A_525 = vector.shape_cast %swap3A_524 : vector<16xi32> to vector<16xi32>
        %swap3A_526 = vector.shape_cast %add3A_522 : vector<16xi32> to vector<16xi32>
        tpu.vector_store %arg14[%swap3A_523], %swap3A_526 {strides = array<i32>} : memref<80xi32, #tpu.memory_space<vmem>>, vector<16xi32>,
        %dma_start3A_527 = arith.constant 0 : i32
        %dma_start3A_528 = tpu.memref_slice %arg7[%add3A_483, %dma_start3A_527] : memref<250x80xi32, #tpu.memory_space<vmem>> -> memref<1x80xi32, #tpu.memory_space<vmem>>
        %dma_start3A_529 = tpu.memref_squeeze %dma_start3A_528 : memref<1x80xi32, #tpu.memory_space<vmem>> -> memref<80xi32, #tpu.memory_space<vmem>>
        %dma_start3A_530 = arith.constant 0 : i32
        %dma_start3A_531 = arith.constant 0 : i32
        %dma_start3A_532 = tpu.memref_slice %arg2[%dma_start3A_530, %dma_start3A_531] : memref<20000x64xf32, #tpu.memory_space<hbm>> -> memref<20000x64xf32, #tpu.memory_space<hbm>>
        tpu.enqueue_indirect_dma source(%dma_start3A_532 : memref<20000x64xf32, #tpu.memory_space<hbm>>) target(%arg12 : memref<80x64xf32, #tpu.memory_space<vmem>>) offsets(%dma_start3A_529 : memref<80xi32, #tpu.memory_space<vmem>>) semaphore(%arg34 : memref<!tpu.dma_semaphore, #tpu.memory_space<semaphore_mem>>)
        %dma_start3A_533 = arith.constant 0 : i32
        %dma_start3A_534 = arith.constant 0 : i32
        %dma_start3A_535 = tpu.memref_slice %arg3[%dma_start3A_533, %dma_start3A_534] : memref<640000x64xf32, #tpu.memory_space<hbm>> -> memref<640000x64xf32, #tpu.memory_space<hbm>>
        tpu.enqueue_indirect_dma source(%dma_start3A_535 : memref<640000x64xf32, #tpu.memory_space<hbm>>) target(%arg13 : memref<80x64xf32, #tpu.memory_space<vmem>>) offsets(%arg14 : memref<80xi32, #tpu.memory_space<vmem>>) semaphore(%arg35 : memref<!tpu.dma_semaphore, #tpu.memory_space<semaphore_mem>>)
        %dma_start3A_536 = arith.constant 0 : i32
        %dma_start3A_537 = tpu.memref_slice %arg4[%arg1, %add3A_483, %dma_start3A_536] : memref<16x250x80xi32, #tpu.memory_space<hbm>> -> memref<1x1x80xi32, #tpu.memory_space<hbm>>
        %dma_start3A_538 = tpu.memref_squeeze %dma_start3A_537 : memref<1x1x80xi32, #tpu.memory_space<hbm>> -> memref<80xi32, #tpu.memory_space<hbm>>
        %dma_start3A_539 = arith.constant 0 : i32
        %dma_start3A_540 = tpu.memref_slice %arg4[%arg1, %add3A_483, %dma_start3A_539] : memref<16x250x80xi32, #tpu.memory_space<hbm>> -> memref<1x1x80xi32, #tpu.memory_space<hbm>>
        %dma_start3A_541 = tpu.memref_squeeze %dma_start3A_540 : memref<1x1x80xi32, #tpu.memory_space<hbm>> -> memref<80xi32, #tpu.memory_space<hbm>>
        tpu.enqueue_dma source(%dma_start3A_541 : memref<80xi32, #tpu.memory_space<hbm>>) target(%arg15 : memref<80xi32, #tpu.memory_space<vmem>>) target_semaphore(%arg36 : memref<!tpu.dma_semaphore, #tpu.memory_space<semaphore_mem>>)
      } else {
      }
      %mul3A_405 = arith.constant 5 : i32
      %mul3A_406 = arith.muli %scan3A_298, %mul3A_405 : i32
      %add3A_407 = arith.constant 3 : i32
      %add3A_408 = arith.addi %mul3A_406, %add3A_407 : i32
      %dma_wait3A_409 = arith.constant 0 : i32
      %dma_wait3A_410 = tpu.memref_slice %arg7[%add3A_408, %dma_wait3A_409] : memref<250x80xi32, #tpu.memory_space<vmem>> -> memref<1x80xi32, #tpu.memory_space<vmem>>
      %dma_wait3A_411 = tpu.memref_squeeze %dma_wait3A_410 : memref<1x80xi32, #tpu.memory_space<vmem>> -> memref<80xi32, #tpu.memory_space<vmem>>
      %dma_wait3A_412 = arith.constant 0 : i32
      %dma_wait3A_413 = arith.constant 0 : i32
      %dma_wait3A_414 = tpu.memref_slice %arg2[%dma_wait3A_412, %dma_wait3A_413] : memref<20000x64xf32, #tpu.memory_space<hbm>> -> memref<20000x64xf32, #tpu.memory_space<hbm>>
      tpu.wait_indirect_dma semaphore(%arg42 : memref<!tpu.dma_semaphore, #tpu.memory_space<semaphore_mem>>) src(%dma_wait3A_414 : memref<20000x64xf32, #tpu.memory_space<hbm>>) dst(%arg20 : memref<80x64xf32, #tpu.memory_space<vmem>>)
      %dma_wait3A_415 = arith.constant 0 : i32
      %dma_wait3A_416 = arith.constant 0 : i32
      %dma_wait3A_417 = tpu.memref_slice %arg3[%dma_wait3A_415, %dma_wait3A_416] : memref<640000x64xf32, #tpu.memory_space<hbm>> -> memref<640000x64xf32, #tpu.memory_space<hbm>>
      tpu.wait_indirect_dma semaphore(%arg43 : memref<!tpu.dma_semaphore, #tpu.memory_space<semaphore_mem>>) src(%dma_wait3A_417 : memref<640000x64xf32, #tpu.memory_space<hbm>>) dst(%arg21 : memref<80x64xf32, #tpu.memory_space<vmem>>)
      %dma_wait3A_418 = arith.constant 0 : i32
      %dma_wait3A_419 = tpu.memref_slice %arg4[%arg1, %add3A_408, %dma_wait3A_418] : memref<16x250x80xi32, #tpu.memory_space<hbm>> -> memref<1x1x80xi32, #tpu.memory_space<hbm>>
      %dma_wait3A_420 = tpu.memref_squeeze %dma_wait3A_419 : memref<1x1x80xi32, #tpu.memory_space<hbm>> -> memref<80xi32, #tpu.memory_space<hbm>>
      %dma_wait3A_421 = arith.constant 0 : i32
      %dma_wait3A_422 = tpu.memref_slice %arg4[%arg1, %add3A_408, %dma_wait3A_421] : memref<16x250x80xi32, #tpu.memory_space<hbm>> -> memref<1x1x80xi32, #tpu.memory_space<hbm>>
      %dma_wait3A_423 = tpu.memref_squeeze %dma_wait3A_422 : memref<1x1x80xi32, #tpu.memory_space<hbm>> -> memref<80xi32, #tpu.memory_space<hbm>>
      tpu.wait_dma2 semaphore(%arg44 : memref<!tpu.dma_semaphore, #tpu.memory_space<semaphore_mem>>) src(%dma_wait3A_423 : memref<80xi32, #tpu.memory_space<hbm>>) dst(%arg23 : memref<80xi32, #tpu.memory_space<vmem>>)
      %scan3A_424 = arith.constant 0 : i32
      %scan3A_425 = arith.constant 0 : i32
      %scan3A_426 = arith.constant 20 : i32
      %scan3A_427 = arith.addi %scan3A_425, %scan3A_426 : i32
      %scan3A_428 = arith.constant 1 : i32
      %scan3A_429 = scf.for %scan3A_478 = %scan3A_425 to %scan3A_427 step %scan3A_428 iter_args(%scan3A_479 = %scan3A_424) -> (i32)  : i32 {
        %mul3A_480 = arith.constant 4 : i32
        %mul3A_481 = arith.muli %scan3A_478, %mul3A_480 : i32
        %add3A_482 = arith.constant 0 : i32
        %add3A_483 = arith.addi %mul3A_481, %add3A_482 : i32
        %get3A = arith.index_cast %add3A_483 : i32 to index
        %get3A_484 = arith.constant 0 : index
        %get3A_485 = tpu.vector_load %arg20[%get3A, %get3A_484] {strides = array<i32>} : memref<80x64xf32, #tpu.memory_space<vmem>>, vector<1x16xf32>,
        %get3A_486 = vector.shape_cast %get3A_485 : vector<1x16xf32> to vector<16xf32>
        %get3A_487 = arith.index_cast %add3A_483 : i32 to index
        %get3A_488 = arith.constant 0 : index
        %get3A_489 = tpu.vector_load %arg21[%get3A_487, %get3A_488] {strides = array<i32>} : memref<80x64xf32, #tpu.memory_space<vmem>>, vector<1x16xf32>,
        %get3A_490 = vector.shape_cast %get3A_489 : vector<1x16xf32> to vector<16xf32>
        %mul3A_491 = arith.mulf %get3A_486, %get3A_490 : vector<16xf32>
        %swap3A_492 = arith.index_cast %add3A_483 : i32 to index
        %swap3A_493 = arith.constant 0 : index
        %swap3A_494 = tpu.vector_load %arg20[%swap3A_492, %swap3A_493] {strides = array<i32>} : memref<80x64xf32, #tpu.memory_space<vmem>>, vector<1x16xf32>,
        %swap3A_495 = vector.shape_cast %swap3A_494 : vector<1x16xf32> to vector<16xf32>
        %swap3A_496 = vector.shape_cast %mul3A_491 : vector<16xf32> to vector<1x16xf32>
        tpu.vector_store %arg20[%swap3A_492, %swap3A_493], %swap3A_496 {strides = array<i32>} : memref<80x64xf32, #tpu.memory_space<vmem>>, vector<1x16xf32>,
        %mul3A_497 = arith.constant 4 : i32
        %mul3A_498 = arith.muli %scan3A_478, %mul3A_497 : i32
        %add3A_499 = arith.constant 0 : i32
        %add3A_500 = arith.addi %mul3A_498, %add3A_499 : i32
        %get3A_501 = arith.index_cast %add3A_500 : i32 to index
        %get3A_502 = arith.constant 16 : index
        %get3A_503 = tpu.vector_load %arg20[%get3A_501, %get3A_502] {strides = array<i32>} : memref<80x64xf32, #tpu.memory_space<vmem>>, vector<1x16xf32>,
        %get3A_504 = vector.shape_cast %get3A_503 : vector<1x16xf32> to vector<16xf32>
        %get3A_505 = arith.index_cast %add3A_500 : i32 to index
        %get3A_506 = arith.constant 16 : index
        %get3A_507 = tpu.vector_load %arg21[%get3A_505, %get3A_506] {strides = array<i32>} : memref<80x64xf32, #tpu.memory_space<vmem>>, vector<1x16xf32>,
        %get3A_508 = vector.shape_cast %get3A_507 : vector<1x16xf32> to vector<16xf32>
        %mul3A_509 = arith.mulf %get3A_504, %get3A_508 : vector<16xf32>
        %swap3A_510 = arith.index_cast %add3A_500 : i32 to index
        %swap3A_511 = arith.constant 16 : index
        %swap3A_512 = tpu.vector_load %arg20[%swap3A_510, %swap3A_511] {strides = array<i32>} : memref<80x64xf32, #tpu.memory_space<vmem>>, vector<1x16xf32>,
        %swap3A_513 = vector.shape_cast %swap3A_512 : vector<1x16xf32> to vector<16xf32>
        %swap3A_514 = vector.shape_cast %mul3A_509 : vector<16xf32> to vector<1x16xf32>
        tpu.vector_store %arg20[%swap3A_510, %swap3A_511], %swap3A_514 {strides = array<i32>} : memref<80x64xf32, #tpu.memory_space<vmem>>, vector<1x16xf32>,
        %mul3A_515 = arith.constant 4 : i32
        %mul3A_516 = arith.muli %scan3A_478, %mul3A_515 : i32
        %add3A_517 = arith.constant 0 : i32
        %add3A_518 = arith.addi %mul3A_516, %add3A_517 : i32
        %get3A_519 = arith.index_cast %add3A_518 : i32 to index
        %get3A_520 = arith.constant 32 : index
        %get3A_521 = tpu.vector_load %arg20[%get3A_519, %get3A_520] {strides = array<i32>} : memref<80x64xf32, #tpu.memory_space<vmem>>, vector<1x16xf32>,
        %get3A_522 = vector.shape_cast %get3A_521 : vector<1x16xf32> to vector<16xf32>
        %get3A_523 = arith.index_cast %add3A_518 : i32 to index
        %get3A_524 = arith.constant 32 : index
        %get3A_525 = tpu.vector_load %arg21[%get3A_523, %get3A_524] {strides = array<i32>} : memref<80x64xf32, #tpu.memory_space<vmem>>, vector<1x16xf32>,
        %get3A_526 = vector.shape_cast %get3A_525 : vector<1x16xf32> to vector<16xf32>
        %mul3A_527 = arith.mulf %get3A_522, %get3A_526 : vector<16xf32>
        %swap3A_528 = arith.index_cast %add3A_518 : i32 to index
        %swap3A_529 = arith.constant 32 : index
        %swap3A_530 = tpu.vector_load %arg20[%swap3A_528, %swap3A_529] {strides = array<i32>} : memref<80x64xf32, #tpu.memory_space<vmem>>, vector<1x16xf32>,
        %swap3A_531 = vector.shape_cast %swap3A_530 : vector<1x16xf32> to vector<16xf32>
        %swap3A_532 = vector.shape_cast %mul3A_527 : vector<16xf32> to vector<1x16xf32>
        tpu.vector_store %arg20[%swap3A_528, %swap3A_529], %swap3A_532 {strides = array<i32>} : memref<80x64xf32, #tpu.memory_space<vmem>>, vector<1x16xf32>,
        %mul3A_533 = arith.constant 4 : i32
        %mul3A_534 = arith.muli %scan3A_478, %mul3A_533 : i32
        %add3A_535 = arith.constant 0 : i32
        %add3A_536 = arith.addi %mul3A_534, %add3A_535 : i32
        %get3A_537 = arith.index_cast %add3A_536 : i32 to index
        %get3A_538 = arith.constant 48 : index
        %get3A_539 = tpu.vector_load %arg20[%get3A_537, %get3A_538] {strides = array<i32>} : memref<80x64xf32, #tpu.memory_space<vmem>>, vector<1x16xf32>,
        %get3A_540 = vector.shape_cast %get3A_539 : vector<1x16xf32> to vector<16xf32>
        %get3A_541 = arith.index_cast %add3A_536 : i32 to index
        %get3A_542 = arith.constant 48 : index
        %get3A_543 = tpu.vector_load %arg21[%get3A_541, %get3A_542] {strides = array<i32>} : memref<80x64xf32, #tpu.memory_space<vmem>>, vector<1x16xf32>,
        %get3A_544 = vector.shape_cast %get3A_543 : vector<1x16xf32> to vector<16xf32>
        %mul3A_545 = arith.mulf %get3A_540, %get3A_544 : vector<16xf32>
        %swap3A_546 = arith.index_cast %add3A_536 : i32 to index
        %swap3A_547 = arith.constant 48 : index
        %swap3A_548 = tpu.vector_load %arg20[%swap3A_546, %swap3A_547] {strides = array<i32>} : memref<80x64xf32, #tpu.memory_space<vmem>>, vector<1x16xf32>,
        %swap3A_549 = vector.shape_cast %swap3A_548 : vector<1x16xf32> to vector<16xf32>
        %swap3A_550 = vector.shape_cast %mul3A_545 : vector<16xf32> to vector<1x16xf32>
        tpu.vector_store %arg20[%swap3A_546, %swap3A_547], %swap3A_550 {strides = array<i32>} : memref<80x64xf32, #tpu.memory_space<vmem>>, vector<1x16xf32>,
        %mul3A_551 = arith.constant 4 : i32
        %mul3A_552 = arith.muli %scan3A_478, %mul3A_551 : i32
        %add3A_553 = arith.constant 1 : i32
        %add3A_554 = arith.addi %mul3A_552, %add3A_553 : i32
        %get3A_555 = arith.index_cast %add3A_554 : i32 to index
        %get3A_556 = arith.constant 0 : index
        %get3A_557 = tpu.vector_load %arg20[%get3A_555, %get3A_556] {strides = array<i32>} : memref<80x64xf32, #tpu.memory_space<vmem>>, vector<1x16xf32>,
        %get3A_558 = vector.shape_cast %get3A_557 : vector<1x16xf32> to vector<16xf32>
        %get3A_559 = arith.index_cast %add3A_554 : i32 to index
        %get3A_560 = arith.constant 0 : index
        %get3A_561 = tpu.vector_load %arg21[%get3A_559, %get3A_560] {strides = array<i32>} : memref<80x64xf32, #tpu.memory_space<vmem>>, vector<1x16xf32>,
        %get3A_562 = vector.shape_cast %get3A_561 : vector<1x16xf32> to vector<16xf32>
        %mul3A_563 = arith.mulf %get3A_558, %get3A_562 : vector<16xf32>
        %swap3A_564 = arith.index_cast %add3A_554 : i32 to index
        %swap3A_565 = arith.constant 0 : index
        %swap3A_566 = tpu.vector_load %arg20[%swap3A_564, %swap3A_565] {strides = array<i32>} : memref<80x64xf32, #tpu.memory_space<vmem>>, vector<1x16xf32>,
        %swap3A_567 = vector.shape_cast %swap3A_566 : vector<1x16xf32> to vector<16xf32>
        %swap3A_568 = vector.shape_cast %mul3A_563 : vector<16xf32> to vector<1x16xf32>
        tpu.vector_store %arg20[%swap3A_564, %swap3A_565], %swap3A_568 {strides = array<i32>} : memref<80x64xf32, #tpu.memory_space<vmem>>, vector<1x16xf32>,
        %mul3A_569 = arith.constant 4 : i32
        %mul3A_570 = arith.muli %scan3A_478, %mul3A_569 : i32
        %add3A_571 = arith.constant 1 : i32
        %add3A_572 = arith.addi %mul3A_570, %add3A_571 : i32
        %get3A_573 = arith.index_cast %add3A_572 : i32 to index
        %get3A_574 = arith.constant 16 : index
        %get3A_575 = tpu.vector_load %arg20[%get3A_573, %get3A_574] {strides = array<i32>} : memref<80x64xf32, #tpu.memory_space<vmem>>, vector<1x16xf32>,
        %get3A_576 = vector.shape_cast %get3A_575 : vector<1x16xf32> to vector<16xf32>
        %get3A_577 = arith.index_cast %add3A_572 : i32 to index
        %get3A_578 = arith.constant 16 : index
        %get3A_579 = tpu.vector_load %arg21[%get3A_577, %get3A_578] {strides = array<i32>} : memref<80x64xf32, #tpu.memory_space<vmem>>, vector<1x16xf32>,
        %get3A_580 = vector.shape_cast %get3A_579 : vector<1x16xf32> to vector<16xf32>
        %mul3A_581 = arith.mulf %get3A_576, %get3A_580 : vector<16xf32>
        %swap3A_582 = arith.index_cast %add3A_572 : i32 to index
        %swap3A_583 = arith.constant 16 : index
        %swap3A_584 = tpu.vector_load %arg20[%swap3A_582, %swap3A_583] {strides = array<i32>} : memref<80x64xf32, #tpu.memory_space<vmem>>, vector<1x16xf32>,
        %swap3A_585 = vector.shape_cast %swap3A_584 : vector<1x16xf32> to vector<16xf32>
        %swap3A_586 = vector.shape_cast %mul3A_581 : vector<16xf32> to vector<1x16xf32>
        tpu.vector_store %arg20[%swap3A_582, %swap3A_583], %swap3A_586 {strides = array<i32>} : memref<80x64xf32, #tpu.memory_space<vmem>>, vector<1x16xf32>,
        %mul3A_587 = arith.constant 4 : i32
        %mul3A_588 = arith.muli %scan3A_478, %mul3A_587 : i32
        %add3A_589 = arith.constant 1 : i32
        %add3A_590 = arith.addi %mul3A_588, %add3A_589 : i32
        %get3A_591 = arith.index_cast %add3A_590 : i32 to index
        %get3A_592 = arith.constant 32 : index
        %get3A_593 = tpu.vector_load %arg20[%get3A_591, %get3A_592] {strides = array<i32>} : memref<80x64xf32, #tpu.memory_space<vmem>>, vector<1x16xf32>,
        %get3A_594 = vector.shape_cast %get3A_593 : vector<1x16xf32> to vector<16xf32>
        %get3A_595 = arith.index_cast %add3A_590 : i32 to index
        %get3A_596 = arith.constant 32 : index
        %get3A_597 = tpu.vector_load %arg21[%get3A_595, %get3A_596] {strides = array<i32>} : memref<80x64xf32, #tpu.memory_space<vmem>>, vector<1x16xf32>,
        %get3A_598 = vector.shape_cast %get3A_597 : vector<1x16xf32> to vector<16xf32>
        %mul3A_599 = arith.mulf %get3A_594, %get3A_598 : vector<16xf32>
        %swap3A_600 = arith.index_cast %add3A_590 : i32 to index
        %swap3A_601 = arith.constant 32 : index
        %swap3A_602 = tpu.vector_load %arg20[%swap3A_600, %swap3A_601] {strides = array<i32>} : memref<80x64xf32, #tpu.memory_space<vmem>>, vector<1x16xf32>,
        %swap3A_603 = vector.shape_cast %swap3A_602 : vector<1x16xf32> to vector<16xf32>
        %swap3A_604 = vector.shape_cast %mul3A_599 : vector<16xf32> to vector<1x16xf32>
        tpu.vector_store %arg20[%swap3A_600, %swap3A_601], %swap3A_604 {strides = array<i32>} : memref<80x64xf32, #tpu.memory_space<vmem>>, vector<1x16xf32>,
        %mul3A_605 = arith.constant 4 : i32
        %mul3A_606 = arith.muli %scan3A_478, %mul3A_605 : i32
        %add3A_607 = arith.constant 1 : i32
        %add3A_608 = arith.addi %mul3A_606, %add3A_607 : i32
        %get3A_609 = arith.index_cast %add3A_608 : i32 to index
        %get3A_610 = arith.constant 48 : index
        %get3A_611 = tpu.vector_load %arg20[%get3A_609, %get3A_610] {strides = array<i32>} : memref<80x64xf32, #tpu.memory_space<vmem>>, vector<1x16xf32>,
        %get3A_612 = vector.shape_cast %get3A_611 : vector<1x16xf32> to vector<16xf32>
        %get3A_613 = arith.index_cast %add3A_608 : i32 to index
        %get3A_614 = arith.constant 48 : index
        %get3A_615 = tpu.vector_load %arg21[%get3A_613, %get3A_614] {strides = array<i32>} : memref<80x64xf32, #tpu.memory_space<vmem>>, vector<1x16xf32>,
        %get3A_616 = vector.shape_cast %get3A_615 : vector<1x16xf32> to vector<16xf32>
        %mul3A_617 = arith.mulf %get3A_612, %get3A_616 : vector<16xf32>
        %swap3A_618 = arith.index_cast %add3A_608 : i32 to index
        %swap3A_619 = arith.constant 48 : index
        %swap3A_620 = tpu.vector_load %arg20[%swap3A_618, %swap3A_619] {strides = array<i32>} : memref<80x64xf32, #tpu.memory_space<vmem>>, vector<1x16xf32>,
        %swap3A_621 = vector.shape_cast %swap3A_620 : vector<1x16xf32> to vector<16xf32>
        %swap3A_622 = vector.shape_cast %mul3A_617 : vector<16xf32> to vector<1x16xf32>
        tpu.vector_store %arg20[%swap3A_618, %swap3A_619], %swap3A_622 {strides = array<i32>} : memref<80x64xf32, #tpu.memory_space<vmem>>, vector<1x16xf32>,
        %mul3A_623 = arith.constant 4 : i32
        %mul3A_624 = arith.muli %scan3A_478, %mul3A_623 : i32
        %add3A_625 = arith.constant 2 : i32
        %add3A_626 = arith.addi %mul3A_624, %add3A_625 : i32
        %get3A_627 = arith.index_cast %add3A_626 : i32 to index
        %get3A_628 = arith.constant 0 : index
        %get3A_629 = tpu.vector_load %arg20[%get3A_627, %get3A_628] {strides = array<i32>} : memref<80x64xf32, #tpu.memory_space<vmem>>, vector<1x16xf32>,
        %get3A_630 = vector.shape_cast %get3A_629 : vector<1x16xf32> to vector<16xf32>
        %get3A_631 = arith.index_cast %add3A_626 : i32 to index
        %get3A_632 = arith.constant 0 : index
        %get3A_633 = tpu.vector_load %arg21[%get3A_631, %get3A_632] {strides = array<i32>} : memref<80x64xf32, #tpu.memory_space<vmem>>, vector<1x16xf32>,
        %get3A_634 = vector.shape_cast %get3A_633 : vector<1x16xf32> to vector<16xf32>
        %mul3A_635 = arith.mulf %get3A_630, %get3A_634 : vector<16xf32>
        %swap3A_636 = arith.index_cast %add3A_626 : i32 to index
        %swap3A_637 = arith.constant 0 : index
        %swap3A_638 = tpu.vector_load %arg20[%swap3A_636, %swap3A_637] {strides = array<i32>} : memref<80x64xf32, #tpu.memory_space<vmem>>, vector<1x16xf32>,
        %swap3A_639 = vector.shape_cast %swap3A_638 : vector<1x16xf32> to vector<16xf32>
        %swap3A_640 = vector.shape_cast %mul3A_635 : vector<16xf32> to vector<1x16xf32>
        tpu.vector_store %arg20[%swap3A_636, %swap3A_637], %swap3A_640 {strides = array<i32>} : memref<80x64xf32, #tpu.memory_space<vmem>>, vector<1x16xf32>,
        %mul3A_641 = arith.constant 4 : i32
        %mul3A_642 = arith.muli %scan3A_478, %mul3A_641 : i32
        %add3A_643 = arith.constant 2 : i32
        %add3A_644 = arith.addi %mul3A_642, %add3A_643 : i32
        %get3A_645 = arith.index_cast %add3A_644 : i32 to index
        %get3A_646 = arith.constant 16 : index
        %get3A_647 = tpu.vector_load %arg20[%get3A_645, %get3A_646] {strides = array<i32>} : memref<80x64xf32, #tpu.memory_space<vmem>>, vector<1x16xf32>,
        %get3A_648 = vector.shape_cast %get3A_647 : vector<1x16xf32> to vector<16xf32>
        %get3A_649 = arith.index_cast %add3A_644 : i32 to index
        %get3A_650 = arith.constant 16 : index
        %get3A_651 = tpu.vector_load %arg21[%get3A_649, %get3A_650] {strides = array<i32>} : memref<80x64xf32, #tpu.memory_space<vmem>>, vector<1x16xf32>,
        %get3A_652 = vector.shape_cast %get3A_651 : vector<1x16xf32> to vector<16xf32>
        %mul3A_653 = arith.mulf %get3A_648, %get3A_652 : vector<16xf32>
        %swap3A_654 = arith.index_cast %add3A_644 : i32 to index
        %swap3A_655 = arith.constant 16 : index
        %swap3A_656 = tpu.vector_load %arg20[%swap3A_654, %swap3A_655] {strides = array<i32>} : memref<80x64xf32, #tpu.memory_space<vmem>>, vector<1x16xf32>,
        %swap3A_657 = vector.shape_cast %swap3A_656 : vector<1x16xf32> to vector<16xf32>
        %swap3A_658 = vector.shape_cast %mul3A_653 : vector<16xf32> to vector<1x16xf32>
        tpu.vector_store %arg20[%swap3A_654, %swap3A_655], %swap3A_658 {strides = array<i32>} : memref<80x64xf32, #tpu.memory_space<vmem>>, vector<1x16xf32>,
        %mul3A_659 = arith.constant 4 : i32
        %mul3A_660 = arith.muli %scan3A_478, %mul3A_659 : i32
        %add3A_661 = arith.constant 2 : i32
        %add3A_662 = arith.addi %mul3A_660, %add3A_661 : i32
        %get3A_663 = arith.index_cast %add3A_662 : i32 to index
        %get3A_664 = arith.constant 32 : index
        %get3A_665 = tpu.vector_load %arg20[%get3A_663, %get3A_664] {strides = array<i32>} : memref<80x64xf32, #tpu.memory_space<vmem>>, vector<1x16xf32>,
        %get3A_666 = vector.shape_cast %get3A_665 : vector<1x16xf32> to vector<16xf32>
        %get3A_667 = arith.index_cast %add3A_662 : i32 to index
        %get3A_668 = arith.constant 32 : index
        %get3A_669 = tpu.vector_load %arg21[%get3A_667, %get3A_668] {strides = array<i32>} : memref<80x64xf32, #tpu.memory_space<vmem>>, vector<1x16xf32>,
        %get3A_670 = vector.shape_cast %get3A_669 : vector<1x16xf32> to vector<16xf32>
        %mul3A_671 = arith.mulf %get3A_666, %get3A_670 : vector<16xf32>
        %swap3A_672 = arith.index_cast %add3A_662 : i32 to index
        %swap3A_673 = arith.constant 32 : index
        %swap3A_674 = tpu.vector_load %arg20[%swap3A_672, %swap3A_673] {strides = array<i32>} : memref<80x64xf32, #tpu.memory_space<vmem>>, vector<1x16xf32>,
        %swap3A_675 = vector.shape_cast %swap3A_674 : vector<1x16xf32> to vector<16xf32>
        %swap3A_676 = vector.shape_cast %mul3A_671 : vector<16xf32> to vector<1x16xf32>
        tpu.vector_store %arg20[%swap3A_672, %swap3A_673], %swap3A_676 {strides = array<i32>} : memref<80x64xf32, #tpu.memory_space<vmem>>, vector<1x16xf32>,
        %mul3A_677 = arith.constant 4 : i32
        %mul3A_678 = arith.muli %scan3A_478, %mul3A_677 : i32
        %add3A_679 = arith.constant 2 : i32
        %add3A_680 = arith.addi %mul3A_678, %add3A_679 : i32
        %get3A_681 = arith.index_cast %add3A_680 : i32 to index
        %get3A_682 = arith.constant 48 : index
        %get3A_683 = tpu.vector_load %arg20[%get3A_681, %get3A_682] {strides = array<i32>} : memref<80x64xf32, #tpu.memory_space<vmem>>, vector<1x16xf32>,
        %get3A_684 = vector.shape_cast %get3A_683 : vector<1x16xf32> to vector<16xf32>
        %get3A_685 = arith.index_cast %add3A_680 : i32 to index
        %get3A_686 = arith.constant 48 : index
        %get3A_687 = tpu.vector_load %arg21[%get3A_685, %get3A_686] {strides = array<i32>} : memref<80x64xf32, #tpu.memory_space<vmem>>, vector<1x16xf32>,
        %get3A_688 = vector.shape_cast %get3A_687 : vector<1x16xf32> to vector<16xf32>
        %mul3A_689 = arith.mulf %get3A_684, %get3A_688 : vector<16xf32>
        %swap3A_690 = arith.index_cast %add3A_680 : i32 to index
        %swap3A_691 = arith.constant 48 : index
        %swap3A_692 = tpu.vector_load %arg20[%swap3A_690, %swap3A_691] {strides = array<i32>} : memref<80x64xf32, #tpu.memory_space<vmem>>, vector<1x16xf32>,
        %swap3A_693 = vector.shape_cast %swap3A_692 : vector<1x16xf32> to vector<16xf32>
        %swap3A_694 = vector.shape_cast %mul3A_689 : vector<16xf32> to vector<1x16xf32>
        tpu.vector_store %arg20[%swap3A_690, %swap3A_691], %swap3A_694 {strides = array<i32>} : memref<80x64xf32, #tpu.memory_space<vmem>>, vector<1x16xf32>,
        %mul3A_695 = arith.constant 4 : i32
        %mul3A_696 = arith.muli %scan3A_478, %mul3A_695 : i32
        %add3A_697 = arith.constant 3 : i32
        %add3A_698 = arith.addi %mul3A_696, %add3A_697 : i32
        %get3A_699 = arith.index_cast %add3A_698 : i32 to index
        %get3A_700 = arith.constant 0 : index
        %get3A_701 = tpu.vector_load %arg20[%get3A_699, %get3A_700] {strides = array<i32>} : memref<80x64xf32, #tpu.memory_space<vmem>>, vector<1x16xf32>,
        %get3A_702 = vector.shape_cast %get3A_701 : vector<1x16xf32> to vector<16xf32>
        %get3A_703 = arith.index_cast %add3A_698 : i32 to index
        %get3A_704 = arith.constant 0 : index
        %get3A_705 = tpu.vector_load %arg21[%get3A_703, %get3A_704] {strides = array<i32>} : memref<80x64xf32, #tpu.memory_space<vmem>>, vector<1x16xf32>,
        %get3A_706 = vector.shape_cast %get3A_705 : vector<1x16xf32> to vector<16xf32>
        %mul3A_707 = arith.mulf %get3A_702, %get3A_706 : vector<16xf32>
        %swap3A_708 = arith.index_cast %add3A_698 : i32 to index
        %swap3A_709 = arith.constant 0 : index
        %swap3A_710 = tpu.vector_load %arg20[%swap3A_708, %swap3A_709] {strides = array<i32>} : memref<80x64xf32, #tpu.memory_space<vmem>>, vector<1x16xf32>,
        %swap3A_711 = vector.shape_cast %swap3A_710 : vector<1x16xf32> to vector<16xf32>
        %swap3A_712 = vector.shape_cast %mul3A_707 : vector<16xf32> to vector<1x16xf32>
        tpu.vector_store %arg20[%swap3A_708, %swap3A_709], %swap3A_712 {strides = array<i32>} : memref<80x64xf32, #tpu.memory_space<vmem>>, vector<1x16xf32>,
        %mul3A_713 = arith.constant 4 : i32
        %mul3A_714 = arith.muli %scan3A_478, %mul3A_713 : i32
        %add3A_715 = arith.constant 3 : i32
        %add3A_716 = arith.addi %mul3A_714, %add3A_715 : i32
        %get3A_717 = arith.index_cast %add3A_716 : i32 to index
        %get3A_718 = arith.constant 16 : index
        %get3A_719 = tpu.vector_load %arg20[%get3A_717, %get3A_718] {strides = array<i32>} : memref<80x64xf32, #tpu.memory_space<vmem>>, vector<1x16xf32>,
        %get3A_720 = vector.shape_cast %get3A_719 : vector<1x16xf32> to vector<16xf32>
        %get3A_721 = arith.index_cast %add3A_716 : i32 to index
        %get3A_722 = arith.constant 16 : index
        %get3A_723 = tpu.vector_load %arg21[%get3A_721, %get3A_722] {strides = array<i32>} : memref<80x64xf32, #tpu.memory_space<vmem>>, vector<1x16xf32>,
        %get3A_724 = vector.shape_cast %get3A_723 : vector<1x16xf32> to vector<16xf32>
        %mul3A_725 = arith.mulf %get3A_720, %get3A_724 : vector<16xf32>
        %swap3A_726 = arith.index_cast %add3A_716 : i32 to index
        %swap3A_727 = arith.constant 16 : index
        %swap3A_728 = tpu.vector_load %arg20[%swap3A_726, %swap3A_727] {strides = array<i32>} : memref<80x64xf32, #tpu.memory_space<vmem>>, vector<1x16xf32>,
        %swap3A_729 = vector.shape_cast %swap3A_728 : vector<1x16xf32> to vector<16xf32>
        %swap3A_730 = vector.shape_cast %mul3A_725 : vector<16xf32> to vector<1x16xf32>
        tpu.vector_store %arg20[%swap3A_726, %swap3A_727], %swap3A_730 {strides = array<i32>} : memref<80x64xf32, #tpu.memory_space<vmem>>, vector<1x16xf32>,
        %mul3A_731 = arith.constant 4 : i32
        %mul3A_732 = arith.muli %scan3A_478, %mul3A_731 : i32
        %add3A_733 = arith.constant 3 : i32
        %add3A_734 = arith.addi %mul3A_732, %add3A_733 : i32
        %get3A_735 = arith.index_cast %add3A_734 : i32 to index
        %get3A_736 = arith.constant 32 : index
        %get3A_737 = tpu.vector_load %arg20[%get3A_735, %get3A_736] {strides = array<i32>} : memref<80x64xf32, #tpu.memory_space<vmem>>, vector<1x16xf32>,
        %get3A_738 = vector.shape_cast %get3A_737 : vector<1x16xf32> to vector<16xf32>
        %get3A_739 = arith.index_cast %add3A_734 : i32 to index
        %get3A_740 = arith.constant 32 : index
        %get3A_741 = tpu.vector_load %arg21[%get3A_739, %get3A_740] {strides = array<i32>} : memref<80x64xf32, #tpu.memory_space<vmem>>, vector<1x16xf32>,
        %get3A_742 = vector.shape_cast %get3A_741 : vector<1x16xf32> to vector<16xf32>
        %mul3A_743 = arith.mulf %get3A_738, %get3A_742 : vector<16xf32>
        %swap3A_744 = arith.index_cast %add3A_734 : i32 to index
        %swap3A_745 = arith.constant 32 : index
        %swap3A_746 = tpu.vector_load %arg20[%swap3A_744, %swap3A_745] {strides = array<i32>} : memref<80x64xf32, #tpu.memory_space<vmem>>, vector<1x16xf32>,
        %swap3A_747 = vector.shape_cast %swap3A_746 : vector<1x16xf32> to vector<16xf32>
        %swap3A_748 = vector.shape_cast %mul3A_743 : vector<16xf32> to vector<1x16xf32>
        tpu.vector_store %arg20[%swap3A_744, %swap3A_745], %swap3A_748 {strides = array<i32>} : memref<80x64xf32, #tpu.memory_space<vmem>>, vector<1x16xf32>,
        %mul3A_749 = arith.constant 4 : i32
        %mul3A_750 = arith.muli %scan3A_478, %mul3A_749 : i32
        %add3A_751 = arith.constant 3 : i32
        %add3A_752 = arith.addi %mul3A_750, %add3A_751 : i32
        %get3A_753 = arith.index_cast %add3A_752 : i32 to index
        %get3A_754 = arith.constant 48 : index
        %get3A_755 = tpu.vector_load %arg20[%get3A_753, %get3A_754] {strides = array<i32>} : memref<80x64xf32, #tpu.memory_space<vmem>>, vector<1x16xf32>,
        %get3A_756 = vector.shape_cast %get3A_755 : vector<1x16xf32> to vector<16xf32>
        %get3A_757 = arith.index_cast %add3A_752 : i32 to index
        %get3A_758 = arith.constant 48 : index
        %get3A_759 = tpu.vector_load %arg21[%get3A_757, %get3A_758] {strides = array<i32>} : memref<80x64xf32, #tpu.memory_space<vmem>>, vector<1x16xf32>,
        %get3A_760 = vector.shape_cast %get3A_759 : vector<1x16xf32> to vector<16xf32>
        %mul3A_761 = arith.mulf %get3A_756, %get3A_760 : vector<16xf32>
        %swap3A_762 = arith.index_cast %add3A_752 : i32 to index
        %swap3A_763 = arith.constant 48 : index
        %swap3A_764 = tpu.vector_load %arg20[%swap3A_762, %swap3A_763] {strides = array<i32>} : memref<80x64xf32, #tpu.memory_space<vmem>>, vector<1x16xf32>,
        %swap3A_765 = vector.shape_cast %swap3A_764 : vector<1x16xf32> to vector<16xf32>
        %swap3A_766 = vector.shape_cast %mul3A_761 : vector<16xf32> to vector<1x16xf32>
        tpu.vector_store %arg20[%swap3A_762, %swap3A_763], %swap3A_766 {strides = array<i32>} : memref<80x64xf32, #tpu.memory_space<vmem>>, vector<1x16xf32>,
        %scan3A_767 = arith.constant 0 : i32
        scf.yield %scan3A_767 : i32
      }
      %scan3A_430 = arith.constant 20 : i32
      %dma_start3A_431 = arith.constant 0 : i32
      %dma_start3A_432 = arith.constant 0 : i32
      %dma_start3A_433 = tpu.memref_slice %arg29[%dma_start3A_431, %dma_start3A_432] : memref<10240x64xf32, #tpu.memory_space<vmem_shared>> -> memref<10240x64xf32, #tpu.memory_space<vmem_shared>>
      tpu.enqueue_indirect_dma source(%arg20 : memref<80x64xf32, #tpu.memory_space<vmem>>) target(%dma_start3A_433 : memref<10240x64xf32, #tpu.memory_space<vmem_shared>>) offsets(%arg23 : memref<80xi32, #tpu.memory_space<vmem>>) semaphore(%arg45 : memref<!tpu.dma_semaphore, #tpu.memory_space<semaphore_mem>>) {add = true}
      %add3A_434 = arith.constant 4 : i32
      %add3A_435 = arith.addi %add3A_408, %add3A_434 : i32
      %lt3A_436 = arith.constant 250 : i32
      %lt3A_437 = arith.cmpi slt, %add3A_435, %lt3A_436 : i32
      %convert_element_type3A_438 = arith.extui %lt3A_437 : i1 to i32
      %cond3A_439 = arith.constant 0 : i32
      %cond3A_440 = arith.cmpi ne, %convert_element_type3A_438, %cond3A_439 : i32
      scf.if %cond3A_440 {
        %gt3A = arith.constant 0 : i32
        %gt3A_478 = arith.cmpi sgt, %add3A_408, %gt3A : i32
        %convert_element_type3A_479 = arith.extui %gt3A_478 : i1 to i32
        %cond3A_480 = arith.constant 0 : i32
        %cond3A_481 = arith.cmpi ne, %convert_element_type3A_479, %cond3A_480 : i32
        scf.if %cond3A_481 {
          %dma_wait3A_542 = arith.constant 0 : i32
          %dma_wait3A_543 = arith.constant 0 : i32
          %dma_wait3A_544 = tpu.memref_slice %arg29[%dma_wait3A_542, %dma_wait3A_543] : memref<10240x64xf32, #tpu.memory_space<vmem_shared>> -> memref<10240x64xf32, #tpu.memory_space<vmem_shared>>
          tpu.wait_indirect_dma semaphore(%arg41 : memref<!tpu.dma_semaphore, #tpu.memory_space<semaphore_mem>>) src(%arg16 : memref<80x64xf32, #tpu.memory_space<vmem>>) dst(%dma_wait3A_544 : memref<10240x64xf32, #tpu.memory_space<vmem_shared>>)
        } else {
        }
        %add3A_482 = arith.constant 4 : i32
        %add3A_483 = arith.addi %add3A_408, %add3A_482 : i32
        %mul3A_484 = arith.constant 160 : i32
        %mul3A_485 = arith.muli %add3A_483, %mul3A_484 : i32
        %add3A_486 = arith.addi %add3A_41, %mul3A_485 : i32
        %add3A_487 = arith.constant 0 : i32
        %add3A_488 = arith.addi %add3A_486, %add3A_487 : i32
        %add3A_489 = vector.broadcast %add3A_488 : i32 to vector<16xi32>
        %add3A_490 = arith.addi %mul3A_29, %add3A_489 : vector<16xi32>
        %swap3A_491 = arith.constant 0 : index
        %swap3A_492 = tpu.vector_load %arg18[%swap3A_491] {strides = array<i32>} : memref<80xi32, #tpu.memory_space<vmem>>, vector<16xi32>,
        %swap3A_493 = vector.shape_cast %swap3A_492 : vector<16xi32> to vector<16xi32>
        %swap3A_494 = vector.shape_cast %add3A_490 : vector<16xi32> to vector<16xi32>
        tpu.vector_store %arg18[%swap3A_491], %swap3A_494 {strides = array<i32>} : memref<80xi32, #tpu.memory_space<vmem>>, vector<16xi32>,
        %add3A_495 = arith.constant 32 : i32
        %add3A_496 = arith.addi %add3A_486, %add3A_495 : i32
        %add3A_497 = vector.broadcast %add3A_496 : i32 to vector<16xi32>
        %add3A_498 = arith.addi %mul3A_29, %add3A_497 : vector<16xi32>
        %swap3A_499 = arith.constant 16 : index
        %swap3A_500 = tpu.vector_load %arg18[%swap3A_499] {strides = array<i32>} : memref<80xi32, #tpu.memory_space<vmem>>, vector<16xi32>,
        %swap3A_501 = vector.shape_cast %swap3A_500 : vector<16xi32> to vector<16xi32>
        %swap3A_502 = vector.shape_cast %add3A_498 : vector<16xi32> to vector<16xi32>
        tpu.vector_store %arg18[%swap3A_499], %swap3A_502 {strides = array<i32>} : memref<80xi32, #tpu.memory_space<vmem>>, vector<16xi32>,
        %add3A_503 = arith.constant 64 : i32
        %add3A_504 = arith.addi %add3A_486, %add3A_503 : i32
        %add3A_505 = vector.broadcast %add3A_504 : i32 to vector<16xi32>
        %add3A_506 = arith.addi %mul3A_29, %add3A_505 : vector<16xi32>
        %swap3A_507 = arith.constant 32 : index
        %swap3A_508 = tpu.vector_load %arg18[%swap3A_507] {strides = array<i32>} : memref<80xi32, #tpu.memory_space<vmem>>, vector<16xi32>,
        %swap3A_509 = vector.shape_cast %swap3A_508 : vector<16xi32> to vector<16xi32>
        %swap3A_510 = vector.shape_cast %add3A_506 : vector<16xi32> to vector<16xi32>
        tpu.vector_store %arg18[%swap3A_507], %swap3A_510 {strides = array<i32>} : memref<80xi32, #tpu.memory_space<vmem>>, vector<16xi32>,
        %add3A_511 = arith.constant 96 : i32
        %add3A_512 = arith.addi %add3A_486, %add3A_511 : i32
        %add3A_513 = vector.broadcast %add3A_512 : i32 to vector<16xi32>
        %add3A_514 = arith.addi %mul3A_29, %add3A_513 : vector<16xi32>
        %swap3A_515 = arith.constant 48 : index
        %swap3A_516 = tpu.vector_load %arg18[%swap3A_515] {strides = array<i32>} : memref<80xi32, #tpu.memory_space<vmem>>, vector<16xi32>,
        %swap3A_517 = vector.shape_cast %swap3A_516 : vector<16xi32> to vector<16xi32>
        %swap3A_518 = vector.shape_cast %add3A_514 : vector<16xi32> to vector<16xi32>
        tpu.vector_store %arg18[%swap3A_515], %swap3A_518 {strides = array<i32>} : memref<80xi32, #tpu.memory_space<vmem>>, vector<16xi32>,
        %add3A_519 = arith.constant 128 : i32
        %add3A_520 = arith.addi %add3A_486, %add3A_519 : i32
        %add3A_521 = vector.broadcast %add3A_520 : i32 to vector<16xi32>
        %add3A_522 = arith.addi %mul3A_29, %add3A_521 : vector<16xi32>
        %swap3A_523 = arith.constant 64 : index
        %swap3A_524 = tpu.vector_load %arg18[%swap3A_523] {strides = array<i32>} : memref<80xi32, #tpu.memory_space<vmem>>, vector<16xi32>,
        %swap3A_525 = vector.shape_cast %swap3A_524 : vector<16xi32> to vector<16xi32>
        %swap3A_526 = vector.shape_cast %add3A_522 : vector<16xi32> to vector<16xi32>
        tpu.vector_store %arg18[%swap3A_523], %swap3A_526 {strides = array<i32>} : memref<80xi32, #tpu.memory_space<vmem>>, vector<16xi32>,
        %dma_start3A_527 = arith.constant 0 : i32
        %dma_start3A_528 = tpu.memref_slice %arg7[%add3A_483, %dma_start3A_527] : memref<250x80xi32, #tpu.memory_space<vmem>> -> memref<1x80xi32, #tpu.memory_space<vmem>>
        %dma_start3A_529 = tpu.memref_squeeze %dma_start3A_528 : memref<1x80xi32, #tpu.memory_space<vmem>> -> memref<80xi32, #tpu.memory_space<vmem>>
        %dma_start3A_530 = arith.constant 0 : i32
        %dma_start3A_531 = arith.constant 0 : i32
        %dma_start3A_532 = tpu.memref_slice %arg2[%dma_start3A_530, %dma_start3A_531] : memref<20000x64xf32, #tpu.memory_space<hbm>> -> memref<20000x64xf32, #tpu.memory_space<hbm>>
        tpu.enqueue_indirect_dma source(%dma_start3A_532 : memref<20000x64xf32, #tpu.memory_space<hbm>>) target(%arg16 : memref<80x64xf32, #tpu.memory_space<vmem>>) offsets(%dma_start3A_529 : memref<80xi32, #tpu.memory_space<vmem>>) semaphore(%arg38 : memref<!tpu.dma_semaphore, #tpu.memory_space<semaphore_mem>>)
        %dma_start3A_533 = arith.constant 0 : i32
        %dma_start3A_534 = arith.constant 0 : i32
        %dma_start3A_535 = tpu.memref_slice %arg3[%dma_start3A_533, %dma_start3A_534] : memref<640000x64xf32, #tpu.memory_space<hbm>> -> memref<640000x64xf32, #tpu.memory_space<hbm>>
        tpu.enqueue_indirect_dma source(%dma_start3A_535 : memref<640000x64xf32, #tpu.memory_space<hbm>>) target(%arg17 : memref<80x64xf32, #tpu.memory_space<vmem>>) offsets(%arg18 : memref<80xi32, #tpu.memory_space<vmem>>) semaphore(%arg39 : memref<!tpu.dma_semaphore, #tpu.memory_space<semaphore_mem>>)
        %dma_start3A_536 = arith.constant 0 : i32
        %dma_start3A_537 = tpu.memref_slice %arg4[%arg1, %add3A_483, %dma_start3A_536] : memref<16x250x80xi32, #tpu.memory_space<hbm>> -> memref<1x1x80xi32, #tpu.memory_space<hbm>>
        %dma_start3A_538 = tpu.memref_squeeze %dma_start3A_537 : memref<1x1x80xi32, #tpu.memory_space<hbm>> -> memref<80xi32, #tpu.memory_space<hbm>>
        %dma_start3A_539 = arith.constant 0 : i32
        %dma_start3A_540 = tpu.memref_slice %arg4[%arg1, %add3A_483, %dma_start3A_539] : memref<16x250x80xi32, #tpu.memory_space<hbm>> -> memref<1x1x80xi32, #tpu.memory_space<hbm>>
        %dma_start3A_541 = tpu.memref_squeeze %dma_start3A_540 : memref<1x1x80xi32, #tpu.memory_space<hbm>> -> memref<80xi32, #tpu.memory_space<hbm>>
        tpu.enqueue_dma source(%dma_start3A_541 : memref<80xi32, #tpu.memory_space<hbm>>) target(%arg19 : memref<80xi32, #tpu.memory_space<vmem>>) target_semaphore(%arg40 : memref<!tpu.dma_semaphore, #tpu.memory_space<semaphore_mem>>)
      } else {
      }
      %mul3A_441 = arith.constant 5 : i32
      %mul3A_442 = arith.muli %scan3A_298, %mul3A_441 : i32
      %add3A_443 = arith.constant 4 : i32
      %add3A_444 = arith.addi %mul3A_442, %add3A_443 : i32
      %dma_wait3A_445 = arith.constant 0 : i32
      %dma_wait3A_446 = tpu.memref_slice %arg7[%add3A_444, %dma_wait3A_445] : memref<250x80xi32, #tpu.memory_space<vmem>> -> memref<1x80xi32, #tpu.memory_space<vmem>>
      %dma_wait3A_447 = tpu.memref_squeeze %dma_wait3A_446 : memref<1x80xi32, #tpu.memory_space<vmem>> -> memref<80xi32, #tpu.memory_space<vmem>>
      %dma_wait3A_448 = arith.constant 0 : i32
      %dma_wait3A_449 = arith.constant 0 : i32
      %dma_wait3A_450 = tpu.memref_slice %arg2[%dma_wait3A_448, %dma_wait3A_449] : memref<20000x64xf32, #tpu.memory_space<hbm>> -> memref<20000x64xf32, #tpu.memory_space<hbm>>
      tpu.wait_indirect_dma semaphore(%arg46 : memref<!tpu.dma_semaphore, #tpu.memory_space<semaphore_mem>>) src(%dma_wait3A_450 : memref<20000x64xf32, #tpu.memory_space<hbm>>) dst(%arg24 : memref<80x64xf32, #tpu.memory_space<vmem>>)
      %dma_wait3A_451 = arith.constant 0 : i32
      %dma_wait3A_452 = arith.constant 0 : i32
      %dma_wait3A_453 = tpu.memref_slice %arg3[%dma_wait3A_451, %dma_wait3A_452] : memref<640000x64xf32, #tpu.memory_space<hbm>> -> memref<640000x64xf32, #tpu.memory_space<hbm>>
      tpu.wait_indirect_dma semaphore(%arg47 : memref<!tpu.dma_semaphore, #tpu.memory_space<semaphore_mem>>) src(%dma_wait3A_453 : memref<640000x64xf32, #tpu.memory_space<hbm>>) dst(%arg25 : memref<80x64xf32, #tpu.memory_space<vmem>>)
      %dma_wait3A_454 = arith.constant 0 : i32
      %dma_wait3A_455 = tpu.memref_slice %arg4[%arg1, %add3A_444, %dma_wait3A_454] : memref<16x250x80xi32, #tpu.memory_space<hbm>> -> memref<1x1x80xi32, #tpu.memory_space<hbm>>
      %dma_wait3A_456 = tpu.memref_squeeze %dma_wait3A_455 : memref<1x1x80xi32, #tpu.memory_space<hbm>> -> memref<80xi32, #tpu.memory_space<hbm>>
      %dma_wait3A_457 = arith.constant 0 : i32
      %dma_wait3A_458 = tpu.memref_slice %arg4[%arg1, %add3A_444, %dma_wait3A_457] : memref<16x250x80xi32, #tpu.memory_space<hbm>> -> memref<1x1x80xi32, #tpu.memory_space<hbm>>
      %dma_wait3A_459 = tpu.memref_squeeze %dma_wait3A_458 : memref<1x1x80xi32, #tpu.memory_space<hbm>> -> memref<80xi32, #tpu.memory_space<hbm>>
      tpu.wait_dma2 semaphore(%arg48 : memref<!tpu.dma_semaphore, #tpu.memory_space<semaphore_mem>>) src(%dma_wait3A_459 : memref<80xi32, #tpu.memory_space<hbm>>) dst(%arg27 : memref<80xi32, #tpu.memory_space<vmem>>)
      %scan3A_460 = arith.constant 0 : i32
      %scan3A_461 = arith.constant 0 : i32
      %scan3A_462 = arith.constant 20 : i32
      %scan3A_463 = arith.addi %scan3A_461, %scan3A_462 : i32
      %scan3A_464 = arith.constant 1 : i32
      %scan3A_465 = scf.for %scan3A_478 = %scan3A_461 to %scan3A_463 step %scan3A_464 iter_args(%scan3A_479 = %scan3A_460) -> (i32)  : i32 {
        %mul3A_480 = arith.constant 4 : i32
        %mul3A_481 = arith.muli %scan3A_478, %mul3A_480 : i32
        %add3A_482 = arith.constant 0 : i32
        %add3A_483 = arith.addi %mul3A_481, %add3A_482 : i32
        %get3A = arith.index_cast %add3A_483 : i32 to index
        %get3A_484 = arith.constant 0 : index
        %get3A_485 = tpu.vector_load %arg24[%get3A, %get3A_484] {strides = array<i32>} : memref<80x64xf32, #tpu.memory_space<vmem>>, vector<1x16xf32>,
        %get3A_486 = vector.shape_cast %get3A_485 : vector<1x16xf32> to vector<16xf32>
        %get3A_487 = arith.index_cast %add3A_483 : i32 to index
        %get3A_488 = arith.constant 0 : index
        %get3A_489 = tpu.vector_load %arg25[%get3A_487, %get3A_488] {strides = array<i32>} : memref<80x64xf32, #tpu.memory_space<vmem>>, vector<1x16xf32>,
        %get3A_490 = vector.shape_cast %get3A_489 : vector<1x16xf32> to vector<16xf32>
        %mul3A_491 = arith.mulf %get3A_486, %get3A_490 : vector<16xf32>
        %swap3A_492 = arith.index_cast %add3A_483 : i32 to index
        %swap3A_493 = arith.constant 0 : index
        %swap3A_494 = tpu.vector_load %arg24[%swap3A_492, %swap3A_493] {strides = array<i32>} : memref<80x64xf32, #tpu.memory_space<vmem>>, vector<1x16xf32>,
        %swap3A_495 = vector.shape_cast %swap3A_494 : vector<1x16xf32> to vector<16xf32>
        %swap3A_496 = vector.shape_cast %mul3A_491 : vector<16xf32> to vector<1x16xf32>
        tpu.vector_store %arg24[%swap3A_492, %swap3A_493], %swap3A_496 {strides = array<i32>} : memref<80x64xf32, #tpu.memory_space<vmem>>, vector<1x16xf32>,
        %mul3A_497 = arith.constant 4 : i32
        %mul3A_498 = arith.muli %scan3A_478, %mul3A_497 : i32
        %add3A_499 = arith.constant 0 : i32
        %add3A_500 = arith.addi %mul3A_498, %add3A_499 : i32
        %get3A_501 = arith.index_cast %add3A_500 : i32 to index
        %get3A_502 = arith.constant 16 : index
        %get3A_503 = tpu.vector_load %arg24[%get3A_501, %get3A_502] {strides = array<i32>} : memref<80x64xf32, #tpu.memory_space<vmem>>, vector<1x16xf32>,
        %get3A_504 = vector.shape_cast %get3A_503 : vector<1x16xf32> to vector<16xf32>
        %get3A_505 = arith.index_cast %add3A_500 : i32 to index
        %get3A_506 = arith.constant 16 : index
        %get3A_507 = tpu.vector_load %arg25[%get3A_505, %get3A_506] {strides = array<i32>} : memref<80x64xf32, #tpu.memory_space<vmem>>, vector<1x16xf32>,
        %get3A_508 = vector.shape_cast %get3A_507 : vector<1x16xf32> to vector<16xf32>
        %mul3A_509 = arith.mulf %get3A_504, %get3A_508 : vector<16xf32>
        %swap3A_510 = arith.index_cast %add3A_500 : i32 to index
        %swap3A_511 = arith.constant 16 : index
        %swap3A_512 = tpu.vector_load %arg24[%swap3A_510, %swap3A_511] {strides = array<i32>} : memref<80x64xf32, #tpu.memory_space<vmem>>, vector<1x16xf32>,
        %swap3A_513 = vector.shape_cast %swap3A_512 : vector<1x16xf32> to vector<16xf32>
        %swap3A_514 = vector.shape_cast %mul3A_509 : vector<16xf32> to vector<1x16xf32>
        tpu.vector_store %arg24[%swap3A_510, %swap3A_511], %swap3A_514 {strides = array<i32>} : memref<80x64xf32, #tpu.memory_space<vmem>>, vector<1x16xf32>,
        %mul3A_515 = arith.constant 4 : i32
        %mul3A_516 = arith.muli %scan3A_478, %mul3A_515 : i32
        %add3A_517 = arith.constant 0 : i32
        %add3A_518 = arith.addi %mul3A_516, %add3A_517 : i32
        %get3A_519 = arith.index_cast %add3A_518 : i32 to index
        %get3A_520 = arith.constant 32 : index
        %get3A_521 = tpu.vector_load %arg24[%get3A_519, %get3A_520] {strides = array<i32>} : memref<80x64xf32, #tpu.memory_space<vmem>>, vector<1x16xf32>,
        %get3A_522 = vector.shape_cast %get3A_521 : vector<1x16xf32> to vector<16xf32>
        %get3A_523 = arith.index_cast %add3A_518 : i32 to index
        %get3A_524 = arith.constant 32 : index
        %get3A_525 = tpu.vector_load %arg25[%get3A_523, %get3A_524] {strides = array<i32>} : memref<80x64xf32, #tpu.memory_space<vmem>>, vector<1x16xf32>,
        %get3A_526 = vector.shape_cast %get3A_525 : vector<1x16xf32> to vector<16xf32>
        %mul3A_527 = arith.mulf %get3A_522, %get3A_526 : vector<16xf32>
        %swap3A_528 = arith.index_cast %add3A_518 : i32 to index
        %swap3A_529 = arith.constant 32 : index
        %swap3A_530 = tpu.vector_load %arg24[%swap3A_528, %swap3A_529] {strides = array<i32>} : memref<80x64xf32, #tpu.memory_space<vmem>>, vector<1x16xf32>,
        %swap3A_531 = vector.shape_cast %swap3A_530 : vector<1x16xf32> to vector<16xf32>
        %swap3A_532 = vector.shape_cast %mul3A_527 : vector<16xf32> to vector<1x16xf32>
        tpu.vector_store %arg24[%swap3A_528, %swap3A_529], %swap3A_532 {strides = array<i32>} : memref<80x64xf32, #tpu.memory_space<vmem>>, vector<1x16xf32>,
        %mul3A_533 = arith.constant 4 : i32
        %mul3A_534 = arith.muli %scan3A_478, %mul3A_533 : i32
        %add3A_535 = arith.constant 0 : i32
        %add3A_536 = arith.addi %mul3A_534, %add3A_535 : i32
        %get3A_537 = arith.index_cast %add3A_536 : i32 to index
        %get3A_538 = arith.constant 48 : index
        %get3A_539 = tpu.vector_load %arg24[%get3A_537, %get3A_538] {strides = array<i32>} : memref<80x64xf32, #tpu.memory_space<vmem>>, vector<1x16xf32>,
        %get3A_540 = vector.shape_cast %get3A_539 : vector<1x16xf32> to vector<16xf32>
        %get3A_541 = arith.index_cast %add3A_536 : i32 to index
        %get3A_542 = arith.constant 48 : index
        %get3A_543 = tpu.vector_load %arg25[%get3A_541, %get3A_542] {strides = array<i32>} : memref<80x64xf32, #tpu.memory_space<vmem>>, vector<1x16xf32>,
        %get3A_544 = vector.shape_cast %get3A_543 : vector<1x16xf32> to vector<16xf32>
        %mul3A_545 = arith.mulf %get3A_540, %get3A_544 : vector<16xf32>
        %swap3A_546 = arith.index_cast %add3A_536 : i32 to index
        %swap3A_547 = arith.constant 48 : index
        %swap3A_548 = tpu.vector_load %arg24[%swap3A_546, %swap3A_547] {strides = array<i32>} : memref<80x64xf32, #tpu.memory_space<vmem>>, vector<1x16xf32>,
        %swap3A_549 = vector.shape_cast %swap3A_548 : vector<1x16xf32> to vector<16xf32>
        %swap3A_550 = vector.shape_cast %mul3A_545 : vector<16xf32> to vector<1x16xf32>
        tpu.vector_store %arg24[%swap3A_546, %swap3A_547], %swap3A_550 {strides = array<i32>} : memref<80x64xf32, #tpu.memory_space<vmem>>, vector<1x16xf32>,
        %mul3A_551 = arith.constant 4 : i32
        %mul3A_552 = arith.muli %scan3A_478, %mul3A_551 : i32
        %add3A_553 = arith.constant 1 : i32
        %add3A_554 = arith.addi %mul3A_552, %add3A_553 : i32
        %get3A_555 = arith.index_cast %add3A_554 : i32 to index
        %get3A_556 = arith.constant 0 : index
        %get3A_557 = tpu.vector_load %arg24[%get3A_555, %get3A_556] {strides = array<i32>} : memref<80x64xf32, #tpu.memory_space<vmem>>, vector<1x16xf32>,
        %get3A_558 = vector.shape_cast %get3A_557 : vector<1x16xf32> to vector<16xf32>
        %get3A_559 = arith.index_cast %add3A_554 : i32 to index
        %get3A_560 = arith.constant 0 : index
        %get3A_561 = tpu.vector_load %arg25[%get3A_559, %get3A_560] {strides = array<i32>} : memref<80x64xf32, #tpu.memory_space<vmem>>, vector<1x16xf32>,
        %get3A_562 = vector.shape_cast %get3A_561 : vector<1x16xf32> to vector<16xf32>
        %mul3A_563 = arith.mulf %get3A_558, %get3A_562 : vector<16xf32>
        %swap3A_564 = arith.index_cast %add3A_554 : i32 to index
        %swap3A_565 = arith.constant 0 : index
        %swap3A_566 = tpu.vector_load %arg24[%swap3A_564, %swap3A_565] {strides = array<i32>} : memref<80x64xf32, #tpu.memory_space<vmem>>, vector<1x16xf32>,
        %swap3A_567 = vector.shape_cast %swap3A_566 : vector<1x16xf32> to vector<16xf32>
        %swap3A_568 = vector.shape_cast %mul3A_563 : vector<16xf32> to vector<1x16xf32>
        tpu.vector_store %arg24[%swap3A_564, %swap3A_565], %swap3A_568 {strides = array<i32>} : memref<80x64xf32, #tpu.memory_space<vmem>>, vector<1x16xf32>,
        %mul3A_569 = arith.constant 4 : i32
        %mul3A_570 = arith.muli %scan3A_478, %mul3A_569 : i32
        %add3A_571 = arith.constant 1 : i32
        %add3A_572 = arith.addi %mul3A_570, %add3A_571 : i32
        %get3A_573 = arith.index_cast %add3A_572 : i32 to index
        %get3A_574 = arith.constant 16 : index
        %get3A_575 = tpu.vector_load %arg24[%get3A_573, %get3A_574] {strides = array<i32>} : memref<80x64xf32, #tpu.memory_space<vmem>>, vector<1x16xf32>,
        %get3A_576 = vector.shape_cast %get3A_575 : vector<1x16xf32> to vector<16xf32>
        %get3A_577 = arith.index_cast %add3A_572 : i32 to index
        %get3A_578 = arith.constant 16 : index
        %get3A_579 = tpu.vector_load %arg25[%get3A_577, %get3A_578] {strides = array<i32>} : memref<80x64xf32, #tpu.memory_space<vmem>>, vector<1x16xf32>,
        %get3A_580 = vector.shape_cast %get3A_579 : vector<1x16xf32> to vector<16xf32>
        %mul3A_581 = arith.mulf %get3A_576, %get3A_580 : vector<16xf32>
        %swap3A_582 = arith.index_cast %add3A_572 : i32 to index
        %swap3A_583 = arith.constant 16 : index
        %swap3A_584 = tpu.vector_load %arg24[%swap3A_582, %swap3A_583] {strides = array<i32>} : memref<80x64xf32, #tpu.memory_space<vmem>>, vector<1x16xf32>,
        %swap3A_585 = vector.shape_cast %swap3A_584 : vector<1x16xf32> to vector<16xf32>
        %swap3A_586 = vector.shape_cast %mul3A_581 : vector<16xf32> to vector<1x16xf32>
        tpu.vector_store %arg24[%swap3A_582, %swap3A_583], %swap3A_586 {strides = array<i32>} : memref<80x64xf32, #tpu.memory_space<vmem>>, vector<1x16xf32>,
        %mul3A_587 = arith.constant 4 : i32
        %mul3A_588 = arith.muli %scan3A_478, %mul3A_587 : i32
        %add3A_589 = arith.constant 1 : i32
        %add3A_590 = arith.addi %mul3A_588, %add3A_589 : i32
        %get3A_591 = arith.index_cast %add3A_590 : i32 to index
        %get3A_592 = arith.constant 32 : index
        %get3A_593 = tpu.vector_load %arg24[%get3A_591, %get3A_592] {strides = array<i32>} : memref<80x64xf32, #tpu.memory_space<vmem>>, vector<1x16xf32>,
        %get3A_594 = vector.shape_cast %get3A_593 : vector<1x16xf32> to vector<16xf32>
        %get3A_595 = arith.index_cast %add3A_590 : i32 to index
        %get3A_596 = arith.constant 32 : index
        %get3A_597 = tpu.vector_load %arg25[%get3A_595, %get3A_596] {strides = array<i32>} : memref<80x64xf32, #tpu.memory_space<vmem>>, vector<1x16xf32>,
        %get3A_598 = vector.shape_cast %get3A_597 : vector<1x16xf32> to vector<16xf32>
        %mul3A_599 = arith.mulf %get3A_594, %get3A_598 : vector<16xf32>
        %swap3A_600 = arith.index_cast %add3A_590 : i32 to index
        %swap3A_601 = arith.constant 32 : index
        %swap3A_602 = tpu.vector_load %arg24[%swap3A_600, %swap3A_601] {strides = array<i32>} : memref<80x64xf32, #tpu.memory_space<vmem>>, vector<1x16xf32>,
        %swap3A_603 = vector.shape_cast %swap3A_602 : vector<1x16xf32> to vector<16xf32>
        %swap3A_604 = vector.shape_cast %mul3A_599 : vector<16xf32> to vector<1x16xf32>
        tpu.vector_store %arg24[%swap3A_600, %swap3A_601], %swap3A_604 {strides = array<i32>} : memref<80x64xf32, #tpu.memory_space<vmem>>, vector<1x16xf32>,
        %mul3A_605 = arith.constant 4 : i32
        %mul3A_606 = arith.muli %scan3A_478, %mul3A_605 : i32
        %add3A_607 = arith.constant 1 : i32
        %add3A_608 = arith.addi %mul3A_606, %add3A_607 : i32
        %get3A_609 = arith.index_cast %add3A_608 : i32 to index
        %get3A_610 = arith.constant 48 : index
        %get3A_611 = tpu.vector_load %arg24[%get3A_609, %get3A_610] {strides = array<i32>} : memref<80x64xf32, #tpu.memory_space<vmem>>, vector<1x16xf32>,
        %get3A_612 = vector.shape_cast %get3A_611 : vector<1x16xf32> to vector<16xf32>
        %get3A_613 = arith.index_cast %add3A_608 : i32 to index
        %get3A_614 = arith.constant 48 : index
        %get3A_615 = tpu.vector_load %arg25[%get3A_613, %get3A_614] {strides = array<i32>} : memref<80x64xf32, #tpu.memory_space<vmem>>, vector<1x16xf32>,
        %get3A_616 = vector.shape_cast %get3A_615 : vector<1x16xf32> to vector<16xf32>
        %mul3A_617 = arith.mulf %get3A_612, %get3A_616 : vector<16xf32>
        %swap3A_618 = arith.index_cast %add3A_608 : i32 to index
        %swap3A_619 = arith.constant 48 : index
        %swap3A_620 = tpu.vector_load %arg24[%swap3A_618, %swap3A_619] {strides = array<i32>} : memref<80x64xf32, #tpu.memory_space<vmem>>, vector<1x16xf32>,
        %swap3A_621 = vector.shape_cast %swap3A_620 : vector<1x16xf32> to vector<16xf32>
        %swap3A_622 = vector.shape_cast %mul3A_617 : vector<16xf32> to vector<1x16xf32>
        tpu.vector_store %arg24[%swap3A_618, %swap3A_619], %swap3A_622 {strides = array<i32>} : memref<80x64xf32, #tpu.memory_space<vmem>>, vector<1x16xf32>,
        %mul3A_623 = arith.constant 4 : i32
        %mul3A_624 = arith.muli %scan3A_478, %mul3A_623 : i32
        %add3A_625 = arith.constant 2 : i32
        %add3A_626 = arith.addi %mul3A_624, %add3A_625 : i32
        %get3A_627 = arith.index_cast %add3A_626 : i32 to index
        %get3A_628 = arith.constant 0 : index
        %get3A_629 = tpu.vector_load %arg24[%get3A_627, %get3A_628] {strides = array<i32>} : memref<80x64xf32, #tpu.memory_space<vmem>>, vector<1x16xf32>,
        %get3A_630 = vector.shape_cast %get3A_629 : vector<1x16xf32> to vector<16xf32>
        %get3A_631 = arith.index_cast %add3A_626 : i32 to index
        %get3A_632 = arith.constant 0 : index
        %get3A_633 = tpu.vector_load %arg25[%get3A_631, %get3A_632] {strides = array<i32>} : memref<80x64xf32, #tpu.memory_space<vmem>>, vector<1x16xf32>,
        %get3A_634 = vector.shape_cast %get3A_633 : vector<1x16xf32> to vector<16xf32>
        %mul3A_635 = arith.mulf %get3A_630, %get3A_634 : vector<16xf32>
        %swap3A_636 = arith.index_cast %add3A_626 : i32 to index
        %swap3A_637 = arith.constant 0 : index
        %swap3A_638 = tpu.vector_load %arg24[%swap3A_636, %swap3A_637] {strides = array<i32>} : memref<80x64xf32, #tpu.memory_space<vmem>>, vector<1x16xf32>,
        %swap3A_639 = vector.shape_cast %swap3A_638 : vector<1x16xf32> to vector<16xf32>
        %swap3A_640 = vector.shape_cast %mul3A_635 : vector<16xf32> to vector<1x16xf32>
        tpu.vector_store %arg24[%swap3A_636, %swap3A_637], %swap3A_640 {strides = array<i32>} : memref<80x64xf32, #tpu.memory_space<vmem>>, vector<1x16xf32>,
        %mul3A_641 = arith.constant 4 : i32
        %mul3A_642 = arith.muli %scan3A_478, %mul3A_641 : i32
        %add3A_643 = arith.constant 2 : i32
        %add3A_644 = arith.addi %mul3A_642, %add3A_643 : i32
        %get3A_645 = arith.index_cast %add3A_644 : i32 to index
        %get3A_646 = arith.constant 16 : index
        %get3A_647 = tpu.vector_load %arg24[%get3A_645, %get3A_646] {strides = array<i32>} : memref<80x64xf32, #tpu.memory_space<vmem>>, vector<1x16xf32>,
        %get3A_648 = vector.shape_cast %get3A_647 : vector<1x16xf32> to vector<16xf32>
        %get3A_649 = arith.index_cast %add3A_644 : i32 to index
        %get3A_650 = arith.constant 16 : index
        %get3A_651 = tpu.vector_load %arg25[%get3A_649, %get3A_650] {strides = array<i32>} : memref<80x64xf32, #tpu.memory_space<vmem>>, vector<1x16xf32>,
        %get3A_652 = vector.shape_cast %get3A_651 : vector<1x16xf32> to vector<16xf32>
        %mul3A_653 = arith.mulf %get3A_648, %get3A_652 : vector<16xf32>
        %swap3A_654 = arith.index_cast %add3A_644 : i32 to index
        %swap3A_655 = arith.constant 16 : index
        %swap3A_656 = tpu.vector_load %arg24[%swap3A_654, %swap3A_655] {strides = array<i32>} : memref<80x64xf32, #tpu.memory_space<vmem>>, vector<1x16xf32>,
        %swap3A_657 = vector.shape_cast %swap3A_656 : vector<1x16xf32> to vector<16xf32>
        %swap3A_658 = vector.shape_cast %mul3A_653 : vector<16xf32> to vector<1x16xf32>
        tpu.vector_store %arg24[%swap3A_654, %swap3A_655], %swap3A_658 {strides = array<i32>} : memref<80x64xf32, #tpu.memory_space<vmem>>, vector<1x16xf32>,
        %mul3A_659 = arith.constant 4 : i32
        %mul3A_660 = arith.muli %scan3A_478, %mul3A_659 : i32
        %add3A_661 = arith.constant 2 : i32
        %add3A_662 = arith.addi %mul3A_660, %add3A_661 : i32
        %get3A_663 = arith.index_cast %add3A_662 : i32 to index
        %get3A_664 = arith.constant 32 : index
        %get3A_665 = tpu.vector_load %arg24[%get3A_663, %get3A_664] {strides = array<i32>} : memref<80x64xf32, #tpu.memory_space<vmem>>, vector<1x16xf32>,
        %get3A_666 = vector.shape_cast %get3A_665 : vector<1x16xf32> to vector<16xf32>
        %get3A_667 = arith.index_cast %add3A_662 : i32 to index
        %get3A_668 = arith.constant 32 : index
        %get3A_669 = tpu.vector_load %arg25[%get3A_667, %get3A_668] {strides = array<i32>} : memref<80x64xf32, #tpu.memory_space<vmem>>, vector<1x16xf32>,
        %get3A_670 = vector.shape_cast %get3A_669 : vector<1x16xf32> to vector<16xf32>
        %mul3A_671 = arith.mulf %get3A_666, %get3A_670 : vector<16xf32>
        %swap3A_672 = arith.index_cast %add3A_662 : i32 to index
        %swap3A_673 = arith.constant 32 : index
        %swap3A_674 = tpu.vector_load %arg24[%swap3A_672, %swap3A_673] {strides = array<i32>} : memref<80x64xf32, #tpu.memory_space<vmem>>, vector<1x16xf32>,
        %swap3A_675 = vector.shape_cast %swap3A_674 : vector<1x16xf32> to vector<16xf32>
        %swap3A_676 = vector.shape_cast %mul3A_671 : vector<16xf32> to vector<1x16xf32>
        tpu.vector_store %arg24[%swap3A_672, %swap3A_673], %swap3A_676 {strides = array<i32>} : memref<80x64xf32, #tpu.memory_space<vmem>>, vector<1x16xf32>,
        %mul3A_677 = arith.constant 4 : i32
        %mul3A_678 = arith.muli %scan3A_478, %mul3A_677 : i32
        %add3A_679 = arith.constant 2 : i32
        %add3A_680 = arith.addi %mul3A_678, %add3A_679 : i32
        %get3A_681 = arith.index_cast %add3A_680 : i32 to index
        %get3A_682 = arith.constant 48 : index
        %get3A_683 = tpu.vector_load %arg24[%get3A_681, %get3A_682] {strides = array<i32>} : memref<80x64xf32, #tpu.memory_space<vmem>>, vector<1x16xf32>,
        %get3A_684 = vector.shape_cast %get3A_683 : vector<1x16xf32> to vector<16xf32>
        %get3A_685 = arith.index_cast %add3A_680 : i32 to index
        %get3A_686 = arith.constant 48 : index
        %get3A_687 = tpu.vector_load %arg25[%get3A_685, %get3A_686] {strides = array<i32>} : memref<80x64xf32, #tpu.memory_space<vmem>>, vector<1x16xf32>,
        %get3A_688 = vector.shape_cast %get3A_687 : vector<1x16xf32> to vector<16xf32>
        %mul3A_689 = arith.mulf %get3A_684, %get3A_688 : vector<16xf32>
        %swap3A_690 = arith.index_cast %add3A_680 : i32 to index
        %swap3A_691 = arith.constant 48 : index
        %swap3A_692 = tpu.vector_load %arg24[%swap3A_690, %swap3A_691] {strides = array<i32>} : memref<80x64xf32, #tpu.memory_space<vmem>>, vector<1x16xf32>,
        %swap3A_693 = vector.shape_cast %swap3A_692 : vector<1x16xf32> to vector<16xf32>
        %swap3A_694 = vector.shape_cast %mul3A_689 : vector<16xf32> to vector<1x16xf32>
        tpu.vector_store %arg24[%swap3A_690, %swap3A_691], %swap3A_694 {strides = array<i32>} : memref<80x64xf32, #tpu.memory_space<vmem>>, vector<1x16xf32>,
        %mul3A_695 = arith.constant 4 : i32
        %mul3A_696 = arith.muli %scan3A_478, %mul3A_695 : i32
        %add3A_697 = arith.constant 3 : i32
        %add3A_698 = arith.addi %mul3A_696, %add3A_697 : i32
        %get3A_699 = arith.index_cast %add3A_698 : i32 to index
        %get3A_700 = arith.constant 0 : index
        %get3A_701 = tpu.vector_load %arg24[%get3A_699, %get3A_700] {strides = array<i32>} : memref<80x64xf32, #tpu.memory_space<vmem>>, vector<1x16xf32>,
        %get3A_702 = vector.shape_cast %get3A_701 : vector<1x16xf32> to vector<16xf32>
        %get3A_703 = arith.index_cast %add3A_698 : i32 to index
        %get3A_704 = arith.constant 0 : index
        %get3A_705 = tpu.vector_load %arg25[%get3A_703, %get3A_704] {strides = array<i32>} : memref<80x64xf32, #tpu.memory_space<vmem>>, vector<1x16xf32>,
        %get3A_706 = vector.shape_cast %get3A_705 : vector<1x16xf32> to vector<16xf32>
        %mul3A_707 = arith.mulf %get3A_702, %get3A_706 : vector<16xf32>
        %swap3A_708 = arith.index_cast %add3A_698 : i32 to index
        %swap3A_709 = arith.constant 0 : index
        %swap3A_710 = tpu.vector_load %arg24[%swap3A_708, %swap3A_709] {strides = array<i32>} : memref<80x64xf32, #tpu.memory_space<vmem>>, vector<1x16xf32>,
        %swap3A_711 = vector.shape_cast %swap3A_710 : vector<1x16xf32> to vector<16xf32>
        %swap3A_712 = vector.shape_cast %mul3A_707 : vector<16xf32> to vector<1x16xf32>
        tpu.vector_store %arg24[%swap3A_708, %swap3A_709], %swap3A_712 {strides = array<i32>} : memref<80x64xf32, #tpu.memory_space<vmem>>, vector<1x16xf32>,
        %mul3A_713 = arith.constant 4 : i32
        %mul3A_714 = arith.muli %scan3A_478, %mul3A_713 : i32
        %add3A_715 = arith.constant 3 : i32
        %add3A_716 = arith.addi %mul3A_714, %add3A_715 : i32
        %get3A_717 = arith.index_cast %add3A_716 : i32 to index
        %get3A_718 = arith.constant 16 : index
        %get3A_719 = tpu.vector_load %arg24[%get3A_717, %get3A_718] {strides = array<i32>} : memref<80x64xf32, #tpu.memory_space<vmem>>, vector<1x16xf32>,
        %get3A_720 = vector.shape_cast %get3A_719 : vector<1x16xf32> to vector<16xf32>
        %get3A_721 = arith.index_cast %add3A_716 : i32 to index
        %get3A_722 = arith.constant 16 : index
        %get3A_723 = tpu.vector_load %arg25[%get3A_721, %get3A_722] {strides = array<i32>} : memref<80x64xf32, #tpu.memory_space<vmem>>, vector<1x16xf32>,
        %get3A_724 = vector.shape_cast %get3A_723 : vector<1x16xf32> to vector<16xf32>
        %mul3A_725 = arith.mulf %get3A_720, %get3A_724 : vector<16xf32>
        %swap3A_726 = arith.index_cast %add3A_716 : i32 to index
        %swap3A_727 = arith.constant 16 : index
        %swap3A_728 = tpu.vector_load %arg24[%swap3A_726, %swap3A_727] {strides = array<i32>} : memref<80x64xf32, #tpu.memory_space<vmem>>, vector<1x16xf32>,
        %swap3A_729 = vector.shape_cast %swap3A_728 : vector<1x16xf32> to vector<16xf32>
        %swap3A_730 = vector.shape_cast %mul3A_725 : vector<16xf32> to vector<1x16xf32>
        tpu.vector_store %arg24[%swap3A_726, %swap3A_727], %swap3A_730 {strides = array<i32>} : memref<80x64xf32, #tpu.memory_space<vmem>>, vector<1x16xf32>,
        %mul3A_731 = arith.constant 4 : i32
        %mul3A_732 = arith.muli %scan3A_478, %mul3A_731 : i32
        %add3A_733 = arith.constant 3 : i32
        %add3A_734 = arith.addi %mul3A_732, %add3A_733 : i32
        %get3A_735 = arith.index_cast %add3A_734 : i32 to index
        %get3A_736 = arith.constant 32 : index
        %get3A_737 = tpu.vector_load %arg24[%get3A_735, %get3A_736] {strides = array<i32>} : memref<80x64xf32, #tpu.memory_space<vmem>>, vector<1x16xf32>,
        %get3A_738 = vector.shape_cast %get3A_737 : vector<1x16xf32> to vector<16xf32>
        %get3A_739 = arith.index_cast %add3A_734 : i32 to index
        %get3A_740 = arith.constant 32 : index
        %get3A_741 = tpu.vector_load %arg25[%get3A_739, %get3A_740] {strides = array<i32>} : memref<80x64xf32, #tpu.memory_space<vmem>>, vector<1x16xf32>,
        %get3A_742 = vector.shape_cast %get3A_741 : vector<1x16xf32> to vector<16xf32>
        %mul3A_743 = arith.mulf %get3A_738, %get3A_742 : vector<16xf32>
        %swap3A_744 = arith.index_cast %add3A_734 : i32 to index
        %swap3A_745 = arith.constant 32 : index
        %swap3A_746 = tpu.vector_load %arg24[%swap3A_744, %swap3A_745] {strides = array<i32>} : memref<80x64xf32, #tpu.memory_space<vmem>>, vector<1x16xf32>,
        %swap3A_747 = vector.shape_cast %swap3A_746 : vector<1x16xf32> to vector<16xf32>
        %swap3A_748 = vector.shape_cast %mul3A_743 : vector<16xf32> to vector<1x16xf32>
        tpu.vector_store %arg24[%swap3A_744, %swap3A_745], %swap3A_748 {strides = array<i32>} : memref<80x64xf32, #tpu.memory_space<vmem>>, vector<1x16xf32>,
        %mul3A_749 = arith.constant 4 : i32
        %mul3A_750 = arith.muli %scan3A_478, %mul3A_749 : i32
        %add3A_751 = arith.constant 3 : i32
        %add3A_752 = arith.addi %mul3A_750, %add3A_751 : i32
        %get3A_753 = arith.index_cast %add3A_752 : i32 to index
        %get3A_754 = arith.constant 48 : index
        %get3A_755 = tpu.vector_load %arg24[%get3A_753, %get3A_754] {strides = array<i32>} : memref<80x64xf32, #tpu.memory_space<vmem>>, vector<1x16xf32>,
        %get3A_756 = vector.shape_cast %get3A_755 : vector<1x16xf32> to vector<16xf32>
        %get3A_757 = arith.index_cast %add3A_752 : i32 to index
        %get3A_758 = arith.constant 48 : index
        %get3A_759 = tpu.vector_load %arg25[%get3A_757, %get3A_758] {strides = array<i32>} : memref<80x64xf32, #tpu.memory_space<vmem>>, vector<1x16xf32>,
        %get3A_760 = vector.shape_cast %get3A_759 : vector<1x16xf32> to vector<16xf32>
        %mul3A_761 = arith.mulf %get3A_756, %get3A_760 : vector<16xf32>
        %swap3A_762 = arith.index_cast %add3A_752 : i32 to index
        %swap3A_763 = arith.constant 48 : index
        %swap3A_764 = tpu.vector_load %arg24[%swap3A_762, %swap3A_763] {strides = array<i32>} : memref<80x64xf32, #tpu.memory_space<vmem>>, vector<1x16xf32>,
        %swap3A_765 = vector.shape_cast %swap3A_764 : vector<1x16xf32> to vector<16xf32>
        %swap3A_766 = vector.shape_cast %mul3A_761 : vector<16xf32> to vector<1x16xf32>
        tpu.vector_store %arg24[%swap3A_762, %swap3A_763], %swap3A_766 {strides = array<i32>} : memref<80x64xf32, #tpu.memory_space<vmem>>, vector<1x16xf32>,
        %scan3A_767 = arith.constant 0 : i32
        scf.yield %scan3A_767 : i32
      }
      %scan3A_466 = arith.constant 20 : i32
      %dma_start3A_467 = arith.constant 0 : i32
      %dma_start3A_468 = arith.constant 0 : i32
      %dma_start3A_469 = tpu.memref_slice %arg29[%dma_start3A_467, %dma_start3A_468] : memref<10240x64xf32, #tpu.memory_space<vmem_shared>> -> memref<10240x64xf32, #tpu.memory_space<vmem_shared>>
      tpu.enqueue_indirect_dma source(%arg24 : memref<80x64xf32, #tpu.memory_space<vmem>>) target(%dma_start3A_469 : memref<10240x64xf32, #tpu.memory_space<vmem_shared>>) offsets(%arg27 : memref<80xi32, #tpu.memory_space<vmem>>) semaphore(%arg49 : memref<!tpu.dma_semaphore, #tpu.memory_space<semaphore_mem>>) {add = true}
      %add3A_470 = arith.constant 4 : i32
      %add3A_471 = arith.addi %add3A_444, %add3A_470 : i32
      %lt3A_472 = arith.constant 250 : i32
      %lt3A_473 = arith.cmpi slt, %add3A_471, %lt3A_472 : i32
      %convert_element_type3A_474 = arith.extui %lt3A_473 : i1 to i32
      %cond3A_475 = arith.constant 0 : i32
      %cond3A_476 = arith.cmpi ne, %convert_element_type3A_474, %cond3A_475 : i32
      scf.if %cond3A_476 {
        %gt3A = arith.constant 0 : i32
        %gt3A_478 = arith.cmpi sgt, %add3A_444, %gt3A : i32
        %convert_element_type3A_479 = arith.extui %gt3A_478 : i1 to i32
        %cond3A_480 = arith.constant 0 : i32
        %cond3A_481 = arith.cmpi ne, %convert_element_type3A_479, %cond3A_480 : i32
        scf.if %cond3A_481 {
          %dma_wait3A_542 = arith.constant 0 : i32
          %dma_wait3A_543 = arith.constant 0 : i32
          %dma_wait3A_544 = tpu.memref_slice %arg29[%dma_wait3A_542, %dma_wait3A_543] : memref<10240x64xf32, #tpu.memory_space<vmem_shared>> -> memref<10240x64xf32, #tpu.memory_space<vmem_shared>>
          tpu.wait_indirect_dma semaphore(%arg45 : memref<!tpu.dma_semaphore, #tpu.memory_space<semaphore_mem>>) src(%arg20 : memref<80x64xf32, #tpu.memory_space<vmem>>) dst(%dma_wait3A_544 : memref<10240x64xf32, #tpu.memory_space<vmem_shared>>)
        } else {
        }
        %add3A_482 = arith.constant 4 : i32
        %add3A_483 = arith.addi %add3A_444, %add3A_482 : i32
        %mul3A_484 = arith.constant 160 : i32
        %mul3A_485 = arith.muli %add3A_483, %mul3A_484 : i32
        %add3A_486 = arith.addi %add3A_41, %mul3A_485 : i32
        %add3A_487 = arith.constant 0 : i32
        %add3A_488 = arith.addi %add3A_486, %add3A_487 : i32
        %add3A_489 = vector.broadcast %add3A_488 : i32 to vector<16xi32>
        %add3A_490 = arith.addi %mul3A_29, %add3A_489 : vector<16xi32>
        %swap3A_491 = arith.constant 0 : index
        %swap3A_492 = tpu.vector_load %arg22[%swap3A_491] {strides = array<i32>} : memref<80xi32, #tpu.memory_space<vmem>>, vector<16xi32>,
        %swap3A_493 = vector.shape_cast %swap3A_492 : vector<16xi32> to vector<16xi32>
        %swap3A_494 = vector.shape_cast %add3A_490 : vector<16xi32> to vector<16xi32>
        tpu.vector_store %arg22[%swap3A_491], %swap3A_494 {strides = array<i32>} : memref<80xi32, #tpu.memory_space<vmem>>, vector<16xi32>,
        %add3A_495 = arith.constant 32 : i32
        %add3A_496 = arith.addi %add3A_486, %add3A_495 : i32
        %add3A_497 = vector.broadcast %add3A_496 : i32 to vector<16xi32>
        %add3A_498 = arith.addi %mul3A_29, %add3A_497 : vector<16xi32>
        %swap3A_499 = arith.constant 16 : index
        %swap3A_500 = tpu.vector_load %arg22[%swap3A_499] {strides = array<i32>} : memref<80xi32, #tpu.memory_space<vmem>>, vector<16xi32>,
        %swap3A_501 = vector.shape_cast %swap3A_500 : vector<16xi32> to vector<16xi32>
        %swap3A_502 = vector.shape_cast %add3A_498 : vector<16xi32> to vector<16xi32>
        tpu.vector_store %arg22[%swap3A_499], %swap3A_502 {strides = array<i32>} : memref<80xi32, #tpu.memory_space<vmem>>, vector<16xi32>,
        %add3A_503 = arith.constant 64 : i32
        %add3A_504 = arith.addi %add3A_486, %add3A_503 : i32
        %add3A_505 = vector.broadcast %add3A_504 : i32 to vector<16xi32>
        %add3A_506 = arith.addi %mul3A_29, %add3A_505 : vector<16xi32>
        %swap3A_507 = arith.constant 32 : index
        %swap3A_508 = tpu.vector_load %arg22[%swap3A_507] {strides = array<i32>} : memref<80xi32, #tpu.memory_space<vmem>>, vector<16xi32>,
        %swap3A_509 = vector.shape_cast %swap3A_508 : vector<16xi32> to vector<16xi32>
        %swap3A_510 = vector.shape_cast %add3A_506 : vector<16xi32> to vector<16xi32>
        tpu.vector_store %arg22[%swap3A_507], %swap3A_510 {strides = array<i32>} : memref<80xi32, #tpu.memory_space<vmem>>, vector<16xi32>,
        %add3A_511 = arith.constant 96 : i32
        %add3A_512 = arith.addi %add3A_486, %add3A_511 : i32
        %add3A_513 = vector.broadcast %add3A_512 : i32 to vector<16xi32>
        %add3A_514 = arith.addi %mul3A_29, %add3A_513 : vector<16xi32>
        %swap3A_515 = arith.constant 48 : index
        %swap3A_516 = tpu.vector_load %arg22[%swap3A_515] {strides = array<i32>} : memref<80xi32, #tpu.memory_space<vmem>>, vector<16xi32>,
        %swap3A_517 = vector.shape_cast %swap3A_516 : vector<16xi32> to vector<16xi32>
        %swap3A_518 = vector.shape_cast %add3A_514 : vector<16xi32> to vector<16xi32>
        tpu.vector_store %arg22[%swap3A_515], %swap3A_518 {strides = array<i32>} : memref<80xi32, #tpu.memory_space<vmem>>, vector<16xi32>,
        %add3A_519 = arith.constant 128 : i32
        %add3A_520 = arith.addi %add3A_486, %add3A_519 : i32
        %add3A_521 = vector.broadcast %add3A_520 : i32 to vector<16xi32>
        %add3A_522 = arith.addi %mul3A_29, %add3A_521 : vector<16xi32>
        %swap3A_523 = arith.constant 64 : index
        %swap3A_524 = tpu.vector_load %arg22[%swap3A_523] {strides = array<i32>} : memref<80xi32, #tpu.memory_space<vmem>>, vector<16xi32>,
        %swap3A_525 = vector.shape_cast %swap3A_524 : vector<16xi32> to vector<16xi32>
        %swap3A_526 = vector.shape_cast %add3A_522 : vector<16xi32> to vector<16xi32>
        tpu.vector_store %arg22[%swap3A_523], %swap3A_526 {strides = array<i32>} : memref<80xi32, #tpu.memory_space<vmem>>, vector<16xi32>,
        %dma_start3A_527 = arith.constant 0 : i32
        %dma_start3A_528 = tpu.memref_slice %arg7[%add3A_483, %dma_start3A_527] : memref<250x80xi32, #tpu.memory_space<vmem>> -> memref<1x80xi32, #tpu.memory_space<vmem>>
        %dma_start3A_529 = tpu.memref_squeeze %dma_start3A_528 : memref<1x80xi32, #tpu.memory_space<vmem>> -> memref<80xi32, #tpu.memory_space<vmem>>
        %dma_start3A_530 = arith.constant 0 : i32
        %dma_start3A_531 = arith.constant 0 : i32
        %dma_start3A_532 = tpu.memref_slice %arg2[%dma_start3A_530, %dma_start3A_531] : memref<20000x64xf32, #tpu.memory_space<hbm>> -> memref<20000x64xf32, #tpu.memory_space<hbm>>
        tpu.enqueue_indirect_dma source(%dma_start3A_532 : memref<20000x64xf32, #tpu.memory_space<hbm>>) target(%arg20 : memref<80x64xf32, #tpu.memory_space<vmem>>) offsets(%dma_start3A_529 : memref<80xi32, #tpu.memory_space<vmem>>) semaphore(%arg42 : memref<!tpu.dma_semaphore, #tpu.memory_space<semaphore_mem>>)
        %dma_start3A_533 = arith.constant 0 : i32
        %dma_start3A_534 = arith.constant 0 : i32
        %dma_start3A_535 = tpu.memref_slice %arg3[%dma_start3A_533, %dma_start3A_534] : memref<640000x64xf32, #tpu.memory_space<hbm>> -> memref<640000x64xf32, #tpu.memory_space<hbm>>
        tpu.enqueue_indirect_dma source(%dma_start3A_535 : memref<640000x64xf32, #tpu.memory_space<hbm>>) target(%arg21 : memref<80x64xf32, #tpu.memory_space<vmem>>) offsets(%arg22 : memref<80xi32, #tpu.memory_space<vmem>>) semaphore(%arg43 : memref<!tpu.dma_semaphore, #tpu.memory_space<semaphore_mem>>)
        %dma_start3A_536 = arith.constant 0 : i32
        %dma_start3A_537 = tpu.memref_slice %arg4[%arg1, %add3A_483, %dma_start3A_536] : memref<16x250x80xi32, #tpu.memory_space<hbm>> -> memref<1x1x80xi32, #tpu.memory_space<hbm>>
        %dma_start3A_538 = tpu.memref_squeeze %dma_start3A_537 : memref<1x1x80xi32, #tpu.memory_space<hbm>> -> memref<80xi32, #tpu.memory_space<hbm>>
        %dma_start3A_539 = arith.constant 0 : i32
        %dma_start3A_540 = tpu.memref_slice %arg4[%arg1, %add3A_483, %dma_start3A_539] : memref<16x250x80xi32, #tpu.memory_space<hbm>> -> memref<1x1x80xi32, #tpu.memory_space<hbm>>
        %dma_start3A_541 = tpu.memref_squeeze %dma_start3A_540 : memref<1x1x80xi32, #tpu.memory_space<hbm>> -> memref<80xi32, #tpu.memory_space<hbm>>
        tpu.enqueue_dma source(%dma_start3A_541 : memref<80xi32, #tpu.memory_space<hbm>>) target(%arg23 : memref<80xi32, #tpu.memory_space<vmem>>) target_semaphore(%arg44 : memref<!tpu.dma_semaphore, #tpu.memory_space<semaphore_mem>>)
      } else {
      }
      %scan3A_477 = arith.constant 0 : i32
      scf.yield %scan3A_477 : i32
    }
    %scan3A_282 = arith.constant 50 : i32
    %dma_wait3A = arith.constant 0 : i32
    %dma_wait3A_283 = arith.constant 0 : i32
    %dma_wait3A_284 = tpu.memref_slice %arg29[%dma_wait3A, %dma_wait3A_283] : memref<10240x64xf32, #tpu.memory_space<vmem_shared>> -> memref<10240x64xf32, #tpu.memory_space<vmem_shared>>
    tpu.wait_indirect_dma semaphore(%arg33 : memref<!tpu.dma_semaphore, #tpu.memory_space<semaphore_mem>>) src(%arg8 : memref<80x64xf32, #tpu.memory_space<vmem>>) dst(%dma_wait3A_284 : memref<10240x64xf32, #tpu.memory_space<vmem_shared>>)
    %dma_wait3A_285 = arith.constant 0 : i32
    %dma_wait3A_286 = arith.constant 0 : i32
    %dma_wait3A_287 = tpu.memref_slice %arg29[%dma_wait3A_285, %dma_wait3A_286] : memref<10240x64xf32, #tpu.memory_space<vmem_shared>> -> memref<10240x64xf32, #tpu.memory_space<vmem_shared>>
    tpu.wait_indirect_dma semaphore(%arg37 : memref<!tpu.dma_semaphore, #tpu.memory_space<semaphore_mem>>) src(%arg12 : memref<80x64xf32, #tpu.memory_space<vmem>>) dst(%dma_wait3A_287 : memref<10240x64xf32, #tpu.memory_space<vmem_shared>>)
    %dma_wait3A_288 = arith.constant 0 : i32
    %dma_wait3A_289 = arith.constant 0 : i32
    %dma_wait3A_290 = tpu.memref_slice %arg29[%dma_wait3A_288, %dma_wait3A_289] : memref<10240x64xf32, #tpu.memory_space<vmem_shared>> -> memref<10240x64xf32, #tpu.memory_space<vmem_shared>>
    tpu.wait_indirect_dma semaphore(%arg41 : memref<!tpu.dma_semaphore, #tpu.memory_space<semaphore_mem>>) src(%arg16 : memref<80x64xf32, #tpu.memory_space<vmem>>) dst(%dma_wait3A_290 : memref<10240x64xf32, #tpu.memory_space<vmem_shared>>)
    %dma_wait3A_291 = arith.constant 0 : i32
    %dma_wait3A_292 = arith.constant 0 : i32
    %dma_wait3A_293 = tpu.memref_slice %arg29[%dma_wait3A_291, %dma_wait3A_292] : memref<10240x64xf32, #tpu.memory_space<vmem_shared>> -> memref<10240x64xf32, #tpu.memory_space<vmem_shared>>
    tpu.wait_indirect_dma semaphore(%arg45 : memref<!tpu.dma_semaphore, #tpu.memory_space<semaphore_mem>>) src(%arg20 : memref<80x64xf32, #tpu.memory_space<vmem>>) dst(%dma_wait3A_293 : memref<10240x64xf32, #tpu.memory_space<vmem_shared>>)
    %dma_wait3A_294 = arith.constant 0 : i32
    %dma_wait3A_295 = arith.constant 0 : i32
    %dma_wait3A_296 = tpu.memref_slice %arg29[%dma_wait3A_294, %dma_wait3A_295] : memref<10240x64xf32, #tpu.memory_space<vmem_shared>> -> memref<10240x64xf32, #tpu.memory_space<vmem_shared>>
    tpu.wait_indirect_dma semaphore(%arg49 : memref<!tpu.dma_semaphore, #tpu.memory_space<semaphore_mem>>) src(%arg24 : memref<80x64xf32, #tpu.memory_space<vmem>>) dst(%dma_wait3A_296 : memref<10240x64xf32, #tpu.memory_space<vmem_shared>>)
    %barrier3A_297 = arith.constant 0 : index
    tpu.barrier barrier_id(%barrier3A_297)
    "tpu.region"() ({
      %run_scoped3A = tpu.sem_alloc : memref<!tpu.dma_semaphore, #tpu.memory_space<semaphore_mem>>
      %dma_start3A_298 = arith.constant 0 : i32
      %dma_start3A_299 = tpu.memref_slice %arg6[%arg0, %mul3A_7, %dma_start3A_298] : memref<2x10240x64xf32, #tpu.memory_space<hbm>> -> memref<1x640x64xf32, #tpu.memory_space<hbm>>
      %dma_start3A_300 = tpu.memref_squeeze %dma_start3A_299 : memref<1x640x64xf32, #tpu.memory_space<hbm>> -> memref<640x64xf32, #tpu.memory_space<hbm>>
      %dma_start3A_301 = arith.constant 0 : i32
      %dma_start3A_302 = tpu.memref_slice %arg29[%mul3A_7, %dma_start3A_301] : memref<10240x64xf32, #tpu.memory_space<vmem_shared>> -> memref<640x64xf32, #tpu.memory_space<vmem_shared>>
      tpu.enqueue_dma source(%dma_start3A_302 : memref<640x64xf32, #tpu.memory_space<vmem_shared>>) target(%dma_start3A_300 : memref<640x64xf32, #tpu.memory_space<hbm>>) target_semaphore(%run_scoped3A : memref<!tpu.dma_semaphore, #tpu.memory_space<semaphore_mem>>)
      %dma_wait3A_303 = arith.constant 0 : i32
      %dma_wait3A_304 = tpu.memref_slice %arg6[%arg0, %mul3A_7, %dma_wait3A_303] : memref<2x10240x64xf32, #tpu.memory_space<hbm>> -> memref<1x640x64xf32, #tpu.memory_space<hbm>>
      %dma_wait3A_305 = tpu.memref_squeeze %dma_wait3A_304 : memref<1x640x64xf32, #tpu.memory_space<hbm>> -> memref<640x64xf32, #tpu.memory_space<hbm>>
      %dma_wait3A_306 = arith.constant 0 : i32
      %dma_wait3A_307 = tpu.memref_slice %arg29[%mul3A_7, %dma_wait3A_306] : memref<10240x64xf32, #tpu.memory_space<vmem_shared>> -> memref<640x64xf32, #tpu.memory_space<vmem_shared>>
      tpu.wait_dma2 semaphore(%run_scoped3A : memref<!tpu.dma_semaphore, #tpu.memory_space<semaphore_mem>>) src(%dma_wait3A_307 : memref<640x64xf32, #tpu.memory_space<vmem_shared>>) dst(%dma_wait3A_305 : memref<640x64xf32, #tpu.memory_space<hbm>>)
      tpu.yield
    }) : () -> ()
    return
  }
}

module attributes {stable_mosaic.version = 14 : i64} {
  func.func @_mm_in_body(%arg0: i32, %arg1: memref<1000x128xf32, #tpu.memory_space<vmem>>, %arg2: memref<128x128xf32, #tpu.memory_space<vmem>>, %arg3: memref<1000x128xf32, #tpu.memory_space<vmem>>) attributes {dimension_semantics = [#tpu.dimension_semantics<arbitrary>], iteration_bounds = array<i64: 10>, scalar_prefetch = 0 : i64, scratch_operands = 0 : i64, tpu.core_type = #tpu.core_type<tc>, window_params = [{transform_indices = @transform_0, window_bounds = array<i64: 1000, 128>}, {pipeline_mode = #tpu.pipeline_mode<synchronous>, transform_indices = @transform_1, window_bounds = array<i64: 128, 128>}, {transform_indices = @transform_2, window_bounds = array<i64: 1000, 128>}]} {
    %get3A = arith.constant 0 : index
    %get3A_0 = arith.constant 0 : index
    %get3A_1 = vector.load %arg1[%get3A, %get3A_0] : memref<1000x128xf32, #tpu.memory_space<vmem>>, vector<1000x128xf32>
    %get3A_2 = arith.constant 0 : index
    %get3A_3 = arith.constant 0 : index
    %get3A_4 = vector.load %arg2[%get3A_2, %get3A_3] : memref<128x128xf32, #tpu.memory_space<vmem>>, vector<128x128xf32>
    %dot_general3A = arith.constant dense<0.000000e+00> : vector<1000x128xf32>
    %dot_general3A_5 = tpu.matmul %get3A_1, %get3A_4, %dot_general3A {dimension_numbers = #tpu.dot_dimension_numbers<[1], [0], [0], [1], [0, 0, 1, 1], [], []>, transpose_lhs_hint = false} : vector<1000x128xf32>, vector<128x128xf32>, vector<1000x128xf32> -> vector<1000x128xf32>
    %swap3A = arith.constant 0 : index
    %swap3A_6 = arith.constant 0 : index
    %swap3A_7 = vector.load %arg3[%swap3A, %swap3A_6] : memref<1000x128xf32, #tpu.memory_space<vmem>>, vector<1000x128xf32>
    tpu.vector_store %arg3[%swap3A, %swap3A_6], %dot_general3A_5 {strides = array<i32>} : memref<1000x128xf32, #tpu.memory_space<vmem>>, vector<1000x128xf32>,
    return
  }
  func.func @transform_0(%arg0: i32) -> (i32, i32) {
    %c0_i32 = arith.constant 0 : i32
    %c0_i32_0 = arith.constant 0 : i32
    return %arg0, %c0_i32 : i32, i32
  }
  func.func @transform_1(%arg0: i32) -> (i32, i32) {
    %c0_i32 = arith.constant 0 : i32
    %c0_i32_0 = arith.constant 0 : i32
    %c0_i32_1 = arith.constant 0 : i32
    return %c0_i32, %c0_i32_0 : i32, i32
  }
  func.func @transform_2(%arg0: i32) -> (i32, i32) {
    %c0_i32 = arith.constant 0 : i32
    %c0_i32_0 = arith.constant 0 : i32
    return %arg0, %c0_i32 : i32, i32
  }
}

module attributes {stable_mosaic.version = 14 : i64} {
  func.func @_mm_out_body(%arg0: i32, %arg1: memref<2x1000x64xf32, #tpu.memory_space<vmem>>, %arg2: memref<128x128xf32, #tpu.memory_space<vmem>>, %arg3: memref<1x128xf32, #tpu.memory_space<vmem>>, %arg4: memref<1000x128xf32, #tpu.memory_space<vmem>>) attributes {dimension_semantics = [#tpu.dimension_semantics<arbitrary>], iteration_bounds = array<i64: 10>, scalar_prefetch = 0 : i64, scratch_operands = 0 : i64, tpu.core_type = #tpu.core_type<tc>, window_params = [{transform_indices = @transform_0, window_bounds = array<i64: 2, 1000, 64>}, {pipeline_mode = #tpu.pipeline_mode<synchronous>, transform_indices = @transform_1, window_bounds = array<i64: 128, 128>}, {pipeline_mode = #tpu.pipeline_mode<synchronous>, transform_indices = @transform_2, window_bounds = array<i64: 1, 128>}, {transform_indices = @transform_3, window_bounds = array<i64: 1000, 128>}]} {
    %get3A = arith.constant 0 : index
    %get3A_0 = arith.constant 0 : index
    %get3A_1 = arith.constant 0 : index
    %get3A_2 = vector.load %arg1[%get3A, %get3A_0, %get3A_1] : memref<2x1000x64xf32, #tpu.memory_space<vmem>>, vector<1x1000x64xf32>
    %get3A_3 = vector.shape_cast %get3A_2 : vector<1x1000x64xf32> to vector<1000x64xf32>
    %get3A_4 = arith.constant 1 : index
    %get3A_5 = arith.constant 0 : index
    %get3A_6 = arith.constant 0 : index
    %get3A_7 = vector.load %arg1[%get3A_4, %get3A_5, %get3A_6] : memref<2x1000x64xf32, #tpu.memory_space<vmem>>, vector<1x1000x64xf32>
    %get3A_8 = vector.shape_cast %get3A_7 : vector<1x1000x64xf32> to vector<1000x64xf32>
    %concatenate3A = tpu.concatenate %get3A_3, %get3A_8 in 1 : vector<1000x64xf32>, vector<1000x64xf32> -> vector<1000x128xf32>
    %get3A_9 = arith.constant 0 : index
    %get3A_10 = arith.constant 0 : index
    %get3A_11 = vector.load %arg2[%get3A_9, %get3A_10] : memref<128x128xf32, #tpu.memory_space<vmem>>, vector<128x128xf32>
    %dot_general3A = arith.constant dense<0.000000e+00> : vector<1000x128xf32>
    %dot_general3A_12 = tpu.matmul %concatenate3A, %get3A_11, %dot_general3A {dimension_numbers = #tpu.dot_dimension_numbers<[1], [0], [0], [1], [0, 0, 1, 1], [], []>, transpose_lhs_hint = false} : vector<1000x128xf32>, vector<128x128xf32>, vector<1000x128xf32> -> vector<1000x128xf32>
    %get3A_13 = arith.constant 0 : index
    %get3A_14 = arith.constant 0 : index
    %get3A_15 = vector.load %arg3[%get3A_13, %get3A_14] : memref<1x128xf32, #tpu.memory_space<vmem>>, vector<1x128xf32>
    %add3A = vector.broadcast %get3A_15 : vector<1x128xf32> to vector<1000x128xf32>
    %add3A_16 = arith.addf %dot_general3A_12, %add3A : vector<1000x128xf32>
    %swap3A = arith.constant 0 : index
    %swap3A_17 = arith.constant 0 : index
    %swap3A_18 = vector.load %arg4[%swap3A, %swap3A_17] : memref<1000x128xf32, #tpu.memory_space<vmem>>, vector<1000x128xf32>
    tpu.vector_store %arg4[%swap3A, %swap3A_17], %add3A_16 {strides = array<i32>} : memref<1000x128xf32, #tpu.memory_space<vmem>>, vector<1000x128xf32>,
    return
  }
  func.func @transform_0(%arg0: i32) -> (i32, i32, i32) {
    %c0_i32 = arith.constant 0 : i32
    %c0_i32_0 = arith.constant 0 : i32
    %c0_i32_1 = arith.constant 0 : i32
    return %c0_i32, %arg0, %c0_i32_0 : i32, i32, i32
  }
  func.func @transform_1(%arg0: i32) -> (i32, i32) {
    %c0_i32 = arith.constant 0 : i32
    %c0_i32_0 = arith.constant 0 : i32
    %c0_i32_1 = arith.constant 0 : i32
    return %c0_i32, %c0_i32_0 : i32, i32
  }
  func.func @transform_2(%arg0: i32) -> (i32, i32) {
    %c0_i32 = arith.constant 0 : i32
    %c0_i32_0 = arith.constant 0 : i32
    %c0_i32_1 = arith.constant 0 : i32
    return %c0_i32, %c0_i32_0 : i32, i32
  }
  func.func @transform_3(%arg0: i32) -> (i32, i32) {
    %c0_i32 = arith.constant 0 : i32
    %c0_i32_0 = arith.constant 0 : i32
    return %arg0, %c0_i32 : i32, i32
  }
}

</mosaic_0001>

<sc_bundles>
// kernel: kernel.5.cloned.1.call-start
scs
__scs_entry_jumppad:
0x0: {  	(pc) =	sbr.rel $0x88, $3  }
0x1: {  	(tag) =	ssettag $0x0;
	lr =	simm.s32 $0x1  }
0x2: {  	[smem:$0x3F99] =	sst lr;
	_ =	strace $0xD0000000  }
0x3: {  	_ = 	snop  }
0x4: {  	_ = 	snop  }
0x5: {  	_ = 	snop  }
0x6: {  	_ = 	snop  }
0x7: {  	_ = 	snop  }
__scs_overlays_trampoline_lowered:
0x8: {  	[smem:$0x3FA8] =	sst s0  }
0x9: {  	[smem:$0x3FA9] =	sst s1  }
0xa: {  	[smem:$0x3FAA] =	sst s2  }
0xb: {  	[smem:$0x3FAB] =	sst s3  }
0xc: {  	[smem:$0x3FAC] =	sst s4  }
0xd: {  	[smem:$0x3FAD] =	sst s5  }
0xe: {  	[smem:$0x3FAE] =	sst s6  }
0xf: {  	[smem:$0x3FAF] =	sst s7  }
0x10: {  	[smem:$0x3FB0] =	sst s8  }
0x11: {  	[smem:$0x3FB1] =	sst s9;
	s0 =	simm.s32 @!p0 $0x0  }
0x12: {  	s1 =	sld [smem:$0x3F97];
	s0 =	simm.s32 @p0 $0x1  }
0x13: {  	[smem:$0x3FB2] =	sst s0;
	s0 =	simm.s32 @!p1 $0x0  }
0x14: {  	s2 =	sld [smem:$0x3F96];
	s0 =	simm.s32 @p1 $0x1  }
0x15: {  	[smem:$0x3FB3] =	sst s0;
	s0 =	simm.s32 @!p2 $0x0  }
0x16: {  	s3 =	sld [smem:$0x3FDB];
	s0 =	simm.s32 @p2 $0x1  }
0x17: {  	s4 =	simm.s32 $0x1BF5;
	[smem:$0x3FB5] =	sst s0  }
0x18: {  	s0 =	sld [smem:$0x3F98];
	_ =	swait.ge [sflag:s4], $0x0  }
0x19: {  	s7 =	sld [smem:$0x3F99]  }
0x1a: {  	s8 =	sadd.s32 $0xFFFFE003, lr  }
0x1b: {  	s9 =	sadd.s32 $0xFFFFFEF7, lr;
	s5 =	simm.s32 $0xFFFFFFFF;
	p2 =	slt.u32 s8, $0xFFFFF086  }
0x1c: {  	p1 =	slt.u32 s9, $0xF7A;
	s5 =	simm.s32 @!p2 $0x0  }
0x1d: {  	s5 =	simm.s32 @p1 $0x1;
	p0 =	seq.s32 s7, s2  }
0x1e: {  	s7 =	smul.u32 @!p0 $0xF7A, s2;
	p2 =	seq.s32 @!p0 s5, $0x0  }
0x1f: {  	s9 =	smul.u32 $0xF7A, s1;
	s8 =	simm.s32 @!p0 $0x1BF5;
	p2 =	por !p2, p0  }
0x20: {  	[sflag:s8] =	ssyncset.s32 @!p0 $0xFFFFF086;
	s6 =	sadd.s32 @!p0 s3, s7;
	s7 =	simm.s32 @!p0 $0x108  }
0x21: {  	s3 =	sadd.s32 s3, s9;
	s6 =	sadd.s32 @!p0 $0x88, s6;
	s7 =	simm.s32 @p2 $0x1082  }
0x22: {  	[simem:s7], [sflag:s8] =	dma.local @!p0 [hbm:s6], $0xF7A  }
0x23: {  	s9 =	sor.u32 $0xD0000000, s2;
	s6 =	simm.s32 $0x108;
	_ =	swait.ge @!p0 [sflag:s8], $0x0  }
0x24: {  	s3 =	sadd.s32 $0x88, s3;
	s6 =	simm.s32 @!p1 $0x1082;
	[sflag:s4] =	ssyncset.s32 $0xFFFFF086  }
0x25: {  	[simem:s6], [sflag:s4] =	dma.local [hbm:s3], $0xF7A  }
0x26: {  	[smem:$0x3F99] =	sst s1;
	(tag) =	ssettag s2;
	_ =	strace s9  }
0x27: {  	s1 =	sld [smem:$0x3FA9]  }
0x28: {  	s2 =	sld [smem:$0x3FAA]  }
0x29: {  	s4 =	sld [smem:$0x3FAC]  }
0x2a: {  	p0 =	seq.s32 s5, $0x0;
	s5 =	sld [smem:$0x3FAD]  }
0x2b: {  	s6 =	sld [smem:$0x3FAE]  }
0x2c: {  	s7 =	sld [smem:$0x3FAF]  }
0x2d: {  	s3 =	simm.s32 $0x108;
	s8 =	sld [smem:$0x3FB0]  }
0x2e: {  	s3 =	simm.s32 @!p0 $0x1082;
	s9 =	sld [smem:$0x3FB1]  }
0x2f: {  	lr =	sadd.s32 s0, s3;
	s0 =	sld [smem:$0x3FA8]  }
0x30: {  	s3 =	sld [smem:$0x3FAB]  }
0x31: {  	[smem:$0x3FB4] =	sst s10  }
0x32: {  	s10 =	sld [smem:$0x3FB2];
	_ =	sdelay $0x3  }
0x33: {  	p0 =	seq.s32 s10, $0x1;
	s10 =	sld [smem:$0x3FB4];
	_ =	sdelay $0x3  }
0x34: {  	[smem:$0x3FB4] =	sst s10  }
0x35: {  	s10 =	sld [smem:$0x3FB3];
	_ =	sdelay $0x3  }
0x36: {  	p1 =	seq.s32 s10, $0x1;
	s10 =	sld [smem:$0x3FB4];
	_ =	sdelay $0x3  }
0x37: {  	[smem:$0x3FB4] =	sst s10  }
0x38: {  	s10 =	sld [smem:$0x3FB5]  }
0x39: {  	_ = 	snop;
	(pc) =	sbr.ind lr, $3  }
0x3a: {  	_ = 	snop  }
0x3b: {  	_ = 	snop  }
0x3c: {  	p2 =	seq.s32 s10, $0x1;
	s10 =	sld [smem:$0x3FB4]  }
0x3d: {  	_ =	shalt  }
0x3e: {  	_ =	shalt  }
0x3f: {  	_ =	shalt  }
0x40: {  	_ =	shalt  }
0x41: {  	_ =	shalt  }
0x42: {  	_ =	shalt  }
0x43: {  	_ =	shalt  }
0x44: {  	_ =	shalt  }
0x45: {  	_ =	shalt  }
0x46: {  	_ =	shalt  }
0x47: {  	_ =	shalt  }
0x48: {  	_ =	shalt  }
0x49: {  	_ =	shalt  }
0x4a: {  	_ =	shalt  }
0x4b: {  	_ =	shalt  }
0x4c: {  	_ =	shalt  }
0x4d: {  	_ =	shalt  }
0x4e: {  	_ =	shalt  }
0x4f: {  	_ =	shalt  }
0x50: {  	_ =	shalt  }
0x51: {  	_ =	shalt  }
0x52: {  	_ =	shalt  }
0x53: {  	_ =	shalt  }
0x54: {  	_ =	shalt  }
0x55: {  	_ =	shalt  }
0x56: {  	_ =	shalt  }
0x57: {  	_ =	shalt  }
0x58: {  	_ =	shalt  }
0x59: {  	_ =	shalt  }
0x5a: {  	_ =	shalt  }
0x5b: {  	_ =	shalt  }
0x5c: {  	_ =	shalt  }
0x5d: {  	_ =	shalt  }
0x5e: {  	_ =	shalt  }
0x5f: {  	_ =	shalt  }
0x60: {  	_ =	shalt  }
0x61: {  	_ =	shalt  }
0x62: {  	_ =	shalt  }
0x63: {  	_ =	shalt  }
0x64: {  	_ =	shalt  }
0x65: {  	_ =	shalt  }
0x66: {  	_ =	shalt  }
0x67: {  	_ =	shalt  }
0x68: {  	_ =	shalt  }
0x69: {  	_ =	shalt  }
0x6a: {  	_ =	shalt  }
0x6b: {  	_ =	shalt  }
0x6c: {  	_ =	shalt  }
0x6d: {  	_ =	shalt  }
0x6e: {  	_ =	shalt  }
0x6f: {  	_ =	shalt  }
0x70: {  	_ =	shalt  }
0x71: {  	_ =	shalt  }
0x72: {  	_ =	shalt  }
0x73: {  	_ =	shalt  }
0x74: {  	_ =	shalt  }
0x75: {  	_ =	shalt  }
0x76: {  	_ =	shalt  }
0x77: {  	_ =	shalt  }
0x78: {  	_ =	shalt  }
0x79: {  	_ =	shalt  }
0x7a: {  	_ =	shalt  }
0x7b: {  	_ =	shalt  }
0x7c: {  	_ =	shalt  }
0x7d: {  	_ =	shalt  }
0x7e: {  	_ =	shalt  }
0x7f: {  	_ =	shalt  }
0x80: {  	_ =	shalt  }
0x81: {  	_ =	shalt  }
0x82: {  	_ =	shalt  }
0x83: {  	_ =	shalt  }
0x84: {  	_ =	shalt  }
0x85: {  	_ =	shalt  }
0x86: {  	_ =	shalt  }
0x87: {  	_ =	shalt  }
.Lfunc_end0:
.L_simem_size_0:
called_computation_lowered:
.L_overlay_start_0:
0x88: {  	s2 =	sld [smem:$0x3FD9]  }
0x89: {  	s3 =	sld [smem:$0x3FFE];
	_ =	sdelay $0x1  }
0x8a: {  	s1 =	srdreg.scid  }
0x8b: {  	s0 =	sand.u32 $0x1, s1  }
0x8c: {  	s17 =	sshll.u32 s0, $0xA;
	s2 =	sadd.s32 s3, s2  }
0x8d: {  	s2 =	sadd.s32 s2, s17  }
0x8e: {  	[smem:$0x3FC0] =	sst s2  }
0x8f: {  	_ = 	snop  }
0x90: {  	s2 =	sld [smem:$0x3FC8]  }
0x91: {  	s18 =	sld [smem:$0x3FC7]  }
0x92: {  	s4 =	sld [smem:$0x3FC6]  }
0x93: {  	s5 =	sld [smem:$0x3FD0];
	(tm) =	ssettm $0x1  }
0x94: {  	s6 =	sld [smem:$0x3FFB];
	_ =	sdelay $0x3  }
0x95: {  	_ =	strace s6  }
0x96: {  	s6 =	sld [smem:$0x3FFC];
	_ =	sdelay $0x3  }
0x97: {  	_ =	strace s6  }
0x98: {  	s6 =	sld [smem:$0x3FFD];
	_ =	sdelay $0x3  }
0x99: {  	_ =	strace s6  }
0x9a: {  	_ =	strace $0x8FFFFFFF  }
0x9b: {  	s19 =	sld [smem:$0x3FDB];
	_ =	sdelay $0x1  }
0x9c: {  	s7 =	simm.s32 $_scs_section_size  }
0x9d: {  	s8 =	simm.s32 $_size__tile_overlayer_lowered;
	s9 =	simm.s32 $_tile_overlayer_lowered  }
0x9e: {  	s22 =	simm.s32 $0x1BFF;
	s21 =	sshll.u32 s9, $0x1;
	s6 =	sadd.s32 s7, s19  }
0x9f: {  	s10 =	simm.s32 $0x0;
	s20 =	sshll.u32 s8, $0x1;
	s8 =	sadd.s32 s21, s6  }
0xa0: {  	[timem:s10], [sflag:s22] =	dma.local [hbm:s8], s20  }
0xa1: {  	_ =	swait.ge [sflag:s22], s20  }
0xa2: {  	s7 =	ssub.s32 $0x0, s20;
	[sflag:s22] =	ssyncset.done $0x0  }
0xa3: {  	[sflag:s22] =	ssyncadd.s32 s7;
	_ =	sdelay $0x1  }
0xa4: {  	s23 =	simm.s32 $0x1B8B  }
0xa5: {  	_ =	swait.ge [sflag:s23], $0x1  }
0xa6: {  	[sflag:s23] =	ssyncset.done $0x0  }
0xa7: {  	s25 =	simm.s32 $0x1B8E;
	s24 =	sld [smem:$0x3FFE];
	[sflag:s23] =	ssyncadd.s32 $0xFFFFFFFF  }
0xa8: {  	s26 =	simm.s32 $execute0_lowered;
	[smem:$0x3FD2] =	sst s25  }
0xa9: {  	s8 =	sshll.u32 s26, $0x1;
	_ =	strace $0x80000046;
	[dreg:$0x1] =	wrdreg $0xFFFFFFFF  }
0xaa: {  	s28 =	simm.s32 $_size_execute0_lowered;
	s6 =	sadd.s32 s6, s8;
	[dreg:$0x0] =	wrdreg $0x0  }
0xab: {  	s8 =	sshll.u32 s28, $0x1;
	[dreg:$0x2] =	wrdreg s6  }
0xac: {  	[dreg:$0x3] =	wrdreg s8  }
0xad: {  	[dreg:$0x4] =	wrdreg $0xC0  }
0xae: {  	_ =	task [dreg:s10], $0x5FFFF  }
0xaf: {  	[dreg:$0x1] =	wrdreg $0xFFFFFFFF  }
0xb0: {  	[dreg:$0x0] =	wrdreg $0x60  }
0xb1: {  	[dreg:$0x2] =	wrdreg s5  }
0xb2: {  	[dreg:$0x3] =	wrdreg s2  }
0xb3: {  	[dreg:$0x4] =	wrdreg s18  }
0xb4: {  	[dreg:$0x5] =	wrdreg s4  }
0xb5: {  	[dreg:$0x6] =	wrdreg s24  }
0xb6: {  	[dreg:$0x7] =	wrdreg $0x129400  }
0xb7: {  	[dreg:$0x8] =	wrdreg $0x9  }
0xb8: {  	_ =	task.clear_ibuf [dreg:s10], $0x9FFFF;
	_ =	strace $0x90000046  }
0xb9: {  	s29 =	simm.s32 $0x9;
	_ =	strace $0x80000048  }
0xba: {  	_ =	swait.ge [sflag:s29], $0x1  }
0xbb: {  	[sflag:s29] =	ssyncadd.s32 $0xFFFFFFFF  }
0xbc: {  	_ =	strace $0x90000048  }
0xbd: {  	_ =	sfence  }
0xbe: {  	s30 =	sld [smem:$0x0];
	_ =	sdelay $0x2  }
0xbf: {  	s31 =	sshll.u32 s1, $0xD;
	s1 =	sshrl.u32 s1, $0x2  }
0xc0: {  	s3 =	sand.u32 $0x4000, s31;
	s1 =	sadd.s32 s1, s30  }
0xc1: {  	s0 =	sor.u32 s3, s0;
	s1 =	sshll.u32 s1, $0x11  }
0xc2: {  	s0 =	sor.u32 s1, s0  }
0xc3: {  	s0 =	sadd.s32 $0x8F2B, s0  }
0xc4: {  	[sflag:s0] =	ssyncadd.remote.s32 $0x1  }
0xc5: {  	_ =	sfence.sel $0xFFFF  }
0xc6: {  	[dreg:$0x0] =	wrdreg $0xFFFFFFFF;
	(pc) =	sbr.abs _section_cstart, $3  }
0xc7: {  	[dreg:$0x1] =	wrdreg $0xFFFFFFFF  }
0xc8: {  	_ =	task.clear_ibuf [dreg:s10], $0x2FFFF;
	_ =	strace $0x9FFFFFFF  }
0xc9: {  	(tm) =	ssettm $0x7FFFFFFF  }
tec
execute0_lowered:
.L_overlay_start_1:
0x0: {  	(tag) =	ssettag $0x1  }
0x1: {  	s0 =	rddreg [dreg:$0x0]  }
0x2: {  	s1 =	rddreg [dreg:$0x1]  }
0x3: {  	s3 =	rddreg [dreg:$0x2]  }
0x4: {  	s4 =	rddreg [dreg:$0x3]  }
0x5: {  	s6 =	rddreg [dreg:$0x4]  }
0x6: {  	s2 =	srdreg.scid;
	s12 =	stileid.u32  }
0x7: {  	s5 =	rddreg [dreg:$0x5];
	s11 =	smul.u32 $0x4E20, s12  }
0x8: {  	s9 =	simm.s32 $0x0;
	s29 =	simm.s32 $0x50;
	s16 =	smul.u32 $0x28000, s12  }
0x9: {  	s2 =	sand.u32 $0x1, s2;
	[smem:$0x7FF] =	sst s9;
	s28 =	sshrl.u32 s11, $0x3  }
0xa: {  	_ =	strace $0x80000047;
	s9 =	sshrl.u32 s16, $0x2;
	s4 =	sadd.s32 s4, s28  }
0xb: {  	s9 =	sadd.s32 s9, s5;
	s14 =	sadd.s32 s3, s28;
	[dreg:$0x11] =	wrdreg s4  }
0xc: {  	s7 =	smul.u32 $0xA000, s12;
	s18 =	sadd.s32 $0x1000, s9;
	[dreg:$0x12] =	wrdreg s14  }
0xd: {  	s23 =	smul.u32 $0x9C40, s12;
	s19 =	sadd.s32 $0x2000, s9;
	[dreg:$0x8] =	wrdreg s18  }
0xe: {  	s8 =	smul.u32 $0xA0000, s2;
	s20 =	sadd.s32 $0x3000, s9;
	[dreg:$0x9] =	wrdreg s19  }
0xf: {  	s10 =	ssub.s32 $0x2, s2;
	s21 =	sadd.s32 $0x4000, s9;
	[dreg:$0xa] =	wrdreg s20  }
0x10: {  	s17 =	sshrl.u32 s10, $0x1;
	s22 =	sadd.s32 $0x5000, s9;
	[dreg:$0xb] =	wrdreg s21  }
0x11: {  	s8 =	sadd.s32 s7, s8;
	s24 =	sadd.s32 $0x6000, s9;
	[dreg:$0xc] =	wrdreg s22  }
0x12: {  	s8 =	sshrl.u32 s8, $0x3;
	s25 =	sadd.s32 $0x7000, s9;
	[dreg:$0xd] =	wrdreg s24  }
0x13: {  	s26 =	sadd.s32 $0x8000, s9;
	s9 =	sadd.s32 $0x9000, s9;
	[dreg:$0xe] =	wrdreg s25  }
0x14: {  	s16 =	sadd.s32 $0xA, s14;
	s6 =	sadd.s32 s8, s6;
	[dreg:$0xf] =	wrdreg s26  }
0x15: {  	s8 =	ssub.s32 s10, s17;
	s10 =	sadd.s32 s7, s5;
	[dreg:$0x10] =	wrdreg s9  }
0x16: {  	s18 =	sor.u32 s2, s23;
	[dreg:$0x15] =	wrdreg s16;
	s19 =	sadd.s32 $0x14, s14  }
0x17: {  	s14 =	sadd.s32 $0x1E, s14;
	s16 =	simm.s32 $0x2;
	s7 =	sor.u32 $0x20, s18  }
0x18: {  	s12 =	sadd.s32 $0x40, s18;
	s13 =	sadd.s32 $0xE00, s6;
	s15 =	smax.u32 s8, $0x1  }
0x19: {  	s6 =	sadd.s32 $0x60, s18;
	s20 =	sadd.s32 $0xA0, s18;
	[dreg:$0x16] =	wrdreg s19  }
0x1a: {  	s21 =	sadd.s32 $0xC0, s18;
	s22 =	sadd.s32 $0xE0, s18;
	[dreg:$0x17] =	wrdreg s14  }
0x1b: {  	s26 =	sadd.s32 $0x100, s18;
	s30 =	sadd.s32 $0x120, s18;
	[dreg:$0x7] =	wrdreg s10  }
0x1c: {  	s31 =	sadd.s32 $0x140, s18;
	s4 =	sadd.s32 $0x160, s18;
	[dreg:$0x13] =	wrdreg s13  }
0x1d: {  	s8 =	sadd.s32 $0x180, s18;
	s17 =	sadd.s32 $0x1A0, s18;
	[dreg:$0x14] =	wrdreg s15  }
0x1e: {  	s28 =	sadd.s32 $0x1C0, s18;
	s23 =	sadd.s32 $0x220, s18;
	[dreg:$0x1d] =	wrdreg s17  }
0x1f: {  	s9 =	sadd.s32 $0x1E0, s18;
	s24 =	sadd.s32 $0x240, s18;
	[dreg:$0x1b] =	wrdreg s23  }
0x20: {  	v0 =	vlaneseq.u32;
	s25 =	sadd.s32 $0x260, s18;
	s19 =	simm.s32 $0xF0A0;
	[dreg:$0x1c] =	wrdreg s24  }
0x21: {  	v0 =	vmul.u32 $0x2, v0;
	s13 =	sadd.s32 $0x80, s18;
	s15 =	sadd.s32 $0x200, s18;
	[dreg:$0x19] =	wrdreg s25  }
0x22: {  	v22 =	vimm.f32 $0.0e+00;
	s17 =	simm.s32 $0x3;
	s23 =	simm.s32 $0x118F0;
	s24 =	simm.s32 $0x5  }
0x23: {  	v1 =	vmov s2;
	v21 =	vor.u32 s18, v0;
	v6 =	vor.u32 s20, v0;
	s25 =	simm.s32 $0x6;
	s20 =	simm.s32 $0x7;
	[dreg:$0x1a] =	wrdreg s15  }
0x24: {  	v2 =	vor.u32 s7, v0;
	v9 =	vor.u32 s26, v0;
	s7 =	simm.s32 $0x9;
	s26 =	simm.s32 $0xA;
	v12 =	vor.u32 s4, v0;
	s4 =	rddreg [dreg:$0x1d]  }
.Ltmp0:
0x25: {  	v3 =	vor.u32 s12, v0;
	v4 =	vor.u32 s6, v0;
	s6 =	simm.s32 $0xB;
	v16 =	vor.u32 s9, v0;
	s9 =	rddreg [dreg:$0x1b];
	(pc) =	sbr.rel .LBB2_1-.Ltmp0, $4  }
0x26: {  	v7 =	vor.u32 s21, v0;
	v8 =	vor.u32 s22, v0;
	v10 =	vor.u32 s30, v0;
	s12 =	simm.s32 $0xD;
	s21 =	simm.s32 $0xF;
	s14 =	rddreg [dreg:$0x1c]  }
0x27: {  	v11 =	vor.u32 s31, v0;
	v13 =	vor.u32 s8, v0;
	v15 =	vor.u32 s28, v0;
	s22 =	simm.s32 $0x11;
	s30 =	simm.s32 $0x12;
	s28 =	rddreg [dreg:$0x19]  }
0x28: {  	s31 =	simm.s32 $0x13;
	s15 =	simm.s32 $0x1;
	v5 =	vor.u32 s13, v0;
	v14 =	vor.u32 s4, v0;
	s8 =	rddreg [dreg:$0x1a];
	v18 =	vor.u32 s9, v0  }
0x29: {  	s13 =	simm.s32 $0xE;
	v19 =	vor.u32 s14, v0;
	v20 =	vor.u32 s28, v0;
	s4 =	simm.s32 $0x10;
	s9 =	simm.s32 $0x0;
	v17 =	vor.u32 s8, v0  }
.LBB2_18:
0x2a: {  	s2 =	simm.s32 $0x4  }
0x2b: {  	_ =	swait.ge [sflag:s2], $0x1400  }
0x2c: {  	[sflag:s2] =	ssyncset.done $0x0  }
0x2d: {  	s28 =	simm.s32 $0x8;
	[sflag:s2] =	ssyncadd.s32 $0xFFFFEC00  }
0x2e: {  	_ =	swait.ge [sflag:s28], $0x1400  }
0x2f: {  	[sflag:s28] =	ssyncset.done $0x0  }
0x30: {  	s8 =	simm.s32 $0xC;
	[sflag:s28] =	ssyncadd.s32 $0xFFFFEC00  }
0x31: {  	_ =	swait.ge [sflag:s8], $0x1400  }
0x32: {  	[sflag:s8] =	ssyncset.done $0x0  }
0x33: {  	[sflag:s8] =	ssyncadd.s32 $0xFFFFEC00  }
0x34: {  	_ =	swait.ge [sflag:s4], $0x1400  }
0x35: {  	[sflag:s4] =	ssyncset.done $0x0  }
0x36: {  	s9 =	simm.s32 $0x14;
	[sflag:s4] =	ssyncadd.s32 $0xFFFFEC00  }
0x37: {  	_ =	swait.ge [sflag:s9], $0x1400  }
0x38: {  	[sflag:s9] =	ssyncset.done $0x0  }
0x39: {  	[sflag:s9] =	ssyncadd.s32 $0xFFFFEC00  }
0x3a: {  	s10 =	stileid.u32;
	[bflag:$0x0] =	sbarrier.arrive $0xFFFF  }
0x3b: {  	s2 =	sshll.u32 s10, $0x6;
	s10 =	rddreg [dreg:$0x7]  }
0x3c: {  	s2 =	sor.u32 $0x1C15, s2;
	s9 =	rddreg [dreg:$0x13];
	s8 =	sshrl.u32 s10, $0x3  }
0x3d: {  	[hbm:s9], [sflag:s2] =	dma.local [spmem:s8], $0x1400  }
0x3e: {  	s8 =	simm.s32 $0x15  }
0x3f: {  	_ =	swait.ge [sflag:s8], $0x1400  }
0x40: {  	s14 =	rddreg [dreg:$0x18]  }
0x41: {  	s28 =	rddreg [dreg:$0x14];
	s9 =	sadd.s32 $0x1, s14  }
0x42: {  	p0 =	sne.s32 s9, s28  }
.Ltmp1:
0x43: {  	_ = 	snop;
	(pc) =	sbr.rel @!p0 .LBB2_19-.Ltmp1, $3  }
0x44: {  	_ =	sdelay $0x1  }
0x45: {  	[sflag:s8] =	ssyncset.done $0x0  }
0x46: {  	[sflag:s8] =	ssyncadd.s32 $0xFFFFEC00  }
.LBB2_1:
0x47: {  	[dreg:$0x18] =	wrdreg s9;
	s8 =	simm.s32 $0x100;
	s2 =	simm.s32 $0x0  }
.LBB2_2:
0x48: {  	p0 =	sne.s32 s8, $0x3F00;
	[tilespmem:s2+$0x11970] =	vst v22;
	s9 =	smov.u32 s8;
	s8 =	sadd.s32 $0x100, s8  }
.Ltmp2:
0x49: {  	[tilespmem:s2+$0x11960] =	vst v22;
	(pc) =	sbr.rel @p0 .LBB2_2-.Ltmp2, $3  }
0x4a: {  	[tilespmem:s2+$0x11940] =	vst v22  }
0x4b: {  	[tilespmem:s2+$0x11950] =	vst v22;
	_ =	sdelay $0x1  }
0x4c: {  	s2 =	sshra.s32 s9, $0x2  }
0x4d: {  	[tilespmem:s2+$0x11970] =	vst v22  }
0x4e: {  	[tilespmem:s2+$0x11960] =	vst v22  }
0x4f: {  	[tilespmem:s2+$0x11940] =	vst v22  }
0x50: {  	[tilespmem:s2+$0x11950] =	vst v22;
	s8 =	simm.s32 $0x11940;
	s9 =	simm.s32 $0x15  }
0x51: {  	[spmem:s10] =	stream.linear.scatter [tilespmem:s8], [sflag:$0x15], $0x1000, $0x38;
	[tilespmem:$0x1C940] =	vst v63  }
0x52: {  	_ =	swait.ge [sflag:s9], $0x1000  }
0x53: {  	[sflag:s9] =	ssyncset.done $0x0  }
0x54: {  	s14 =	rddreg [dreg:$0x8];
	[sflag:s9] =	ssyncadd.s32 $0xFFFFF000  }
0x55: {  	[spmem:s14] =	stream.linear.scatter [tilespmem:s8], [sflag:$0x15], $0x1000, $0x38;
	[tilespmem:$0x1C940] =	vst v63  }
0x56: {  	_ =	swait.ge [sflag:s9], $0x1000  }
0x57: {  	[sflag:s9] =	ssyncset.done $0x0  }
0x58: {  	s28 =	rddreg [dreg:$0x9];
	[sflag:s9] =	ssyncadd.s32 $0xFFFFF000  }
0x59: {  	[spmem:s28] =	stream.linear.scatter [tilespmem:s8], [sflag:$0x15], $0x1000, $0x38;
	[tilespmem:$0x1C940] =	vst v63  }
0x5a: {  	_ =	swait.ge [sflag:s9], $0x1000  }
0x5b: {  	[sflag:s9] =	ssyncset.done $0x0  }
0x5c: {  	s10 =	rddreg [dreg:$0xa];
	[sflag:s9] =	ssyncadd.s32 $0xFFFFF000  }
0x5d: {  	[spmem:s10] =	stream.linear.scatter [tilespmem:s8], [sflag:$0x15], $0x1000, $0x38;
	[tilespmem:$0x1C940] =	vst v63  }
0x5e: {  	_ =	swait.ge [sflag:s9], $0x1000  }
0x5f: {  	[sflag:s9] =	ssyncset.done $0x0  }
0x60: {  	s14 =	rddreg [dreg:$0xb];
	[sflag:s9] =	ssyncadd.s32 $0xFFFFF000  }
0x61: {  	[spmem:s14] =	stream.linear.scatter [tilespmem:s8], [sflag:$0x15], $0x1000, $0x38;
	[tilespmem:$0x1C940] =	vst v63  }
0x62: {  	_ =	swait.ge [sflag:s9], $0x1000  }
0x63: {  	[sflag:s9] =	ssyncset.done $0x0  }
0x64: {  	s28 =	rddreg [dreg:$0xc];
	[sflag:s9] =	ssyncadd.s32 $0xFFFFF000  }
0x65: {  	[spmem:s28] =	stream.linear.scatter [tilespmem:s8], [sflag:$0x15], $0x1000, $0x38;
	[tilespmem:$0x1C940] =	vst v63  }
0x66: {  	_ =	swait.ge [sflag:s9], $0x1000  }
0x67: {  	[sflag:s9] =	ssyncset.done $0x0  }
0x68: {  	s10 =	rddreg [dreg:$0xd];
	[sflag:s9] =	ssyncadd.s32 $0xFFFFF000  }
0x69: {  	[spmem:s10] =	stream.linear.scatter [tilespmem:s8], [sflag:$0x15], $0x1000, $0x38;
	[tilespmem:$0x1C940] =	vst v63  }
0x6a: {  	_ =	swait.ge [sflag:s9], $0x1000  }
0x6b: {  	[sflag:s9] =	ssyncset.done $0x0  }
0x6c: {  	s14 =	rddreg [dreg:$0xe];
	[sflag:s9] =	ssyncadd.s32 $0xFFFFF000  }
0x6d: {  	[spmem:s14] =	stream.linear.scatter [tilespmem:s8], [sflag:$0x15], $0x1000, $0x38;
	[tilespmem:$0x1C940] =	vst v63  }
0x6e: {  	_ =	swait.ge [sflag:s9], $0x1000  }
0x6f: {  	[sflag:s9] =	ssyncset.done $0x0  }
0x70: {  	s28 =	rddreg [dreg:$0xf];
	[sflag:s9] =	ssyncadd.s32 $0xFFFFF000  }
0x71: {  	[spmem:s28] =	stream.linear.scatter [tilespmem:s8], [sflag:$0x15], $0x1000, $0x38;
	[tilespmem:$0x1C940] =	vst v63  }
0x72: {  	_ =	swait.ge [sflag:s9], $0x1000  }
0x73: {  	[sflag:s9] =	ssyncset.done $0x0  }
0x74: {  	s10 =	rddreg [dreg:$0x10];
	[sflag:s9] =	ssyncadd.s32 $0xFFFFF000  }
0x75: {  	[spmem:s10] =	stream.linear.scatter [tilespmem:s8], [sflag:$0x15], $0x1000, $0x38;
	[tilespmem:$0x1C940] =	vst v63  }
0x76: {  	_ =	swait.ge [sflag:s9], $0x1000  }
0x77: {  	[sflag:s9] =	ssyncset.done $0x0  }
0x78: {  	[sflag:s9] =	ssyncadd.s32 $0xFFFFF000  }
0x79: {  	[bflag:$0x0] =	sbarrier.arrive $0xFFFF  }
0x7a: {  	s14 =	simm.s32 $0x0;
	s28 =	rddreg [dreg:$0x11]  }
0x7b: {  	[tilespmem:s14], [sflag:$0x15] =	stream.linear.gather [hbm4b:s28+s14], $0x4E20, $0x38;
	[tilespmem:$0x1C940] =	vst v63  }
0x7c: {  	_ =	swait.ge [sflag:s9], $0x4E20  }
0x7d: {  	[sflag:s9] =	ssyncset.done $0x0  }
0x7e: {  	s2 =	simm.s32 $0x0;
	[sflag:s9] =	ssyncadd.s32 $0xFFFFB1E0  }
0x7f: {  	v25 =	vld [tilespmem:s2+$0x0]  }
0x80: {  	v26 =	vld [tilespmem:s2+$0x10]  }
0x81: {  	v24 =	vld [tilespmem:s2+$0x20]  }
0x82: {  	s8 =	simm.s32 $0x140;
	v23 =	vld [tilespmem:s2+$0x30]  }
.LBB2_4:
0x83: {  	p0 =	sne.s32 s8, $0x13740;
	v27 =	vld [tilespmem:s2+$0x40]  }
0x84: {  	v25 =	vshll.u32 v25, $0x1  }
0x85: {  	v25 =	vor.u32 v1, v25;
	v26 =	vshll.u32 v26, $0x1  }
.Ltmp3:
0x86: {  	s9 =	sshra.s32 s8, $0x2;
	[tilespmem:s2+$0x0] =	vst v25;
	v26 =	vor.u32 v1, v26;
	v24 =	vshll.u32 v24, $0x1;
	(pc) =	sbr.rel @p0 .LBB2_4-.Ltmp3, $4  }
0x87: {  	v25 =	vld [tilespmem:s9+$0x0];
	[tilespmem:s2+$0x10] =	vst v26;
	v24 =	vor.u32 v1, v24;
	v23 =	vshll.u32 v23, $0x1  }
0x88: {  	v26 =	vld [tilespmem:s9+$0x10];
	[tilespmem:s2+$0x20] =	vst v24;
	v23 =	vor.u32 v1, v23;
	v27 =	vshll.u32 v27, $0x1  }
0x89: {  	v24 =	vld [tilespmem:s9+$0x20];
	[tilespmem:s2+$0x30] =	vst v23;
	v27 =	vor.u32 v1, v27  }
0x8a: {  	s8 =	sadd.s32 $0x140, s8;
	v23 =	vld [tilespmem:s9+$0x30];
	[tilespmem:s2+$0x40] =	vst v27;
	s2 =	smov.u32 s9  }
0x8b: {  	v27 =	vld [tilespmem:s2+$0x40]  }
0x8c: {  	v25 =	vshll.u32 v25, $0x1  }
0x8d: {  	v25 =	vor.u32 v1, v25;
	v26 =	vshll.u32 v26, $0x1  }
0x8e: {  	[tilespmem:s2+$0x0] =	vst v25;
	v62 =	vor.u32 v1, v26;
	v24 =	vshll.u32 v24, $0x1  }
0x8f: {  	[tilespmem:s2+$0x10] =	vst v62;
	v24 =	vor.u32 v1, v24;
	v23 =	vshll.u32 v23, $0x1  }
0x90: {  	[tilespmem:s2+$0x20] =	vst v24;
	v23 =	vor.u32 v1, v23;
	v63 =	vshll.u32 v27, $0x1  }
0x91: {  	[tilespmem:s2+$0x30] =	vst v23;
	v23 =	vor.u32 v1, v63  }
0x92: {  	[tilespmem:s2+$0x40] =	vst v23  }
0x93: {  	[tilespmem:$0x7620] =	vst v21  }
0x94: {  	[tilespmem:$0x7630] =	vst v2  }
0x95: {  	[tilespmem:$0x7640] =	vst v3  }
0x96: {  	[tilespmem:$0x7650] =	vst v4  }
0x97: {  	s8 =	simm.s32 $0x4E20;
	s2 =	simm.s32 $0x0;
	[tilespmem:$0x7660] =	vst v5  }
0x98: {  	[tilespmem:s8], [sflag:$0x1] =	stream.indirect.gather [hbm4b:s0+s29], $0x40, s2, s29, $0xb8;
	[tilespmem:$0x1C940] =	vst v63  }
0x99: {  	s28 =	simm.s32 $0x7620;
	s9 =	simm.s32 $0x6220  }
0x9a: {  	[tilespmem:s9], [sflag:$0x2] =	stream.indirect.gather [hbm4b:s1+s29], $0x40, s28, s29, $0xb8;
	[tilespmem:$0x1C940] =	vst v63  }
0x9b: {  	s10 =	rddreg [dreg:$0x12];
	s14 =	simm.s32 $0x7670  }
0x9c: {  	[tilespmem:s14], [sflag:$0x3] =	stream.linear.gather [hbm4b:s10+s2], $0x50, $0x38;
	[tilespmem:$0x1C940] =	vst v63  }
0x9d: {  	[tilespmem:$0x9EC0] =	vst v6  }
0x9e: {  	[tilespmem:$0x9ED0] =	vst v7  }
0x9f: {  	[tilespmem:$0x9EE0] =	vst v8  }
0xa0: {  	[tilespmem:$0x9EF0] =	vst v9  }
0xa1: {  	s28 =	simm.s32 $0x76C0;
	[tilespmem:$0x9F00] =	vst v10  }
0xa2: {  	[tilespmem:s28], [sflag:$0x5] =	stream.indirect.gather [hbm4b:s0+s29], $0x40, s29, s29, $0xb8;
	[tilespmem:$0x1C940] =	vst v63  }
0xa3: {  	s9 =	simm.s32 $0x9EC0;
	s10 =	simm.s32 $0x8AC0  }
0xa4: {  	[tilespmem:s10], [sflag:$0x6] =	stream.indirect.gather [hbm4b:s1+s29], $0x40, s9, s29, $0xb8;
	[tilespmem:$0x1C940] =	vst v63  }
0xa5: {  	s14 =	rddreg [dreg:$0x15];
	s28 =	simm.s32 $0x9F10  }
0xa6: {  	[tilespmem:s28], [sflag:$0x7] =	stream.linear.gather [hbm4b:s14+s2], $0x50, $0x38;
	[tilespmem:$0x1C940] =	vst v63  }
0xa7: {  	[tilespmem:$0xC760] =	vst v11  }
0xa8: {  	[tilespmem:$0xC770] =	vst v12  }
0xa9: {  	[tilespmem:$0xC780] =	vst v13  }
0xaa: {  	[tilespmem:$0xC790] =	vst v14  }
0xab: {  	s9 =	simm.s32 $0xA0;
	s10 =	simm.s32 $0x9F60;
	[tilespmem:$0xC7A0] =	vst v15  }
0xac: {  	[tilespmem:s10], [sflag:$0x9] =	stream.indirect.gather [hbm4b:s0+s29], $0x40, s9, s29, $0xb8;
	[tilespmem:$0x1C940] =	vst v63  }
0xad: {  	s14 =	simm.s32 $0xC760;
	s28 =	simm.s32 $0xB360  }
0xae: {  	[tilespmem:s28], [sflag:$0xA] =	stream.indirect.gather [hbm4b:s1+s29], $0x40, s14, s29, $0xb8;
	[tilespmem:$0x1C940] =	vst v63  }
0xaf: {  	s9 =	rddreg [dreg:$0x16];
	s10 =	simm.s32 $0xC7B0  }
0xb0: {  	[tilespmem:s10], [sflag:$0xB] =	stream.linear.gather [hbm4b:s9+s2], $0x50, $0x38;
	[tilespmem:$0x1C940] =	vst v63  }
0xb1: {  	[tilespmem:$0xF000] =	vst v16  }
0xb2: {  	[tilespmem:$0xF010] =	vst v17  }
0xb3: {  	[tilespmem:$0xF020] =	vst v18  }
0xb4: {  	[tilespmem:$0xF030] =	vst v19  }
0xb5: {  	s14 =	simm.s32 $0xF0;
	s28 =	simm.s32 $0xC800;
	[tilespmem:$0xF040] =	vst v20  }
0xb6: {  	[tilespmem:s28], [sflag:$0xD] =	stream.indirect.gather [hbm4b:s0+s29], $0x40, s14, s29, $0xb8;
	[tilespmem:$0x1C940] =	vst v63  }
0xb7: {  	s9 =	simm.s32 $0xF000;
	s10 =	simm.s32 $0xDC00  }
0xb8: {  	[tilespmem:s10], [sflag:$0xE] =	stream.indirect.gather [hbm4b:s1+s29], $0x40, s9, s29, $0xb8;
	[tilespmem:$0x1C940] =	vst v63  }
0xb9: {  	s14 =	rddreg [dreg:$0x17];
	s28 =	simm.s32 $0xF050  }
0xba: {  	[tilespmem:s28], [sflag:$0xF] =	stream.linear.gather [hbm4b:s14+s2], $0x50, $0x38;
	[tilespmem:$0x1C940] =	vst v63  }
.LBB2_6:
0xbb: {  	_ =	swait.ge [sflag:s15], $0x1400  }
0xbc: {  	[sflag:s15] =	ssyncset.done $0x0  }
0xbd: {  	[sflag:s15] =	ssyncadd.s32 $0xFFFFEC00  }
0xbe: {  	_ =	swait.ge [sflag:s16], $0x1400  }
0xbf: {  	[sflag:s16] =	ssyncset.done $0x0  }
0xc0: {  	[sflag:s16] =	ssyncadd.s32 $0xFFFFEC00  }
0xc1: {  	_ =	swait.ge [sflag:s17], $0x50  }
0xc2: {  	[sflag:s17] =	ssyncset.done $0x0  }
0xc3: {  	s8 =	simm.s32 $0x0;
	[sflag:s17] =	ssyncadd.s32 $0xFFFFFFB0  }
0xc4: {  	v29 =	vld [tilespmem:s8+$0x6220]  }
0xc5: {  	v30 =	vld [tilespmem:s8+$0x6230]  }
0xc6: {  	v31 =	vld [tilespmem:s8+$0x6240]  }
0xc7: {  	v32 =	vld [tilespmem:s8+$0x6250]  }
0xc8: {  	v33 =	vld [tilespmem:s8+$0x6260]  }
0xc9: {  	v34 =	vld [tilespmem:s8+$0x6270]  }
0xca: {  	v35 =	vld [tilespmem:s8+$0x6280]  }
0xcb: {  	v36 =	vld [tilespmem:s8+$0x6290]  }
0xcc: {  	v37 =	vld [tilespmem:s8+$0x62A0]  }
0xcd: {  	v38 =	vld [tilespmem:s8+$0x62B0]  }
0xce: {  	v28 =	vld [tilespmem:s8+$0x62C0]  }
0xcf: {  	v27 =	vld [tilespmem:s8+$0x62D0]  }
0xd0: {  	v26 =	vld [tilespmem:s8+$0x62E0]  }
0xd1: {  	v25 =	vld [tilespmem:s8+$0x62F0]  }
0xd2: {  	v24 =	vld [tilespmem:s8+$0x6300]  }
0xd3: {  	v23 =	vld [tilespmem:s8+$0x6310]  }
0xd4: {  	v39 =	vld [tilespmem:s8+$0x4E20]  }
0xd5: {  	v40 =	vld [tilespmem:s8+$0x4E30]  }
0xd6: {  	v41 =	vld [tilespmem:s8+$0x4E40]  }
0xd7: {  	v42 =	vld [tilespmem:s8+$0x4E50]  }
0xd8: {  	v43 =	vld [tilespmem:s8+$0x4E60]  }
0xd9: {  	v58 =	vld [tilespmem:s8+$0x4E70];
	v29 =	vmul.f32 v29, v39  }
0xda: {  	v44 =	vld [tilespmem:s8+$0x4E80];
	v30 =	vmul.f32 v30, v40  }
0xdb: {  	v59 =	vld [tilespmem:s8+$0x4E90];
	[tilespmem:s8+$0x4E20] =	vst v29;
	v29 =	vmul.f32 v31, v41  }
0xdc: {  	v60 =	vld [tilespmem:s8+$0x4EA0];
	[tilespmem:s8+$0x4E30] =	vst v30;
	v30 =	vmul.f32 v32, v42  }
0xdd: {  	v61 =	vld [tilespmem:s8+$0x4EB0];
	[tilespmem:s8+$0x4E40] =	vst v29;
	v29 =	vmul.f32 v33, v43  }
0xde: {  	v31 =	vmul.f32 v34, v58;
	[tilespmem:s8+$0x4E50] =	vst v30;
	v30 =	vld [tilespmem:s8+$0x4EC0]  }
0xdf: {  	v62 =	vmul.f32 v35, v44;
	[tilespmem:s8+$0x4E60] =	vst v29;
	v29 =	vld [tilespmem:s8+$0x4ED0]  }
0xe0: {  	v63 =	vmul.f32 v36, v59;
	[tilespmem:s8+$0x4E70] =	vst v31;
	v31 =	vld [tilespmem:s8+$0x4EE0]  }
0xe1: {  	v35 =	vmul.f32 v37, v60;
	[tilespmem:s8+$0x4E80] =	vst v62;
	v32 =	vld [tilespmem:s8+$0x4EF0]  }
0xe2: {  	s9 =	simm.s32 $0x400;
	[tilespmem:s8+$0x4E90] =	vst v63;
	v34 =	vmul.f32 v38, v61;
	v33 =	vld [tilespmem:s8+$0x4F00]  }
.LBB2_7:
0xe3: {  	s28 =	sshra.s32 s9, $0x2;
	p0 =	sne.s32 s9, $0x4C00;
	[tilespmem:s8+$0x4EA0] =	vst v35;
	v28 =	vmul.f32 v28, v30;
	v30 =	vld [tilespmem:s8+$0x4F10]  }
0xe4: {  	v35 =	vld [tilespmem:s28+$0x6220];
	[tilespmem:s8+$0x4EB0] =	vst v34;
	v27 =	vmul.f32 v27, v29  }
0xe5: {  	v29 =	vld [tilespmem:s28+$0x6230];
	[tilespmem:s8+$0x4EC0] =	vst v28;
	v26 =	vmul.f32 v26, v31  }
0xe6: {  	v31 =	vld [tilespmem:s28+$0x6240];
	[tilespmem:s8+$0x4ED0] =	vst v27;
	v25 =	vmul.f32 v25, v32  }
0xe7: {  	v32 =	vld [tilespmem:s28+$0x6250];
	[tilespmem:s8+$0x4EE0] =	vst v26;
	v24 =	vmul.f32 v24, v33  }
0xe8: {  	v33 =	vld [tilespmem:s28+$0x6260];
	[tilespmem:s8+$0x4EF0] =	vst v25;
	v23 =	vmul.f32 v23, v30  }
0xe9: {  	v30 =	vld [tilespmem:s28+$0x6270];
	[tilespmem:s8+$0x4F00] =	vst v24  }
0xea: {  	v34 =	vld [tilespmem:s28+$0x6280];
	[tilespmem:s8+$0x4F10] =	vst v23;
	s8 =	smov.u32 s28  }
0xeb: {  	v36 =	vld [tilespmem:s8+$0x6290]  }
0xec: {  	v37 =	vld [tilespmem:s8+$0x62A0]  }
0xed: {  	v38 =	vld [tilespmem:s8+$0x62B0]  }
0xee: {  	v28 =	vld [tilespmem:s8+$0x62C0]  }
0xef: {  	v27 =	vld [tilespmem:s8+$0x62D0]  }
0xf0: {  	v26 =	vld [tilespmem:s8+$0x62E0]  }
0xf1: {  	v25 =	vld [tilespmem:s8+$0x62F0]  }
0xf2: {  	v24 =	vld [tilespmem:s8+$0x6300]  }
0xf3: {  	v23 =	vld [tilespmem:s8+$0x6310]  }
0xf4: {  	v39 =	vld [tilespmem:s8+$0x4E20]  }
0xf5: {  	v40 =	vld [tilespmem:s8+$0x4E30]  }
0xf6: {  	v41 =	vld [tilespmem:s8+$0x4E40]  }
0xf7: {  	v42 =	vld [tilespmem:s8+$0x4E50]  }
0xf8: {  	v43 =	vld [tilespmem:s8+$0x4E60]  }
0xf9: {  	v35 =	vmul.f32 v35, v39;
	v39 =	vld [tilespmem:s8+$0x4E70]  }
0xfa: {  	v29 =	vmul.f32 v29, v40;
	v40 =	vld [tilespmem:s8+$0x4E80]  }
0xfb: {  	[tilespmem:s8+$0x4E20] =	vst v35;
	v31 =	vmul.f32 v31, v41;
	v35 =	vld [tilespmem:s8+$0x4E90]  }
0xfc: {  	[tilespmem:s8+$0x4E30] =	vst v29;
	v29 =	vmul.f32 v32, v42;
	v32 =	vld [tilespmem:s8+$0x4EA0]  }
0xfd: {  	[tilespmem:s8+$0x4E40] =	vst v31;
	v31 =	vmul.f32 v33, v43;
	v33 =	vld [tilespmem:s8+$0x4EB0]  }
.Ltmp4:
0xfe: {  	[tilespmem:s8+$0x4E50] =	vst v29;
	v39 =	vmul.f32 v30, v39;
	v30 =	vld [tilespmem:s8+$0x4EC0];
	(pc) =	sbr.rel @p0 .LBB2_7-.Ltmp4, $4  }
0xff: {  	[tilespmem:s8+$0x4E60] =	vst v31;
	v34 =	vmul.f32 v34, v40;
	v29 =	vld [tilespmem:s8+$0x4ED0]  }
0x100: {  	[tilespmem:s8+$0x4E70] =	vst v39;
	v36 =	vmul.f32 v36, v35;
	v31 =	vld [tilespmem:s8+$0x4EE0]  }
0x101: {  	[tilespmem:s8+$0x4E80] =	vst v34;
	v35 =	vmul.f32 v37, v32;
	v32 =	vld [tilespmem:s8+$0x4EF0]  }
0x102: {  	s9 =	sadd.s32 $0x400, s9;
	[tilespmem:s8+$0x4E90] =	vst v36;
	v34 =	vmul.f32 v38, v33;
	v33 =	vld [tilespmem:s8+$0x4F00]  }
0x103: {  	[tilespmem:s8+$0x4EA0] =	vst v35;
	v28 =	vmul.f32 v28, v30;
	v30 =	vld [tilespmem:s8+$0x4F10]  }
0x104: {  	[tilespmem:s8+$0x4EB0] =	vst v34;
	v27 =	vmul.f32 v27, v29  }
0x105: {  	[tilespmem:s8+$0x4EC0] =	vst v28;
	v26 =	vmul.f32 v26, v31  }
0x106: {  	[tilespmem:s8+$0x4ED0] =	vst v27;
	v25 =	vmul.f32 v25, v32  }
0x107: {  	[tilespmem:s8+$0x4EE0] =	vst v26;
	v24 =	vmul.f32 v24, v33  }
0x108: {  	[tilespmem:s8+$0x4EF0] =	vst v25;
	v23 =	vmul.f32 v23, v30  }
0x109: {  	[tilespmem:s8+$0x4F00] =	vst v24  }
0x10a: {  	s9 =	simm.s32 $0x4E20;
	s10 =	simm.s32 $0x7670;
	[tilespmem:s8+$0x4F10] =	vst v23;
	s8 =	smul.u32 $0x5, s2  }
0x10b: {  	[spmem:s5] =	stream.indirect.scatter.add.f32 [tilespmem:s9], [sflag:$0x4], $0x40, s10, s29, $0xb8;
	[tilespmem:$0x1C940] =	vst v63  }
0x10c: {  	p0 =	seq.s32 s2, $0x0;
	s9 =	sadd.s32 $0x4, s8  }
0x10d: {  	s28 =	simm.s32 @!p0 $0x14;
	s14 =	smul.u32 $0xA0, s9  }
0x10e: {  	_ =	swait.ge @!p0 [sflag:s28], $0x1400  }
0x10f: {  	[sflag:s28] =	ssyncset.done @!p0 $0x0;
	s10 =	sadd.s32 s18, s14  }
0x110: {  	[sflag:s28] =	ssyncadd.s32 @!p0 $0xFFFFEC00;
	v23 =	vor.u32 s10, v0;
	s28 =	sadd.s32 $0x20, s10  }
0x111: {  	[tilespmem:$0x118A0] =	vst v23;
	v23 =	vor.u32 s28, v0;
	s28 =	sadd.s32 $0x40, s10  }
0x112: {  	[tilespmem:$0x118B0] =	vst v23;
	v23 =	vor.u32 s28, v0;
	s28 =	sadd.s32 $0x60, s10  }
0x113: {  	s10 =	sadd.s32 $0x80, s10;
	[tilespmem:$0x118C0] =	vst v23;
	v23 =	vor.u32 s28, v0  }
0x114: {  	s9 =	smul.u32 $0x50, s9;
	[tilespmem:$0x118D0] =	vst v23;
	v23 =	vor.u32 s10, v0  }
0x115: {  	[tilespmem:$0x118E0] =	vst v23  }
0x116: {  	[tilespmem:s19], [sflag:$0x11] =	stream.indirect.gather [hbm4b:s0+s29], $0x40, s9, s29, $0xb8;
	[tilespmem:$0x1C940] =	vst v63  }
0x117: {  	s9 =	sadd.s32 s11, s9  }
0x118: {  	s14 =	simm.s32 $0x104A0;
	s10 =	simm.s32 $0x118A0;
	s9 =	sshrl.u32 s9, $0x3  }
0x119: {  	[tilespmem:s14], [sflag:$0x12] =	stream.indirect.gather [hbm4b:s1+s29], $0x40, s10, s29, $0xb8;
	[tilespmem:$0x1C940] =	vst v63  }
0x11a: {  	s9 =	sadd.s32 s3, s9;
	s14 =	simm.s32 $0x0  }
0x11b: {  	[tilespmem:s23], [sflag:$0x13] =	stream.linear.gather [hbm4b:s9+s14], $0x50, $0x38;
	[tilespmem:$0x1C940] =	vst v63  }
0x11c: {  	_ =	swait.ge [sflag:s24], $0x1400  }
0x11d: {  	[sflag:s24] =	ssyncset.done $0x0  }
0x11e: {  	[sflag:s24] =	ssyncadd.s32 $0xFFFFEC00  }
0x11f: {  	_ =	swait.ge [sflag:s25], $0x1400  }
0x120: {  	[sflag:s25] =	ssyncset.done $0x0  }
0x121: {  	[sflag:s25] =	ssyncadd.s32 $0xFFFFEC00  }
0x122: {  	_ =	swait.ge [sflag:s20], $0x50  }
0x123: {  	[sflag:s20] =	ssyncset.done $0x0  }
0x124: {  	s9 =	simm.s32 $0x0;
	[sflag:s20] =	ssyncadd.s32 $0xFFFFFFB0  }
0x125: {  	v29 =	vld [tilespmem:s9+$0x8AC0]  }
0x126: {  	v30 =	vld [tilespmem:s9+$0x8AD0]  }
0x127: {  	v31 =	vld [tilespmem:s9+$0x8AE0]  }
0x128: {  	v54 =	vld [tilespmem:s9+$0x8AF0]  }
0x129: {  	v55 =	vld [tilespmem:s9+$0x8B00]  }
0x12a: {  	v56 =	vld [tilespmem:s9+$0x8B10]  }
0x12b: {  	v57 =	vld [tilespmem:s9+$0x8B20]  }
0x12c: {  	v36 =	vld [tilespmem:s9+$0x8B30]  }
0x12d: {  	v37 =	vld [tilespmem:s9+$0x8B40]  }
0x12e: {  	v38 =	vld [tilespmem:s9+$0x8B50]  }
0x12f: {  	v28 =	vld [tilespmem:s9+$0x8B60]  }
0x130: {  	v27 =	vld [tilespmem:s9+$0x8B70]  }
0x131: {  	v26 =	vld [tilespmem:s9+$0x8B80]  }
0x132: {  	v25 =	vld [tilespmem:s9+$0x8B90]  }
0x133: {  	v24 =	vld [tilespmem:s9+$0x8BA0]  }
0x134: {  	v23 =	vld [tilespmem:s9+$0x8BB0]  }
0x135: {  	v39 =	vld [tilespmem:s9+$0x76C0]  }
0x136: {  	v40 =	vld [tilespmem:s9+$0x76D0]  }
0x137: {  	v41 =	vld [tilespmem:s9+$0x76E0]  }
0x138: {  	v42 =	vld [tilespmem:s9+$0x76F0]  }
0x139: {  	v43 =	vld [tilespmem:s9+$0x7700]  }
0x13a: {  	v58 =	vld [tilespmem:s9+$0x7710];
	v29 =	vmul.f32 v29, v39  }
0x13b: {  	v44 =	vld [tilespmem:s9+$0x7720];
	v30 =	vmul.f32 v30, v40  }
0x13c: {  	v59 =	vld [tilespmem:s9+$0x7730];
	[tilespmem:s9+$0x76C0] =	vst v29;
	v29 =	vmul.f32 v31, v41  }
0x13d: {  	v60 =	vld [tilespmem:s9+$0x7740];
	[tilespmem:s9+$0x76D0] =	vst v30;
	v30 =	vmul.f32 v54, v42  }
0x13e: {  	v61 =	vld [tilespmem:s9+$0x7750];
	[tilespmem:s9+$0x76E0] =	vst v29;
	v29 =	vmul.f32 v55, v43  }
0x13f: {  	v31 =	vmul.f32 v56, v58;
	[tilespmem:s9+$0x76F0] =	vst v30;
	v30 =	vld [tilespmem:s9+$0x7760]  }
0x140: {  	v62 =	vmul.f32 v57, v44;
	[tilespmem:s9+$0x7700] =	vst v29;
	v29 =	vld [tilespmem:s9+$0x7770]  }
0x141: {  	v63 =	vmul.f32 v36, v59;
	[tilespmem:s9+$0x7710] =	vst v31;
	v31 =	vld [tilespmem:s9+$0x7780]  }
0x142: {  	v32 =	vld [tilespmem:s9+$0x7790];
	v35 =	vmul.f32 v37, v60;
	[tilespmem:s9+$0x7720] =	vst v62  }
0x143: {  	s28 =	simm.s32 $0x400;
	v33 =	vld [tilespmem:s9+$0x77A0];
	v34 =	vmul.f32 v38, v61;
	[tilespmem:s9+$0x7730] =	vst v63  }
.LBB2_9:
0x144: {  	s10 =	sshra.s32 s28, $0x2;
	p0 =	sne.s32 s28, $0x4C00;
	[tilespmem:s9+$0x7740] =	vst v35;
	v28 =	vmul.f32 v28, v30;
	v30 =	vld [tilespmem:s9+$0x77B0]  }
0x145: {  	v35 =	vld [tilespmem:s10+$0x8AC0];
	[tilespmem:s9+$0x7750] =	vst v34;
	v27 =	vmul.f32 v27, v29  }
0x146: {  	v29 =	vld [tilespmem:s10+$0x8AD0];
	[tilespmem:s9+$0x7760] =	vst v28;
	v26 =	vmul.f32 v26, v31  }
0x147: {  	v31 =	vld [tilespmem:s10+$0x8AE0];
	[tilespmem:s9+$0x7770] =	vst v27;
	v25 =	vmul.f32 v25, v32  }
0x148: {  	v32 =	vld [tilespmem:s10+$0x8AF0];
	[tilespmem:s9+$0x7780] =	vst v26;
	v24 =	vmul.f32 v24, v33  }
0x149: {  	v33 =	vld [tilespmem:s10+$0x8B00];
	[tilespmem:s9+$0x7790] =	vst v25;
	v23 =	vmul.f32 v23, v30  }
0x14a: {  	v30 =	vld [tilespmem:s10+$0x8B10];
	[tilespmem:s9+$0x77A0] =	vst v24  }
0x14b: {  	v34 =	vld [tilespmem:s10+$0x8B20];
	[tilespmem:s9+$0x77B0] =	vst v23;
	s9 =	smov.u32 s10  }
0x14c: {  	v36 =	vld [tilespmem:s9+$0x8B30]  }
0x14d: {  	v37 =	vld [tilespmem:s9+$0x8B40]  }
0x14e: {  	v38 =	vld [tilespmem:s9+$0x8B50]  }
0x14f: {  	v28 =	vld [tilespmem:s9+$0x8B60]  }
0x150: {  	v27 =	vld [tilespmem:s9+$0x8B70]  }
0x151: {  	v26 =	vld [tilespmem:s9+$0x8B80]  }
0x152: {  	v25 =	vld [tilespmem:s9+$0x8B90]  }
0x153: {  	v24 =	vld [tilespmem:s9+$0x8BA0]  }
0x154: {  	v23 =	vld [tilespmem:s9+$0x8BB0]  }
0x155: {  	v39 =	vld [tilespmem:s9+$0x76C0]  }
0x156: {  	v40 =	vld [tilespmem:s9+$0x76D0]  }
0x157: {  	v41 =	vld [tilespmem:s9+$0x76E0]  }
0x158: {  	v42 =	vld [tilespmem:s9+$0x76F0]  }
0x159: {  	v43 =	vld [tilespmem:s9+$0x7700]  }
0x15a: {  	v35 =	vmul.f32 v35, v39;
	v39 =	vld [tilespmem:s9+$0x7710]  }
0x15b: {  	v29 =	vmul.f32 v29, v40;
	v40 =	vld [tilespmem:s9+$0x7720]  }
0x15c: {  	[tilespmem:s9+$0x76C0] =	vst v35;
	v31 =	vmul.f32 v31, v41;
	v35 =	vld [tilespmem:s9+$0x7730]  }
0x15d: {  	[tilespmem:s9+$0x76D0] =	vst v29;
	v29 =	vmul.f32 v32, v42;
	v32 =	vld [tilespmem:s9+$0x7740]  }
0x15e: {  	[tilespmem:s9+$0x76E0] =	vst v31;
	v31 =	vmul.f32 v33, v43;
	v33 =	vld [tilespmem:s9+$0x7750]  }
.Ltmp5:
0x15f: {  	[tilespmem:s9+$0x76F0] =	vst v29;
	v39 =	vmul.f32 v30, v39;
	v30 =	vld [tilespmem:s9+$0x7760];
	(pc) =	sbr.rel @p0 .LBB2_9-.Ltmp5, $4  }
0x160: {  	[tilespmem:s9+$0x7700] =	vst v31;
	v34 =	vmul.f32 v34, v40;
	v29 =	vld [tilespmem:s9+$0x7770]  }
0x161: {  	[tilespmem:s9+$0x7710] =	vst v39;
	v36 =	vmul.f32 v36, v35;
	v31 =	vld [tilespmem:s9+$0x7780]  }
0x162: {  	[tilespmem:s9+$0x7720] =	vst v34;
	v35 =	vmul.f32 v37, v32;
	v32 =	vld [tilespmem:s9+$0x7790]  }
0x163: {  	s28 =	sadd.s32 $0x400, s28;
	[tilespmem:s9+$0x7730] =	vst v36;
	v34 =	vmul.f32 v38, v33;
	v33 =	vld [tilespmem:s9+$0x77A0]  }
0x164: {  	[tilespmem:s9+$0x7740] =	vst v35;
	v28 =	vmul.f32 v28, v30;
	v30 =	vld [tilespmem:s9+$0x77B0]  }
0x165: {  	[tilespmem:s9+$0x7750] =	vst v34;
	v27 =	vmul.f32 v27, v29  }
0x166: {  	[tilespmem:s9+$0x7760] =	vst v28;
	v26 =	vmul.f32 v26, v31  }
0x167: {  	[tilespmem:s9+$0x7770] =	vst v27;
	v25 =	vmul.f32 v25, v32  }
0x168: {  	[tilespmem:s9+$0x7780] =	vst v26;
	v24 =	vmul.f32 v24, v33  }
0x169: {  	[tilespmem:s9+$0x7790] =	vst v25;
	v23 =	vmul.f32 v23, v30  }
0x16a: {  	p0 =	seq.s32 s2, $0x31;
	[tilespmem:s9+$0x77A0] =	vst v24  }
0x16b: {  	s14 =	simm.s32 $0x76C0;
	s10 =	simm.s32 $0x9F10;
	[tilespmem:s9+$0x77B0] =	vst v23;
	s9 =	sadd.s32 @!p0 $0x5, s8  }
0x16c: {  	[spmem:s5] =	stream.indirect.scatter.add.f32 [tilespmem:s14], [sflag:$0x8], $0x40, s10, s29, $0xb8;
	[tilespmem:$0x1C940] =	vst v63  }
0x16d: {  	v23 =	vlaneseq.u32 @!p0;
	s10 =	simm.s32 @!p0 $0x4;
	s28 =	smul.u32 @!p0 $0xA0, s9  }
0x16e: {  	v23 =	vmul.u32 @!p0 $0x2, v23;
	_ =	swait.ge @!p0 [sflag:s10], $0x1400  }
0x16f: {  	[sflag:s10] =	ssyncset.done @!p0 $0x0;
	s28 =	sadd.s32 @!p0 s18, s28  }
0x170: {  	[sflag:s10] =	ssyncadd.s32 @!p0 $0xFFFFEC00;
	v24 =	vor.u32 @!p0 s28, v23;
	s10 =	sadd.s32 @!p0 $0x20, s28  }
0x171: {  	[tilespmem:$0x7620] =	vst @!p0 v24;
	v24 =	vor.u32 @!p0 s10, v23;
	s10 =	sadd.s32 @!p0 $0x40, s28  }
0x172: {  	[tilespmem:$0x7630] =	vst @!p0 v24;
	v24 =	vor.u32 @!p0 s10, v23;
	s10 =	sadd.s32 @!p0 $0x60, s28  }
0x173: {  	[tilespmem:$0x7640] =	vst @!p0 v24;
	v24 =	vor.u32 @!p0 s10, v23;
	s10 =	sadd.s32 @!p0 $0x80, s28  }
0x174: {  	s9 =	smul.u32 @!p0 $0x50, s9;
	[tilespmem:$0x7650] =	vst @!p0 v24;
	v23 =	vor.u32 @!p0 s10, v23  }
0x175: {  	s28 =	simm.s32 @!p0 $0x4E20;
	s10 =	simm.s32 @!p0 $0x50;
	[tilespmem:$0x7660] =	vst @!p0 v23  }
0x176: {  	[tilespmem:s28], [sflag:$0x1] =	stream.indirect.gather @!p0 [hbm4b:s0+s10], $0x40, s9, s10, $0xb8;
	[tilespmem:$0x1C940] =	vst v63  }
0x177: {  	s9 =	sadd.s32 @!p0 s11, s9  }
0x178: {  	s14 =	simm.s32 @!p0 $0x6220;
	s28 =	simm.s32 @!p0 $0x7620;
	s9 =	sshrl.u32 @!p0 s9, $0x3  }
0x179: {  	[tilespmem:s14], [sflag:$0x2] =	stream.indirect.gather @!p0 [hbm4b:s1+s10], $0x40, s28, s10, $0xb8;
	[tilespmem:$0x1C940] =	vst v63  }
0x17a: {  	s9 =	sadd.s32 @!p0 s3, s9;
	s10 =	simm.s32 @!p0 $0x0;
	s14 =	simm.s32 @!p0 $0x7670  }
0x17b: {  	[tilespmem:s14], [sflag:$0x3] =	stream.linear.gather @!p0 [hbm4b:s9+s10], $0x50, $0x38;
	[tilespmem:$0x1C940] =	vst v63  }
0x17c: {  	_ =	swait.ge [sflag:s7], $0x1400  }
0x17d: {  	[sflag:s7] =	ssyncset.done $0x0  }
0x17e: {  	[sflag:s7] =	ssyncadd.s32 $0xFFFFEC00  }
0x17f: {  	_ =	swait.ge [sflag:s26], $0x1400  }
0x180: {  	[sflag:s26] =	ssyncset.done $0x0  }
0x181: {  	[sflag:s26] =	ssyncadd.s32 $0xFFFFEC00  }
0x182: {  	_ =	swait.ge [sflag:s6], $0x50  }
0x183: {  	[sflag:s6] =	ssyncset.done $0x0  }
0x184: {  	s9 =	simm.s32 $0x0;
	[sflag:s6] =	ssyncadd.s32 $0xFFFFFFB0  }
0x185: {  	v29 =	vld [tilespmem:s9+$0xB360]  }
0x186: {  	v30 =	vld [tilespmem:s9+$0xB370]  }
0x187: {  	v31 =	vld [tilespmem:s9+$0xB380]  }
0x188: {  	v54 =	vld [tilespmem:s9+$0xB390]  }
0x189: {  	v55 =	vld [tilespmem:s9+$0xB3A0]  }
0x18a: {  	v56 =	vld [tilespmem:s9+$0xB3B0]  }
0x18b: {  	v57 =	vld [tilespmem:s9+$0xB3C0]  }
0x18c: {  	v36 =	vld [tilespmem:s9+$0xB3D0]  }
0x18d: {  	v37 =	vld [tilespmem:s9+$0xB3E0]  }
0x18e: {  	v38 =	vld [tilespmem:s9+$0xB3F0]  }
0x18f: {  	v28 =	vld [tilespmem:s9+$0xB400]  }
0x190: {  	v27 =	vld [tilespmem:s9+$0xB410]  }
0x191: {  	v26 =	vld [tilespmem:s9+$0xB420]  }
0x192: {  	v25 =	vld [tilespmem:s9+$0xB430]  }
0x193: {  	v24 =	vld [tilespmem:s9+$0xB440]  }
0x194: {  	v23 =	vld [tilespmem:s9+$0xB450]  }
0x195: {  	v39 =	vld [tilespmem:s9+$0x9F60]  }
0x196: {  	v40 =	vld [tilespmem:s9+$0x9F70]  }
0x197: {  	v41 =	vld [tilespmem:s9+$0x9F80]  }
0x198: {  	v42 =	vld [tilespmem:s9+$0x9F90]  }
0x199: {  	v43 =	vld [tilespmem:s9+$0x9FA0]  }
0x19a: {  	v58 =	vld [tilespmem:s9+$0x9FB0];
	v29 =	vmul.f32 v29, v39  }
0x19b: {  	v44 =	vld [tilespmem:s9+$0x9FC0];
	v30 =	vmul.f32 v30, v40  }
0x19c: {  	v59 =	vld [tilespmem:s9+$0x9FD0];
	[tilespmem:s9+$0x9F60] =	vst v29;
	v29 =	vmul.f32 v31, v41  }
0x19d: {  	v60 =	vld [tilespmem:s9+$0x9FE0];
	[tilespmem:s9+$0x9F70] =	vst v30;
	v30 =	vmul.f32 v54, v42  }
0x19e: {  	v61 =	vld [tilespmem:s9+$0x9FF0];
	[tilespmem:s9+$0x9F80] =	vst v29;
	v29 =	vmul.f32 v55, v43  }
0x19f: {  	v31 =	vmul.f32 v56, v58;
	[tilespmem:s9+$0x9F90] =	vst v30;
	v30 =	vld [tilespmem:s9+$0xA000]  }
0x1a0: {  	v62 =	vmul.f32 v57, v44;
	[tilespmem:s9+$0x9FA0] =	vst v29;
	v29 =	vld [tilespmem:s9+$0xA010]  }
0x1a1: {  	v63 =	vmul.f32 v36, v59;
	[tilespmem:s9+$0x9FB0] =	vst v31;
	v31 =	vld [tilespmem:s9+$0xA020]  }
0x1a2: {  	v32 =	vld [tilespmem:s9+$0xA030];
	v35 =	vmul.f32 v37, v60;
	[tilespmem:s9+$0x9FC0] =	vst v62  }
0x1a3: {  	s28 =	simm.s32 $0x400;
	v33 =	vld [tilespmem:s9+$0xA040];
	v34 =	vmul.f32 v38, v61;
	[tilespmem:s9+$0x9FD0] =	vst v63  }
.LBB2_11:
0x1a4: {  	s10 =	sshra.s32 s28, $0x2;
	p1 =	sne.s32 s28, $0x4C00;
	[tilespmem:s9+$0x9FE0] =	vst v35;
	v28 =	vmul.f32 v28, v30;
	v30 =	vld [tilespmem:s9+$0xA050]  }
0x1a5: {  	v35 =	vld [tilespmem:s10+$0xB360];
	[tilespmem:s9+$0x9FF0] =	vst v34;
	v27 =	vmul.f32 v27, v29  }
0x1a6: {  	v29 =	vld [tilespmem:s10+$0xB370];
	[tilespmem:s9+$0xA000] =	vst v28;
	v26 =	vmul.f32 v26, v31  }
0x1a7: {  	v31 =	vld [tilespmem:s10+$0xB380];
	[tilespmem:s9+$0xA010] =	vst v27;
	v25 =	vmul.f32 v25, v32  }
0x1a8: {  	v32 =	vld [tilespmem:s10+$0xB390];
	[tilespmem:s9+$0xA020] =	vst v26;
	v24 =	vmul.f32 v24, v33  }
0x1a9: {  	v33 =	vld [tilespmem:s10+$0xB3A0];
	[tilespmem:s9+$0xA030] =	vst v25;
	v23 =	vmul.f32 v23, v30  }
0x1aa: {  	v30 =	vld [tilespmem:s10+$0xB3B0];
	[tilespmem:s9+$0xA040] =	vst v24  }
0x1ab: {  	v34 =	vld [tilespmem:s10+$0xB3C0];
	[tilespmem:s9+$0xA050] =	vst v23;
	s9 =	smov.u32 s10  }
0x1ac: {  	v36 =	vld [tilespmem:s9+$0xB3D0]  }
0x1ad: {  	v37 =	vld [tilespmem:s9+$0xB3E0]  }
0x1ae: {  	v38 =	vld [tilespmem:s9+$0xB3F0]  }
0x1af: {  	v28 =	vld [tilespmem:s9+$0xB400]  }
0x1b0: {  	v27 =	vld [tilespmem:s9+$0xB410]  }
0x1b1: {  	v26 =	vld [tilespmem:s9+$0xB420]  }
0x1b2: {  	v25 =	vld [tilespmem:s9+$0xB430]  }
0x1b3: {  	v24 =	vld [tilespmem:s9+$0xB440]  }
0x1b4: {  	v23 =	vld [tilespmem:s9+$0xB450]  }
0x1b5: {  	v39 =	vld [tilespmem:s9+$0x9F60]  }
0x1b6: {  	v40 =	vld [tilespmem:s9+$0x9F70]  }
0x1b7: {  	v41 =	vld [tilespmem:s9+$0x9F80]  }
0x1b8: {  	v42 =	vld [tilespmem:s9+$0x9F90]  }
0x1b9: {  	v43 =	vld [tilespmem:s9+$0x9FA0]  }
0x1ba: {  	v35 =	vmul.f32 v35, v39;
	v39 =	vld [tilespmem:s9+$0x9FB0]  }
0x1bb: {  	v29 =	vmul.f32 v29, v40;
	v40 =	vld [tilespmem:s9+$0x9FC0]  }
0x1bc: {  	[tilespmem:s9+$0x9F60] =	vst v35;
	v31 =	vmul.f32 v31, v41;
	v35 =	vld [tilespmem:s9+$0x9FD0]  }
0x1bd: {  	[tilespmem:s9+$0x9F70] =	vst v29;
	v29 =	vmul.f32 v32, v42;
	v32 =	vld [tilespmem:s9+$0x9FE0]  }
0x1be: {  	[tilespmem:s9+$0x9F80] =	vst v31;
	v31 =	vmul.f32 v33, v43;
	v33 =	vld [tilespmem:s9+$0x9FF0]  }
.Ltmp6:
0x1bf: {  	[tilespmem:s9+$0x9F90] =	vst v29;
	v39 =	vmul.f32 v30, v39;
	v30 =	vld [tilespmem:s9+$0xA000];
	(pc) =	sbr.rel @p1 .LBB2_11-.Ltmp6, $4  }
0x1c0: {  	[tilespmem:s9+$0x9FA0] =	vst v31;
	v34 =	vmul.f32 v34, v40;
	v29 =	vld [tilespmem:s9+$0xA010]  }
0x1c1: {  	[tilespmem:s9+$0x9FB0] =	vst v39;
	v36 =	vmul.f32 v36, v35;
	v31 =	vld [tilespmem:s9+$0xA020]  }
0x1c2: {  	[tilespmem:s9+$0x9FC0] =	vst v34;
	v35 =	vmul.f32 v37, v32;
	v32 =	vld [tilespmem:s9+$0xA030]  }
0x1c3: {  	s28 =	sadd.s32 $0x400, s28;
	[tilespmem:s9+$0x9FD0] =	vst v36;
	v34 =	vmul.f32 v38, v33;
	v33 =	vld [tilespmem:s9+$0xA040]  }
0x1c4: {  	[tilespmem:s9+$0x9FE0] =	vst v35;
	v28 =	vmul.f32 v28, v30;
	v30 =	vld [tilespmem:s9+$0xA050]  }
0x1c5: {  	[tilespmem:s9+$0x9FF0] =	vst v34;
	v27 =	vmul.f32 v27, v29  }
0x1c6: {  	[tilespmem:s9+$0xA000] =	vst v28;
	v26 =	vmul.f32 v26, v31  }
0x1c7: {  	[tilespmem:s9+$0xA010] =	vst v27;
	v25 =	vmul.f32 v25, v32  }
0x1c8: {  	[tilespmem:s9+$0xA020] =	vst v26;
	v24 =	vmul.f32 v24, v33  }
0x1c9: {  	[tilespmem:s9+$0xA030] =	vst v25;
	v23 =	vmul.f32 v23, v30  }
0x1ca: {  	[tilespmem:s9+$0xA040] =	vst v24  }
0x1cb: {  	s14 =	simm.s32 $0x9F60;
	s10 =	simm.s32 $0xC7B0;
	[tilespmem:s9+$0xA050] =	vst v23;
	s9 =	sadd.s32 @!p0 $0x6, s8  }
0x1cc: {  	[spmem:s5] =	stream.indirect.scatter.add.f32 [tilespmem:s14], [sflag:$0xC], $0x40, s10, s29, $0xb8;
	[tilespmem:$0x1C940] =	vst v63  }
0x1cd: {  	v23 =	vlaneseq.u32 @!p0;
	s10 =	simm.s32 @!p0 $0x8;
	s14 =	smul.u32 @!p0 $0xA0, s9  }
0x1ce: {  	v23 =	vmul.u32 @!p0 $0x2, v23;
	_ =	swait.ge @!p0 [sflag:s10], $0x1400  }
0x1cf: {  	[sflag:s10] =	ssyncset.done @!p0 $0x0;
	s14 =	sadd.s32 @!p0 s18, s14  }
0x1d0: {  	[sflag:s10] =	ssyncadd.s32 @!p0 $0xFFFFEC00;
	v24 =	vor.u32 @!p0 s14, v23;
	s10 =	sadd.s32 @!p0 $0x20, s14  }
0x1d1: {  	[tilespmem:$0x9EC0] =	vst @!p0 v24;
	v24 =	vor.u32 @!p0 s10, v23;
	s10 =	sadd.s32 @!p0 $0x40, s14  }
0x1d2: {  	[tilespmem:$0x9ED0] =	vst @!p0 v24;
	v24 =	vor.u32 @!p0 s10, v23;
	s10 =	sadd.s32 @!p0 $0x60, s14  }
0x1d3: {  	[tilespmem:$0x9EE0] =	vst @!p0 v24;
	v24 =	vor.u32 @!p0 s10, v23;
	s10 =	sadd.s32 @!p0 $0x80, s14  }
0x1d4: {  	s9 =	smul.u32 @!p0 $0x50, s9;
	[tilespmem:$0x9EF0] =	vst @!p0 v24;
	v23 =	vor.u32 @!p0 s10, v23  }
0x1d5: {  	s14 =	simm.s32 @!p0 $0x76C0;
	s10 =	simm.s32 @!p0 $0x50;
	[tilespmem:$0x9F00] =	vst @!p0 v23  }
0x1d6: {  	[tilespmem:s14], [sflag:$0x5] =	stream.indirect.gather @!p0 [hbm4b:s0+s10], $0x40, s9, s10, $0xb8;
	[tilespmem:$0x1C940] =	vst v63  }
0x1d7: {  	s9 =	sadd.s32 @!p0 s11, s9  }
0x1d8: {  	s28 =	simm.s32 @!p0 $0x8AC0;
	s14 =	simm.s32 @!p0 $0x9EC0;
	s9 =	sshrl.u32 @!p0 s9, $0x3  }
0x1d9: {  	[tilespmem:s28], [sflag:$0x6] =	stream.indirect.gather @!p0 [hbm4b:s1+s10], $0x40, s14, s10, $0xb8;
	[tilespmem:$0x1C940] =	vst v63  }
0x1da: {  	s9 =	sadd.s32 @!p0 s3, s9;
	s10 =	simm.s32 @!p0 $0x0;
	s14 =	simm.s32 @!p0 $0x9F10  }
0x1db: {  	[tilespmem:s14], [sflag:$0x7] =	stream.linear.gather @!p0 [hbm4b:s9+s10], $0x50, $0x38;
	[tilespmem:$0x1C940] =	vst v63  }
0x1dc: {  	_ =	swait.ge [sflag:s12], $0x1400  }
0x1dd: {  	[sflag:s12] =	ssyncset.done $0x0  }
0x1de: {  	[sflag:s12] =	ssyncadd.s32 $0xFFFFEC00  }
0x1df: {  	_ =	swait.ge [sflag:s13], $0x1400  }
0x1e0: {  	[sflag:s13] =	ssyncset.done $0x0  }
0x1e1: {  	[sflag:s13] =	ssyncadd.s32 $0xFFFFEC00  }
0x1e2: {  	_ =	swait.ge [sflag:s21], $0x50  }
0x1e3: {  	[sflag:s21] =	ssyncset.done $0x0  }
0x1e4: {  	s9 =	simm.s32 $0x0;
	[sflag:s21] =	ssyncadd.s32 $0xFFFFFFB0  }
0x1e5: {  	v29 =	vld [tilespmem:s9+$0xDC00]  }
0x1e6: {  	v30 =	vld [tilespmem:s9+$0xDC10]  }
0x1e7: {  	v31 =	vld [tilespmem:s9+$0xDC20]  }
0x1e8: {  	v54 =	vld [tilespmem:s9+$0xDC30]  }
0x1e9: {  	v55 =	vld [tilespmem:s9+$0xDC40]  }
0x1ea: {  	v56 =	vld [tilespmem:s9+$0xDC50]  }
0x1eb: {  	v57 =	vld [tilespmem:s9+$0xDC60]  }
0x1ec: {  	v36 =	vld [tilespmem:s9+$0xDC70]  }
0x1ed: {  	v37 =	vld [tilespmem:s9+$0xDC80]  }
0x1ee: {  	v38 =	vld [tilespmem:s9+$0xDC90]  }
0x1ef: {  	v28 =	vld [tilespmem:s9+$0xDCA0]  }
0x1f0: {  	v27 =	vld [tilespmem:s9+$0xDCB0]  }
0x1f1: {  	v26 =	vld [tilespmem:s9+$0xDCC0]  }
0x1f2: {  	v25 =	vld [tilespmem:s9+$0xDCD0]  }
0x1f3: {  	v24 =	vld [tilespmem:s9+$0xDCE0]  }
0x1f4: {  	v23 =	vld [tilespmem:s9+$0xDCF0]  }
0x1f5: {  	v39 =	vld [tilespmem:s9+$0xC800]  }
0x1f6: {  	v40 =	vld [tilespmem:s9+$0xC810]  }
0x1f7: {  	v41 =	vld [tilespmem:s9+$0xC820]  }
0x1f8: {  	v42 =	vld [tilespmem:s9+$0xC830]  }
0x1f9: {  	v43 =	vld [tilespmem:s9+$0xC840]  }
0x1fa: {  	v58 =	vld [tilespmem:s9+$0xC850];
	v29 =	vmul.f32 v29, v39  }
0x1fb: {  	v44 =	vld [tilespmem:s9+$0xC860];
	v30 =	vmul.f32 v30, v40  }
0x1fc: {  	v59 =	vld [tilespmem:s9+$0xC870];
	[tilespmem:s9+$0xC800] =	vst v29;
	v29 =	vmul.f32 v31, v41  }
0x1fd: {  	v60 =	vld [tilespmem:s9+$0xC880];
	[tilespmem:s9+$0xC810] =	vst v30;
	v30 =	vmul.f32 v54, v42  }
0x1fe: {  	v61 =	vld [tilespmem:s9+$0xC890];
	[tilespmem:s9+$0xC820] =	vst v29;
	v29 =	vmul.f32 v55, v43  }
0x1ff: {  	v31 =	vmul.f32 v56, v58;
	[tilespmem:s9+$0xC830] =	vst v30;
	v30 =	vld [tilespmem:s9+$0xC8A0]  }
0x200: {  	v62 =	vmul.f32 v57, v44;
	[tilespmem:s9+$0xC840] =	vst v29;
	v29 =	vld [tilespmem:s9+$0xC8B0]  }
0x201: {  	v63 =	vmul.f32 v36, v59;
	[tilespmem:s9+$0xC850] =	vst v31;
	v31 =	vld [tilespmem:s9+$0xC8C0]  }
0x202: {  	v32 =	vld [tilespmem:s9+$0xC8D0];
	v35 =	vmul.f32 v37, v60;
	[tilespmem:s9+$0xC860] =	vst v62  }
0x203: {  	s28 =	simm.s32 $0x400;
	v33 =	vld [tilespmem:s9+$0xC8E0];
	v34 =	vmul.f32 v38, v61;
	[tilespmem:s9+$0xC870] =	vst v63  }
.LBB2_13:
0x204: {  	s10 =	sshra.s32 s28, $0x2;
	p1 =	sne.s32 s28, $0x4C00;
	[tilespmem:s9+$0xC880] =	vst v35;
	v28 =	vmul.f32 v28, v30;
	v30 =	vld [tilespmem:s9+$0xC8F0]  }
0x205: {  	v35 =	vld [tilespmem:s10+$0xDC00];
	[tilespmem:s9+$0xC890] =	vst v34;
	v27 =	vmul.f32 v27, v29  }
0x206: {  	v29 =	vld [tilespmem:s10+$0xDC10];
	[tilespmem:s9+$0xC8A0] =	vst v28;
	v26 =	vmul.f32 v26, v31  }
0x207: {  	v31 =	vld [tilespmem:s10+$0xDC20];
	[tilespmem:s9+$0xC8B0] =	vst v27;
	v25 =	vmul.f32 v25, v32  }
0x208: {  	v32 =	vld [tilespmem:s10+$0xDC30];
	[tilespmem:s9+$0xC8C0] =	vst v26;
	v24 =	vmul.f32 v24, v33  }
0x209: {  	v33 =	vld [tilespmem:s10+$0xDC40];
	[tilespmem:s9+$0xC8D0] =	vst v25;
	v23 =	vmul.f32 v23, v30  }
0x20a: {  	v30 =	vld [tilespmem:s10+$0xDC50];
	[tilespmem:s9+$0xC8E0] =	vst v24  }
0x20b: {  	v34 =	vld [tilespmem:s10+$0xDC60];
	[tilespmem:s9+$0xC8F0] =	vst v23;
	s9 =	smov.u32 s10  }
0x20c: {  	v36 =	vld [tilespmem:s9+$0xDC70]  }
0x20d: {  	v37 =	vld [tilespmem:s9+$0xDC80]  }
0x20e: {  	v38 =	vld [tilespmem:s9+$0xDC90]  }
0x20f: {  	v28 =	vld [tilespmem:s9+$0xDCA0]  }
0x210: {  	v27 =	vld [tilespmem:s9+$0xDCB0]  }
0x211: {  	v26 =	vld [tilespmem:s9+$0xDCC0]  }
0x212: {  	v25 =	vld [tilespmem:s9+$0xDCD0]  }
0x213: {  	v24 =	vld [tilespmem:s9+$0xDCE0]  }
0x214: {  	v23 =	vld [tilespmem:s9+$0xDCF0]  }
0x215: {  	v39 =	vld [tilespmem:s9+$0xC800]  }
0x216: {  	v40 =	vld [tilespmem:s9+$0xC810]  }
0x217: {  	v41 =	vld [tilespmem:s9+$0xC820]  }
0x218: {  	v42 =	vld [tilespmem:s9+$0xC830]  }
0x219: {  	v43 =	vld [tilespmem:s9+$0xC840]  }
0x21a: {  	v35 =	vmul.f32 v35, v39;
	v39 =	vld [tilespmem:s9+$0xC850]  }
0x21b: {  	v29 =	vmul.f32 v29, v40;
	v40 =	vld [tilespmem:s9+$0xC860]  }
0x21c: {  	[tilespmem:s9+$0xC800] =	vst v35;
	v31 =	vmul.f32 v31, v41;
	v35 =	vld [tilespmem:s9+$0xC870]  }
0x21d: {  	[tilespmem:s9+$0xC810] =	vst v29;
	v29 =	vmul.f32 v32, v42;
	v32 =	vld [tilespmem:s9+$0xC880]  }
0x21e: {  	[tilespmem:s9+$0xC820] =	vst v31;
	v31 =	vmul.f32 v33, v43;
	v33 =	vld [tilespmem:s9+$0xC890]  }
.Ltmp7:
0x21f: {  	[tilespmem:s9+$0xC830] =	vst v29;
	v39 =	vmul.f32 v30, v39;
	v30 =	vld [tilespmem:s9+$0xC8A0];
	(pc) =	sbr.rel @p1 .LBB2_13-.Ltmp7, $4  }
0x220: {  	[tilespmem:s9+$0xC840] =	vst v31;
	v34 =	vmul.f32 v34, v40;
	v29 =	vld [tilespmem:s9+$0xC8B0]  }
0x221: {  	[tilespmem:s9+$0xC850] =	vst v39;
	v36 =	vmul.f32 v36, v35;
	v31 =	vld [tilespmem:s9+$0xC8C0]  }
0x222: {  	[tilespmem:s9+$0xC860] =	vst v34;
	v35 =	vmul.f32 v37, v32;
	v32 =	vld [tilespmem:s9+$0xC8D0]  }
0x223: {  	s28 =	sadd.s32 $0x400, s28;
	[tilespmem:s9+$0xC870] =	vst v36;
	v34 =	vmul.f32 v38, v33;
	v33 =	vld [tilespmem:s9+$0xC8E0]  }
0x224: {  	[tilespmem:s9+$0xC880] =	vst v35;
	v28 =	vmul.f32 v28, v30;
	v30 =	vld [tilespmem:s9+$0xC8F0]  }
0x225: {  	[tilespmem:s9+$0xC890] =	vst v34;
	v27 =	vmul.f32 v27, v29  }
0x226: {  	[tilespmem:s9+$0xC8A0] =	vst v28;
	v26 =	vmul.f32 v26, v31  }
0x227: {  	[tilespmem:s9+$0xC8B0] =	vst v27;
	v25 =	vmul.f32 v25, v32  }
0x228: {  	[tilespmem:s9+$0xC8C0] =	vst v26;
	v24 =	vmul.f32 v24, v33  }
0x229: {  	[tilespmem:s9+$0xC8D0] =	vst v25;
	v23 =	vmul.f32 v23, v30  }
0x22a: {  	[tilespmem:s9+$0xC8E0] =	vst v24  }
0x22b: {  	s14 =	simm.s32 $0xC800;
	s10 =	simm.s32 $0xF050;
	[tilespmem:s9+$0xC8F0] =	vst v23;
	s9 =	sadd.s32 @!p0 $0x7, s8  }
0x22c: {  	[spmem:s5] =	stream.indirect.scatter.add.f32 [tilespmem:s14], [sflag:$0x10], $0x40, s10, s29, $0xb8;
	[tilespmem:$0x1C940] =	vst v63  }
0x22d: {  	v23 =	vlaneseq.u32 @!p0;
	s10 =	simm.s32 @!p0 $0xC;
	s14 =	smul.u32 @!p0 $0xA0, s9  }
0x22e: {  	v23 =	vmul.u32 @!p0 $0x2, v23;
	_ =	swait.ge @!p0 [sflag:s10], $0x1400  }
0x22f: {  	[sflag:s10] =	ssyncset.done @!p0 $0x0;
	s14 =	sadd.s32 @!p0 s18, s14  }
0x230: {  	[sflag:s10] =	ssyncadd.s32 @!p0 $0xFFFFEC00;
	v24 =	vor.u32 @!p0 s14, v23;
	s10 =	sadd.s32 @!p0 $0x20, s14  }
0x231: {  	[tilespmem:$0xC760] =	vst @!p0 v24;
	v24 =	vor.u32 @!p0 s10, v23;
	s10 =	sadd.s32 @!p0 $0x40, s14  }
0x232: {  	[tilespmem:$0xC770] =	vst @!p0 v24;
	v24 =	vor.u32 @!p0 s10, v23;
	s10 =	sadd.s32 @!p0 $0x60, s14  }
0x233: {  	[tilespmem:$0xC780] =	vst @!p0 v24;
	v24 =	vor.u32 @!p0 s10, v23;
	s10 =	sadd.s32 @!p0 $0x80, s14  }
0x234: {  	s9 =	smul.u32 @!p0 $0x50, s9;
	[tilespmem:$0xC790] =	vst @!p0 v24;
	v23 =	vor.u32 @!p0 s10, v23  }
0x235: {  	s14 =	simm.s32 @!p0 $0x9F60;
	s10 =	simm.s32 @!p0 $0x50;
	[tilespmem:$0xC7A0] =	vst @!p0 v23  }
0x236: {  	[tilespmem:s14], [sflag:$0x9] =	stream.indirect.gather @!p0 [hbm4b:s0+s10], $0x40, s9, s10, $0xb8;
	[tilespmem:$0x1C940] =	vst v63  }
0x237: {  	s9 =	sadd.s32 @!p0 s11, s9  }
0x238: {  	s28 =	simm.s32 @!p0 $0xB360;
	s14 =	simm.s32 @!p0 $0xC760;
	s9 =	sshrl.u32 @!p0 s9, $0x3  }
0x239: {  	[tilespmem:s28], [sflag:$0xA] =	stream.indirect.gather @!p0 [hbm4b:s1+s10], $0x40, s14, s10, $0xb8;
	[tilespmem:$0x1C940] =	vst v63  }
0x23a: {  	s9 =	sadd.s32 @!p0 s3, s9;
	s10 =	simm.s32 @!p0 $0x0;
	s14 =	simm.s32 @!p0 $0xC7B0  }
0x23b: {  	[tilespmem:s14], [sflag:$0xB] =	stream.linear.gather @!p0 [hbm4b:s9+s10], $0x50, $0x38;
	[tilespmem:$0x1C940] =	vst v63  }
0x23c: {  	_ =	swait.ge [sflag:s22], $0x1400  }
0x23d: {  	[sflag:s22] =	ssyncset.done $0x0  }
0x23e: {  	[sflag:s22] =	ssyncadd.s32 $0xFFFFEC00  }
0x23f: {  	_ =	swait.ge [sflag:s30], $0x1400  }
0x240: {  	[sflag:s30] =	ssyncset.done $0x0  }
0x241: {  	[sflag:s30] =	ssyncadd.s32 $0xFFFFEC00  }
0x242: {  	_ =	swait.ge [sflag:s31], $0x50  }
0x243: {  	[sflag:s31] =	ssyncset.done $0x0  }
0x244: {  	s9 =	simm.s32 $0x0;
	[sflag:s31] =	ssyncadd.s32 $0xFFFFFFB0  }
0x245: {  	v29 =	vld [tilespmem:s9+$0x104A0]  }
0x246: {  	v30 =	vld [tilespmem:s9+$0x104B0]  }
0x247: {  	v31 =	vld [tilespmem:s9+$0x104C0]  }
0x248: {  	v54 =	vld [tilespmem:s9+$0x104D0]  }
0x249: {  	v55 =	vld [tilespmem:s9+$0x104E0]  }
0x24a: {  	v56 =	vld [tilespmem:s9+$0x104F0]  }
0x24b: {  	v57 =	vld [tilespmem:s9+$0x10500]  }
0x24c: {  	v36 =	vld [tilespmem:s9+$0x10510]  }
0x24d: {  	v37 =	vld [tilespmem:s9+$0x10520]  }
0x24e: {  	v38 =	vld [tilespmem:s9+$0x10530]  }
0x24f: {  	v28 =	vld [tilespmem:s9+$0x10540]  }
0x250: {  	v27 =	vld [tilespmem:s9+$0x10550]  }
0x251: {  	v26 =	vld [tilespmem:s9+$0x10560]  }
0x252: {  	v25 =	vld [tilespmem:s9+$0x10570]  }
0x253: {  	v24 =	vld [tilespmem:s9+$0x10580]  }
0x254: {  	v23 =	vld [tilespmem:s9+$0x10590]  }
0x255: {  	v39 =	vld [tilespmem:s9+$0xF0A0]  }
0x256: {  	v40 =	vld [tilespmem:s9+$0xF0B0]  }
0x257: {  	v41 =	vld [tilespmem:s9+$0xF0C0]  }
0x258: {  	v42 =	vld [tilespmem:s9+$0xF0D0]  }
0x259: {  	v43 =	vld [tilespmem:s9+$0xF0E0]  }
0x25a: {  	v58 =	vld [tilespmem:s9+$0xF0F0];
	v29 =	vmul.f32 v29, v39  }
0x25b: {  	v44 =	vld [tilespmem:s9+$0xF100];
	v30 =	vmul.f32 v30, v40  }
0x25c: {  	v59 =	vld [tilespmem:s9+$0xF110];
	[tilespmem:s9+$0xF0A0] =	vst v29;
	v29 =	vmul.f32 v31, v41  }
0x25d: {  	v60 =	vld [tilespmem:s9+$0xF120];
	[tilespmem:s9+$0xF0B0] =	vst v30;
	v30 =	vmul.f32 v54, v42  }
0x25e: {  	v61 =	vld [tilespmem:s9+$0xF130];
	[tilespmem:s9+$0xF0C0] =	vst v29;
	v29 =	vmul.f32 v55, v43  }
0x25f: {  	v31 =	vmul.f32 v56, v58;
	[tilespmem:s9+$0xF0D0] =	vst v30;
	v30 =	vld [tilespmem:s9+$0xF140]  }
0x260: {  	v62 =	vmul.f32 v57, v44;
	[tilespmem:s9+$0xF0E0] =	vst v29;
	v29 =	vld [tilespmem:s9+$0xF150]  }
0x261: {  	v63 =	vmul.f32 v36, v59;
	[tilespmem:s9+$0xF0F0] =	vst v31;
	v31 =	vld [tilespmem:s9+$0xF160]  }
0x262: {  	v32 =	vld [tilespmem:s9+$0xF170];
	v35 =	vmul.f32 v37, v60;
	[tilespmem:s9+$0xF100] =	vst v62  }
0x263: {  	s28 =	simm.s32 $0x400;
	v33 =	vld [tilespmem:s9+$0xF180];
	v34 =	vmul.f32 v38, v61;
	[tilespmem:s9+$0xF110] =	vst v63  }
.LBB2_15:
0x264: {  	s10 =	sshra.s32 s28, $0x2;
	p1 =	sne.s32 s28, $0x4C00;
	[tilespmem:s9+$0xF120] =	vst v35;
	v28 =	vmul.f32 v28, v30;
	v30 =	vld [tilespmem:s9+$0xF190]  }
0x265: {  	v35 =	vld [tilespmem:s10+$0x104A0];
	[tilespmem:s9+$0xF130] =	vst v34;
	v27 =	vmul.f32 v27, v29  }
0x266: {  	v29 =	vld [tilespmem:s10+$0x104B0];
	[tilespmem:s9+$0xF140] =	vst v28;
	v26 =	vmul.f32 v26, v31  }
0x267: {  	v31 =	vld [tilespmem:s10+$0x104C0];
	[tilespmem:s9+$0xF150] =	vst v27;
	v25 =	vmul.f32 v25, v32  }
0x268: {  	v32 =	vld [tilespmem:s10+$0x104D0];
	[tilespmem:s9+$0xF160] =	vst v26;
	v24 =	vmul.f32 v24, v33  }
0x269: {  	v33 =	vld [tilespmem:s10+$0x104E0];
	[tilespmem:s9+$0xF170] =	vst v25;
	v23 =	vmul.f32 v23, v30  }
0x26a: {  	v30 =	vld [tilespmem:s10+$0x104F0];
	[tilespmem:s9+$0xF180] =	vst v24  }
0x26b: {  	v34 =	vld [tilespmem:s10+$0x10500];
	[tilespmem:s9+$0xF190] =	vst v23;
	s9 =	smov.u32 s10  }
0x26c: {  	v36 =	vld [tilespmem:s9+$0x10510]  }
0x26d: {  	v37 =	vld [tilespmem:s9+$0x10520]  }
0x26e: {  	v38 =	vld [tilespmem:s9+$0x10530]  }
0x26f: {  	v28 =	vld [tilespmem:s9+$0x10540]  }
0x270: {  	v27 =	vld [tilespmem:s9+$0x10550]  }
0x271: {  	v26 =	vld [tilespmem:s9+$0x10560]  }
0x272: {  	v25 =	vld [tilespmem:s9+$0x10570]  }
0x273: {  	v24 =	vld [tilespmem:s9+$0x10580]  }
0x274: {  	v23 =	vld [tilespmem:s9+$0x10590]  }
0x275: {  	v39 =	vld [tilespmem:s9+$0xF0A0]  }
0x276: {  	v40 =	vld [tilespmem:s9+$0xF0B0]  }
0x277: {  	v41 =	vld [tilespmem:s9+$0xF0C0]  }
0x278: {  	v42 =	vld [tilespmem:s9+$0xF0D0]  }
0x279: {  	v43 =	vld [tilespmem:s9+$0xF0E0]  }
0x27a: {  	v35 =	vmul.f32 v35, v39;
	v39 =	vld [tilespmem:s9+$0xF0F0]  }
0x27b: {  	v29 =	vmul.f32 v29, v40;
	v40 =	vld [tilespmem:s9+$0xF100]  }
0x27c: {  	[tilespmem:s9+$0xF0A0] =	vst v35;
	v31 =	vmul.f32 v31, v41;
	v35 =	vld [tilespmem:s9+$0xF110]  }
0x27d: {  	[tilespmem:s9+$0xF0B0] =	vst v29;
	v29 =	vmul.f32 v32, v42;
	v32 =	vld [tilespmem:s9+$0xF120]  }
0x27e: {  	[tilespmem:s9+$0xF0C0] =	vst v31;
	v31 =	vmul.f32 v33, v43;
	v33 =	vld [tilespmem:s9+$0xF130]  }
.Ltmp8:
0x27f: {  	[tilespmem:s9+$0xF0D0] =	vst v29;
	v39 =	vmul.f32 v30, v39;
	v30 =	vld [tilespmem:s9+$0xF140];
	(pc) =	sbr.rel @p1 .LBB2_15-.Ltmp8, $4  }
0x280: {  	[tilespmem:s9+$0xF0E0] =	vst v31;
	v34 =	vmul.f32 v34, v40;
	v29 =	vld [tilespmem:s9+$0xF150]  }
0x281: {  	[tilespmem:s9+$0xF0F0] =	vst v39;
	v36 =	vmul.f32 v36, v35;
	v31 =	vld [tilespmem:s9+$0xF160]  }
0x282: {  	[tilespmem:s9+$0xF100] =	vst v34;
	v35 =	vmul.f32 v37, v32;
	v32 =	vld [tilespmem:s9+$0xF170]  }
0x283: {  	s28 =	sadd.s32 $0x400, s28;
	[tilespmem:s9+$0xF110] =	vst v36;
	v34 =	vmul.f32 v38, v33;
	v33 =	vld [tilespmem:s9+$0xF180]  }
0x284: {  	[tilespmem:s9+$0xF120] =	vst v35;
	v28 =	vmul.f32 v28, v30;
	v63 =	vld [tilespmem:s9+$0xF190]  }
0x285: {  	[tilespmem:s9+$0xF130] =	vst v34;
	v27 =	vmul.f32 v27, v29  }
0x286: {  	[tilespmem:s9+$0xF140] =	vst v28;
	v26 =	vmul.f32 v26, v31  }
0x287: {  	[tilespmem:s9+$0xF150] =	vst v27;
	v25 =	vmul.f32 v25, v32  }
.Ltmp9:
0x288: {  	[tilespmem:s9+$0xF160] =	vst v26;
	v24 =	vmul.f32 v24, v33;
	(pc) =	sbr.rel @p0 .LBB2_18-.Ltmp9, $4  }
0x289: {  	[tilespmem:s9+$0xF170] =	vst v25;
	v23 =	vmul.f32 v23, v63  }
0x28a: {  	[tilespmem:s9+$0xF180] =	vst v24  }
0x28b: {  	[tilespmem:s9+$0xF190] =	vst v23  }
0x28c: {  	[spmem:s5] =	stream.indirect.scatter.add.f32 [tilespmem:s19], [sflag:$0x14], $0x40, s23, s29, $0xb8;
	[tilespmem:$0x1C940] =	vst v63  }
0x28d: {  	s8 =	sadd.s32 $0x8, s8  }
0x28e: {  	s9 =	smul.u32 $0xA0, s8  }
0x28f: {  	_ =	swait.ge [sflag:s4], $0x1400  }
0x290: {  	[sflag:s4] =	ssyncset.done $0x0;
	s9 =	sadd.s32 s18, s9  }
0x291: {  	[sflag:s4] =	ssyncadd.s32 $0xFFFFEC00;
	v23 =	vor.u32 s9, v0;
	s10 =	sadd.s32 $0x20, s9  }
0x292: {  	s14 =	sadd.s32 $0x40, s9;
	[tilespmem:$0xF000] =	vst v23;
	v23 =	vor.u32 s10, v0  }
0x293: {  	s28 =	sadd.s32 $0x60, s9;
	[tilespmem:$0xF010] =	vst v23;
	v23 =	vor.u32 s14, v0  }
0x294: {  	s9 =	sadd.s32 $0x80, s9;
	[tilespmem:$0xF020] =	vst v23;
	v23 =	vor.u32 s28, v0  }
0x295: {  	s8 =	smul.u32 $0x50, s8;
	[tilespmem:$0xF030] =	vst v23;
	v23 =	vor.u32 s9, v0  }
0x296: {  	s10 =	simm.s32 $0xC800;
	[tilespmem:$0xF040] =	vst v23  }
0x297: {  	[tilespmem:s10], [sflag:$0xD] =	stream.indirect.gather [hbm4b:s0+s29], $0x40, s8, s29, $0xb8;
	[tilespmem:$0x1C940] =	vst v63  }
.Ltmp10:
0x298: {  	s2 =	sadd.s32 $0x1, s2;
	s8 =	sadd.s32 s11, s8;
	(pc) =	sbr.rel .LBB2_6-.Ltmp10, $4  }
0x299: {  	s14 =	simm.s32 $0xF000;
	s28 =	simm.s32 $0xDC00;
	s8 =	sshrl.u32 s8, $0x3  }
0x29a: {  	[tilespmem:s28], [sflag:$0xE] =	stream.indirect.gather [hbm4b:s1+s29], $0x40, s14, s29, $0xb8;
	[tilespmem:$0x1C940] =	vst v63  }
0x29b: {  	s8 =	sadd.s32 s3, s8;
	s14 =	simm.s32 $0x0;
	s28 =	simm.s32 $0xF050  }
0x29c: {  	[tilespmem:s28], [sflag:$0xF] =	stream.linear.gather [hbm4b:s8+s14], $0x50, $0x38;
	[tilespmem:$0x1C940] =	vst v63  }
.LBB2_19:
0x29d: {  	_ =	sfence.sel $0x180000  }
0x29e: {  	[bflag:$0x0] =	sbarrier.arrive $0xFFFF  }
0x29f: {  	_ =	strace $0x90000047  }
0x2a0: {  	s0 =	stileid.u32;
	[bflag:$0x2] =	sbarrier.arrive $0xFFFF  }
0x2a1: {  	p0 =	sne.s32 s0, $0x0;
	s0 =	rddreg [dreg:$0x6]  }
0x2a2: {  	s0 =	sadd.s32 @!p0 $0x100000, s0  }
0x2a3: {  	[sflag:s0] =	ssyncadd.tile.s32 @!p0 $0x1;
	_ =	shalt  }
.Lfunc_end2:
_tile_overlayer_lowered:
.L_overlay_start_2:
0x2a4: {  	(tag) =	ssettag $0x2  }
0x2a5: {  	s0 =	rddreg [dreg:$0x0];
	s2 =	stileid.u32  }
0x2a6: {  	s1 =	rddreg [dreg:$0x1];
	p0 =	sne.s32 s2, $0x0  }
0x2a7: {  	s3 =	rddreg [dreg:$0x2];
	[bflag:$0x3] =	sbarrier.arrive $0xFFFF;
	s2 =	simm.s32 @!p0 $0x1C15  }
0x2a8: {  	[timem:s3], [sflag:s2] =	dma.local @!p0 [hbm:s0], s1  }
0x2a9: {  	s0 =	simm.s32 @!p0 $0x15  }
0x2aa: {  	_ =	swait.ge @!p0 [sflag:s0], s1  }
0x2ab: {  	s1 =	ssub.s32 @!p0 $0x0, s1;
	[sflag:s0] =	ssyncset.done @!p0 $0x0  }
0x2ac: {  	[sflag:s0] =	ssyncadd.s32 @!p0 s1  }
0x2ad: {  	[bflag:$0x3] =	sbarrier.arrive $0xFFFF  }
0x2ae: {  	_ =	shalt  }

</sc_bundles>
